<compile_context>
chip_gen: v7x
topology: tpu7x:2x2x1
jax: 0.10.2.dev20260603
libtpu: 0.0.44.dev20260713+nightly
codegen_flags: <defaults>
</compile_context>

<pallas_src>
import functools

import jax
import jax.numpy as jnp
from jax import lax
from jax.experimental import pallas as pl
from jax.experimental.pallas import tpu as pltpu
from jax.experimental.pallas import tpu_sc as plsc

VOCAB = 100000
D = 128
B = 4096
L = 50
EPS = 1e-12

NC = 2
NS = 16
NW = NC * NS
TOK = B * L
TPW = TOK // NW
CH = 128
NCH = TPW // CH
LANES = 16
KF = D // LANES
NBUF = 5
PF = 2

_GATHER_DNUMS = lax.GatherDimensionNumbers(
    offset_dims=(), collapsed_slice_dims=(0,), start_index_map=(0,))


def _lane_permute(v, idx):
    return lax.gather(v, idx[:, None], _GATHER_DNUMS, slice_sizes=(1,),
                      mode=lax.GatherScatterMode.PROMISE_IN_BOUNDS)


def _lane_sum(v, perms):
    for p in perms:
        v = v + _lane_permute(v, p)
    return v


def _rsqrt(x):
    i = lax.bitcast_convert_type(x, jnp.int32)
    y = lax.bitcast_convert_type(jnp.int32(0x5F3759DF) - (i >> 1), jnp.float32)
    for _ in range(2):
        y = y * (1.5 - 0.5 * x * y * y)
    return y


def _sc_body(ids_hbm, table_hbm, gamma_hbm, beta_hbm, out_hbm,
             idx_v, rows_v, gamma_v, beta_v, gsem, osem):
    c = lax.axis_index("c")
    s = lax.axis_index("s")
    wid = s * NC + c
    base = wid * TPW

    pltpu.sync_copy(ids_hbm.at[wid], idx_v)
    pltpu.sync_copy(gamma_hbm, gamma_v)
    pltpu.sync_copy(beta_hbm, beta_v)

    lanes = lax.iota(jnp.int32, LANES)
    perms = [lanes ^ (1 << p) for p in range(4)]
    g = [gamma_v[pl.ds(16 * k, 16)] for k in range(KF)]
    bt = [beta_v[pl.ds(16 * k, 16)] for k in range(KF)]

    def start_gather(ch, b):
        pltpu.async_copy(table_hbm.at[idx_v.at[ch]], rows_v.at[b],
                         gsem.at[b])

    def wait_gather(b):
        pltpu.make_async_copy(
            table_hbm.at[idx_v.at[0]], rows_v.at[b], gsem.at[b]).wait()

    def wait_write(b):
        pltpu.make_async_copy(
            rows_v.at[b], out_hbm.at[pl.ds(0, CH)], osem.at[b]).wait()

    def compute(b):
        rbuf = rows_v.at[b]

        @plsc.parallel_loop(0, CH, 1, unroll=1)
        def _(t):
            v = [rbuf[t, pl.ds(16 * k, 16)] for k in range(KF)]
            sv = list(v)
            q = [x * x for x in v]
            while len(sv) > 1:
                sv = [a + b for a, b in zip(sv[::2], sv[1::2])]
                q = [a + b for a, b in zip(q[::2], q[1::2])]
            mean = _lane_sum(sv[0], perms) * (1.0 / D)
            var = _lane_sum(q[0], perms) * (1.0 / D) - mean * mean
            rstd = _rsqrt(var + EPS)
            for k in range(KF):
                rg = rstd * g[k]
                rbuf[t, pl.ds(16 * k, 16)] = (v[k] - mean) * rg + bt[k]

    for b in range(PF):
        start_gather(b, b)

    def group(jj, carry):
        ch0 = jj * NBUF
        for b in range(NBUF):
            ch = ch0 + b
            nxt_b = (b + PF) % NBUF

            @pl.when(ch + PF - NBUF >= 0)
            def _():
                wait_write(nxt_b)

            @pl.when(ch + PF < NCH)
            def _():
                start_gather(ch + PF, nxt_b)

            wait_gather(b)
            compute(b)
            pltpu.async_copy(rows_v.at[b],
                             out_hbm.at[pl.ds(base + ch * CH, CH)],
                             osem.at[b])
        return carry

    lax.fori_loop(0, NCH // NBUF, group, 0)

    for ch in range(NCH - NBUF + PF, NCH):
        wait_write(ch % NBUF)


@jax.jit
def _run(ids, table, gamma, beta):
    mesh = plsc.VectorSubcoreMesh(core_axis_name="c", subcore_axis_name="s")
    f = functools.partial(
        pl.kernel,
        out_type=jax.ShapeDtypeStruct((TOK, D), jnp.float32),
        mesh=mesh,
        scratch_types=[
            pltpu.VMEM((NCH, CH), jnp.int32),
            pltpu.VMEM((NBUF, CH, D), jnp.float32),
            pltpu.VMEM((D,), jnp.float32),
            pltpu.VMEM((D,), jnp.float32),
            pltpu.SemaphoreType.DMA((NBUF,)),
            pltpu.SemaphoreType.DMA((NBUF,)),
        ],
    )(_sc_body)
    return f(ids, table, gamma, beta)


def kernel(input_ids, table, gamma, beta):
    ids = input_ids.reshape(NW, NCH, CH)
    out = _run(ids, table, gamma, beta)
    return out.reshape(B, L, D)

# --- scband reference (transcript-rebuilt; emitter-appended) ---
"""Pipeline reference for scband-positionless-embeddings-70497593197499 (READ-ONLY COPY).

The authoritative reference and input builder live on the scoring server;
editing this copy changes nothing except your own understanding.
"""

import jax, jax.numpy as jnp
import numpy as np

VOCAB = 100000
DIM = 128
B = 4096
L = 50
PAD = 0
EPS = 1e-12


def setup_inputs(seed: int = 0) -> dict:
    key = jax.random.key(seed)
    k1, k2 = jax.random.split(key)
    input_ids = jax.random.randint(k1, (B, L), 0, VOCAB, dtype=jnp.int64 if jax.config.jax_enable_x64 else jnp.int32).astype(jnp.int32)
    table = jax.random.normal(k2, (VOCAB, DIM), dtype=jnp.float32) * 0.02
    table = table.at[PAD].set(0.0)  # padding_idx row is zero, matching nn.Embedding(padding_idx=0)
    gamma = jnp.ones((DIM,), dtype=jnp.float32)
    beta = jnp.zeros((DIM,), dtype=jnp.float32)
    return {"input_ids": input_ids, "table": table, "gamma": gamma, "beta": beta}


def reference(input_ids, table, gamma, beta):
    # word embedding lookup (gather)
    emb = jnp.take(table, input_ids, axis=0)
    # mask padding positions (keeps forward identical since pad row is zero,
    # and matches torch's zero-gradient-to-padding_idx behavior in backward)
    mask = (input_ids != PAD)[..., None].astype(emb.dtype)
    emb = emb * mask
    # LayerNorm over last dim, eps=1e-12, biased variance (torch default)
    mean = jnp.mean(emb, axis=-1, keepdims=True)
    var = jnp.mean(jnp.square(emb - mean), axis=-1, keepdims=True)
    normed = (emb - mean) / jnp.sqrt(var + EPS)
    out = normed * gamma + beta
    # dropout is identity in eval mode
    return out

if __name__ == "__main__":
    import jax
    _d = setup_inputs()
    print(jax.jit(kernel)(*tuple(_d.values())))

</pallas_src>

<mosaic_0001>
#map = affine_map<(d0, d1) -> (0, 0, 0)>
#map1 = affine_map<(d0, d1) -> (0, 0)>
#map2 = affine_map<(d0, d1) -> (0)>
module attributes {stable_mosaic.version = 14 : i64} {
  func.func @_sc_body(%arg0: i32, %arg1: i32, %arg2: memref<32x50x128xi32, #tpu.memory_space<hbm>>, %arg3: memref<100000x128xf32, #tpu.memory_space<hbm>>, %arg4: memref<128xf32, #tpu.memory_space<hbm>>, %arg5: memref<128xf32, #tpu.memory_space<hbm>>, %arg6: memref<204800x128xf32, #tpu.memory_space<hbm>>, %arg7: memref<50x128xi32, #tpu.memory_space<vmem>>, %arg8: memref<5x128x128xf32, #tpu.memory_space<vmem>>, %arg9: memref<128xf32, #tpu.memory_space<vmem>>, %arg10: memref<128xf32, #tpu.memory_space<vmem>>, %arg11: memref<5x!tpu.dma_semaphore, #tpu.memory_space<semaphore_mem>>, %arg12: memref<5x!tpu.dma_semaphore, #tpu.memory_space<semaphore_mem>>) attributes {dimension_semantics = [#tpu.dimension_semantics<core_parallel>, #tpu.dimension_semantics<subcore_parallel>], iteration_bounds = array<i64: 2, 16>, scalar_prefetch = 0 : i64, scratch_operands = 6 : i64, tpu.core_type = #tpu.core_type<sc_vector_subcore>, window_params = [{transform_indices = #map}, {transform_indices = #map1}, {transform_indices = #map2}, {transform_indices = #map2}, {transform_indices = #map1}]} {
    %mul3A = arith.constant 2 : i32
    %mul3A_0 = arith.muli %arg1, %mul3A : i32
    %add3A = arith.addi %mul3A_0, %arg0 : i32
    %mul3A_1 = arith.constant 6400 : i32
    %mul3A_2 = arith.muli %add3A, %mul3A_1 : i32
    "tpu.region"() ({
      %run_scoped3A = tpu.sem_alloc : memref<!tpu.dma_semaphore, #tpu.memory_space<semaphore_mem>>
      %dma_start3A_148 = arith.constant 0 : i32
      %dma_start3A_149 = arith.constant 0 : i32
      %dma_start3A_150 = tpu.memref_slice %arg2[%add3A, %dma_start3A_148, %dma_start3A_149] : memref<32x50x128xi32, #tpu.memory_space<hbm>> -> memref<1x50x128xi32, #tpu.memory_space<hbm>>
      %dma_start3A_151 = tpu.memref_squeeze %dma_start3A_150 : memref<1x50x128xi32, #tpu.memory_space<hbm>> -> memref<50x128xi32, #tpu.memory_space<hbm>>
      %dma_start3A_152 = arith.constant 0 : i32
      %dma_start3A_153 = arith.constant 0 : i32
      %dma_start3A_154 = tpu.memref_slice %arg2[%add3A, %dma_start3A_152, %dma_start3A_153] : memref<32x50x128xi32, #tpu.memory_space<hbm>> -> memref<1x50x128xi32, #tpu.memory_space<hbm>>
      %dma_start3A_155 = tpu.memref_squeeze %dma_start3A_154 : memref<1x50x128xi32, #tpu.memory_space<hbm>> -> memref<50x128xi32, #tpu.memory_space<hbm>>
      tpu.enqueue_dma source(%dma_start3A_155 : memref<50x128xi32, #tpu.memory_space<hbm>>) target(%arg7 : memref<50x128xi32, #tpu.memory_space<vmem>>) target_semaphore(%run_scoped3A : memref<!tpu.dma_semaphore, #tpu.memory_space<semaphore_mem>>)
      %dma_wait3A_156 = arith.constant 0 : i32
      %dma_wait3A_157 = arith.constant 0 : i32
      %dma_wait3A_158 = tpu.memref_slice %arg2[%add3A, %dma_wait3A_156, %dma_wait3A_157] : memref<32x50x128xi32, #tpu.memory_space<hbm>> -> memref<1x50x128xi32, #tpu.memory_space<hbm>>
      %dma_wait3A_159 = tpu.memref_squeeze %dma_wait3A_158 : memref<1x50x128xi32, #tpu.memory_space<hbm>> -> memref<50x128xi32, #tpu.memory_space<hbm>>
      %dma_wait3A_160 = arith.constant 0 : i32
      %dma_wait3A_161 = arith.constant 0 : i32
      %dma_wait3A_162 = tpu.memref_slice %arg2[%add3A, %dma_wait3A_160, %dma_wait3A_161] : memref<32x50x128xi32, #tpu.memory_space<hbm>> -> memref<1x50x128xi32, #tpu.memory_space<hbm>>
      %dma_wait3A_163 = tpu.memref_squeeze %dma_wait3A_162 : memref<1x50x128xi32, #tpu.memory_space<hbm>> -> memref<50x128xi32, #tpu.memory_space<hbm>>
      tpu.wait_dma2 semaphore(%run_scoped3A : memref<!tpu.dma_semaphore, #tpu.memory_space<semaphore_mem>>) src(%dma_wait3A_163 : memref<50x128xi32, #tpu.memory_space<hbm>>) dst(%arg7 : memref<50x128xi32, #tpu.memory_space<vmem>>)
      tpu.yield
    }) : () -> ()
    "tpu.region"() ({
      %run_scoped3A = tpu.sem_alloc : memref<!tpu.dma_semaphore, #tpu.memory_space<semaphore_mem>>
      tpu.enqueue_dma source(%arg4 : memref<128xf32, #tpu.memory_space<hbm>>) target(%arg9 : memref<128xf32, #tpu.memory_space<vmem>>) target_semaphore(%run_scoped3A : memref<!tpu.dma_semaphore, #tpu.memory_space<semaphore_mem>>)
      tpu.wait_dma2 semaphore(%run_scoped3A : memref<!tpu.dma_semaphore, #tpu.memory_space<semaphore_mem>>) src(%arg4 : memref<128xf32, #tpu.memory_space<hbm>>) dst(%arg9 : memref<128xf32, #tpu.memory_space<vmem>>)
      tpu.yield
    }) : () -> ()
    "tpu.region"() ({
      %run_scoped3A = tpu.sem_alloc : memref<!tpu.dma_semaphore, #tpu.memory_space<semaphore_mem>>
      tpu.enqueue_dma source(%arg5 : memref<128xf32, #tpu.memory_space<hbm>>) target(%arg10 : memref<128xf32, #tpu.memory_space<vmem>>) target_semaphore(%run_scoped3A : memref<!tpu.dma_semaphore, #tpu.memory_space<semaphore_mem>>)
      tpu.wait_dma2 semaphore(%run_scoped3A : memref<!tpu.dma_semaphore, #tpu.memory_space<semaphore_mem>>) src(%arg5 : memref<128xf32, #tpu.memory_space<hbm>>) dst(%arg10 : memref<128xf32, #tpu.memory_space<vmem>>)
      tpu.yield
    }) : () -> ()
    %iota3A = tpu.iota {dimensions = array<i32: 0>} : vector<16xi32>
    %xor3A = arith.constant 1 : i32
    %xor3A_3 = vector.broadcast %xor3A : i32 to vector<16xi32>
    %xor3A_4 = arith.xori %iota3A, %xor3A_3 : vector<16xi32>
    %xor3A_5 = arith.constant 2 : i32
    %xor3A_6 = vector.broadcast %xor3A_5 : i32 to vector<16xi32>
    %xor3A_7 = arith.xori %iota3A, %xor3A_6 : vector<16xi32>
    %xor3A_8 = arith.constant 4 : i32
    %xor3A_9 = vector.broadcast %xor3A_8 : i32 to vector<16xi32>
    %xor3A_10 = arith.xori %iota3A, %xor3A_9 : vector<16xi32>
    %xor3A_11 = arith.constant 8 : i32
    %xor3A_12 = vector.broadcast %xor3A_11 : i32 to vector<16xi32>
    %xor3A_13 = arith.xori %iota3A, %xor3A_12 : vector<16xi32>
    %get3A = arith.constant 0 : index
    %get3A_14 = tpu.vector_load %arg9[%get3A] {strides = array<i32>} : memref<128xf32, #tpu.memory_space<vmem>>, vector<16xf32>,
    %get3A_15 = vector.shape_cast %get3A_14 : vector<16xf32> to vector<16xf32>
    %get3A_16 = arith.constant 16 : index
    %get3A_17 = tpu.vector_load %arg9[%get3A_16] {strides = array<i32>} : memref<128xf32, #tpu.memory_space<vmem>>, vector<16xf32>,
    %get3A_18 = vector.shape_cast %get3A_17 : vector<16xf32> to vector<16xf32>
    %get3A_19 = arith.constant 32 : index
    %get3A_20 = tpu.vector_load %arg9[%get3A_19] {strides = array<i32>} : memref<128xf32, #tpu.memory_space<vmem>>, vector<16xf32>,
    %get3A_21 = vector.shape_cast %get3A_20 : vector<16xf32> to vector<16xf32>
    %get3A_22 = arith.constant 48 : index
    %get3A_23 = tpu.vector_load %arg9[%get3A_22] {strides = array<i32>} : memref<128xf32, #tpu.memory_space<vmem>>, vector<16xf32>,
    %get3A_24 = vector.shape_cast %get3A_23 : vector<16xf32> to vector<16xf32>
    %get3A_25 = arith.constant 64 : index
    %get3A_26 = tpu.vector_load %arg9[%get3A_25] {strides = array<i32>} : memref<128xf32, #tpu.memory_space<vmem>>, vector<16xf32>,
    %get3A_27 = vector.shape_cast %get3A_26 : vector<16xf32> to vector<16xf32>
    %get3A_28 = arith.constant 80 : index
    %get3A_29 = tpu.vector_load %arg9[%get3A_28] {strides = array<i32>} : memref<128xf32, #tpu.memory_space<vmem>>, vector<16xf32>,
    %get3A_30 = vector.shape_cast %get3A_29 : vector<16xf32> to vector<16xf32>
    %get3A_31 = arith.constant 96 : index
    %get3A_32 = tpu.vector_load %arg9[%get3A_31] {strides = array<i32>} : memref<128xf32, #tpu.memory_space<vmem>>, vector<16xf32>,
    %get3A_33 = vector.shape_cast %get3A_32 : vector<16xf32> to vector<16xf32>
    %get3A_34 = arith.constant 112 : index
    %get3A_35 = tpu.vector_load %arg9[%get3A_34] {strides = array<i32>} : memref<128xf32, #tpu.memory_space<vmem>>, vector<16xf32>,
    %get3A_36 = vector.shape_cast %get3A_35 : vector<16xf32> to vector<16xf32>
    %get3A_37 = arith.constant 0 : index
    %get3A_38 = tpu.vector_load %arg10[%get3A_37] {strides = array<i32>} : memref<128xf32, #tpu.memory_space<vmem>>, vector<16xf32>,
    %get3A_39 = vector.shape_cast %get3A_38 : vector<16xf32> to vector<16xf32>
    %get3A_40 = arith.constant 16 : index
    %get3A_41 = tpu.vector_load %arg10[%get3A_40] {strides = array<i32>} : memref<128xf32, #tpu.memory_space<vmem>>, vector<16xf32>,
    %get3A_42 = vector.shape_cast %get3A_41 : vector<16xf32> to vector<16xf32>
    %get3A_43 = arith.constant 32 : index
    %get3A_44 = tpu.vector_load %arg10[%get3A_43] {strides = array<i32>} : memref<128xf32, #tpu.memory_space<vmem>>, vector<16xf32>,
    %get3A_45 = vector.shape_cast %get3A_44 : vector<16xf32> to vector<16xf32>
    %get3A_46 = arith.constant 48 : index
    %get3A_47 = tpu.vector_load %arg10[%get3A_46] {strides = array<i32>} : memref<128xf32, #tpu.memory_space<vmem>>, vector<16xf32>,
    %get3A_48 = vector.shape_cast %get3A_47 : vector<16xf32> to vector<16xf32>
    %get3A_49 = arith.constant 64 : index
    %get3A_50 = tpu.vector_load %arg10[%get3A_49] {strides = array<i32>} : memref<128xf32, #tpu.memory_space<vmem>>, vector<16xf32>,
    %get3A_51 = vector.shape_cast %get3A_50 : vector<16xf32> to vector<16xf32>
    %get3A_52 = arith.constant 80 : index
    %get3A_53 = tpu.vector_load %arg10[%get3A_52] {strides = array<i32>} : memref<128xf32, #tpu.memory_space<vmem>>, vector<16xf32>,
    %get3A_54 = vector.shape_cast %get3A_53 : vector<16xf32> to vector<16xf32>
    %get3A_55 = arith.constant 96 : index
    %get3A_56 = tpu.vector_load %arg10[%get3A_55] {strides = array<i32>} : memref<128xf32, #tpu.memory_space<vmem>>, vector<16xf32>,
    %get3A_57 = vector.shape_cast %get3A_56 : vector<16xf32> to vector<16xf32>
    %get3A_58 = arith.constant 112 : index
    %get3A_59 = tpu.vector_load %arg10[%get3A_58] {strides = array<i32>} : memref<128xf32, #tpu.memory_space<vmem>>, vector<16xf32>,
    %get3A_60 = vector.shape_cast %get3A_59 : vector<16xf32> to vector<16xf32>
    %dma_start3A = arith.constant 0 : i32
    %dma_start3A_61 = arith.constant 0 : i32
    %dma_start3A_62 = arith.constant 0 : i32
    %dma_start3A_63 = arith.constant 0 : i32
    %dma_start3A_64 = arith.constant 0 : i32
    %dma_start3A_65 = tpu.memref_slice %arg8[%dma_start3A_61, %dma_start3A_63, %dma_start3A_64] : memref<5x128x128xf32, #tpu.memory_space<vmem>> -> memref<1x128x128xf32, #tpu.memory_space<vmem>>
    %dma_start3A_66 = tpu.memref_squeeze %dma_start3A_65 : memref<1x128x128xf32, #tpu.memory_space<vmem>> -> memref<128x128xf32, #tpu.memory_space<vmem>>
    %dma_start3A_67 = arith.constant 0 : i32
    %dma_start3A_68 = tpu.memref_slice %arg7[%dma_start3A, %dma_start3A_67] : memref<50x128xi32, #tpu.memory_space<vmem>> -> memref<1x128xi32, #tpu.memory_space<vmem>>
    %dma_start3A_69 = tpu.memref_squeeze %dma_start3A_68 : memref<1x128xi32, #tpu.memory_space<vmem>> -> memref<128xi32, #tpu.memory_space<vmem>>
    %dma_start3A_70 = arith.constant 0 : i32
    %dma_start3A_71 = arith.constant 0 : i32
    %dma_start3A_72 = tpu.memref_slice %arg3[%dma_start3A_70, %dma_start3A_71] : memref<100000x128xf32, #tpu.memory_space<hbm>> -> memref<100000x128xf32, #tpu.memory_space<hbm>>
    %dma_start3A_73 = tpu.memref_slice %arg11[%dma_start3A_62] : memref<5x!tpu.dma_semaphore, #tpu.memory_space<semaphore_mem>> -> memref<1x!tpu.dma_semaphore, #tpu.memory_space<semaphore_mem>>
    %dma_start3A_74 = tpu.memref_squeeze %dma_start3A_73 : memref<1x!tpu.dma_semaphore, #tpu.memory_space<semaphore_mem>> -> memref<!tpu.dma_semaphore, #tpu.memory_space<semaphore_mem>>
    tpu.enqueue_indirect_dma source(%dma_start3A_72 : memref<100000x128xf32, #tpu.memory_space<hbm>>) target(%dma_start3A_66 : memref<128x128xf32, #tpu.memory_space<vmem>>) offsets(%dma_start3A_69 : memref<128xi32, #tpu.memory_space<vmem>>) semaphore(%dma_start3A_74 : memref<!tpu.dma_semaphore, #tpu.memory_space<semaphore_mem>>)
    %dma_start3A_75 = arith.constant 1 : i32
    %dma_start3A_76 = arith.constant 1 : i32
    %dma_start3A_77 = arith.constant 1 : i32
    %dma_start3A_78 = arith.constant 0 : i32
    %dma_start3A_79 = arith.constant 0 : i32
    %dma_start3A_80 = tpu.memref_slice %arg8[%dma_start3A_76, %dma_start3A_78, %dma_start3A_79] : memref<5x128x128xf32, #tpu.memory_space<vmem>> -> memref<1x128x128xf32, #tpu.memory_space<vmem>>
    %dma_start3A_81 = tpu.memref_squeeze %dma_start3A_80 : memref<1x128x128xf32, #tpu.memory_space<vmem>> -> memref<128x128xf32, #tpu.memory_space<vmem>>
    %dma_start3A_82 = arith.constant 0 : i32
    %dma_start3A_83 = tpu.memref_slice %arg7[%dma_start3A_75, %dma_start3A_82] : memref<50x128xi32, #tpu.memory_space<vmem>> -> memref<1x128xi32, #tpu.memory_space<vmem>>
    %dma_start3A_84 = tpu.memref_squeeze %dma_start3A_83 : memref<1x128xi32, #tpu.memory_space<vmem>> -> memref<128xi32, #tpu.memory_space<vmem>>
    %dma_start3A_85 = arith.constant 0 : i32
    %dma_start3A_86 = arith.constant 0 : i32
    %dma_start3A_87 = tpu.memref_slice %arg3[%dma_start3A_85, %dma_start3A_86] : memref<100000x128xf32, #tpu.memory_space<hbm>> -> memref<100000x128xf32, #tpu.memory_space<hbm>>
    %dma_start3A_88 = tpu.memref_slice %arg11[%dma_start3A_77] : memref<5x!tpu.dma_semaphore, #tpu.memory_space<semaphore_mem>> -> memref<1x!tpu.dma_semaphore, #tpu.memory_space<semaphore_mem>>
    %dma_start3A_89 = tpu.memref_squeeze %dma_start3A_88 : memref<1x!tpu.dma_semaphore, #tpu.memory_space<semaphore_mem>> -> memref<!tpu.dma_semaphore, #tpu.memory_space<semaphore_mem>>
    tpu.enqueue_indirect_dma source(%dma_start3A_87 : memref<100000x128xf32, #tpu.memory_space<hbm>>) target(%dma_start3A_81 : memref<128x128xf32, #tpu.memory_space<vmem>>) offsets(%dma_start3A_84 : memref<128xi32, #tpu.memory_space<vmem>>) semaphore(%dma_start3A_89 : memref<!tpu.dma_semaphore, #tpu.memory_space<semaphore_mem>>)
    %scan3A = arith.constant 0 : i32
    %scan3A_90 = arith.constant 0 : i32
    %scan3A_91 = arith.constant 10 : i32
    %scan3A_92 = arith.addi %scan3A_90, %scan3A_91 : i32
    %scan3A_93 = arith.constant 1 : i32
    scf.for %scan3A_148 = %scan3A_90 to %scan3A_92 step %scan3A_93  : i32 {
      %mul3A_149 = arith.constant 5 : i32
      %mul3A_150 = arith.muli %scan3A_148, %mul3A_149 : i32
      %add3A_151 = arith.constant 0 : i32
      %add3A_152 = arith.addi %mul3A_150, %add3A_151 : i32
      %add3A_153 = arith.constant 2 : i32
      %add3A_154 = arith.addi %add3A_152, %add3A_153 : i32
      %sub3A = arith.constant 5 : i32
      %sub3A_155 = arith.subi %add3A_154, %sub3A : i32
      %ge3A = arith.constant 0 : i32
      %ge3A_156 = arith.cmpi sge, %sub3A_155, %ge3A : i32
      %convert_element_type3A = arith.extui %ge3A_156 : i1 to i32
      %cond3A = arith.constant 0 : i32
      %cond3A_157 = arith.cmpi ne, %convert_element_type3A, %cond3A : i32
      scf.if %cond3A_157 {
        %dma_wait3A_425 = arith.constant 2 : i32
        %dma_wait3A_426 = arith.constant 2 : i32
        %dma_wait3A_427 = arith.constant 0 : i32
        %dma_wait3A_428 = arith.constant 0 : i32
        %dma_wait3A_429 = tpu.memref_slice %arg8[%dma_wait3A_425, %dma_wait3A_427, %dma_wait3A_428] : memref<5x128x128xf32, #tpu.memory_space<vmem>> -> memref<1x128x128xf32, #tpu.memory_space<vmem>>
        %dma_wait3A_430 = tpu.memref_squeeze %dma_wait3A_429 : memref<1x128x128xf32, #tpu.memory_space<vmem>> -> memref<128x128xf32, #tpu.memory_space<vmem>>
        %dma_wait3A_431 = arith.constant 0 : i32
        %dma_wait3A_432 = arith.constant 0 : i32
        %dma_wait3A_433 = tpu.memref_slice %arg6[%dma_wait3A_431, %dma_wait3A_432] : memref<204800x128xf32, #tpu.memory_space<hbm>> -> memref<128x128xf32, #tpu.memory_space<hbm>>
        %dma_wait3A_434 = tpu.memref_slice %arg12[%dma_wait3A_426] : memref<5x!tpu.dma_semaphore, #tpu.memory_space<semaphore_mem>> -> memref<1x!tpu.dma_semaphore, #tpu.memory_space<semaphore_mem>>
        %dma_wait3A_435 = tpu.memref_squeeze %dma_wait3A_434 : memref<1x!tpu.dma_semaphore, #tpu.memory_space<semaphore_mem>> -> memref<!tpu.dma_semaphore, #tpu.memory_space<semaphore_mem>>
        %dma_wait3A_436 = arith.constant 0 : i32
        %dma_wait3A_437 = arith.constant 0 : i32
        %dma_wait3A_438 = tpu.memref_slice %arg6[%dma_wait3A_436, %dma_wait3A_437] : memref<204800x128xf32, #tpu.memory_space<hbm>> -> memref<128x128xf32, #tpu.memory_space<hbm>>
        %dma_wait3A_439 = arith.constant 0 : i32
        %dma_wait3A_440 = arith.constant 0 : i32
        %dma_wait3A_441 = tpu.memref_slice %arg8[%dma_wait3A_425, %dma_wait3A_439, %dma_wait3A_440] : memref<5x128x128xf32, #tpu.memory_space<vmem>> -> memref<1x128x128xf32, #tpu.memory_space<vmem>>
        %dma_wait3A_442 = tpu.memref_squeeze %dma_wait3A_441 : memref<1x128x128xf32, #tpu.memory_space<vmem>> -> memref<128x128xf32, #tpu.memory_space<vmem>>
        tpu.wait_dma2 semaphore(%dma_wait3A_435 : memref<!tpu.dma_semaphore, #tpu.memory_space<semaphore_mem>>) src(%dma_wait3A_442 : memref<128x128xf32, #tpu.memory_space<vmem>>) dst(%dma_wait3A_438 : memref<128x128xf32, #tpu.memory_space<hbm>>)
      } else {
      }
      %add3A_158 = arith.constant 2 : i32
      %add3A_159 = arith.addi %add3A_152, %add3A_158 : i32
      %lt3A = arith.constant 50 : i32
      %lt3A_160 = arith.cmpi slt, %add3A_159, %lt3A : i32
      %convert_element_type3A_161 = arith.extui %lt3A_160 : i1 to i32
      %cond3A_162 = arith.constant 0 : i32
      %cond3A_163 = arith.cmpi ne, %convert_element_type3A_161, %cond3A_162 : i32
      scf.if %cond3A_163 {
        %add3A_425 = arith.constant 2 : i32
        %add3A_426 = arith.addi %add3A_152, %add3A_425 : i32
        %dma_start3A_427 = arith.constant 2 : i32
        %dma_start3A_428 = arith.constant 2 : i32
        %dma_start3A_429 = arith.constant 0 : i32
        %dma_start3A_430 = arith.constant 0 : i32
        %dma_start3A_431 = tpu.memref_slice %arg8[%dma_start3A_427, %dma_start3A_429, %dma_start3A_430] : memref<5x128x128xf32, #tpu.memory_space<vmem>> -> memref<1x128x128xf32, #tpu.memory_space<vmem>>
        %dma_start3A_432 = tpu.memref_squeeze %dma_start3A_431 : memref<1x128x128xf32, #tpu.memory_space<vmem>> -> memref<128x128xf32, #tpu.memory_space<vmem>>
        %dma_start3A_433 = arith.constant 0 : i32
        %dma_start3A_434 = tpu.memref_slice %arg7[%add3A_426, %dma_start3A_433] : memref<50x128xi32, #tpu.memory_space<vmem>> -> memref<1x128xi32, #tpu.memory_space<vmem>>
        %dma_start3A_435 = tpu.memref_squeeze %dma_start3A_434 : memref<1x128xi32, #tpu.memory_space<vmem>> -> memref<128xi32, #tpu.memory_space<vmem>>
        %dma_start3A_436 = arith.constant 0 : i32
        %dma_start3A_437 = arith.constant 0 : i32
        %dma_start3A_438 = tpu.memref_slice %arg3[%dma_start3A_436, %dma_start3A_437] : memref<100000x128xf32, #tpu.memory_space<hbm>> -> memref<100000x128xf32, #tpu.memory_space<hbm>>
        %dma_start3A_439 = tpu.memref_slice %arg11[%dma_start3A_428] : memref<5x!tpu.dma_semaphore, #tpu.memory_space<semaphore_mem>> -> memref<1x!tpu.dma_semaphore, #tpu.memory_space<semaphore_mem>>
        %dma_start3A_440 = tpu.memref_squeeze %dma_start3A_439 : memref<1x!tpu.dma_semaphore, #tpu.memory_space<semaphore_mem>> -> memref<!tpu.dma_semaphore, #tpu.memory_space<semaphore_mem>>
        tpu.enqueue_indirect_dma source(%dma_start3A_438 : memref<100000x128xf32, #tpu.memory_space<hbm>>) target(%dma_start3A_432 : memref<128x128xf32, #tpu.memory_space<vmem>>) offsets(%dma_start3A_435 : memref<128xi32, #tpu.memory_space<vmem>>) semaphore(%dma_start3A_440 : memref<!tpu.dma_semaphore, #tpu.memory_space<semaphore_mem>>)
      } else {
      }
      %dma_wait3A_164 = arith.constant 0 : i32
      %dma_wait3A_165 = arith.constant 0 : i32
      %dma_wait3A_166 = arith.constant 0 : i32
      %dma_wait3A_167 = arith.constant 0 : i32
      %dma_wait3A_168 = arith.constant 0 : i32
      %dma_wait3A_169 = tpu.memref_slice %arg8[%dma_wait3A_165, %dma_wait3A_167, %dma_wait3A_168] : memref<5x128x128xf32, #tpu.memory_space<vmem>> -> memref<1x128x128xf32, #tpu.memory_space<vmem>>
      %dma_wait3A_170 = tpu.memref_squeeze %dma_wait3A_169 : memref<1x128x128xf32, #tpu.memory_space<vmem>> -> memref<128x128xf32, #tpu.memory_space<vmem>>
      %dma_wait3A_171 = arith.constant 0 : i32
      %dma_wait3A_172 = tpu.memref_slice %arg7[%dma_wait3A_164, %dma_wait3A_171] : memref<50x128xi32, #tpu.memory_space<vmem>> -> memref<1x128xi32, #tpu.memory_space<vmem>>
      %dma_wait3A_173 = tpu.memref_squeeze %dma_wait3A_172 : memref<1x128xi32, #tpu.memory_space<vmem>> -> memref<128xi32, #tpu.memory_space<vmem>>
      %dma_wait3A_174 = arith.constant 0 : i32
      %dma_wait3A_175 = arith.constant 0 : i32
      %dma_wait3A_176 = tpu.memref_slice %arg3[%dma_wait3A_174, %dma_wait3A_175] : memref<100000x128xf32, #tpu.memory_space<hbm>> -> memref<100000x128xf32, #tpu.memory_space<hbm>>
      %dma_wait3A_177 = tpu.memref_slice %arg11[%dma_wait3A_166] : memref<5x!tpu.dma_semaphore, #tpu.memory_space<semaphore_mem>> -> memref<1x!tpu.dma_semaphore, #tpu.memory_space<semaphore_mem>>
      %dma_wait3A_178 = tpu.memref_squeeze %dma_wait3A_177 : memref<1x!tpu.dma_semaphore, #tpu.memory_space<semaphore_mem>> -> memref<!tpu.dma_semaphore, #tpu.memory_space<semaphore_mem>>
      tpu.wait_indirect_dma semaphore(%dma_wait3A_178 : memref<!tpu.dma_semaphore, #tpu.memory_space<semaphore_mem>>) src(%dma_wait3A_176 : memref<100000x128xf32, #tpu.memory_space<hbm>>) dst(%dma_wait3A_170 : memref<128x128xf32, #tpu.memory_space<vmem>>)
      %parallel_loop3A = arith.constant 0 : i32
      %parallel_loop3A_179 = arith.constant 128 : i32
      %parallel_loop3A_180 = arith.constant 1 : i32
      %parallel_loop3A_181 = arith.constant 0 : i32
      scf.for %parallel_loop3A_425 = %parallel_loop3A to %parallel_loop3A_179 step %parallel_loop3A_180  : i32 {
        %parallel_loop3A_426 = arith.constant 0 : i32
        %parallel_loop3A_427 = arith.constant 0 : i32
        %parallel_loop3A_428 = tpu.memref_slice %arg8[%parallel_loop3A_181, %parallel_loop3A_426, %parallel_loop3A_427] : memref<5x128x128xf32, #tpu.memory_space<vmem>> -> memref<1x128x128xf32, #tpu.memory_space<vmem>>
        %parallel_loop3A_429 = tpu.memref_squeeze %parallel_loop3A_428 : memref<1x128x128xf32, #tpu.memory_space<vmem>> -> memref<128x128xf32, #tpu.memory_space<vmem>>
        %parallel_loop3A_430 = arith.index_cast %parallel_loop3A_425 : i32 to index
        %parallel_loop3A_431 = arith.constant 0 : index
        %parallel_loop3A_432 = tpu.vector_load %parallel_loop3A_429[%parallel_loop3A_430, %parallel_loop3A_431] {strides = array<i32>} : memref<128x128xf32, #tpu.memory_space<vmem>>, vector<1x16xf32>,
        %parallel_loop3A_433 = vector.shape_cast %parallel_loop3A_432 : vector<1x16xf32> to vector<16xf32>
        %parallel_loop3A_434 = arith.constant 0 : i32
        %parallel_loop3A_435 = arith.constant 0 : i32
        %parallel_loop3A_436 = tpu.memref_slice %arg8[%parallel_loop3A_181, %parallel_loop3A_434, %parallel_loop3A_435] : memref<5x128x128xf32, #tpu.memory_space<vmem>> -> memref<1x128x128xf32, #tpu.memory_space<vmem>>
        %parallel_loop3A_437 = tpu.memref_squeeze %parallel_loop3A_436 : memref<1x128x128xf32, #tpu.memory_space<vmem>> -> memref<128x128xf32, #tpu.memory_space<vmem>>
        %parallel_loop3A_438 = arith.index_cast %parallel_loop3A_425 : i32 to index
        %parallel_loop3A_439 = arith.constant 16 : index
        %parallel_loop3A_440 = tpu.vector_load %parallel_loop3A_437[%parallel_loop3A_438, %parallel_loop3A_439] {strides = array<i32>} : memref<128x128xf32, #tpu.memory_space<vmem>>, vector<1x16xf32>,
        %parallel_loop3A_441 = vector.shape_cast %parallel_loop3A_440 : vector<1x16xf32> to vector<16xf32>
        %parallel_loop3A_442 = arith.constant 0 : i32
        %parallel_loop3A_443 = arith.constant 0 : i32
        %parallel_loop3A_444 = tpu.memref_slice %arg8[%parallel_loop3A_181, %parallel_loop3A_442, %parallel_loop3A_443] : memref<5x128x128xf32, #tpu.memory_space<vmem>> -> memref<1x128x128xf32, #tpu.memory_space<vmem>>
        %parallel_loop3A_445 = tpu.memref_squeeze %parallel_loop3A_444 : memref<1x128x128xf32, #tpu.memory_space<vmem>> -> memref<128x128xf32, #tpu.memory_space<vmem>>
        %parallel_loop3A_446 = arith.index_cast %parallel_loop3A_425 : i32 to index
        %parallel_loop3A_447 = arith.constant 32 : index
        %parallel_loop3A_448 = tpu.vector_load %parallel_loop3A_445[%parallel_loop3A_446, %parallel_loop3A_447] {strides = array<i32>} : memref<128x128xf32, #tpu.memory_space<vmem>>, vector<1x16xf32>,
        %parallel_loop3A_449 = vector.shape_cast %parallel_loop3A_448 : vector<1x16xf32> to vector<16xf32>
        %parallel_loop3A_450 = arith.constant 0 : i32
        %parallel_loop3A_451 = arith.constant 0 : i32
        %parallel_loop3A_452 = tpu.memref_slice %arg8[%parallel_loop3A_181, %parallel_loop3A_450, %parallel_loop3A_451] : memref<5x128x128xf32, #tpu.memory_space<vmem>> -> memref<1x128x128xf32, #tpu.memory_space<vmem>>
        %parallel_loop3A_453 = tpu.memref_squeeze %parallel_loop3A_452 : memref<1x128x128xf32, #tpu.memory_space<vmem>> -> memref<128x128xf32, #tpu.memory_space<vmem>>
        %parallel_loop3A_454 = arith.index_cast %parallel_loop3A_425 : i32 to index
        %parallel_loop3A_455 = arith.constant 48 : index
        %parallel_loop3A_456 = tpu.vector_load %parallel_loop3A_453[%parallel_loop3A_454, %parallel_loop3A_455] {strides = array<i32>} : memref<128x128xf32, #tpu.memory_space<vmem>>, vector<1x16xf32>,
        %parallel_loop3A_457 = vector.shape_cast %parallel_loop3A_456 : vector<1x16xf32> to vector<16xf32>
        %parallel_loop3A_458 = arith.constant 0 : i32
        %parallel_loop3A_459 = arith.constant 0 : i32
        %parallel_loop3A_460 = tpu.memref_slice %arg8[%parallel_loop3A_181, %parallel_loop3A_458, %parallel_loop3A_459] : memref<5x128x128xf32, #tpu.memory_space<vmem>> -> memref<1x128x128xf32, #tpu.memory_space<vmem>>
        %parallel_loop3A_461 = tpu.memref_squeeze %parallel_loop3A_460 : memref<1x128x128xf32, #tpu.memory_space<vmem>> -> memref<128x128xf32, #tpu.memory_space<vmem>>
        %parallel_loop3A_462 = arith.index_cast %parallel_loop3A_425 : i32 to index
        %parallel_loop3A_463 = arith.constant 64 : index
        %parallel_loop3A_464 = tpu.vector_load %parallel_loop3A_461[%parallel_loop3A_462, %parallel_loop3A_463] {strides = array<i32>} : memref<128x128xf32, #tpu.memory_space<vmem>>, vector<1x16xf32>,
        %parallel_loop3A_465 = vector.shape_cast %parallel_loop3A_464 : vector<1x16xf32> to vector<16xf32>
        %parallel_loop3A_466 = arith.constant 0 : i32
        %parallel_loop3A_467 = arith.constant 0 : i32
        %parallel_loop3A_468 = tpu.memref_slice %arg8[%parallel_loop3A_181, %parallel_loop3A_466, %parallel_loop3A_467] : memref<5x128x128xf32, #tpu.memory_space<vmem>> -> memref<1x128x128xf32, #tpu.memory_space<vmem>>
        %parallel_loop3A_469 = tpu.memref_squeeze %parallel_loop3A_468 : memref<1x128x128xf32, #tpu.memory_space<vmem>> -> memref<128x128xf32, #tpu.memory_space<vmem>>
        %parallel_loop3A_470 = arith.index_cast %parallel_loop3A_425 : i32 to index
        %parallel_loop3A_471 = arith.constant 80 : index
        %parallel_loop3A_472 = tpu.vector_load %parallel_loop3A_469[%parallel_loop3A_470, %parallel_loop3A_471] {strides = array<i32>} : memref<128x128xf32, #tpu.memory_space<vmem>>, vector<1x16xf32>,
        %parallel_loop3A_473 = vector.shape_cast %parallel_loop3A_472 : vector<1x16xf32> to vector<16xf32>
        %parallel_loop3A_474 = arith.constant 0 : i32
        %parallel_loop3A_475 = arith.constant 0 : i32
        %parallel_loop3A_476 = tpu.memref_slice %arg8[%parallel_loop3A_181, %parallel_loop3A_474, %parallel_loop3A_475] : memref<5x128x128xf32, #tpu.memory_space<vmem>> -> memref<1x128x128xf32, #tpu.memory_space<vmem>>
        %parallel_loop3A_477 = tpu.memref_squeeze %parallel_loop3A_476 : memref<1x128x128xf32, #tpu.memory_space<vmem>> -> memref<128x128xf32, #tpu.memory_space<vmem>>
        %parallel_loop3A_478 = arith.index_cast %parallel_loop3A_425 : i32 to index
        %parallel_loop3A_479 = arith.constant 96 : index
        %parallel_loop3A_480 = tpu.vector_load %parallel_loop3A_477[%parallel_loop3A_478, %parallel_loop3A_479] {strides = array<i32>} : memref<128x128xf32, #tpu.memory_space<vmem>>, vector<1x16xf32>,
        %parallel_loop3A_481 = vector.shape_cast %parallel_loop3A_480 : vector<1x16xf32> to vector<16xf32>
        %parallel_loop3A_482 = arith.constant 0 : i32
        %parallel_loop3A_483 = arith.constant 0 : i32
        %parallel_loop3A_484 = tpu.memref_slice %arg8[%parallel_loop3A_181, %parallel_loop3A_482, %parallel_loop3A_483] : memref<5x128x128xf32, #tpu.memory_space<vmem>> -> memref<1x128x128xf32, #tpu.memory_space<vmem>>
        %parallel_loop3A_485 = tpu.memref_squeeze %parallel_loop3A_484 : memref<1x128x128xf32, #tpu.memory_space<vmem>> -> memref<128x128xf32, #tpu.memory_space<vmem>>
        %parallel_loop3A_486 = arith.index_cast %parallel_loop3A_425 : i32 to index
        %parallel_loop3A_487 = arith.constant 112 : index
        %parallel_loop3A_488 = tpu.vector_load %parallel_loop3A_485[%parallel_loop3A_486, %parallel_loop3A_487] {strides = array<i32>} : memref<128x128xf32, #tpu.memory_space<vmem>>, vector<1x16xf32>,
        %parallel_loop3A_489 = vector.shape_cast %parallel_loop3A_488 : vector<1x16xf32> to vector<16xf32>
        %parallel_loop3A_490 = arith.mulf %parallel_loop3A_433, %parallel_loop3A_433 : vector<16xf32>
        %parallel_loop3A_491 = arith.mulf %parallel_loop3A_441, %parallel_loop3A_441 : vector<16xf32>
        %parallel_loop3A_492 = arith.mulf %parallel_loop3A_449, %parallel_loop3A_449 : vector<16xf32>
        %parallel_loop3A_493 = arith.mulf %parallel_loop3A_457, %parallel_loop3A_457 : vector<16xf32>
        %parallel_loop3A_494 = arith.mulf %parallel_loop3A_465, %parallel_loop3A_465 : vector<16xf32>
        %parallel_loop3A_495 = arith.mulf %parallel_loop3A_473, %parallel_loop3A_473 : vector<16xf32>
        %parallel_loop3A_496 = arith.mulf %parallel_loop3A_481, %parallel_loop3A_481 : vector<16xf32>
        %parallel_loop3A_497 = arith.mulf %parallel_loop3A_489, %parallel_loop3A_489 : vector<16xf32>
        %parallel_loop3A_498 = arith.addf %parallel_loop3A_433, %parallel_loop3A_441 : vector<16xf32>
        %parallel_loop3A_499 = arith.addf %parallel_loop3A_449, %parallel_loop3A_457 : vector<16xf32>
        %parallel_loop3A_500 = arith.addf %parallel_loop3A_465, %parallel_loop3A_473 : vector<16xf32>
        %parallel_loop3A_501 = arith.addf %parallel_loop3A_481, %parallel_loop3A_489 : vector<16xf32>
        %parallel_loop3A_502 = arith.addf %parallel_loop3A_490, %parallel_loop3A_491 : vector<16xf32>
        %parallel_loop3A_503 = arith.addf %parallel_loop3A_492, %parallel_loop3A_493 : vector<16xf32>
        %parallel_loop3A_504 = arith.addf %parallel_loop3A_494, %parallel_loop3A_495 : vector<16xf32>
        %parallel_loop3A_505 = arith.addf %parallel_loop3A_496, %parallel_loop3A_497 : vector<16xf32>
        %parallel_loop3A_506 = arith.addf %parallel_loop3A_498, %parallel_loop3A_499 : vector<16xf32>
        %parallel_loop3A_507 = arith.addf %parallel_loop3A_500, %parallel_loop3A_501 : vector<16xf32>
        %parallel_loop3A_508 = arith.addf %parallel_loop3A_502, %parallel_loop3A_503 : vector<16xf32>
        %parallel_loop3A_509 = arith.addf %parallel_loop3A_504, %parallel_loop3A_505 : vector<16xf32>
        %parallel_loop3A_510 = arith.addf %parallel_loop3A_506, %parallel_loop3A_507 : vector<16xf32>
        %parallel_loop3A_511 = arith.addf %parallel_loop3A_508, %parallel_loop3A_509 : vector<16xf32>
        %parallel_loop3A_512 = vector.shape_cast %xor3A_4 : vector<16xi32> to vector<16x1xi32>
        %parallel_loop3A_513 = vector.shape_cast %parallel_loop3A_512 : vector<16x1xi32> to vector<16xi32>
        %parallel_loop3A_514 = tpu.dynamic_gather %parallel_loop3A_510[%parallel_loop3A_513] in [0] : vector<16xf32>, vector<16xi32> -> vector<16xf32>
        %parallel_loop3A_515 = arith.addf %parallel_loop3A_510, %parallel_loop3A_514 : vector<16xf32>
        %parallel_loop3A_516 = vector.shape_cast %xor3A_7 : vector<16xi32> to vector<16x1xi32>
        %parallel_loop3A_517 = vector.shape_cast %parallel_loop3A_516 : vector<16x1xi32> to vector<16xi32>
        %parallel_loop3A_518 = tpu.dynamic_gather %parallel_loop3A_515[%parallel_loop3A_517] in [0] : vector<16xf32>, vector<16xi32> -> vector<16xf32>
        %parallel_loop3A_519 = arith.addf %parallel_loop3A_515, %parallel_loop3A_518 : vector<16xf32>
        %parallel_loop3A_520 = vector.shape_cast %xor3A_10 : vector<16xi32> to vector<16x1xi32>
        %parallel_loop3A_521 = vector.shape_cast %parallel_loop3A_520 : vector<16x1xi32> to vector<16xi32>
        %parallel_loop3A_522 = tpu.dynamic_gather %parallel_loop3A_519[%parallel_loop3A_521] in [0] : vector<16xf32>, vector<16xi32> -> vector<16xf32>
        %parallel_loop3A_523 = arith.addf %parallel_loop3A_519, %parallel_loop3A_522 : vector<16xf32>
        %parallel_loop3A_524 = vector.shape_cast %xor3A_13 : vector<16xi32> to vector<16x1xi32>
        %parallel_loop3A_525 = vector.shape_cast %parallel_loop3A_524 : vector<16x1xi32> to vector<16xi32>
        %parallel_loop3A_526 = tpu.dynamic_gather %parallel_loop3A_523[%parallel_loop3A_525] in [0] : vector<16xf32>, vector<16xi32> -> vector<16xf32>
        %parallel_loop3A_527 = arith.addf %parallel_loop3A_523, %parallel_loop3A_526 : vector<16xf32>
        %parallel_loop3A_528 = arith.constant 7.812500e-03 : f32
        %parallel_loop3A_529 = vector.broadcast %parallel_loop3A_528 : f32 to vector<16xf32>
        %parallel_loop3A_530 = arith.mulf %parallel_loop3A_527, %parallel_loop3A_529 : vector<16xf32>
        %parallel_loop3A_531 = vector.shape_cast %xor3A_4 : vector<16xi32> to vector<16x1xi32>
        %parallel_loop3A_532 = vector.shape_cast %parallel_loop3A_531 : vector<16x1xi32> to vector<16xi32>
        %parallel_loop3A_533 = tpu.dynamic_gather %parallel_loop3A_511[%parallel_loop3A_532] in [0] : vector<16xf32>, vector<16xi32> -> vector<16xf32>
        %parallel_loop3A_534 = arith.addf %parallel_loop3A_511, %parallel_loop3A_533 : vector<16xf32>
        %parallel_loop3A_535 = vector.shape_cast %xor3A_7 : vector<16xi32> to vector<16x1xi32>
        %parallel_loop3A_536 = vector.shape_cast %parallel_loop3A_535 : vector<16x1xi32> to vector<16xi32>
        %parallel_loop3A_537 = tpu.dynamic_gather %parallel_loop3A_534[%parallel_loop3A_536] in [0] : vector<16xf32>, vector<16xi32> -> vector<16xf32>
        %parallel_loop3A_538 = arith.addf %parallel_loop3A_534, %parallel_loop3A_537 : vector<16xf32>
        %parallel_loop3A_539 = vector.shape_cast %xor3A_10 : vector<16xi32> to vector<16x1xi32>
        %parallel_loop3A_540 = vector.shape_cast %parallel_loop3A_539 : vector<16x1xi32> to vector<16xi32>
        %parallel_loop3A_541 = tpu.dynamic_gather %parallel_loop3A_538[%parallel_loop3A_540] in [0] : vector<16xf32>, vector<16xi32> -> vector<16xf32>
        %parallel_loop3A_542 = arith.addf %parallel_loop3A_538, %parallel_loop3A_541 : vector<16xf32>
        %parallel_loop3A_543 = vector.shape_cast %xor3A_13 : vector<16xi32> to vector<16x1xi32>
        %parallel_loop3A_544 = vector.shape_cast %parallel_loop3A_543 : vector<16x1xi32> to vector<16xi32>
        %parallel_loop3A_545 = tpu.dynamic_gather %parallel_loop3A_542[%parallel_loop3A_544] in [0] : vector<16xf32>, vector<16xi32> -> vector<16xf32>
        %parallel_loop3A_546 = arith.addf %parallel_loop3A_542, %parallel_loop3A_545 : vector<16xf32>
        %parallel_loop3A_547 = arith.constant 7.812500e-03 : f32
        %parallel_loop3A_548 = vector.broadcast %parallel_loop3A_547 : f32 to vector<16xf32>
        %parallel_loop3A_549 = arith.mulf %parallel_loop3A_546, %parallel_loop3A_548 : vector<16xf32>
        %parallel_loop3A_550 = arith.mulf %parallel_loop3A_530, %parallel_loop3A_530 : vector<16xf32>
        %parallel_loop3A_551 = arith.subf %parallel_loop3A_549, %parallel_loop3A_550 : vector<16xf32>
        %parallel_loop3A_552 = arith.constant 9.99999996E-13 : f32
        %parallel_loop3A_553 = vector.broadcast %parallel_loop3A_552 : f32 to vector<16xf32>
        %parallel_loop3A_554 = arith.addf %parallel_loop3A_551, %parallel_loop3A_553 : vector<16xf32>
        %parallel_loop3A_555 = tpu.bitcast %parallel_loop3A_554 : vector<16xf32> -> vector<16xi32>
        %parallel_loop3A_556 = arith.constant 1 : i32
        %parallel_loop3A_557 = vector.broadcast %parallel_loop3A_556 : i32 to vector<16xi32>
        %parallel_loop3A_558 = arith.shrsi %parallel_loop3A_555, %parallel_loop3A_557 : vector<16xi32>
        %parallel_loop3A_559 = arith.constant 1597463007 : i32
        %parallel_loop3A_560 = vector.broadcast %parallel_loop3A_559 : i32 to vector<16xi32>
        %parallel_loop3A_561 = arith.subi %parallel_loop3A_560, %parallel_loop3A_558 : vector<16xi32>
        %parallel_loop3A_562 = tpu.bitcast %parallel_loop3A_561 : vector<16xi32> -> vector<16xf32>
        %parallel_loop3A_563 = arith.constant 5.000000e-01 : f32
        %parallel_loop3A_564 = vector.broadcast %parallel_loop3A_563 : f32 to vector<16xf32>
        %parallel_loop3A_565 = arith.mulf %parallel_loop3A_564, %parallel_loop3A_554 : vector<16xf32>
        %parallel_loop3A_566 = arith.mulf %parallel_loop3A_565, %parallel_loop3A_562 : vector<16xf32>
        %parallel_loop3A_567 = arith.mulf %parallel_loop3A_566, %parallel_loop3A_562 : vector<16xf32>
        %parallel_loop3A_568 = arith.constant 1.500000e+00 : f32
        %parallel_loop3A_569 = vector.broadcast %parallel_loop3A_568 : f32 to vector<16xf32>
        %parallel_loop3A_570 = arith.subf %parallel_loop3A_569, %parallel_loop3A_567 : vector<16xf32>
        %parallel_loop3A_571 = arith.mulf %parallel_loop3A_562, %parallel_loop3A_570 : vector<16xf32>
        %parallel_loop3A_572 = arith.constant 5.000000e-01 : f32
        %parallel_loop3A_573 = vector.broadcast %parallel_loop3A_572 : f32 to vector<16xf32>
        %parallel_loop3A_574 = arith.mulf %parallel_loop3A_573, %parallel_loop3A_554 : vector<16xf32>
        %parallel_loop3A_575 = arith.mulf %parallel_loop3A_574, %parallel_loop3A_571 : vector<16xf32>
        %parallel_loop3A_576 = arith.mulf %parallel_loop3A_575, %parallel_loop3A_571 : vector<16xf32>
        %parallel_loop3A_577 = arith.constant 1.500000e+00 : f32
        %parallel_loop3A_578 = vector.broadcast %parallel_loop3A_577 : f32 to vector<16xf32>
        %parallel_loop3A_579 = arith.subf %parallel_loop3A_578, %parallel_loop3A_576 : vector<16xf32>
        %parallel_loop3A_580 = arith.mulf %parallel_loop3A_571, %parallel_loop3A_579 : vector<16xf32>
        %parallel_loop3A_581 = arith.mulf %parallel_loop3A_580, %get3A_15 : vector<16xf32>
        %parallel_loop3A_582 = arith.subf %parallel_loop3A_433, %parallel_loop3A_530 : vector<16xf32>
        %parallel_loop3A_583 = arith.mulf %parallel_loop3A_582, %parallel_loop3A_581 : vector<16xf32>
        %parallel_loop3A_584 = arith.addf %parallel_loop3A_583, %get3A_39 : vector<16xf32>
        %parallel_loop3A_585 = arith.constant 0 : i32
        %parallel_loop3A_586 = arith.constant 0 : i32
        %parallel_loop3A_587 = tpu.memref_slice %arg8[%parallel_loop3A_181, %parallel_loop3A_585, %parallel_loop3A_586] : memref<5x128x128xf32, #tpu.memory_space<vmem>> -> memref<1x128x128xf32, #tpu.memory_space<vmem>>
        %parallel_loop3A_588 = tpu.memref_squeeze %parallel_loop3A_587 : memref<1x128x128xf32, #tpu.memory_space<vmem>> -> memref<128x128xf32, #tpu.memory_space<vmem>>
        %parallel_loop3A_589 = arith.index_cast %parallel_loop3A_425 : i32 to index
        %parallel_loop3A_590 = arith.constant 0 : index
        %parallel_loop3A_591 = tpu.vector_load %parallel_loop3A_588[%parallel_loop3A_589, %parallel_loop3A_590] {strides = array<i32>} : memref<128x128xf32, #tpu.memory_space<vmem>>, vector<1x16xf32>,
        %parallel_loop3A_592 = vector.shape_cast %parallel_loop3A_591 : vector<1x16xf32> to vector<16xf32>
        %parallel_loop3A_593 = vector.shape_cast %parallel_loop3A_584 : vector<16xf32> to vector<1x16xf32>
        tpu.vector_store %parallel_loop3A_588[%parallel_loop3A_589, %parallel_loop3A_590], %parallel_loop3A_593 {strides = array<i32>} : memref<128x128xf32, #tpu.memory_space<vmem>>, vector<1x16xf32>,
        %parallel_loop3A_594 = arith.mulf %parallel_loop3A_580, %get3A_18 : vector<16xf32>
        %parallel_loop3A_595 = arith.subf %parallel_loop3A_441, %parallel_loop3A_530 : vector<16xf32>
        %parallel_loop3A_596 = arith.mulf %parallel_loop3A_595, %parallel_loop3A_594 : vector<16xf32>
        %parallel_loop3A_597 = arith.addf %parallel_loop3A_596, %get3A_42 : vector<16xf32>
        %parallel_loop3A_598 = arith.constant 0 : i32
        %parallel_loop3A_599 = arith.constant 0 : i32
        %parallel_loop3A_600 = tpu.memref_slice %arg8[%parallel_loop3A_181, %parallel_loop3A_598, %parallel_loop3A_599] : memref<5x128x128xf32, #tpu.memory_space<vmem>> -> memref<1x128x128xf32, #tpu.memory_space<vmem>>
        %parallel_loop3A_601 = tpu.memref_squeeze %parallel_loop3A_600 : memref<1x128x128xf32, #tpu.memory_space<vmem>> -> memref<128x128xf32, #tpu.memory_space<vmem>>
        %parallel_loop3A_602 = arith.index_cast %parallel_loop3A_425 : i32 to index
        %parallel_loop3A_603 = arith.constant 16 : index
        %parallel_loop3A_604 = tpu.vector_load %parallel_loop3A_601[%parallel_loop3A_602, %parallel_loop3A_603] {strides = array<i32>} : memref<128x128xf32, #tpu.memory_space<vmem>>, vector<1x16xf32>,
        %parallel_loop3A_605 = vector.shape_cast %parallel_loop3A_604 : vector<1x16xf32> to vector<16xf32>
        %parallel_loop3A_606 = vector.shape_cast %parallel_loop3A_597 : vector<16xf32> to vector<1x16xf32>
        tpu.vector_store %parallel_loop3A_601[%parallel_loop3A_602, %parallel_loop3A_603], %parallel_loop3A_606 {strides = array<i32>} : memref<128x128xf32, #tpu.memory_space<vmem>>, vector<1x16xf32>,
        %parallel_loop3A_607 = arith.mulf %parallel_loop3A_580, %get3A_21 : vector<16xf32>
        %parallel_loop3A_608 = arith.subf %parallel_loop3A_449, %parallel_loop3A_530 : vector<16xf32>
        %parallel_loop3A_609 = arith.mulf %parallel_loop3A_608, %parallel_loop3A_607 : vector<16xf32>
        %parallel_loop3A_610 = arith.addf %parallel_loop3A_609, %get3A_45 : vector<16xf32>
        %parallel_loop3A_611 = arith.constant 0 : i32
        %parallel_loop3A_612 = arith.constant 0 : i32
        %parallel_loop3A_613 = tpu.memref_slice %arg8[%parallel_loop3A_181, %parallel_loop3A_611, %parallel_loop3A_612] : memref<5x128x128xf32, #tpu.memory_space<vmem>> -> memref<1x128x128xf32, #tpu.memory_space<vmem>>
        %parallel_loop3A_614 = tpu.memref_squeeze %parallel_loop3A_613 : memref<1x128x128xf32, #tpu.memory_space<vmem>> -> memref<128x128xf32, #tpu.memory_space<vmem>>
        %parallel_loop3A_615 = arith.index_cast %parallel_loop3A_425 : i32 to index
        %parallel_loop3A_616 = arith.constant 32 : index
        %parallel_loop3A_617 = tpu.vector_load %parallel_loop3A_614[%parallel_loop3A_615, %parallel_loop3A_616] {strides = array<i32>} : memref<128x128xf32, #tpu.memory_space<vmem>>, vector<1x16xf32>,
        %parallel_loop3A_618 = vector.shape_cast %parallel_loop3A_617 : vector<1x16xf32> to vector<16xf32>
        %parallel_loop3A_619 = vector.shape_cast %parallel_loop3A_610 : vector<16xf32> to vector<1x16xf32>
        tpu.vector_store %parallel_loop3A_614[%parallel_loop3A_615, %parallel_loop3A_616], %parallel_loop3A_619 {strides = array<i32>} : memref<128x128xf32, #tpu.memory_space<vmem>>, vector<1x16xf32>,
        %parallel_loop3A_620 = arith.mulf %parallel_loop3A_580, %get3A_24 : vector<16xf32>
        %parallel_loop3A_621 = arith.subf %parallel_loop3A_457, %parallel_loop3A_530 : vector<16xf32>
        %parallel_loop3A_622 = arith.mulf %parallel_loop3A_621, %parallel_loop3A_620 : vector<16xf32>
        %parallel_loop3A_623 = arith.addf %parallel_loop3A_622, %get3A_48 : vector<16xf32>
        %parallel_loop3A_624 = arith.constant 0 : i32
        %parallel_loop3A_625 = arith.constant 0 : i32
        %parallel_loop3A_626 = tpu.memref_slice %arg8[%parallel_loop3A_181, %parallel_loop3A_624, %parallel_loop3A_625] : memref<5x128x128xf32, #tpu.memory_space<vmem>> -> memref<1x128x128xf32, #tpu.memory_space<vmem>>
        %parallel_loop3A_627 = tpu.memref_squeeze %parallel_loop3A_626 : memref<1x128x128xf32, #tpu.memory_space<vmem>> -> memref<128x128xf32, #tpu.memory_space<vmem>>
        %parallel_loop3A_628 = arith.index_cast %parallel_loop3A_425 : i32 to index
        %parallel_loop3A_629 = arith.constant 48 : index
        %parallel_loop3A_630 = tpu.vector_load %parallel_loop3A_627[%parallel_loop3A_628, %parallel_loop3A_629] {strides = array<i32>} : memref<128x128xf32, #tpu.memory_space<vmem>>, vector<1x16xf32>,
        %parallel_loop3A_631 = vector.shape_cast %parallel_loop3A_630 : vector<1x16xf32> to vector<16xf32>
        %parallel_loop3A_632 = vector.shape_cast %parallel_loop3A_623 : vector<16xf32> to vector<1x16xf32>
        tpu.vector_store %parallel_loop3A_627[%parallel_loop3A_628, %parallel_loop3A_629], %parallel_loop3A_632 {strides = array<i32>} : memref<128x128xf32, #tpu.memory_space<vmem>>, vector<1x16xf32>,
        %parallel_loop3A_633 = arith.mulf %parallel_loop3A_580, %get3A_27 : vector<16xf32>
        %parallel_loop3A_634 = arith.subf %parallel_loop3A_465, %parallel_loop3A_530 : vector<16xf32>
        %parallel_loop3A_635 = arith.mulf %parallel_loop3A_634, %parallel_loop3A_633 : vector<16xf32>
        %parallel_loop3A_636 = arith.addf %parallel_loop3A_635, %get3A_51 : vector<16xf32>
        %parallel_loop3A_637 = arith.constant 0 : i32
        %parallel_loop3A_638 = arith.constant 0 : i32
        %parallel_loop3A_639 = tpu.memref_slice %arg8[%parallel_loop3A_181, %parallel_loop3A_637, %parallel_loop3A_638] : memref<5x128x128xf32, #tpu.memory_space<vmem>> -> memref<1x128x128xf32, #tpu.memory_space<vmem>>
        %parallel_loop3A_640 = tpu.memref_squeeze %parallel_loop3A_639 : memref<1x128x128xf32, #tpu.memory_space<vmem>> -> memref<128x128xf32, #tpu.memory_space<vmem>>
        %parallel_loop3A_641 = arith.index_cast %parallel_loop3A_425 : i32 to index
        %parallel_loop3A_642 = arith.constant 64 : index
        %parallel_loop3A_643 = tpu.vector_load %parallel_loop3A_640[%parallel_loop3A_641, %parallel_loop3A_642] {strides = array<i32>} : memref<128x128xf32, #tpu.memory_space<vmem>>, vector<1x16xf32>,
        %parallel_loop3A_644 = vector.shape_cast %parallel_loop3A_643 : vector<1x16xf32> to vector<16xf32>
        %parallel_loop3A_645 = vector.shape_cast %parallel_loop3A_636 : vector<16xf32> to vector<1x16xf32>
        tpu.vector_store %parallel_loop3A_640[%parallel_loop3A_641, %parallel_loop3A_642], %parallel_loop3A_645 {strides = array<i32>} : memref<128x128xf32, #tpu.memory_space<vmem>>, vector<1x16xf32>,
        %parallel_loop3A_646 = arith.mulf %parallel_loop3A_580, %get3A_30 : vector<16xf32>
        %parallel_loop3A_647 = arith.subf %parallel_loop3A_473, %parallel_loop3A_530 : vector<16xf32>
        %parallel_loop3A_648 = arith.mulf %parallel_loop3A_647, %parallel_loop3A_646 : vector<16xf32>
        %parallel_loop3A_649 = arith.addf %parallel_loop3A_648, %get3A_54 : vector<16xf32>
        %parallel_loop3A_650 = arith.constant 0 : i32
        %parallel_loop3A_651 = arith.constant 0 : i32
        %parallel_loop3A_652 = tpu.memref_slice %arg8[%parallel_loop3A_181, %parallel_loop3A_650, %parallel_loop3A_651] : memref<5x128x128xf32, #tpu.memory_space<vmem>> -> memref<1x128x128xf32, #tpu.memory_space<vmem>>
        %parallel_loop3A_653 = tpu.memref_squeeze %parallel_loop3A_652 : memref<1x128x128xf32, #tpu.memory_space<vmem>> -> memref<128x128xf32, #tpu.memory_space<vmem>>
        %parallel_loop3A_654 = arith.index_cast %parallel_loop3A_425 : i32 to index
        %parallel_loop3A_655 = arith.constant 80 : index
        %parallel_loop3A_656 = tpu.vector_load %parallel_loop3A_653[%parallel_loop3A_654, %parallel_loop3A_655] {strides = array<i32>} : memref<128x128xf32, #tpu.memory_space<vmem>>, vector<1x16xf32>,
        %parallel_loop3A_657 = vector.shape_cast %parallel_loop3A_656 : vector<1x16xf32> to vector<16xf32>
        %parallel_loop3A_658 = vector.shape_cast %parallel_loop3A_649 : vector<16xf32> to vector<1x16xf32>
        tpu.vector_store %parallel_loop3A_653[%parallel_loop3A_654, %parallel_loop3A_655], %parallel_loop3A_658 {strides = array<i32>} : memref<128x128xf32, #tpu.memory_space<vmem>>, vector<1x16xf32>,
        %parallel_loop3A_659 = arith.mulf %parallel_loop3A_580, %get3A_33 : vector<16xf32>
        %parallel_loop3A_660 = arith.subf %parallel_loop3A_481, %parallel_loop3A_530 : vector<16xf32>
        %parallel_loop3A_661 = arith.mulf %parallel_loop3A_660, %parallel_loop3A_659 : vector<16xf32>
        %parallel_loop3A_662 = arith.addf %parallel_loop3A_661, %get3A_57 : vector<16xf32>
        %parallel_loop3A_663 = arith.constant 0 : i32
        %parallel_loop3A_664 = arith.constant 0 : i32
        %parallel_loop3A_665 = tpu.memref_slice %arg8[%parallel_loop3A_181, %parallel_loop3A_663, %parallel_loop3A_664] : memref<5x128x128xf32, #tpu.memory_space<vmem>> -> memref<1x128x128xf32, #tpu.memory_space<vmem>>
        %parallel_loop3A_666 = tpu.memref_squeeze %parallel_loop3A_665 : memref<1x128x128xf32, #tpu.memory_space<vmem>> -> memref<128x128xf32, #tpu.memory_space<vmem>>
        %parallel_loop3A_667 = arith.index_cast %parallel_loop3A_425 : i32 to index
        %parallel_loop3A_668 = arith.constant 96 : index
        %parallel_loop3A_669 = tpu.vector_load %parallel_loop3A_666[%parallel_loop3A_667, %parallel_loop3A_668] {strides = array<i32>} : memref<128x128xf32, #tpu.memory_space<vmem>>, vector<1x16xf32>,
        %parallel_loop3A_670 = vector.shape_cast %parallel_loop3A_669 : vector<1x16xf32> to vector<16xf32>
        %parallel_loop3A_671 = vector.shape_cast %parallel_loop3A_662 : vector<16xf32> to vector<1x16xf32>
        tpu.vector_store %parallel_loop3A_666[%parallel_loop3A_667, %parallel_loop3A_668], %parallel_loop3A_671 {strides = array<i32>} : memref<128x128xf32, #tpu.memory_space<vmem>>, vector<1x16xf32>,
        %parallel_loop3A_672 = arith.mulf %parallel_loop3A_580, %get3A_36 : vector<16xf32>
        %parallel_loop3A_673 = arith.subf %parallel_loop3A_489, %parallel_loop3A_530 : vector<16xf32>
        %parallel_loop3A_674 = arith.mulf %parallel_loop3A_673, %parallel_loop3A_672 : vector<16xf32>
        %parallel_loop3A_675 = arith.addf %parallel_loop3A_674, %get3A_60 : vector<16xf32>
        %parallel_loop3A_676 = arith.constant 0 : i32
        %parallel_loop3A_677 = arith.constant 0 : i32
        %parallel_loop3A_678 = tpu.memref_slice %arg8[%parallel_loop3A_181, %parallel_loop3A_676, %parallel_loop3A_677] : memref<5x128x128xf32, #tpu.memory_space<vmem>> -> memref<1x128x128xf32, #tpu.memory_space<vmem>>
        %parallel_loop3A_679 = tpu.memref_squeeze %parallel_loop3A_678 : memref<1x128x128xf32, #tpu.memory_space<vmem>> -> memref<128x128xf32, #tpu.memory_space<vmem>>
        %parallel_loop3A_680 = arith.index_cast %parallel_loop3A_425 : i32 to index
        %parallel_loop3A_681 = arith.constant 112 : index
        %parallel_loop3A_682 = tpu.vector_load %parallel_loop3A_679[%parallel_loop3A_680, %parallel_loop3A_681] {strides = array<i32>} : memref<128x128xf32, #tpu.memory_space<vmem>>, vector<1x16xf32>,
        %parallel_loop3A_683 = vector.shape_cast %parallel_loop3A_682 : vector<1x16xf32> to vector<16xf32>
        %parallel_loop3A_684 = vector.shape_cast %parallel_loop3A_675 : vector<16xf32> to vector<1x16xf32>
        tpu.vector_store %parallel_loop3A_679[%parallel_loop3A_680, %parallel_loop3A_681], %parallel_loop3A_684 {strides = array<i32>} : memref<128x128xf32, #tpu.memory_space<vmem>>, vector<1x16xf32>,
      } {sc.loop_unroll_factor = 1 : i64, sc.parallel_access}
      %mul3A_182 = arith.constant 128 : i32
      %mul3A_183 = arith.muli %add3A_152, %mul3A_182 : i32
      %add3A_184 = arith.addi %mul3A_2, %mul3A_183 : i32
      %dma_start3A_185 = arith.constant 0 : i32
      %dma_start3A_186 = arith.constant 0 : i32
      %dma_start3A_187 = arith.constant 0 : i32
      %dma_start3A_188 = arith.constant 0 : i32
      %dma_start3A_189 = tpu.memref_slice %arg8[%dma_start3A_185, %dma_start3A_187, %dma_start3A_188] : memref<5x128x128xf32, #tpu.memory_space<vmem>> -> memref<1x128x128xf32, #tpu.memory_space<vmem>>
      %dma_start3A_190 = tpu.memref_squeeze %dma_start3A_189 : memref<1x128x128xf32, #tpu.memory_space<vmem>> -> memref<128x128xf32, #tpu.memory_space<vmem>>
      %dma_start3A_191 = arith.constant 0 : i32
      %dma_start3A_192 = tpu.memref_slice %arg6[%add3A_184, %dma_start3A_191] : memref<204800x128xf32, #tpu.memory_space<hbm>> -> memref<128x128xf32, #tpu.memory_space<hbm>>
      %dma_start3A_193 = tpu.memref_slice %arg12[%dma_start3A_186] : memref<5x!tpu.dma_semaphore, #tpu.memory_space<semaphore_mem>> -> memref<1x!tpu.dma_semaphore, #tpu.memory_space<semaphore_mem>>
      %dma_start3A_194 = tpu.memref_squeeze %dma_start3A_193 : memref<1x!tpu.dma_semaphore, #tpu.memory_space<semaphore_mem>> -> memref<!tpu.dma_semaphore, #tpu.memory_space<semaphore_mem>>
      %dma_start3A_195 = arith.constant 0 : i32
      %dma_start3A_196 = tpu.memref_slice %arg6[%add3A_184, %dma_start3A_195] : memref<204800x128xf32, #tpu.memory_space<hbm>> -> memref<128x128xf32, #tpu.memory_space<hbm>>
      %dma_start3A_197 = arith.constant 0 : i32
      %dma_start3A_198 = arith.constant 0 : i32
      %dma_start3A_199 = tpu.memref_slice %arg8[%dma_start3A_185, %dma_start3A_197, %dma_start3A_198] : memref<5x128x128xf32, #tpu.memory_space<vmem>> -> memref<1x128x128xf32, #tpu.memory_space<vmem>>
      %dma_start3A_200 = tpu.memref_squeeze %dma_start3A_199 : memref<1x128x128xf32, #tpu.memory_space<vmem>> -> memref<128x128xf32, #tpu.memory_space<vmem>>
      tpu.enqueue_dma source(%dma_start3A_200 : memref<128x128xf32, #tpu.memory_space<vmem>>) target(%dma_start3A_196 : memref<128x128xf32, #tpu.memory_space<hbm>>) target_semaphore(%dma_start3A_194 : memref<!tpu.dma_semaphore, #tpu.memory_space<semaphore_mem>>)
      %add3A_201 = arith.constant 1 : i32
      %add3A_202 = arith.addi %mul3A_150, %add3A_201 : i32
      %add3A_203 = arith.constant 2 : i32
      %add3A_204 = arith.addi %add3A_202, %add3A_203 : i32
      %sub3A_205 = arith.constant 5 : i32
      %sub3A_206 = arith.subi %add3A_204, %sub3A_205 : i32
      %ge3A_207 = arith.constant 0 : i32
      %ge3A_208 = arith.cmpi sge, %sub3A_206, %ge3A_207 : i32
      %convert_element_type3A_209 = arith.extui %ge3A_208 : i1 to i32
      %cond3A_210 = arith.constant 0 : i32
      %cond3A_211 = arith.cmpi ne, %convert_element_type3A_209, %cond3A_210 : i32
      scf.if %cond3A_211 {
        %dma_wait3A_425 = arith.constant 3 : i32
        %dma_wait3A_426 = arith.constant 3 : i32
        %dma_wait3A_427 = arith.constant 0 : i32
        %dma_wait3A_428 = arith.constant 0 : i32
        %dma_wait3A_429 = tpu.memref_slice %arg8[%dma_wait3A_425, %dma_wait3A_427, %dma_wait3A_428] : memref<5x128x128xf32, #tpu.memory_space<vmem>> -> memref<1x128x128xf32, #tpu.memory_space<vmem>>
        %dma_wait3A_430 = tpu.memref_squeeze %dma_wait3A_429 : memref<1x128x128xf32, #tpu.memory_space<vmem>> -> memref<128x128xf32, #tpu.memory_space<vmem>>
        %dma_wait3A_431 = arith.constant 0 : i32
        %dma_wait3A_432 = arith.constant 0 : i32
        %dma_wait3A_433 = tpu.memref_slice %arg6[%dma_wait3A_431, %dma_wait3A_432] : memref<204800x128xf32, #tpu.memory_space<hbm>> -> memref<128x128xf32, #tpu.memory_space<hbm>>
        %dma_wait3A_434 = tpu.memref_slice %arg12[%dma_wait3A_426] : memref<5x!tpu.dma_semaphore, #tpu.memory_space<semaphore_mem>> -> memref<1x!tpu.dma_semaphore, #tpu.memory_space<semaphore_mem>>
        %dma_wait3A_435 = tpu.memref_squeeze %dma_wait3A_434 : memref<1x!tpu.dma_semaphore, #tpu.memory_space<semaphore_mem>> -> memref<!tpu.dma_semaphore, #tpu.memory_space<semaphore_mem>>
        %dma_wait3A_436 = arith.constant 0 : i32
        %dma_wait3A_437 = arith.constant 0 : i32
        %dma_wait3A_438 = tpu.memref_slice %arg6[%dma_wait3A_436, %dma_wait3A_437] : memref<204800x128xf32, #tpu.memory_space<hbm>> -> memref<128x128xf32, #tpu.memory_space<hbm>>
        %dma_wait3A_439 = arith.constant 0 : i32
        %dma_wait3A_440 = arith.constant 0 : i32
        %dma_wait3A_441 = tpu.memref_slice %arg8[%dma_wait3A_425, %dma_wait3A_439, %dma_wait3A_440] : memref<5x128x128xf32, #tpu.memory_space<vmem>> -> memref<1x128x128xf32, #tpu.memory_space<vmem>>
        %dma_wait3A_442 = tpu.memref_squeeze %dma_wait3A_441 : memref<1x128x128xf32, #tpu.memory_space<vmem>> -> memref<128x128xf32, #tpu.memory_space<vmem>>
        tpu.wait_dma2 semaphore(%dma_wait3A_435 : memref<!tpu.dma_semaphore, #tpu.memory_space<semaphore_mem>>) src(%dma_wait3A_442 : memref<128x128xf32, #tpu.memory_space<vmem>>) dst(%dma_wait3A_438 : memref<128x128xf32, #tpu.memory_space<hbm>>)
      } else {
      }
      %add3A_212 = arith.constant 2 : i32
      %add3A_213 = arith.addi %add3A_202, %add3A_212 : i32
      %lt3A_214 = arith.constant 50 : i32
      %lt3A_215 = arith.cmpi slt, %add3A_213, %lt3A_214 : i32
      %convert_element_type3A_216 = arith.extui %lt3A_215 : i1 to i32
      %cond3A_217 = arith.constant 0 : i32
      %cond3A_218 = arith.cmpi ne, %convert_element_type3A_216, %cond3A_217 : i32
      scf.if %cond3A_218 {
        %add3A_425 = arith.constant 2 : i32
        %add3A_426 = arith.addi %add3A_202, %add3A_425 : i32
        %dma_start3A_427 = arith.constant 3 : i32
        %dma_start3A_428 = arith.constant 3 : i32
        %dma_start3A_429 = arith.constant 0 : i32
        %dma_start3A_430 = arith.constant 0 : i32
        %dma_start3A_431 = tpu.memref_slice %arg8[%dma_start3A_427, %dma_start3A_429, %dma_start3A_430] : memref<5x128x128xf32, #tpu.memory_space<vmem>> -> memref<1x128x128xf32, #tpu.memory_space<vmem>>
        %dma_start3A_432 = tpu.memref_squeeze %dma_start3A_431 : memref<1x128x128xf32, #tpu.memory_space<vmem>> -> memref<128x128xf32, #tpu.memory_space<vmem>>
        %dma_start3A_433 = arith.constant 0 : i32
        %dma_start3A_434 = tpu.memref_slice %arg7[%add3A_426, %dma_start3A_433] : memref<50x128xi32, #tpu.memory_space<vmem>> -> memref<1x128xi32, #tpu.memory_space<vmem>>
        %dma_start3A_435 = tpu.memref_squeeze %dma_start3A_434 : memref<1x128xi32, #tpu.memory_space<vmem>> -> memref<128xi32, #tpu.memory_space<vmem>>
        %dma_start3A_436 = arith.constant 0 : i32
        %dma_start3A_437 = arith.constant 0 : i32
        %dma_start3A_438 = tpu.memref_slice %arg3[%dma_start3A_436, %dma_start3A_437] : memref<100000x128xf32, #tpu.memory_space<hbm>> -> memref<100000x128xf32, #tpu.memory_space<hbm>>
        %dma_start3A_439 = tpu.memref_slice %arg11[%dma_start3A_428] : memref<5x!tpu.dma_semaphore, #tpu.memory_space<semaphore_mem>> -> memref<1x!tpu.dma_semaphore, #tpu.memory_space<semaphore_mem>>
        %dma_start3A_440 = tpu.memref_squeeze %dma_start3A_439 : memref<1x!tpu.dma_semaphore, #tpu.memory_space<semaphore_mem>> -> memref<!tpu.dma_semaphore, #tpu.memory_space<semaphore_mem>>
        tpu.enqueue_indirect_dma source(%dma_start3A_438 : memref<100000x128xf32, #tpu.memory_space<hbm>>) target(%dma_start3A_432 : memref<128x128xf32, #tpu.memory_space<vmem>>) offsets(%dma_start3A_435 : memref<128xi32, #tpu.memory_space<vmem>>) semaphore(%dma_start3A_440 : memref<!tpu.dma_semaphore, #tpu.memory_space<semaphore_mem>>)
      } else {
      }
      %dma_wait3A_219 = arith.constant 0 : i32
      %dma_wait3A_220 = arith.constant 1 : i32
      %dma_wait3A_221 = arith.constant 1 : i32
      %dma_wait3A_222 = arith.constant 0 : i32
      %dma_wait3A_223 = arith.constant 0 : i32
      %dma_wait3A_224 = tpu.memref_slice %arg8[%dma_wait3A_220, %dma_wait3A_222, %dma_wait3A_223] : memref<5x128x128xf32, #tpu.memory_space<vmem>> -> memref<1x128x128xf32, #tpu.memory_space<vmem>>
      %dma_wait3A_225 = tpu.memref_squeeze %dma_wait3A_224 : memref<1x128x128xf32, #tpu.memory_space<vmem>> -> memref<128x128xf32, #tpu.memory_space<vmem>>
      %dma_wait3A_226 = arith.constant 0 : i32
      %dma_wait3A_227 = tpu.memref_slice %arg7[%dma_wait3A_219, %dma_wait3A_226] : memref<50x128xi32, #tpu.memory_space<vmem>> -> memref<1x128xi32, #tpu.memory_space<vmem>>
      %dma_wait3A_228 = tpu.memref_squeeze %dma_wait3A_227 : memref<1x128xi32, #tpu.memory_space<vmem>> -> memref<128xi32, #tpu.memory_space<vmem>>
      %dma_wait3A_229 = arith.constant 0 : i32
      %dma_wait3A_230 = arith.constant 0 : i32
      %dma_wait3A_231 = tpu.memref_slice %arg3[%dma_wait3A_229, %dma_wait3A_230] : memref<100000x128xf32, #tpu.memory_space<hbm>> -> memref<100000x128xf32, #tpu.memory_space<hbm>>
      %dma_wait3A_232 = tpu.memref_slice %arg11[%dma_wait3A_221] : memref<5x!tpu.dma_semaphore, #tpu.memory_space<semaphore_mem>> -> memref<1x!tpu.dma_semaphore, #tpu.memory_space<semaphore_mem>>
      %dma_wait3A_233 = tpu.memref_squeeze %dma_wait3A_232 : memref<1x!tpu.dma_semaphore, #tpu.memory_space<semaphore_mem>> -> memref<!tpu.dma_semaphore, #tpu.memory_space<semaphore_mem>>
      tpu.wait_indirect_dma semaphore(%dma_wait3A_233 : memref<!tpu.dma_semaphore, #tpu.memory_space<semaphore_mem>>) src(%dma_wait3A_231 : memref<100000x128xf32, #tpu.memory_space<hbm>>) dst(%dma_wait3A_225 : memref<128x128xf32, #tpu.memory_space<vmem>>)
      %parallel_loop3A_234 = arith.constant 0 : i32
      %parallel_loop3A_235 = arith.constant 128 : i32
      %parallel_loop3A_236 = arith.constant 1 : i32
      %parallel_loop3A_237 = arith.constant 1 : i32
      scf.for %parallel_loop3A_425 = %parallel_loop3A_234 to %parallel_loop3A_235 step %parallel_loop3A_236  : i32 {
        %parallel_loop3A_426 = arith.constant 0 : i32
        %parallel_loop3A_427 = arith.constant 0 : i32
        %parallel_loop3A_428 = tpu.memref_slice %arg8[%parallel_loop3A_237, %parallel_loop3A_426, %parallel_loop3A_427] : memref<5x128x128xf32, #tpu.memory_space<vmem>> -> memref<1x128x128xf32, #tpu.memory_space<vmem>>
        %parallel_loop3A_429 = tpu.memref_squeeze %parallel_loop3A_428 : memref<1x128x128xf32, #tpu.memory_space<vmem>> -> memref<128x128xf32, #tpu.memory_space<vmem>>
        %parallel_loop3A_430 = arith.index_cast %parallel_loop3A_425 : i32 to index
        %parallel_loop3A_431 = arith.constant 0 : index
        %parallel_loop3A_432 = tpu.vector_load %parallel_loop3A_429[%parallel_loop3A_430, %parallel_loop3A_431] {strides = array<i32>} : memref<128x128xf32, #tpu.memory_space<vmem>>, vector<1x16xf32>,
        %parallel_loop3A_433 = vector.shape_cast %parallel_loop3A_432 : vector<1x16xf32> to vector<16xf32>
        %parallel_loop3A_434 = arith.constant 0 : i32
        %parallel_loop3A_435 = arith.constant 0 : i32
        %parallel_loop3A_436 = tpu.memref_slice %arg8[%parallel_loop3A_237, %parallel_loop3A_434, %parallel_loop3A_435] : memref<5x128x128xf32, #tpu.memory_space<vmem>> -> memref<1x128x128xf32, #tpu.memory_space<vmem>>
        %parallel_loop3A_437 = tpu.memref_squeeze %parallel_loop3A_436 : memref<1x128x128xf32, #tpu.memory_space<vmem>> -> memref<128x128xf32, #tpu.memory_space<vmem>>
        %parallel_loop3A_438 = arith.index_cast %parallel_loop3A_425 : i32 to index
        %parallel_loop3A_439 = arith.constant 16 : index
        %parallel_loop3A_440 = tpu.vector_load %parallel_loop3A_437[%parallel_loop3A_438, %parallel_loop3A_439] {strides = array<i32>} : memref<128x128xf32, #tpu.memory_space<vmem>>, vector<1x16xf32>,
        %parallel_loop3A_441 = vector.shape_cast %parallel_loop3A_440 : vector<1x16xf32> to vector<16xf32>
        %parallel_loop3A_442 = arith.constant 0 : i32
        %parallel_loop3A_443 = arith.constant 0 : i32
        %parallel_loop3A_444 = tpu.memref_slice %arg8[%parallel_loop3A_237, %parallel_loop3A_442, %parallel_loop3A_443] : memref<5x128x128xf32, #tpu.memory_space<vmem>> -> memref<1x128x128xf32, #tpu.memory_space<vmem>>
        %parallel_loop3A_445 = tpu.memref_squeeze %parallel_loop3A_444 : memref<1x128x128xf32, #tpu.memory_space<vmem>> -> memref<128x128xf32, #tpu.memory_space<vmem>>
        %parallel_loop3A_446 = arith.index_cast %parallel_loop3A_425 : i32 to index
        %parallel_loop3A_447 = arith.constant 32 : index
        %parallel_loop3A_448 = tpu.vector_load %parallel_loop3A_445[%parallel_loop3A_446, %parallel_loop3A_447] {strides = array<i32>} : memref<128x128xf32, #tpu.memory_space<vmem>>, vector<1x16xf32>,
        %parallel_loop3A_449 = vector.shape_cast %parallel_loop3A_448 : vector<1x16xf32> to vector<16xf32>
        %parallel_loop3A_450 = arith.constant 0 : i32
        %parallel_loop3A_451 = arith.constant 0 : i32
        %parallel_loop3A_452 = tpu.memref_slice %arg8[%parallel_loop3A_237, %parallel_loop3A_450, %parallel_loop3A_451] : memref<5x128x128xf32, #tpu.memory_space<vmem>> -> memref<1x128x128xf32, #tpu.memory_space<vmem>>
        %parallel_loop3A_453 = tpu.memref_squeeze %parallel_loop3A_452 : memref<1x128x128xf32, #tpu.memory_space<vmem>> -> memref<128x128xf32, #tpu.memory_space<vmem>>
        %parallel_loop3A_454 = arith.index_cast %parallel_loop3A_425 : i32 to index
        %parallel_loop3A_455 = arith.constant 48 : index
        %parallel_loop3A_456 = tpu.vector_load %parallel_loop3A_453[%parallel_loop3A_454, %parallel_loop3A_455] {strides = array<i32>} : memref<128x128xf32, #tpu.memory_space<vmem>>, vector<1x16xf32>,
        %parallel_loop3A_457 = vector.shape_cast %parallel_loop3A_456 : vector<1x16xf32> to vector<16xf32>
        %parallel_loop3A_458 = arith.constant 0 : i32
        %parallel_loop3A_459 = arith.constant 0 : i32
        %parallel_loop3A_460 = tpu.memref_slice %arg8[%parallel_loop3A_237, %parallel_loop3A_458, %parallel_loop3A_459] : memref<5x128x128xf32, #tpu.memory_space<vmem>> -> memref<1x128x128xf32, #tpu.memory_space<vmem>>
        %parallel_loop3A_461 = tpu.memref_squeeze %parallel_loop3A_460 : memref<1x128x128xf32, #tpu.memory_space<vmem>> -> memref<128x128xf32, #tpu.memory_space<vmem>>
        %parallel_loop3A_462 = arith.index_cast %parallel_loop3A_425 : i32 to index
        %parallel_loop3A_463 = arith.constant 64 : index
        %parallel_loop3A_464 = tpu.vector_load %parallel_loop3A_461[%parallel_loop3A_462, %parallel_loop3A_463] {strides = array<i32>} : memref<128x128xf32, #tpu.memory_space<vmem>>, vector<1x16xf32>,
        %parallel_loop3A_465 = vector.shape_cast %parallel_loop3A_464 : vector<1x16xf32> to vector<16xf32>
        %parallel_loop3A_466 = arith.constant 0 : i32
        %parallel_loop3A_467 = arith.constant 0 : i32
        %parallel_loop3A_468 = tpu.memref_slice %arg8[%parallel_loop3A_237, %parallel_loop3A_466, %parallel_loop3A_467] : memref<5x128x128xf32, #tpu.memory_space<vmem>> -> memref<1x128x128xf32, #tpu.memory_space<vmem>>
        %parallel_loop3A_469 = tpu.memref_squeeze %parallel_loop3A_468 : memref<1x128x128xf32, #tpu.memory_space<vmem>> -> memref<128x128xf32, #tpu.memory_space<vmem>>
        %parallel_loop3A_470 = arith.index_cast %parallel_loop3A_425 : i32 to index
        %parallel_loop3A_471 = arith.constant 80 : index
        %parallel_loop3A_472 = tpu.vector_load %parallel_loop3A_469[%parallel_loop3A_470, %parallel_loop3A_471] {strides = array<i32>} : memref<128x128xf32, #tpu.memory_space<vmem>>, vector<1x16xf32>,
        %parallel_loop3A_473 = vector.shape_cast %parallel_loop3A_472 : vector<1x16xf32> to vector<16xf32>
        %parallel_loop3A_474 = arith.constant 0 : i32
        %parallel_loop3A_475 = arith.constant 0 : i32
        %parallel_loop3A_476 = tpu.memref_slice %arg8[%parallel_loop3A_237, %parallel_loop3A_474, %parallel_loop3A_475] : memref<5x128x128xf32, #tpu.memory_space<vmem>> -> memref<1x128x128xf32, #tpu.memory_space<vmem>>
        %parallel_loop3A_477 = tpu.memref_squeeze %parallel_loop3A_476 : memref<1x128x128xf32, #tpu.memory_space<vmem>> -> memref<128x128xf32, #tpu.memory_space<vmem>>
        %parallel_loop3A_478 = arith.index_cast %parallel_loop3A_425 : i32 to index
        %parallel_loop3A_479 = arith.constant 96 : index
        %parallel_loop3A_480 = tpu.vector_load %parallel_loop3A_477[%parallel_loop3A_478, %parallel_loop3A_479] {strides = array<i32>} : memref<128x128xf32, #tpu.memory_space<vmem>>, vector<1x16xf32>,
        %parallel_loop3A_481 = vector.shape_cast %parallel_loop3A_480 : vector<1x16xf32> to vector<16xf32>
        %parallel_loop3A_482 = arith.constant 0 : i32
        %parallel_loop3A_483 = arith.constant 0 : i32
        %parallel_loop3A_484 = tpu.memref_slice %arg8[%parallel_loop3A_237, %parallel_loop3A_482, %parallel_loop3A_483] : memref<5x128x128xf32, #tpu.memory_space<vmem>> -> memref<1x128x128xf32, #tpu.memory_space<vmem>>
        %parallel_loop3A_485 = tpu.memref_squeeze %parallel_loop3A_484 : memref<1x128x128xf32, #tpu.memory_space<vmem>> -> memref<128x128xf32, #tpu.memory_space<vmem>>
        %parallel_loop3A_486 = arith.index_cast %parallel_loop3A_425 : i32 to index
        %parallel_loop3A_487 = arith.constant 112 : index
        %parallel_loop3A_488 = tpu.vector_load %parallel_loop3A_485[%parallel_loop3A_486, %parallel_loop3A_487] {strides = array<i32>} : memref<128x128xf32, #tpu.memory_space<vmem>>, vector<1x16xf32>,
        %parallel_loop3A_489 = vector.shape_cast %parallel_loop3A_488 : vector<1x16xf32> to vector<16xf32>
        %parallel_loop3A_490 = arith.mulf %parallel_loop3A_433, %parallel_loop3A_433 : vector<16xf32>
        %parallel_loop3A_491 = arith.mulf %parallel_loop3A_441, %parallel_loop3A_441 : vector<16xf32>
        %parallel_loop3A_492 = arith.mulf %parallel_loop3A_449, %parallel_loop3A_449 : vector<16xf32>
        %parallel_loop3A_493 = arith.mulf %parallel_loop3A_457, %parallel_loop3A_457 : vector<16xf32>
        %parallel_loop3A_494 = arith.mulf %parallel_loop3A_465, %parallel_loop3A_465 : vector<16xf32>
        %parallel_loop3A_495 = arith.mulf %parallel_loop3A_473, %parallel_loop3A_473 : vector<16xf32>
        %parallel_loop3A_496 = arith.mulf %parallel_loop3A_481, %parallel_loop3A_481 : vector<16xf32>
        %parallel_loop3A_497 = arith.mulf %parallel_loop3A_489, %parallel_loop3A_489 : vector<16xf32>
        %parallel_loop3A_498 = arith.addf %parallel_loop3A_433, %parallel_loop3A_441 : vector<16xf32>
        %parallel_loop3A_499 = arith.addf %parallel_loop3A_449, %parallel_loop3A_457 : vector<16xf32>
        %parallel_loop3A_500 = arith.addf %parallel_loop3A_465, %parallel_loop3A_473 : vector<16xf32>
        %parallel_loop3A_501 = arith.addf %parallel_loop3A_481, %parallel_loop3A_489 : vector<16xf32>
        %parallel_loop3A_502 = arith.addf %parallel_loop3A_490, %parallel_loop3A_491 : vector<16xf32>
        %parallel_loop3A_503 = arith.addf %parallel_loop3A_492, %parallel_loop3A_493 : vector<16xf32>
        %parallel_loop3A_504 = arith.addf %parallel_loop3A_494, %parallel_loop3A_495 : vector<16xf32>
        %parallel_loop3A_505 = arith.addf %parallel_loop3A_496, %parallel_loop3A_497 : vector<16xf32>
        %parallel_loop3A_506 = arith.addf %parallel_loop3A_498, %parallel_loop3A_499 : vector<16xf32>
        %parallel_loop3A_507 = arith.addf %parallel_loop3A_500, %parallel_loop3A_501 : vector<16xf32>
        %parallel_loop3A_508 = arith.addf %parallel_loop3A_502, %parallel_loop3A_503 : vector<16xf32>
        %parallel_loop3A_509 = arith.addf %parallel_loop3A_504, %parallel_loop3A_505 : vector<16xf32>
        %parallel_loop3A_510 = arith.addf %parallel_loop3A_506, %parallel_loop3A_507 : vector<16xf32>
        %parallel_loop3A_511 = arith.addf %parallel_loop3A_508, %parallel_loop3A_509 : vector<16xf32>
        %parallel_loop3A_512 = vector.shape_cast %xor3A_4 : vector<16xi32> to vector<16x1xi32>
        %parallel_loop3A_513 = vector.shape_cast %parallel_loop3A_512 : vector<16x1xi32> to vector<16xi32>
        %parallel_loop3A_514 = tpu.dynamic_gather %parallel_loop3A_510[%parallel_loop3A_513] in [0] : vector<16xf32>, vector<16xi32> -> vector<16xf32>
        %parallel_loop3A_515 = arith.addf %parallel_loop3A_510, %parallel_loop3A_514 : vector<16xf32>
        %parallel_loop3A_516 = vector.shape_cast %xor3A_7 : vector<16xi32> to vector<16x1xi32>
        %parallel_loop3A_517 = vector.shape_cast %parallel_loop3A_516 : vector<16x1xi32> to vector<16xi32>
        %parallel_loop3A_518 = tpu.dynamic_gather %parallel_loop3A_515[%parallel_loop3A_517] in [0] : vector<16xf32>, vector<16xi32> -> vector<16xf32>
        %parallel_loop3A_519 = arith.addf %parallel_loop3A_515, %parallel_loop3A_518 : vector<16xf32>
        %parallel_loop3A_520 = vector.shape_cast %xor3A_10 : vector<16xi32> to vector<16x1xi32>
        %parallel_loop3A_521 = vector.shape_cast %parallel_loop3A_520 : vector<16x1xi32> to vector<16xi32>
        %parallel_loop3A_522 = tpu.dynamic_gather %parallel_loop3A_519[%parallel_loop3A_521] in [0] : vector<16xf32>, vector<16xi32> -> vector<16xf32>
        %parallel_loop3A_523 = arith.addf %parallel_loop3A_519, %parallel_loop3A_522 : vector<16xf32>
        %parallel_loop3A_524 = vector.shape_cast %xor3A_13 : vector<16xi32> to vector<16x1xi32>
        %parallel_loop3A_525 = vector.shape_cast %parallel_loop3A_524 : vector<16x1xi32> to vector<16xi32>
        %parallel_loop3A_526 = tpu.dynamic_gather %parallel_loop3A_523[%parallel_loop3A_525] in [0] : vector<16xf32>, vector<16xi32> -> vector<16xf32>
        %parallel_loop3A_527 = arith.addf %parallel_loop3A_523, %parallel_loop3A_526 : vector<16xf32>
        %parallel_loop3A_528 = arith.constant 7.812500e-03 : f32
        %parallel_loop3A_529 = vector.broadcast %parallel_loop3A_528 : f32 to vector<16xf32>
        %parallel_loop3A_530 = arith.mulf %parallel_loop3A_527, %parallel_loop3A_529 : vector<16xf32>
        %parallel_loop3A_531 = vector.shape_cast %xor3A_4 : vector<16xi32> to vector<16x1xi32>
        %parallel_loop3A_532 = vector.shape_cast %parallel_loop3A_531 : vector<16x1xi32> to vector<16xi32>
        %parallel_loop3A_533 = tpu.dynamic_gather %parallel_loop3A_511[%parallel_loop3A_532] in [0] : vector<16xf32>, vector<16xi32> -> vector<16xf32>
        %parallel_loop3A_534 = arith.addf %parallel_loop3A_511, %parallel_loop3A_533 : vector<16xf32>
        %parallel_loop3A_535 = vector.shape_cast %xor3A_7 : vector<16xi32> to vector<16x1xi32>
        %parallel_loop3A_536 = vector.shape_cast %parallel_loop3A_535 : vector<16x1xi32> to vector<16xi32>
        %parallel_loop3A_537 = tpu.dynamic_gather %parallel_loop3A_534[%parallel_loop3A_536] in [0] : vector<16xf32>, vector<16xi32> -> vector<16xf32>
        %parallel_loop3A_538 = arith.addf %parallel_loop3A_534, %parallel_loop3A_537 : vector<16xf32>
        %parallel_loop3A_539 = vector.shape_cast %xor3A_10 : vector<16xi32> to vector<16x1xi32>
        %parallel_loop3A_540 = vector.shape_cast %parallel_loop3A_539 : vector<16x1xi32> to vector<16xi32>
        %parallel_loop3A_541 = tpu.dynamic_gather %parallel_loop3A_538[%parallel_loop3A_540] in [0] : vector<16xf32>, vector<16xi32> -> vector<16xf32>
        %parallel_loop3A_542 = arith.addf %parallel_loop3A_538, %parallel_loop3A_541 : vector<16xf32>
        %parallel_loop3A_543 = vector.shape_cast %xor3A_13 : vector<16xi32> to vector<16x1xi32>
        %parallel_loop3A_544 = vector.shape_cast %parallel_loop3A_543 : vector<16x1xi32> to vector<16xi32>
        %parallel_loop3A_545 = tpu.dynamic_gather %parallel_loop3A_542[%parallel_loop3A_544] in [0] : vector<16xf32>, vector<16xi32> -> vector<16xf32>
        %parallel_loop3A_546 = arith.addf %parallel_loop3A_542, %parallel_loop3A_545 : vector<16xf32>
        %parallel_loop3A_547 = arith.constant 7.812500e-03 : f32
        %parallel_loop3A_548 = vector.broadcast %parallel_loop3A_547 : f32 to vector<16xf32>
        %parallel_loop3A_549 = arith.mulf %parallel_loop3A_546, %parallel_loop3A_548 : vector<16xf32>
        %parallel_loop3A_550 = arith.mulf %parallel_loop3A_530, %parallel_loop3A_530 : vector<16xf32>
        %parallel_loop3A_551 = arith.subf %parallel_loop3A_549, %parallel_loop3A_550 : vector<16xf32>
        %parallel_loop3A_552 = arith.constant 9.99999996E-13 : f32
        %parallel_loop3A_553 = vector.broadcast %parallel_loop3A_552 : f32 to vector<16xf32>
        %parallel_loop3A_554 = arith.addf %parallel_loop3A_551, %parallel_loop3A_553 : vector<16xf32>
        %parallel_loop3A_555 = tpu.bitcast %parallel_loop3A_554 : vector<16xf32> -> vector<16xi32>
        %parallel_loop3A_556 = arith.constant 1 : i32
        %parallel_loop3A_557 = vector.broadcast %parallel_loop3A_556 : i32 to vector<16xi32>
        %parallel_loop3A_558 = arith.shrsi %parallel_loop3A_555, %parallel_loop3A_557 : vector<16xi32>
        %parallel_loop3A_559 = arith.constant 1597463007 : i32
        %parallel_loop3A_560 = vector.broadcast %parallel_loop3A_559 : i32 to vector<16xi32>
        %parallel_loop3A_561 = arith.subi %parallel_loop3A_560, %parallel_loop3A_558 : vector<16xi32>
        %parallel_loop3A_562 = tpu.bitcast %parallel_loop3A_561 : vector<16xi32> -> vector<16xf32>
        %parallel_loop3A_563 = arith.constant 5.000000e-01 : f32
        %parallel_loop3A_564 = vector.broadcast %parallel_loop3A_563 : f32 to vector<16xf32>
        %parallel_loop3A_565 = arith.mulf %parallel_loop3A_564, %parallel_loop3A_554 : vector<16xf32>
        %parallel_loop3A_566 = arith.mulf %parallel_loop3A_565, %parallel_loop3A_562 : vector<16xf32>
        %parallel_loop3A_567 = arith.mulf %parallel_loop3A_566, %parallel_loop3A_562 : vector<16xf32>
        %parallel_loop3A_568 = arith.constant 1.500000e+00 : f32
        %parallel_loop3A_569 = vector.broadcast %parallel_loop3A_568 : f32 to vector<16xf32>
        %parallel_loop3A_570 = arith.subf %parallel_loop3A_569, %parallel_loop3A_567 : vector<16xf32>
        %parallel_loop3A_571 = arith.mulf %parallel_loop3A_562, %parallel_loop3A_570 : vector<16xf32>
        %parallel_loop3A_572 = arith.constant 5.000000e-01 : f32
        %parallel_loop3A_573 = vector.broadcast %parallel_loop3A_572 : f32 to vector<16xf32>
        %parallel_loop3A_574 = arith.mulf %parallel_loop3A_573, %parallel_loop3A_554 : vector<16xf32>
        %parallel_loop3A_575 = arith.mulf %parallel_loop3A_574, %parallel_loop3A_571 : vector<16xf32>
        %parallel_loop3A_576 = arith.mulf %parallel_loop3A_575, %parallel_loop3A_571 : vector<16xf32>
        %parallel_loop3A_577 = arith.constant 1.500000e+00 : f32
        %parallel_loop3A_578 = vector.broadcast %parallel_loop3A_577 : f32 to vector<16xf32>
        %parallel_loop3A_579 = arith.subf %parallel_loop3A_578, %parallel_loop3A_576 : vector<16xf32>
        %parallel_loop3A_580 = arith.mulf %parallel_loop3A_571, %parallel_loop3A_579 : vector<16xf32>
        %parallel_loop3A_581 = arith.mulf %parallel_loop3A_580, %get3A_15 : vector<16xf32>
        %parallel_loop3A_582 = arith.subf %parallel_loop3A_433, %parallel_loop3A_530 : vector<16xf32>
        %parallel_loop3A_583 = arith.mulf %parallel_loop3A_582, %parallel_loop3A_581 : vector<16xf32>
        %parallel_loop3A_584 = arith.addf %parallel_loop3A_583, %get3A_39 : vector<16xf32>
        %parallel_loop3A_585 = arith.constant 0 : i32
        %parallel_loop3A_586 = arith.constant 0 : i32
        %parallel_loop3A_587 = tpu.memref_slice %arg8[%parallel_loop3A_237, %parallel_loop3A_585, %parallel_loop3A_586] : memref<5x128x128xf32, #tpu.memory_space<vmem>> -> memref<1x128x128xf32, #tpu.memory_space<vmem>>
        %parallel_loop3A_588 = tpu.memref_squeeze %parallel_loop3A_587 : memref<1x128x128xf32, #tpu.memory_space<vmem>> -> memref<128x128xf32, #tpu.memory_space<vmem>>
        %parallel_loop3A_589 = arith.index_cast %parallel_loop3A_425 : i32 to index
        %parallel_loop3A_590 = arith.constant 0 : index
        %parallel_loop3A_591 = tpu.vector_load %parallel_loop3A_588[%parallel_loop3A_589, %parallel_loop3A_590] {strides = array<i32>} : memref<128x128xf32, #tpu.memory_space<vmem>>, vector<1x16xf32>,
        %parallel_loop3A_592 = vector.shape_cast %parallel_loop3A_591 : vector<1x16xf32> to vector<16xf32>
        %parallel_loop3A_593 = vector.shape_cast %parallel_loop3A_584 : vector<16xf32> to vector<1x16xf32>
        tpu.vector_store %parallel_loop3A_588[%parallel_loop3A_589, %parallel_loop3A_590], %parallel_loop3A_593 {strides = array<i32>} : memref<128x128xf32, #tpu.memory_space<vmem>>, vector<1x16xf32>,
        %parallel_loop3A_594 = arith.mulf %parallel_loop3A_580, %get3A_18 : vector<16xf32>
        %parallel_loop3A_595 = arith.subf %parallel_loop3A_441, %parallel_loop3A_530 : vector<16xf32>
        %parallel_loop3A_596 = arith.mulf %parallel_loop3A_595, %parallel_loop3A_594 : vector<16xf32>
        %parallel_loop3A_597 = arith.addf %parallel_loop3A_596, %get3A_42 : vector<16xf32>
        %parallel_loop3A_598 = arith.constant 0 : i32
        %parallel_loop3A_599 = arith.constant 0 : i32
        %parallel_loop3A_600 = tpu.memref_slice %arg8[%parallel_loop3A_237, %parallel_loop3A_598, %parallel_loop3A_599] : memref<5x128x128xf32, #tpu.memory_space<vmem>> -> memref<1x128x128xf32, #tpu.memory_space<vmem>>
        %parallel_loop3A_601 = tpu.memref_squeeze %parallel_loop3A_600 : memref<1x128x128xf32, #tpu.memory_space<vmem>> -> memref<128x128xf32, #tpu.memory_space<vmem>>
        %parallel_loop3A_602 = arith.index_cast %parallel_loop3A_425 : i32 to index
        %parallel_loop3A_603 = arith.constant 16 : index
        %parallel_loop3A_604 = tpu.vector_load %parallel_loop3A_601[%parallel_loop3A_602, %parallel_loop3A_603] {strides = array<i32>} : memref<128x128xf32, #tpu.memory_space<vmem>>, vector<1x16xf32>,
        %parallel_loop3A_605 = vector.shape_cast %parallel_loop3A_604 : vector<1x16xf32> to vector<16xf32>
        %parallel_loop3A_606 = vector.shape_cast %parallel_loop3A_597 : vector<16xf32> to vector<1x16xf32>
        tpu.vector_store %parallel_loop3A_601[%parallel_loop3A_602, %parallel_loop3A_603], %parallel_loop3A_606 {strides = array<i32>} : memref<128x128xf32, #tpu.memory_space<vmem>>, vector<1x16xf32>,
        %parallel_loop3A_607 = arith.mulf %parallel_loop3A_580, %get3A_21 : vector<16xf32>
        %parallel_loop3A_608 = arith.subf %parallel_loop3A_449, %parallel_loop3A_530 : vector<16xf32>
        %parallel_loop3A_609 = arith.mulf %parallel_loop3A_608, %parallel_loop3A_607 : vector<16xf32>
        %parallel_loop3A_610 = arith.addf %parallel_loop3A_609, %get3A_45 : vector<16xf32>
        %parallel_loop3A_611 = arith.constant 0 : i32
        %parallel_loop3A_612 = arith.constant 0 : i32
        %parallel_loop3A_613 = tpu.memref_slice %arg8[%parallel_loop3A_237, %parallel_loop3A_611, %parallel_loop3A_612] : memref<5x128x128xf32, #tpu.memory_space<vmem>> -> memref<1x128x128xf32, #tpu.memory_space<vmem>>
        %parallel_loop3A_614 = tpu.memref_squeeze %parallel_loop3A_613 : memref<1x128x128xf32, #tpu.memory_space<vmem>> -> memref<128x128xf32, #tpu.memory_space<vmem>>
        %parallel_loop3A_615 = arith.index_cast %parallel_loop3A_425 : i32 to index
        %parallel_loop3A_616 = arith.constant 32 : index
        %parallel_loop3A_617 = tpu.vector_load %parallel_loop3A_614[%parallel_loop3A_615, %parallel_loop3A_616] {strides = array<i32>} : memref<128x128xf32, #tpu.memory_space<vmem>>, vector<1x16xf32>,
        %parallel_loop3A_618 = vector.shape_cast %parallel_loop3A_617 : vector<1x16xf32> to vector<16xf32>
        %parallel_loop3A_619 = vector.shape_cast %parallel_loop3A_610 : vector<16xf32> to vector<1x16xf32>
        tpu.vector_store %parallel_loop3A_614[%parallel_loop3A_615, %parallel_loop3A_616], %parallel_loop3A_619 {strides = array<i32>} : memref<128x128xf32, #tpu.memory_space<vmem>>, vector<1x16xf32>,
        %parallel_loop3A_620 = arith.mulf %parallel_loop3A_580, %get3A_24 : vector<16xf32>
        %parallel_loop3A_621 = arith.subf %parallel_loop3A_457, %parallel_loop3A_530 : vector<16xf32>
        %parallel_loop3A_622 = arith.mulf %parallel_loop3A_621, %parallel_loop3A_620 : vector<16xf32>
        %parallel_loop3A_623 = arith.addf %parallel_loop3A_622, %get3A_48 : vector<16xf32>
        %parallel_loop3A_624 = arith.constant 0 : i32
        %parallel_loop3A_625 = arith.constant 0 : i32
        %parallel_loop3A_626 = tpu.memref_slice %arg8[%parallel_loop3A_237, %parallel_loop3A_624, %parallel_loop3A_625] : memref<5x128x128xf32, #tpu.memory_space<vmem>> -> memref<1x128x128xf32, #tpu.memory_space<vmem>>
        %parallel_loop3A_627 = tpu.memref_squeeze %parallel_loop3A_626 : memref<1x128x128xf32, #tpu.memory_space<vmem>> -> memref<128x128xf32, #tpu.memory_space<vmem>>
        %parallel_loop3A_628 = arith.index_cast %parallel_loop3A_425 : i32 to index
        %parallel_loop3A_629 = arith.constant 48 : index
        %parallel_loop3A_630 = tpu.vector_load %parallel_loop3A_627[%parallel_loop3A_628, %parallel_loop3A_629] {strides = array<i32>} : memref<128x128xf32, #tpu.memory_space<vmem>>, vector<1x16xf32>,
        %parallel_loop3A_631 = vector.shape_cast %parallel_loop3A_630 : vector<1x16xf32> to vector<16xf32>
        %parallel_loop3A_632 = vector.shape_cast %parallel_loop3A_623 : vector<16xf32> to vector<1x16xf32>
        tpu.vector_store %parallel_loop3A_627[%parallel_loop3A_628, %parallel_loop3A_629], %parallel_loop3A_632 {strides = array<i32>} : memref<128x128xf32, #tpu.memory_space<vmem>>, vector<1x16xf32>,
        %parallel_loop3A_633 = arith.mulf %parallel_loop3A_580, %get3A_27 : vector<16xf32>
        %parallel_loop3A_634 = arith.subf %parallel_loop3A_465, %parallel_loop3A_530 : vector<16xf32>
        %parallel_loop3A_635 = arith.mulf %parallel_loop3A_634, %parallel_loop3A_633 : vector<16xf32>
        %parallel_loop3A_636 = arith.addf %parallel_loop3A_635, %get3A_51 : vector<16xf32>
        %parallel_loop3A_637 = arith.constant 0 : i32
        %parallel_loop3A_638 = arith.constant 0 : i32
        %parallel_loop3A_639 = tpu.memref_slice %arg8[%parallel_loop3A_237, %parallel_loop3A_637, %parallel_loop3A_638] : memref<5x128x128xf32, #tpu.memory_space<vmem>> -> memref<1x128x128xf32, #tpu.memory_space<vmem>>
        %parallel_loop3A_640 = tpu.memref_squeeze %parallel_loop3A_639 : memref<1x128x128xf32, #tpu.memory_space<vmem>> -> memref<128x128xf32, #tpu.memory_space<vmem>>
        %parallel_loop3A_641 = arith.index_cast %parallel_loop3A_425 : i32 to index
        %parallel_loop3A_642 = arith.constant 64 : index
        %parallel_loop3A_643 = tpu.vector_load %parallel_loop3A_640[%parallel_loop3A_641, %parallel_loop3A_642] {strides = array<i32>} : memref<128x128xf32, #tpu.memory_space<vmem>>, vector<1x16xf32>,
        %parallel_loop3A_644 = vector.shape_cast %parallel_loop3A_643 : vector<1x16xf32> to vector<16xf32>
        %parallel_loop3A_645 = vector.shape_cast %parallel_loop3A_636 : vector<16xf32> to vector<1x16xf32>
        tpu.vector_store %parallel_loop3A_640[%parallel_loop3A_641, %parallel_loop3A_642], %parallel_loop3A_645 {strides = array<i32>} : memref<128x128xf32, #tpu.memory_space<vmem>>, vector<1x16xf32>,
        %parallel_loop3A_646 = arith.mulf %parallel_loop3A_580, %get3A_30 : vector<16xf32>
        %parallel_loop3A_647 = arith.subf %parallel_loop3A_473, %parallel_loop3A_530 : vector<16xf32>
        %parallel_loop3A_648 = arith.mulf %parallel_loop3A_647, %parallel_loop3A_646 : vector<16xf32>
        %parallel_loop3A_649 = arith.addf %parallel_loop3A_648, %get3A_54 : vector<16xf32>
        %parallel_loop3A_650 = arith.constant 0 : i32
        %parallel_loop3A_651 = arith.constant 0 : i32
        %parallel_loop3A_652 = tpu.memref_slice %arg8[%parallel_loop3A_237, %parallel_loop3A_650, %parallel_loop3A_651] : memref<5x128x128xf32, #tpu.memory_space<vmem>> -> memref<1x128x128xf32, #tpu.memory_space<vmem>>
        %parallel_loop3A_653 = tpu.memref_squeeze %parallel_loop3A_652 : memref<1x128x128xf32, #tpu.memory_space<vmem>> -> memref<128x128xf32, #tpu.memory_space<vmem>>
        %parallel_loop3A_654 = arith.index_cast %parallel_loop3A_425 : i32 to index
        %parallel_loop3A_655 = arith.constant 80 : index
        %parallel_loop3A_656 = tpu.vector_load %parallel_loop3A_653[%parallel_loop3A_654, %parallel_loop3A_655] {strides = array<i32>} : memref<128x128xf32, #tpu.memory_space<vmem>>, vector<1x16xf32>,
        %parallel_loop3A_657 = vector.shape_cast %parallel_loop3A_656 : vector<1x16xf32> to vector<16xf32>
        %parallel_loop3A_658 = vector.shape_cast %parallel_loop3A_649 : vector<16xf32> to vector<1x16xf32>
        tpu.vector_store %parallel_loop3A_653[%parallel_loop3A_654, %parallel_loop3A_655], %parallel_loop3A_658 {strides = array<i32>} : memref<128x128xf32, #tpu.memory_space<vmem>>, vector<1x16xf32>,
        %parallel_loop3A_659 = arith.mulf %parallel_loop3A_580, %get3A_33 : vector<16xf32>
        %parallel_loop3A_660 = arith.subf %parallel_loop3A_481, %parallel_loop3A_530 : vector<16xf32>
        %parallel_loop3A_661 = arith.mulf %parallel_loop3A_660, %parallel_loop3A_659 : vector<16xf32>
        %parallel_loop3A_662 = arith.addf %parallel_loop3A_661, %get3A_57 : vector<16xf32>
        %parallel_loop3A_663 = arith.constant 0 : i32
        %parallel_loop3A_664 = arith.constant 0 : i32
        %parallel_loop3A_665 = tpu.memref_slice %arg8[%parallel_loop3A_237, %parallel_loop3A_663, %parallel_loop3A_664] : memref<5x128x128xf32, #tpu.memory_space<vmem>> -> memref<1x128x128xf32, #tpu.memory_space<vmem>>
        %parallel_loop3A_666 = tpu.memref_squeeze %parallel_loop3A_665 : memref<1x128x128xf32, #tpu.memory_space<vmem>> -> memref<128x128xf32, #tpu.memory_space<vmem>>
        %parallel_loop3A_667 = arith.index_cast %parallel_loop3A_425 : i32 to index
        %parallel_loop3A_668 = arith.constant 96 : index
        %parallel_loop3A_669 = tpu.vector_load %parallel_loop3A_666[%parallel_loop3A_667, %parallel_loop3A_668] {strides = array<i32>} : memref<128x128xf32, #tpu.memory_space<vmem>>, vector<1x16xf32>,
        %parallel_loop3A_670 = vector.shape_cast %parallel_loop3A_669 : vector<1x16xf32> to vector<16xf32>
        %parallel_loop3A_671 = vector.shape_cast %parallel_loop3A_662 : vector<16xf32> to vector<1x16xf32>
        tpu.vector_store %parallel_loop3A_666[%parallel_loop3A_667, %parallel_loop3A_668], %parallel_loop3A_671 {strides = array<i32>} : memref<128x128xf32, #tpu.memory_space<vmem>>, vector<1x16xf32>,
        %parallel_loop3A_672 = arith.mulf %parallel_loop3A_580, %get3A_36 : vector<16xf32>
        %parallel_loop3A_673 = arith.subf %parallel_loop3A_489, %parallel_loop3A_530 : vector<16xf32>
        %parallel_loop3A_674 = arith.mulf %parallel_loop3A_673, %parallel_loop3A_672 : vector<16xf32>
        %parallel_loop3A_675 = arith.addf %parallel_loop3A_674, %get3A_60 : vector<16xf32>
        %parallel_loop3A_676 = arith.constant 0 : i32
        %parallel_loop3A_677 = arith.constant 0 : i32
        %parallel_loop3A_678 = tpu.memref_slice %arg8[%parallel_loop3A_237, %parallel_loop3A_676, %parallel_loop3A_677] : memref<5x128x128xf32, #tpu.memory_space<vmem>> -> memref<1x128x128xf32, #tpu.memory_space<vmem>>
        %parallel_loop3A_679 = tpu.memref_squeeze %parallel_loop3A_678 : memref<1x128x128xf32, #tpu.memory_space<vmem>> -> memref<128x128xf32, #tpu.memory_space<vmem>>
        %parallel_loop3A_680 = arith.index_cast %parallel_loop3A_425 : i32 to index
        %parallel_loop3A_681 = arith.constant 112 : index
        %parallel_loop3A_682 = tpu.vector_load %parallel_loop3A_679[%parallel_loop3A_680, %parallel_loop3A_681] {strides = array<i32>} : memref<128x128xf32, #tpu.memory_space<vmem>>, vector<1x16xf32>,
        %parallel_loop3A_683 = vector.shape_cast %parallel_loop3A_682 : vector<1x16xf32> to vector<16xf32>
        %parallel_loop3A_684 = vector.shape_cast %parallel_loop3A_675 : vector<16xf32> to vector<1x16xf32>
        tpu.vector_store %parallel_loop3A_679[%parallel_loop3A_680, %parallel_loop3A_681], %parallel_loop3A_684 {strides = array<i32>} : memref<128x128xf32, #tpu.memory_space<vmem>>, vector<1x16xf32>,
      } {sc.loop_unroll_factor = 1 : i64, sc.parallel_access}
      %mul3A_238 = arith.constant 128 : i32
      %mul3A_239 = arith.muli %add3A_202, %mul3A_238 : i32
      %add3A_240 = arith.addi %mul3A_2, %mul3A_239 : i32
      %dma_start3A_241 = arith.constant 1 : i32
      %dma_start3A_242 = arith.constant 1 : i32
      %dma_start3A_243 = arith.constant 0 : i32
      %dma_start3A_244 = arith.constant 0 : i32
      %dma_start3A_245 = tpu.memref_slice %arg8[%dma_start3A_241, %dma_start3A_243, %dma_start3A_244] : memref<5x128x128xf32, #tpu.memory_space<vmem>> -> memref<1x128x128xf32, #tpu.memory_space<vmem>>
      %dma_start3A_246 = tpu.memref_squeeze %dma_start3A_245 : memref<1x128x128xf32, #tpu.memory_space<vmem>> -> memref<128x128xf32, #tpu.memory_space<vmem>>
      %dma_start3A_247 = arith.constant 0 : i32
      %dma_start3A_248 = tpu.memref_slice %arg6[%add3A_240, %dma_start3A_247] : memref<204800x128xf32, #tpu.memory_space<hbm>> -> memref<128x128xf32, #tpu.memory_space<hbm>>
      %dma_start3A_249 = tpu.memref_slice %arg12[%dma_start3A_242] : memref<5x!tpu.dma_semaphore, #tpu.memory_space<semaphore_mem>> -> memref<1x!tpu.dma_semaphore, #tpu.memory_space<semaphore_mem>>
      %dma_start3A_250 = tpu.memref_squeeze %dma_start3A_249 : memref<1x!tpu.dma_semaphore, #tpu.memory_space<semaphore_mem>> -> memref<!tpu.dma_semaphore, #tpu.memory_space<semaphore_mem>>
      %dma_start3A_251 = arith.constant 0 : i32
      %dma_start3A_252 = tpu.memref_slice %arg6[%add3A_240, %dma_start3A_251] : memref<204800x128xf32, #tpu.memory_space<hbm>> -> memref<128x128xf32, #tpu.memory_space<hbm>>
      %dma_start3A_253 = arith.constant 0 : i32
      %dma_start3A_254 = arith.constant 0 : i32
      %dma_start3A_255 = tpu.memref_slice %arg8[%dma_start3A_241, %dma_start3A_253, %dma_start3A_254] : memref<5x128x128xf32, #tpu.memory_space<vmem>> -> memref<1x128x128xf32, #tpu.memory_space<vmem>>
      %dma_start3A_256 = tpu.memref_squeeze %dma_start3A_255 : memref<1x128x128xf32, #tpu.memory_space<vmem>> -> memref<128x128xf32, #tpu.memory_space<vmem>>
      tpu.enqueue_dma source(%dma_start3A_256 : memref<128x128xf32, #tpu.memory_space<vmem>>) target(%dma_start3A_252 : memref<128x128xf32, #tpu.memory_space<hbm>>) target_semaphore(%dma_start3A_250 : memref<!tpu.dma_semaphore, #tpu.memory_space<semaphore_mem>>)
      %add3A_257 = arith.constant 2 : i32
      %add3A_258 = arith.addi %mul3A_150, %add3A_257 : i32
      %add3A_259 = arith.constant 2 : i32
      %add3A_260 = arith.addi %add3A_258, %add3A_259 : i32
      %sub3A_261 = arith.constant 5 : i32
      %sub3A_262 = arith.subi %add3A_260, %sub3A_261 : i32
      %ge3A_263 = arith.constant 0 : i32
      %ge3A_264 = arith.cmpi sge, %sub3A_262, %ge3A_263 : i32
      %convert_element_type3A_265 = arith.extui %ge3A_264 : i1 to i32
      %cond3A_266 = arith.constant 0 : i32
      %cond3A_267 = arith.cmpi ne, %convert_element_type3A_265, %cond3A_266 : i32
      scf.if %cond3A_267 {
        %dma_wait3A_425 = arith.constant 4 : i32
        %dma_wait3A_426 = arith.constant 4 : i32
        %dma_wait3A_427 = arith.constant 0 : i32
        %dma_wait3A_428 = arith.constant 0 : i32
        %dma_wait3A_429 = tpu.memref_slice %arg8[%dma_wait3A_425, %dma_wait3A_427, %dma_wait3A_428] : memref<5x128x128xf32, #tpu.memory_space<vmem>> -> memref<1x128x128xf32, #tpu.memory_space<vmem>>
        %dma_wait3A_430 = tpu.memref_squeeze %dma_wait3A_429 : memref<1x128x128xf32, #tpu.memory_space<vmem>> -> memref<128x128xf32, #tpu.memory_space<vmem>>
        %dma_wait3A_431 = arith.constant 0 : i32
        %dma_wait3A_432 = arith.constant 0 : i32
        %dma_wait3A_433 = tpu.memref_slice %arg6[%dma_wait3A_431, %dma_wait3A_432] : memref<204800x128xf32, #tpu.memory_space<hbm>> -> memref<128x128xf32, #tpu.memory_space<hbm>>
        %dma_wait3A_434 = tpu.memref_slice %arg12[%dma_wait3A_426] : memref<5x!tpu.dma_semaphore, #tpu.memory_space<semaphore_mem>> -> memref<1x!tpu.dma_semaphore, #tpu.memory_space<semaphore_mem>>
        %dma_wait3A_435 = tpu.memref_squeeze %dma_wait3A_434 : memref<1x!tpu.dma_semaphore, #tpu.memory_space<semaphore_mem>> -> memref<!tpu.dma_semaphore, #tpu.memory_space<semaphore_mem>>
        %dma_wait3A_436 = arith.constant 0 : i32
        %dma_wait3A_437 = arith.constant 0 : i32
        %dma_wait3A_438 = tpu.memref_slice %arg6[%dma_wait3A_436, %dma_wait3A_437] : memref<204800x128xf32, #tpu.memory_space<hbm>> -> memref<128x128xf32, #tpu.memory_space<hbm>>
        %dma_wait3A_439 = arith.constant 0 : i32
        %dma_wait3A_440 = arith.constant 0 : i32
        %dma_wait3A_441 = tpu.memref_slice %arg8[%dma_wait3A_425, %dma_wait3A_439, %dma_wait3A_440] : memref<5x128x128xf32, #tpu.memory_space<vmem>> -> memref<1x128x128xf32, #tpu.memory_space<vmem>>
        %dma_wait3A_442 = tpu.memref_squeeze %dma_wait3A_441 : memref<1x128x128xf32, #tpu.memory_space<vmem>> -> memref<128x128xf32, #tpu.memory_space<vmem>>
        tpu.wait_dma2 semaphore(%dma_wait3A_435 : memref<!tpu.dma_semaphore, #tpu.memory_space<semaphore_mem>>) src(%dma_wait3A_442 : memref<128x128xf32, #tpu.memory_space<vmem>>) dst(%dma_wait3A_438 : memref<128x128xf32, #tpu.memory_space<hbm>>)
      } else {
      }
      %add3A_268 = arith.constant 2 : i32
      %add3A_269 = arith.addi %add3A_258, %add3A_268 : i32
      %lt3A_270 = arith.constant 50 : i32
      %lt3A_271 = arith.cmpi slt, %add3A_269, %lt3A_270 : i32
      %convert_element_type3A_272 = arith.extui %lt3A_271 : i1 to i32
      %cond3A_273 = arith.constant 0 : i32
      %cond3A_274 = arith.cmpi ne, %convert_element_type3A_272, %cond3A_273 : i32
      scf.if %cond3A_274 {
        %add3A_425 = arith.constant 2 : i32
        %add3A_426 = arith.addi %add3A_258, %add3A_425 : i32
        %dma_start3A_427 = arith.constant 4 : i32
        %dma_start3A_428 = arith.constant 4 : i32
        %dma_start3A_429 = arith.constant 0 : i32
        %dma_start3A_430 = arith.constant 0 : i32
        %dma_start3A_431 = tpu.memref_slice %arg8[%dma_start3A_427, %dma_start3A_429, %dma_start3A_430] : memref<5x128x128xf32, #tpu.memory_space<vmem>> -> memref<1x128x128xf32, #tpu.memory_space<vmem>>
        %dma_start3A_432 = tpu.memref_squeeze %dma_start3A_431 : memref<1x128x128xf32, #tpu.memory_space<vmem>> -> memref<128x128xf32, #tpu.memory_space<vmem>>
        %dma_start3A_433 = arith.constant 0 : i32
        %dma_start3A_434 = tpu.memref_slice %arg7[%add3A_426, %dma_start3A_433] : memref<50x128xi32, #tpu.memory_space<vmem>> -> memref<1x128xi32, #tpu.memory_space<vmem>>
        %dma_start3A_435 = tpu.memref_squeeze %dma_start3A_434 : memref<1x128xi32, #tpu.memory_space<vmem>> -> memref<128xi32, #tpu.memory_space<vmem>>
        %dma_start3A_436 = arith.constant 0 : i32
        %dma_start3A_437 = arith.constant 0 : i32
        %dma_start3A_438 = tpu.memref_slice %arg3[%dma_start3A_436, %dma_start3A_437] : memref<100000x128xf32, #tpu.memory_space<hbm>> -> memref<100000x128xf32, #tpu.memory_space<hbm>>
        %dma_start3A_439 = tpu.memref_slice %arg11[%dma_start3A_428] : memref<5x!tpu.dma_semaphore, #tpu.memory_space<semaphore_mem>> -> memref<1x!tpu.dma_semaphore, #tpu.memory_space<semaphore_mem>>
        %dma_start3A_440 = tpu.memref_squeeze %dma_start3A_439 : memref<1x!tpu.dma_semaphore, #tpu.memory_space<semaphore_mem>> -> memref<!tpu.dma_semaphore, #tpu.memory_space<semaphore_mem>>
        tpu.enqueue_indirect_dma source(%dma_start3A_438 : memref<100000x128xf32, #tpu.memory_space<hbm>>) target(%dma_start3A_432 : memref<128x128xf32, #tpu.memory_space<vmem>>) offsets(%dma_start3A_435 : memref<128xi32, #tpu.memory_space<vmem>>) semaphore(%dma_start3A_440 : memref<!tpu.dma_semaphore, #tpu.memory_space<semaphore_mem>>)
      } else {
      }
      %dma_wait3A_275 = arith.constant 0 : i32
      %dma_wait3A_276 = arith.constant 2 : i32
      %dma_wait3A_277 = arith.constant 2 : i32
      %dma_wait3A_278 = arith.constant 0 : i32
      %dma_wait3A_279 = arith.constant 0 : i32
      %dma_wait3A_280 = tpu.memref_slice %arg8[%dma_wait3A_276, %dma_wait3A_278, %dma_wait3A_279] : memref<5x128x128xf32, #tpu.memory_space<vmem>> -> memref<1x128x128xf32, #tpu.memory_space<vmem>>
      %dma_wait3A_281 = tpu.memref_squeeze %dma_wait3A_280 : memref<1x128x128xf32, #tpu.memory_space<vmem>> -> memref<128x128xf32, #tpu.memory_space<vmem>>
      %dma_wait3A_282 = arith.constant 0 : i32
      %dma_wait3A_283 = tpu.memref_slice %arg7[%dma_wait3A_275, %dma_wait3A_282] : memref<50x128xi32, #tpu.memory_space<vmem>> -> memref<1x128xi32, #tpu.memory_space<vmem>>
      %dma_wait3A_284 = tpu.memref_squeeze %dma_wait3A_283 : memref<1x128xi32, #tpu.memory_space<vmem>> -> memref<128xi32, #tpu.memory_space<vmem>>
      %dma_wait3A_285 = arith.constant 0 : i32
      %dma_wait3A_286 = arith.constant 0 : i32
      %dma_wait3A_287 = tpu.memref_slice %arg3[%dma_wait3A_285, %dma_wait3A_286] : memref<100000x128xf32, #tpu.memory_space<hbm>> -> memref<100000x128xf32, #tpu.memory_space<hbm>>
      %dma_wait3A_288 = tpu.memref_slice %arg11[%dma_wait3A_277] : memref<5x!tpu.dma_semaphore, #tpu.memory_space<semaphore_mem>> -> memref<1x!tpu.dma_semaphore, #tpu.memory_space<semaphore_mem>>
      %dma_wait3A_289 = tpu.memref_squeeze %dma_wait3A_288 : memref<1x!tpu.dma_semaphore, #tpu.memory_space<semaphore_mem>> -> memref<!tpu.dma_semaphore, #tpu.memory_space<semaphore_mem>>
      tpu.wait_indirect_dma semaphore(%dma_wait3A_289 : memref<!tpu.dma_semaphore, #tpu.memory_space<semaphore_mem>>) src(%dma_wait3A_287 : memref<100000x128xf32, #tpu.memory_space<hbm>>) dst(%dma_wait3A_281 : memref<128x128xf32, #tpu.memory_space<vmem>>)
      %parallel_loop3A_290 = arith.constant 0 : i32
      %parallel_loop3A_291 = arith.constant 128 : i32
      %parallel_loop3A_292 = arith.constant 1 : i32
      %parallel_loop3A_293 = arith.constant 2 : i32
      scf.for %parallel_loop3A_425 = %parallel_loop3A_290 to %parallel_loop3A_291 step %parallel_loop3A_292  : i32 {
        %parallel_loop3A_426 = arith.constant 0 : i32
        %parallel_loop3A_427 = arith.constant 0 : i32
        %parallel_loop3A_428 = tpu.memref_slice %arg8[%parallel_loop3A_293, %parallel_loop3A_426, %parallel_loop3A_427] : memref<5x128x128xf32, #tpu.memory_space<vmem>> -> memref<1x128x128xf32, #tpu.memory_space<vmem>>
        %parallel_loop3A_429 = tpu.memref_squeeze %parallel_loop3A_428 : memref<1x128x128xf32, #tpu.memory_space<vmem>> -> memref<128x128xf32, #tpu.memory_space<vmem>>
        %parallel_loop3A_430 = arith.index_cast %parallel_loop3A_425 : i32 to index
        %parallel_loop3A_431 = arith.constant 0 : index
        %parallel_loop3A_432 = tpu.vector_load %parallel_loop3A_429[%parallel_loop3A_430, %parallel_loop3A_431] {strides = array<i32>} : memref<128x128xf32, #tpu.memory_space<vmem>>, vector<1x16xf32>,
        %parallel_loop3A_433 = vector.shape_cast %parallel_loop3A_432 : vector<1x16xf32> to vector<16xf32>
        %parallel_loop3A_434 = arith.constant 0 : i32
        %parallel_loop3A_435 = arith.constant 0 : i32
        %parallel_loop3A_436 = tpu.memref_slice %arg8[%parallel_loop3A_293, %parallel_loop3A_434, %parallel_loop3A_435] : memref<5x128x128xf32, #tpu.memory_space<vmem>> -> memref<1x128x128xf32, #tpu.memory_space<vmem>>
        %parallel_loop3A_437 = tpu.memref_squeeze %parallel_loop3A_436 : memref<1x128x128xf32, #tpu.memory_space<vmem>> -> memref<128x128xf32, #tpu.memory_space<vmem>>
        %parallel_loop3A_438 = arith.index_cast %parallel_loop3A_425 : i32 to index
        %parallel_loop3A_439 = arith.constant 16 : index
        %parallel_loop3A_440 = tpu.vector_load %parallel_loop3A_437[%parallel_loop3A_438, %parallel_loop3A_439] {strides = array<i32>} : memref<128x128xf32, #tpu.memory_space<vmem>>, vector<1x16xf32>,
        %parallel_loop3A_441 = vector.shape_cast %parallel_loop3A_440 : vector<1x16xf32> to vector<16xf32>
        %parallel_loop3A_442 = arith.constant 0 : i32
        %parallel_loop3A_443 = arith.constant 0 : i32
        %parallel_loop3A_444 = tpu.memref_slice %arg8[%parallel_loop3A_293, %parallel_loop3A_442, %parallel_loop3A_443] : memref<5x128x128xf32, #tpu.memory_space<vmem>> -> memref<1x128x128xf32, #tpu.memory_space<vmem>>
        %parallel_loop3A_445 = tpu.memref_squeeze %parallel_loop3A_444 : memref<1x128x128xf32, #tpu.memory_space<vmem>> -> memref<128x128xf32, #tpu.memory_space<vmem>>
        %parallel_loop3A_446 = arith.index_cast %parallel_loop3A_425 : i32 to index
        %parallel_loop3A_447 = arith.constant 32 : index
        %parallel_loop3A_448 = tpu.vector_load %parallel_loop3A_445[%parallel_loop3A_446, %parallel_loop3A_447] {strides = array<i32>} : memref<128x128xf32, #tpu.memory_space<vmem>>, vector<1x16xf32>,
        %parallel_loop3A_449 = vector.shape_cast %parallel_loop3A_448 : vector<1x16xf32> to vector<16xf32>
        %parallel_loop3A_450 = arith.constant 0 : i32
        %parallel_loop3A_451 = arith.constant 0 : i32
        %parallel_loop3A_452 = tpu.memref_slice %arg8[%parallel_loop3A_293, %parallel_loop3A_450, %parallel_loop3A_451] : memref<5x128x128xf32, #tpu.memory_space<vmem>> -> memref<1x128x128xf32, #tpu.memory_space<vmem>>
        %parallel_loop3A_453 = tpu.memref_squeeze %parallel_loop3A_452 : memref<1x128x128xf32, #tpu.memory_space<vmem>> -> memref<128x128xf32, #tpu.memory_space<vmem>>
        %parallel_loop3A_454 = arith.index_cast %parallel_loop3A_425 : i32 to index
        %parallel_loop3A_455 = arith.constant 48 : index
        %parallel_loop3A_456 = tpu.vector_load %parallel_loop3A_453[%parallel_loop3A_454, %parallel_loop3A_455] {strides = array<i32>} : memref<128x128xf32, #tpu.memory_space<vmem>>, vector<1x16xf32>,
        %parallel_loop3A_457 = vector.shape_cast %parallel_loop3A_456 : vector<1x16xf32> to vector<16xf32>
        %parallel_loop3A_458 = arith.constant 0 : i32
        %parallel_loop3A_459 = arith.constant 0 : i32
        %parallel_loop3A_460 = tpu.memref_slice %arg8[%parallel_loop3A_293, %parallel_loop3A_458, %parallel_loop3A_459] : memref<5x128x128xf32, #tpu.memory_space<vmem>> -> memref<1x128x128xf32, #tpu.memory_space<vmem>>
        %parallel_loop3A_461 = tpu.memref_squeeze %parallel_loop3A_460 : memref<1x128x128xf32, #tpu.memory_space<vmem>> -> memref<128x128xf32, #tpu.memory_space<vmem>>
        %parallel_loop3A_462 = arith.index_cast %parallel_loop3A_425 : i32 to index
        %parallel_loop3A_463 = arith.constant 64 : index
        %parallel_loop3A_464 = tpu.vector_load %parallel_loop3A_461[%parallel_loop3A_462, %parallel_loop3A_463] {strides = array<i32>} : memref<128x128xf32, #tpu.memory_space<vmem>>, vector<1x16xf32>,
        %parallel_loop3A_465 = vector.shape_cast %parallel_loop3A_464 : vector<1x16xf32> to vector<16xf32>
        %parallel_loop3A_466 = arith.constant 0 : i32
        %parallel_loop3A_467 = arith.constant 0 : i32
        %parallel_loop3A_468 = tpu.memref_slice %arg8[%parallel_loop3A_293, %parallel_loop3A_466, %parallel_loop3A_467] : memref<5x128x128xf32, #tpu.memory_space<vmem>> -> memref<1x128x128xf32, #tpu.memory_space<vmem>>
        %parallel_loop3A_469 = tpu.memref_squeeze %parallel_loop3A_468 : memref<1x128x128xf32, #tpu.memory_space<vmem>> -> memref<128x128xf32, #tpu.memory_space<vmem>>
        %parallel_loop3A_470 = arith.index_cast %parallel_loop3A_425 : i32 to index
        %parallel_loop3A_471 = arith.constant 80 : index
        %parallel_loop3A_472 = tpu.vector_load %parallel_loop3A_469[%parallel_loop3A_470, %parallel_loop3A_471] {strides = array<i32>} : memref<128x128xf32, #tpu.memory_space<vmem>>, vector<1x16xf32>,
        %parallel_loop3A_473 = vector.shape_cast %parallel_loop3A_472 : vector<1x16xf32> to vector<16xf32>
        %parallel_loop3A_474 = arith.constant 0 : i32
        %parallel_loop3A_475 = arith.constant 0 : i32
        %parallel_loop3A_476 = tpu.memref_slice %arg8[%parallel_loop3A_293, %parallel_loop3A_474, %parallel_loop3A_475] : memref<5x128x128xf32, #tpu.memory_space<vmem>> -> memref<1x128x128xf32, #tpu.memory_space<vmem>>
        %parallel_loop3A_477 = tpu.memref_squeeze %parallel_loop3A_476 : memref<1x128x128xf32, #tpu.memory_space<vmem>> -> memref<128x128xf32, #tpu.memory_space<vmem>>
        %parallel_loop3A_478 = arith.index_cast %parallel_loop3A_425 : i32 to index
        %parallel_loop3A_479 = arith.constant 96 : index
        %parallel_loop3A_480 = tpu.vector_load %parallel_loop3A_477[%parallel_loop3A_478, %parallel_loop3A_479] {strides = array<i32>} : memref<128x128xf32, #tpu.memory_space<vmem>>, vector<1x16xf32>,
        %parallel_loop3A_481 = vector.shape_cast %parallel_loop3A_480 : vector<1x16xf32> to vector<16xf32>
        %parallel_loop3A_482 = arith.constant 0 : i32
        %parallel_loop3A_483 = arith.constant 0 : i32
        %parallel_loop3A_484 = tpu.memref_slice %arg8[%parallel_loop3A_293, %parallel_loop3A_482, %parallel_loop3A_483] : memref<5x128x128xf32, #tpu.memory_space<vmem>> -> memref<1x128x128xf32, #tpu.memory_space<vmem>>
        %parallel_loop3A_485 = tpu.memref_squeeze %parallel_loop3A_484 : memref<1x128x128xf32, #tpu.memory_space<vmem>> -> memref<128x128xf32, #tpu.memory_space<vmem>>
        %parallel_loop3A_486 = arith.index_cast %parallel_loop3A_425 : i32 to index
        %parallel_loop3A_487 = arith.constant 112 : index
        %parallel_loop3A_488 = tpu.vector_load %parallel_loop3A_485[%parallel_loop3A_486, %parallel_loop3A_487] {strides = array<i32>} : memref<128x128xf32, #tpu.memory_space<vmem>>, vector<1x16xf32>,
        %parallel_loop3A_489 = vector.shape_cast %parallel_loop3A_488 : vector<1x16xf32> to vector<16xf32>
        %parallel_loop3A_490 = arith.mulf %parallel_loop3A_433, %parallel_loop3A_433 : vector<16xf32>
        %parallel_loop3A_491 = arith.mulf %parallel_loop3A_441, %parallel_loop3A_441 : vector<16xf32>
        %parallel_loop3A_492 = arith.mulf %parallel_loop3A_449, %parallel_loop3A_449 : vector<16xf32>
        %parallel_loop3A_493 = arith.mulf %parallel_loop3A_457, %parallel_loop3A_457 : vector<16xf32>
        %parallel_loop3A_494 = arith.mulf %parallel_loop3A_465, %parallel_loop3A_465 : vector<16xf32>
        %parallel_loop3A_495 = arith.mulf %parallel_loop3A_473, %parallel_loop3A_473 : vector<16xf32>
        %parallel_loop3A_496 = arith.mulf %parallel_loop3A_481, %parallel_loop3A_481 : vector<16xf32>
        %parallel_loop3A_497 = arith.mulf %parallel_loop3A_489, %parallel_loop3A_489 : vector<16xf32>
        %parallel_loop3A_498 = arith.addf %parallel_loop3A_433, %parallel_loop3A_441 : vector<16xf32>
        %parallel_loop3A_499 = arith.addf %parallel_loop3A_449, %parallel_loop3A_457 : vector<16xf32>
        %parallel_loop3A_500 = arith.addf %parallel_loop3A_465, %parallel_loop3A_473 : vector<16xf32>
        %parallel_loop3A_501 = arith.addf %parallel_loop3A_481, %parallel_loop3A_489 : vector<16xf32>
        %parallel_loop3A_502 = arith.addf %parallel_loop3A_490, %parallel_loop3A_491 : vector<16xf32>
        %parallel_loop3A_503 = arith.addf %parallel_loop3A_492, %parallel_loop3A_493 : vector<16xf32>
        %parallel_loop3A_504 = arith.addf %parallel_loop3A_494, %parallel_loop3A_495 : vector<16xf32>
        %parallel_loop3A_505 = arith.addf %parallel_loop3A_496, %parallel_loop3A_497 : vector<16xf32>
        %parallel_loop3A_506 = arith.addf %parallel_loop3A_498, %parallel_loop3A_499 : vector<16xf32>
        %parallel_loop3A_507 = arith.addf %parallel_loop3A_500, %parallel_loop3A_501 : vector<16xf32>
        %parallel_loop3A_508 = arith.addf %parallel_loop3A_502, %parallel_loop3A_503 : vector<16xf32>
        %parallel_loop3A_509 = arith.addf %parallel_loop3A_504, %parallel_loop3A_505 : vector<16xf32>
        %parallel_loop3A_510 = arith.addf %parallel_loop3A_506, %parallel_loop3A_507 : vector<16xf32>
        %parallel_loop3A_511 = arith.addf %parallel_loop3A_508, %parallel_loop3A_509 : vector<16xf32>
        %parallel_loop3A_512 = vector.shape_cast %xor3A_4 : vector<16xi32> to vector<16x1xi32>
        %parallel_loop3A_513 = vector.shape_cast %parallel_loop3A_512 : vector<16x1xi32> to vector<16xi32>
        %parallel_loop3A_514 = tpu.dynamic_gather %parallel_loop3A_510[%parallel_loop3A_513] in [0] : vector<16xf32>, vector<16xi32> -> vector<16xf32>
        %parallel_loop3A_515 = arith.addf %parallel_loop3A_510, %parallel_loop3A_514 : vector<16xf32>
        %parallel_loop3A_516 = vector.shape_cast %xor3A_7 : vector<16xi32> to vector<16x1xi32>
        %parallel_loop3A_517 = vector.shape_cast %parallel_loop3A_516 : vector<16x1xi32> to vector<16xi32>
        %parallel_loop3A_518 = tpu.dynamic_gather %parallel_loop3A_515[%parallel_loop3A_517] in [0] : vector<16xf32>, vector<16xi32> -> vector<16xf32>
        %parallel_loop3A_519 = arith.addf %parallel_loop3A_515, %parallel_loop3A_518 : vector<16xf32>
        %parallel_loop3A_520 = vector.shape_cast %xor3A_10 : vector<16xi32> to vector<16x1xi32>
        %parallel_loop3A_521 = vector.shape_cast %parallel_loop3A_520 : vector<16x1xi32> to vector<16xi32>
        %parallel_loop3A_522 = tpu.dynamic_gather %parallel_loop3A_519[%parallel_loop3A_521] in [0] : vector<16xf32>, vector<16xi32> -> vector<16xf32>
        %parallel_loop3A_523 = arith.addf %parallel_loop3A_519, %parallel_loop3A_522 : vector<16xf32>
        %parallel_loop3A_524 = vector.shape_cast %xor3A_13 : vector<16xi32> to vector<16x1xi32>
        %parallel_loop3A_525 = vector.shape_cast %parallel_loop3A_524 : vector<16x1xi32> to vector<16xi32>
        %parallel_loop3A_526 = tpu.dynamic_gather %parallel_loop3A_523[%parallel_loop3A_525] in [0] : vector<16xf32>, vector<16xi32> -> vector<16xf32>
        %parallel_loop3A_527 = arith.addf %parallel_loop3A_523, %parallel_loop3A_526 : vector<16xf32>
        %parallel_loop3A_528 = arith.constant 7.812500e-03 : f32
        %parallel_loop3A_529 = vector.broadcast %parallel_loop3A_528 : f32 to vector<16xf32>
        %parallel_loop3A_530 = arith.mulf %parallel_loop3A_527, %parallel_loop3A_529 : vector<16xf32>
        %parallel_loop3A_531 = vector.shape_cast %xor3A_4 : vector<16xi32> to vector<16x1xi32>
        %parallel_loop3A_532 = vector.shape_cast %parallel_loop3A_531 : vector<16x1xi32> to vector<16xi32>
        %parallel_loop3A_533 = tpu.dynamic_gather %parallel_loop3A_511[%parallel_loop3A_532] in [0] : vector<16xf32>, vector<16xi32> -> vector<16xf32>
        %parallel_loop3A_534 = arith.addf %parallel_loop3A_511, %parallel_loop3A_533 : vector<16xf32>
        %parallel_loop3A_535 = vector.shape_cast %xor3A_7 : vector<16xi32> to vector<16x1xi32>
        %parallel_loop3A_536 = vector.shape_cast %parallel_loop3A_535 : vector<16x1xi32> to vector<16xi32>
        %parallel_loop3A_537 = tpu.dynamic_gather %parallel_loop3A_534[%parallel_loop3A_536] in [0] : vector<16xf32>, vector<16xi32> -> vector<16xf32>
        %parallel_loop3A_538 = arith.addf %parallel_loop3A_534, %parallel_loop3A_537 : vector<16xf32>
        %parallel_loop3A_539 = vector.shape_cast %xor3A_10 : vector<16xi32> to vector<16x1xi32>
        %parallel_loop3A_540 = vector.shape_cast %parallel_loop3A_539 : vector<16x1xi32> to vector<16xi32>
        %parallel_loop3A_541 = tpu.dynamic_gather %parallel_loop3A_538[%parallel_loop3A_540] in [0] : vector<16xf32>, vector<16xi32> -> vector<16xf32>
        %parallel_loop3A_542 = arith.addf %parallel_loop3A_538, %parallel_loop3A_541 : vector<16xf32>
        %parallel_loop3A_543 = vector.shape_cast %xor3A_13 : vector<16xi32> to vector<16x1xi32>
        %parallel_loop3A_544 = vector.shape_cast %parallel_loop3A_543 : vector<16x1xi32> to vector<16xi32>
        %parallel_loop3A_545 = tpu.dynamic_gather %parallel_loop3A_542[%parallel_loop3A_544] in [0] : vector<16xf32>, vector<16xi32> -> vector<16xf32>
        %parallel_loop3A_546 = arith.addf %parallel_loop3A_542, %parallel_loop3A_545 : vector<16xf32>
        %parallel_loop3A_547 = arith.constant 7.812500e-03 : f32
        %parallel_loop3A_548 = vector.broadcast %parallel_loop3A_547 : f32 to vector<16xf32>
        %parallel_loop3A_549 = arith.mulf %parallel_loop3A_546, %parallel_loop3A_548 : vector<16xf32>
        %parallel_loop3A_550 = arith.mulf %parallel_loop3A_530, %parallel_loop3A_530 : vector<16xf32>
        %parallel_loop3A_551 = arith.subf %parallel_loop3A_549, %parallel_loop3A_550 : vector<16xf32>
        %parallel_loop3A_552 = arith.constant 9.99999996E-13 : f32
        %parallel_loop3A_553 = vector.broadcast %parallel_loop3A_552 : f32 to vector<16xf32>
        %parallel_loop3A_554 = arith.addf %parallel_loop3A_551, %parallel_loop3A_553 : vector<16xf32>
        %parallel_loop3A_555 = tpu.bitcast %parallel_loop3A_554 : vector<16xf32> -> vector<16xi32>
        %parallel_loop3A_556 = arith.constant 1 : i32
        %parallel_loop3A_557 = vector.broadcast %parallel_loop3A_556 : i32 to vector<16xi32>
        %parallel_loop3A_558 = arith.shrsi %parallel_loop3A_555, %parallel_loop3A_557 : vector<16xi32>
        %parallel_loop3A_559 = arith.constant 1597463007 : i32
        %parallel_loop3A_560 = vector.broadcast %parallel_loop3A_559 : i32 to vector<16xi32>
        %parallel_loop3A_561 = arith.subi %parallel_loop3A_560, %parallel_loop3A_558 : vector<16xi32>
        %parallel_loop3A_562 = tpu.bitcast %parallel_loop3A_561 : vector<16xi32> -> vector<16xf32>
        %parallel_loop3A_563 = arith.constant 5.000000e-01 : f32
        %parallel_loop3A_564 = vector.broadcast %parallel_loop3A_563 : f32 to vector<16xf32>
        %parallel_loop3A_565 = arith.mulf %parallel_loop3A_564, %parallel_loop3A_554 : vector<16xf32>
        %parallel_loop3A_566 = arith.mulf %parallel_loop3A_565, %parallel_loop3A_562 : vector<16xf32>
        %parallel_loop3A_567 = arith.mulf %parallel_loop3A_566, %parallel_loop3A_562 : vector<16xf32>
        %parallel_loop3A_568 = arith.constant 1.500000e+00 : f32
        %parallel_loop3A_569 = vector.broadcast %parallel_loop3A_568 : f32 to vector<16xf32>
        %parallel_loop3A_570 = arith.subf %parallel_loop3A_569, %parallel_loop3A_567 : vector<16xf32>
        %parallel_loop3A_571 = arith.mulf %parallel_loop3A_562, %parallel_loop3A_570 : vector<16xf32>
        %parallel_loop3A_572 = arith.constant 5.000000e-01 : f32
        %parallel_loop3A_573 = vector.broadcast %parallel_loop3A_572 : f32 to vector<16xf32>
        %parallel_loop3A_574 = arith.mulf %parallel_loop3A_573, %parallel_loop3A_554 : vector<16xf32>
        %parallel_loop3A_575 = arith.mulf %parallel_loop3A_574, %parallel_loop3A_571 : vector<16xf32>
        %parallel_loop3A_576 = arith.mulf %parallel_loop3A_575, %parallel_loop3A_571 : vector<16xf32>
        %parallel_loop3A_577 = arith.constant 1.500000e+00 : f32
        %parallel_loop3A_578 = vector.broadcast %parallel_loop3A_577 : f32 to vector<16xf32>
        %parallel_loop3A_579 = arith.subf %parallel_loop3A_578, %parallel_loop3A_576 : vector<16xf32>
        %parallel_loop3A_580 = arith.mulf %parallel_loop3A_571, %parallel_loop3A_579 : vector<16xf32>
        %parallel_loop3A_581 = arith.mulf %parallel_loop3A_580, %get3A_15 : vector<16xf32>
        %parallel_loop3A_582 = arith.subf %parallel_loop3A_433, %parallel_loop3A_530 : vector<16xf32>
        %parallel_loop3A_583 = arith.mulf %parallel_loop3A_582, %parallel_loop3A_581 : vector<16xf32>
        %parallel_loop3A_584 = arith.addf %parallel_loop3A_583, %get3A_39 : vector<16xf32>
        %parallel_loop3A_585 = arith.constant 0 : i32
        %parallel_loop3A_586 = arith.constant 0 : i32
        %parallel_loop3A_587 = tpu.memref_slice %arg8[%parallel_loop3A_293, %parallel_loop3A_585, %parallel_loop3A_586] : memref<5x128x128xf32, #tpu.memory_space<vmem>> -> memref<1x128x128xf32, #tpu.memory_space<vmem>>
        %parallel_loop3A_588 = tpu.memref_squeeze %parallel_loop3A_587 : memref<1x128x128xf32, #tpu.memory_space<vmem>> -> memref<128x128xf32, #tpu.memory_space<vmem>>
        %parallel_loop3A_589 = arith.index_cast %parallel_loop3A_425 : i32 to index
        %parallel_loop3A_590 = arith.constant 0 : index
        %parallel_loop3A_591 = tpu.vector_load %parallel_loop3A_588[%parallel_loop3A_589, %parallel_loop3A_590] {strides = array<i32>} : memref<128x128xf32, #tpu.memory_space<vmem>>, vector<1x16xf32>,
        %parallel_loop3A_592 = vector.shape_cast %parallel_loop3A_591 : vector<1x16xf32> to vector<16xf32>
        %parallel_loop3A_593 = vector.shape_cast %parallel_loop3A_584 : vector<16xf32> to vector<1x16xf32>
        tpu.vector_store %parallel_loop3A_588[%parallel_loop3A_589, %parallel_loop3A_590], %parallel_loop3A_593 {strides = array<i32>} : memref<128x128xf32, #tpu.memory_space<vmem>>, vector<1x16xf32>,
        %parallel_loop3A_594 = arith.mulf %parallel_loop3A_580, %get3A_18 : vector<16xf32>
        %parallel_loop3A_595 = arith.subf %parallel_loop3A_441, %parallel_loop3A_530 : vector<16xf32>
        %parallel_loop3A_596 = arith.mulf %parallel_loop3A_595, %parallel_loop3A_594 : vector<16xf32>
        %parallel_loop3A_597 = arith.addf %parallel_loop3A_596, %get3A_42 : vector<16xf32>
        %parallel_loop3A_598 = arith.constant 0 : i32
        %parallel_loop3A_599 = arith.constant 0 : i32
        %parallel_loop3A_600 = tpu.memref_slice %arg8[%parallel_loop3A_293, %parallel_loop3A_598, %parallel_loop3A_599] : memref<5x128x128xf32, #tpu.memory_space<vmem>> -> memref<1x128x128xf32, #tpu.memory_space<vmem>>
        %parallel_loop3A_601 = tpu.memref_squeeze %parallel_loop3A_600 : memref<1x128x128xf32, #tpu.memory_space<vmem>> -> memref<128x128xf32, #tpu.memory_space<vmem>>
        %parallel_loop3A_602 = arith.index_cast %parallel_loop3A_425 : i32 to index
        %parallel_loop3A_603 = arith.constant 16 : index
        %parallel_loop3A_604 = tpu.vector_load %parallel_loop3A_601[%parallel_loop3A_602, %parallel_loop3A_603] {strides = array<i32>} : memref<128x128xf32, #tpu.memory_space<vmem>>, vector<1x16xf32>,
        %parallel_loop3A_605 = vector.shape_cast %parallel_loop3A_604 : vector<1x16xf32> to vector<16xf32>
        %parallel_loop3A_606 = vector.shape_cast %parallel_loop3A_597 : vector<16xf32> to vector<1x16xf32>
        tpu.vector_store %parallel_loop3A_601[%parallel_loop3A_602, %parallel_loop3A_603], %parallel_loop3A_606 {strides = array<i32>} : memref<128x128xf32, #tpu.memory_space<vmem>>, vector<1x16xf32>,
        %parallel_loop3A_607 = arith.mulf %parallel_loop3A_580, %get3A_21 : vector<16xf32>
        %parallel_loop3A_608 = arith.subf %parallel_loop3A_449, %parallel_loop3A_530 : vector<16xf32>
        %parallel_loop3A_609 = arith.mulf %parallel_loop3A_608, %parallel_loop3A_607 : vector<16xf32>
        %parallel_loop3A_610 = arith.addf %parallel_loop3A_609, %get3A_45 : vector<16xf32>
        %parallel_loop3A_611 = arith.constant 0 : i32
        %parallel_loop3A_612 = arith.constant 0 : i32
        %parallel_loop3A_613 = tpu.memref_slice %arg8[%parallel_loop3A_293, %parallel_loop3A_611, %parallel_loop3A_612] : memref<5x128x128xf32, #tpu.memory_space<vmem>> -> memref<1x128x128xf32, #tpu.memory_space<vmem>>
        %parallel_loop3A_614 = tpu.memref_squeeze %parallel_loop3A_613 : memref<1x128x128xf32, #tpu.memory_space<vmem>> -> memref<128x128xf32, #tpu.memory_space<vmem>>
        %parallel_loop3A_615 = arith.index_cast %parallel_loop3A_425 : i32 to index
        %parallel_loop3A_616 = arith.constant 32 : index
        %parallel_loop3A_617 = tpu.vector_load %parallel_loop3A_614[%parallel_loop3A_615, %parallel_loop3A_616] {strides = array<i32>} : memref<128x128xf32, #tpu.memory_space<vmem>>, vector<1x16xf32>,
        %parallel_loop3A_618 = vector.shape_cast %parallel_loop3A_617 : vector<1x16xf32> to vector<16xf32>
        %parallel_loop3A_619 = vector.shape_cast %parallel_loop3A_610 : vector<16xf32> to vector<1x16xf32>
        tpu.vector_store %parallel_loop3A_614[%parallel_loop3A_615, %parallel_loop3A_616], %parallel_loop3A_619 {strides = array<i32>} : memref<128x128xf32, #tpu.memory_space<vmem>>, vector<1x16xf32>,
        %parallel_loop3A_620 = arith.mulf %parallel_loop3A_580, %get3A_24 : vector<16xf32>
        %parallel_loop3A_621 = arith.subf %parallel_loop3A_457, %parallel_loop3A_530 : vector<16xf32>
        %parallel_loop3A_622 = arith.mulf %parallel_loop3A_621, %parallel_loop3A_620 : vector<16xf32>
        %parallel_loop3A_623 = arith.addf %parallel_loop3A_622, %get3A_48 : vector<16xf32>
        %parallel_loop3A_624 = arith.constant 0 : i32
        %parallel_loop3A_625 = arith.constant 0 : i32
        %parallel_loop3A_626 = tpu.memref_slice %arg8[%parallel_loop3A_293, %parallel_loop3A_624, %parallel_loop3A_625] : memref<5x128x128xf32, #tpu.memory_space<vmem>> -> memref<1x128x128xf32, #tpu.memory_space<vmem>>
        %parallel_loop3A_627 = tpu.memref_squeeze %parallel_loop3A_626 : memref<1x128x128xf32, #tpu.memory_space<vmem>> -> memref<128x128xf32, #tpu.memory_space<vmem>>
        %parallel_loop3A_628 = arith.index_cast %parallel_loop3A_425 : i32 to index
        %parallel_loop3A_629 = arith.constant 48 : index
        %parallel_loop3A_630 = tpu.vector_load %parallel_loop3A_627[%parallel_loop3A_628, %parallel_loop3A_629] {strides = array<i32>} : memref<128x128xf32, #tpu.memory_space<vmem>>, vector<1x16xf32>,
        %parallel_loop3A_631 = vector.shape_cast %parallel_loop3A_630 : vector<1x16xf32> to vector<16xf32>
        %parallel_loop3A_632 = vector.shape_cast %parallel_loop3A_623 : vector<16xf32> to vector<1x16xf32>
        tpu.vector_store %parallel_loop3A_627[%parallel_loop3A_628, %parallel_loop3A_629], %parallel_loop3A_632 {strides = array<i32>} : memref<128x128xf32, #tpu.memory_space<vmem>>, vector<1x16xf32>,
        %parallel_loop3A_633 = arith.mulf %parallel_loop3A_580, %get3A_27 : vector<16xf32>
        %parallel_loop3A_634 = arith.subf %parallel_loop3A_465, %parallel_loop3A_530 : vector<16xf32>
        %parallel_loop3A_635 = arith.mulf %parallel_loop3A_634, %parallel_loop3A_633 : vector<16xf32>
        %parallel_loop3A_636 = arith.addf %parallel_loop3A_635, %get3A_51 : vector<16xf32>
        %parallel_loop3A_637 = arith.constant 0 : i32
        %parallel_loop3A_638 = arith.constant 0 : i32
        %parallel_loop3A_639 = tpu.memref_slice %arg8[%parallel_loop3A_293, %parallel_loop3A_637, %parallel_loop3A_638] : memref<5x128x128xf32, #tpu.memory_space<vmem>> -> memref<1x128x128xf32, #tpu.memory_space<vmem>>
        %parallel_loop3A_640 = tpu.memref_squeeze %parallel_loop3A_639 : memref<1x128x128xf32, #tpu.memory_space<vmem>> -> memref<128x128xf32, #tpu.memory_space<vmem>>
        %parallel_loop3A_641 = arith.index_cast %parallel_loop3A_425 : i32 to index
        %parallel_loop3A_642 = arith.constant 64 : index
        %parallel_loop3A_643 = tpu.vector_load %parallel_loop3A_640[%parallel_loop3A_641, %parallel_loop3A_642] {strides = array<i32>} : memref<128x128xf32, #tpu.memory_space<vmem>>, vector<1x16xf32>,
        %parallel_loop3A_644 = vector.shape_cast %parallel_loop3A_643 : vector<1x16xf32> to vector<16xf32>
        %parallel_loop3A_645 = vector.shape_cast %parallel_loop3A_636 : vector<16xf32> to vector<1x16xf32>
        tpu.vector_store %parallel_loop3A_640[%parallel_loop3A_641, %parallel_loop3A_642], %parallel_loop3A_645 {strides = array<i32>} : memref<128x128xf32, #tpu.memory_space<vmem>>, vector<1x16xf32>,
        %parallel_loop3A_646 = arith.mulf %parallel_loop3A_580, %get3A_30 : vector<16xf32>
        %parallel_loop3A_647 = arith.subf %parallel_loop3A_473, %parallel_loop3A_530 : vector<16xf32>
        %parallel_loop3A_648 = arith.mulf %parallel_loop3A_647, %parallel_loop3A_646 : vector<16xf32>
        %parallel_loop3A_649 = arith.addf %parallel_loop3A_648, %get3A_54 : vector<16xf32>
        %parallel_loop3A_650 = arith.constant 0 : i32
        %parallel_loop3A_651 = arith.constant 0 : i32
        %parallel_loop3A_652 = tpu.memref_slice %arg8[%parallel_loop3A_293, %parallel_loop3A_650, %parallel_loop3A_651] : memref<5x128x128xf32, #tpu.memory_space<vmem>> -> memref<1x128x128xf32, #tpu.memory_space<vmem>>
        %parallel_loop3A_653 = tpu.memref_squeeze %parallel_loop3A_652 : memref<1x128x128xf32, #tpu.memory_space<vmem>> -> memref<128x128xf32, #tpu.memory_space<vmem>>
        %parallel_loop3A_654 = arith.index_cast %parallel_loop3A_425 : i32 to index
        %parallel_loop3A_655 = arith.constant 80 : index
        %parallel_loop3A_656 = tpu.vector_load %parallel_loop3A_653[%parallel_loop3A_654, %parallel_loop3A_655] {strides = array<i32>} : memref<128x128xf32, #tpu.memory_space<vmem>>, vector<1x16xf32>,
        %parallel_loop3A_657 = vector.shape_cast %parallel_loop3A_656 : vector<1x16xf32> to vector<16xf32>
        %parallel_loop3A_658 = vector.shape_cast %parallel_loop3A_649 : vector<16xf32> to vector<1x16xf32>
        tpu.vector_store %parallel_loop3A_653[%parallel_loop3A_654, %parallel_loop3A_655], %parallel_loop3A_658 {strides = array<i32>} : memref<128x128xf32, #tpu.memory_space<vmem>>, vector<1x16xf32>,
        %parallel_loop3A_659 = arith.mulf %parallel_loop3A_580, %get3A_33 : vector<16xf32>
        %parallel_loop3A_660 = arith.subf %parallel_loop3A_481, %parallel_loop3A_530 : vector<16xf32>
        %parallel_loop3A_661 = arith.mulf %parallel_loop3A_660, %parallel_loop3A_659 : vector<16xf32>
        %parallel_loop3A_662 = arith.addf %parallel_loop3A_661, %get3A_57 : vector<16xf32>
        %parallel_loop3A_663 = arith.constant 0 : i32
        %parallel_loop3A_664 = arith.constant 0 : i32
        %parallel_loop3A_665 = tpu.memref_slice %arg8[%parallel_loop3A_293, %parallel_loop3A_663, %parallel_loop3A_664] : memref<5x128x128xf32, #tpu.memory_space<vmem>> -> memref<1x128x128xf32, #tpu.memory_space<vmem>>
        %parallel_loop3A_666 = tpu.memref_squeeze %parallel_loop3A_665 : memref<1x128x128xf32, #tpu.memory_space<vmem>> -> memref<128x128xf32, #tpu.memory_space<vmem>>
        %parallel_loop3A_667 = arith.index_cast %parallel_loop3A_425 : i32 to index
        %parallel_loop3A_668 = arith.constant 96 : index
        %parallel_loop3A_669 = tpu.vector_load %parallel_loop3A_666[%parallel_loop3A_667, %parallel_loop3A_668] {strides = array<i32>} : memref<128x128xf32, #tpu.memory_space<vmem>>, vector<1x16xf32>,
        %parallel_loop3A_670 = vector.shape_cast %parallel_loop3A_669 : vector<1x16xf32> to vector<16xf32>
        %parallel_loop3A_671 = vector.shape_cast %parallel_loop3A_662 : vector<16xf32> to vector<1x16xf32>
        tpu.vector_store %parallel_loop3A_666[%parallel_loop3A_667, %parallel_loop3A_668], %parallel_loop3A_671 {strides = array<i32>} : memref<128x128xf32, #tpu.memory_space<vmem>>, vector<1x16xf32>,
        %parallel_loop3A_672 = arith.mulf %parallel_loop3A_580, %get3A_36 : vector<16xf32>
        %parallel_loop3A_673 = arith.subf %parallel_loop3A_489, %parallel_loop3A_530 : vector<16xf32>
        %parallel_loop3A_674 = arith.mulf %parallel_loop3A_673, %parallel_loop3A_672 : vector<16xf32>
        %parallel_loop3A_675 = arith.addf %parallel_loop3A_674, %get3A_60 : vector<16xf32>
        %parallel_loop3A_676 = arith.constant 0 : i32
        %parallel_loop3A_677 = arith.constant 0 : i32
        %parallel_loop3A_678 = tpu.memref_slice %arg8[%parallel_loop3A_293, %parallel_loop3A_676, %parallel_loop3A_677] : memref<5x128x128xf32, #tpu.memory_space<vmem>> -> memref<1x128x128xf32, #tpu.memory_space<vmem>>
        %parallel_loop3A_679 = tpu.memref_squeeze %parallel_loop3A_678 : memref<1x128x128xf32, #tpu.memory_space<vmem>> -> memref<128x128xf32, #tpu.memory_space<vmem>>
        %parallel_loop3A_680 = arith.index_cast %parallel_loop3A_425 : i32 to index
        %parallel_loop3A_681 = arith.constant 112 : index
        %parallel_loop3A_682 = tpu.vector_load %parallel_loop3A_679[%parallel_loop3A_680, %parallel_loop3A_681] {strides = array<i32>} : memref<128x128xf32, #tpu.memory_space<vmem>>, vector<1x16xf32>,
        %parallel_loop3A_683 = vector.shape_cast %parallel_loop3A_682 : vector<1x16xf32> to vector<16xf32>
        %parallel_loop3A_684 = vector.shape_cast %parallel_loop3A_675 : vector<16xf32> to vector<1x16xf32>
        tpu.vector_store %parallel_loop3A_679[%parallel_loop3A_680, %parallel_loop3A_681], %parallel_loop3A_684 {strides = array<i32>} : memref<128x128xf32, #tpu.memory_space<vmem>>, vector<1x16xf32>,
      } {sc.loop_unroll_factor = 1 : i64, sc.parallel_access}
      %mul3A_294 = arith.constant 128 : i32
      %mul3A_295 = arith.muli %add3A_258, %mul3A_294 : i32
      %add3A_296 = arith.addi %mul3A_2, %mul3A_295 : i32
      %dma_start3A_297 = arith.constant 2 : i32
      %dma_start3A_298 = arith.constant 2 : i32
      %dma_start3A_299 = arith.constant 0 : i32
      %dma_start3A_300 = arith.constant 0 : i32
      %dma_start3A_301 = tpu.memref_slice %arg8[%dma_start3A_297, %dma_start3A_299, %dma_start3A_300] : memref<5x128x128xf32, #tpu.memory_space<vmem>> -> memref<1x128x128xf32, #tpu.memory_space<vmem>>
      %dma_start3A_302 = tpu.memref_squeeze %dma_start3A_301 : memref<1x128x128xf32, #tpu.memory_space<vmem>> -> memref<128x128xf32, #tpu.memory_space<vmem>>
      %dma_start3A_303 = arith.constant 0 : i32
      %dma_start3A_304 = tpu.memref_slice %arg6[%add3A_296, %dma_start3A_303] : memref<204800x128xf32, #tpu.memory_space<hbm>> -> memref<128x128xf32, #tpu.memory_space<hbm>>
      %dma_start3A_305 = tpu.memref_slice %arg12[%dma_start3A_298] : memref<5x!tpu.dma_semaphore, #tpu.memory_space<semaphore_mem>> -> memref<1x!tpu.dma_semaphore, #tpu.memory_space<semaphore_mem>>
      %dma_start3A_306 = tpu.memref_squeeze %dma_start3A_305 : memref<1x!tpu.dma_semaphore, #tpu.memory_space<semaphore_mem>> -> memref<!tpu.dma_semaphore, #tpu.memory_space<semaphore_mem>>
      %dma_start3A_307 = arith.constant 0 : i32
      %dma_start3A_308 = tpu.memref_slice %arg6[%add3A_296, %dma_start3A_307] : memref<204800x128xf32, #tpu.memory_space<hbm>> -> memref<128x128xf32, #tpu.memory_space<hbm>>
      %dma_start3A_309 = arith.constant 0 : i32
      %dma_start3A_310 = arith.constant 0 : i32
      %dma_start3A_311 = tpu.memref_slice %arg8[%dma_start3A_297, %dma_start3A_309, %dma_start3A_310] : memref<5x128x128xf32, #tpu.memory_space<vmem>> -> memref<1x128x128xf32, #tpu.memory_space<vmem>>
      %dma_start3A_312 = tpu.memref_squeeze %dma_start3A_311 : memref<1x128x128xf32, #tpu.memory_space<vmem>> -> memref<128x128xf32, #tpu.memory_space<vmem>>
      tpu.enqueue_dma source(%dma_start3A_312 : memref<128x128xf32, #tpu.memory_space<vmem>>) target(%dma_start3A_308 : memref<128x128xf32, #tpu.memory_space<hbm>>) target_semaphore(%dma_start3A_306 : memref<!tpu.dma_semaphore, #tpu.memory_space<semaphore_mem>>)
      %add3A_313 = arith.constant 3 : i32
      %add3A_314 = arith.addi %mul3A_150, %add3A_313 : i32
      %add3A_315 = arith.constant 2 : i32
      %add3A_316 = arith.addi %add3A_314, %add3A_315 : i32
      %sub3A_317 = arith.constant 5 : i32
      %sub3A_318 = arith.subi %add3A_316, %sub3A_317 : i32
      %ge3A_319 = arith.constant 0 : i32
      %ge3A_320 = arith.cmpi sge, %sub3A_318, %ge3A_319 : i32
      %convert_element_type3A_321 = arith.extui %ge3A_320 : i1 to i32
      %cond3A_322 = arith.constant 0 : i32
      %cond3A_323 = arith.cmpi ne, %convert_element_type3A_321, %cond3A_322 : i32
      scf.if %cond3A_323 {
        %dma_wait3A_425 = arith.constant 0 : i32
        %dma_wait3A_426 = arith.constant 0 : i32
        %dma_wait3A_427 = arith.constant 0 : i32
        %dma_wait3A_428 = arith.constant 0 : i32
        %dma_wait3A_429 = tpu.memref_slice %arg8[%dma_wait3A_425, %dma_wait3A_427, %dma_wait3A_428] : memref<5x128x128xf32, #tpu.memory_space<vmem>> -> memref<1x128x128xf32, #tpu.memory_space<vmem>>
        %dma_wait3A_430 = tpu.memref_squeeze %dma_wait3A_429 : memref<1x128x128xf32, #tpu.memory_space<vmem>> -> memref<128x128xf32, #tpu.memory_space<vmem>>
        %dma_wait3A_431 = arith.constant 0 : i32
        %dma_wait3A_432 = arith.constant 0 : i32
        %dma_wait3A_433 = tpu.memref_slice %arg6[%dma_wait3A_431, %dma_wait3A_432] : memref<204800x128xf32, #tpu.memory_space<hbm>> -> memref<128x128xf32, #tpu.memory_space<hbm>>
        %dma_wait3A_434 = tpu.memref_slice %arg12[%dma_wait3A_426] : memref<5x!tpu.dma_semaphore, #tpu.memory_space<semaphore_mem>> -> memref<1x!tpu.dma_semaphore, #tpu.memory_space<semaphore_mem>>
        %dma_wait3A_435 = tpu.memref_squeeze %dma_wait3A_434 : memref<1x!tpu.dma_semaphore, #tpu.memory_space<semaphore_mem>> -> memref<!tpu.dma_semaphore, #tpu.memory_space<semaphore_mem>>
        %dma_wait3A_436 = arith.constant 0 : i32
        %dma_wait3A_437 = arith.constant 0 : i32
        %dma_wait3A_438 = tpu.memref_slice %arg6[%dma_wait3A_436, %dma_wait3A_437] : memref<204800x128xf32, #tpu.memory_space<hbm>> -> memref<128x128xf32, #tpu.memory_space<hbm>>
        %dma_wait3A_439 = arith.constant 0 : i32
        %dma_wait3A_440 = arith.constant 0 : i32
        %dma_wait3A_441 = tpu.memref_slice %arg8[%dma_wait3A_425, %dma_wait3A_439, %dma_wait3A_440] : memref<5x128x128xf32, #tpu.memory_space<vmem>> -> memref<1x128x128xf32, #tpu.memory_space<vmem>>
        %dma_wait3A_442 = tpu.memref_squeeze %dma_wait3A_441 : memref<1x128x128xf32, #tpu.memory_space<vmem>> -> memref<128x128xf32, #tpu.memory_space<vmem>>
        tpu.wait_dma2 semaphore(%dma_wait3A_435 : memref<!tpu.dma_semaphore, #tpu.memory_space<semaphore_mem>>) src(%dma_wait3A_442 : memref<128x128xf32, #tpu.memory_space<vmem>>) dst(%dma_wait3A_438 : memref<128x128xf32, #tpu.memory_space<hbm>>)
      } else {
      }
      %add3A_324 = arith.constant 2 : i32
      %add3A_325 = arith.addi %add3A_314, %add3A_324 : i32
      %lt3A_326 = arith.constant 50 : i32
      %lt3A_327 = arith.cmpi slt, %add3A_325, %lt3A_326 : i32
      %convert_element_type3A_328 = arith.extui %lt3A_327 : i1 to i32
      %cond3A_329 = arith.constant 0 : i32
      %cond3A_330 = arith.cmpi ne, %convert_element_type3A_328, %cond3A_329 : i32
      scf.if %cond3A_330 {
        %add3A_425 = arith.constant 2 : i32
        %add3A_426 = arith.addi %add3A_314, %add3A_425 : i32
        %dma_start3A_427 = arith.constant 0 : i32
        %dma_start3A_428 = arith.constant 0 : i32
        %dma_start3A_429 = arith.constant 0 : i32
        %dma_start3A_430 = arith.constant 0 : i32
        %dma_start3A_431 = tpu.memref_slice %arg8[%dma_start3A_427, %dma_start3A_429, %dma_start3A_430] : memref<5x128x128xf32, #tpu.memory_space<vmem>> -> memref<1x128x128xf32, #tpu.memory_space<vmem>>
        %dma_start3A_432 = tpu.memref_squeeze %dma_start3A_431 : memref<1x128x128xf32, #tpu.memory_space<vmem>> -> memref<128x128xf32, #tpu.memory_space<vmem>>
        %dma_start3A_433 = arith.constant 0 : i32
        %dma_start3A_434 = tpu.memref_slice %arg7[%add3A_426, %dma_start3A_433] : memref<50x128xi32, #tpu.memory_space<vmem>> -> memref<1x128xi32, #tpu.memory_space<vmem>>
        %dma_start3A_435 = tpu.memref_squeeze %dma_start3A_434 : memref<1x128xi32, #tpu.memory_space<vmem>> -> memref<128xi32, #tpu.memory_space<vmem>>
        %dma_start3A_436 = arith.constant 0 : i32
        %dma_start3A_437 = arith.constant 0 : i32
        %dma_start3A_438 = tpu.memref_slice %arg3[%dma_start3A_436, %dma_start3A_437] : memref<100000x128xf32, #tpu.memory_space<hbm>> -> memref<100000x128xf32, #tpu.memory_space<hbm>>
        %dma_start3A_439 = tpu.memref_slice %arg11[%dma_start3A_428] : memref<5x!tpu.dma_semaphore, #tpu.memory_space<semaphore_mem>> -> memref<1x!tpu.dma_semaphore, #tpu.memory_space<semaphore_mem>>
        %dma_start3A_440 = tpu.memref_squeeze %dma_start3A_439 : memref<1x!tpu.dma_semaphore, #tpu.memory_space<semaphore_mem>> -> memref<!tpu.dma_semaphore, #tpu.memory_space<semaphore_mem>>
        tpu.enqueue_indirect_dma source(%dma_start3A_438 : memref<100000x128xf32, #tpu.memory_space<hbm>>) target(%dma_start3A_432 : memref<128x128xf32, #tpu.memory_space<vmem>>) offsets(%dma_start3A_435 : memref<128xi32, #tpu.memory_space<vmem>>) semaphore(%dma_start3A_440 : memref<!tpu.dma_semaphore, #tpu.memory_space<semaphore_mem>>)
      } else {
      }
      %dma_wait3A_331 = arith.constant 0 : i32
      %dma_wait3A_332 = arith.constant 3 : i32
      %dma_wait3A_333 = arith.constant 3 : i32
      %dma_wait3A_334 = arith.constant 0 : i32
      %dma_wait3A_335 = arith.constant 0 : i32
      %dma_wait3A_336 = tpu.memref_slice %arg8[%dma_wait3A_332, %dma_wait3A_334, %dma_wait3A_335] : memref<5x128x128xf32, #tpu.memory_space<vmem>> -> memref<1x128x128xf32, #tpu.memory_space<vmem>>
      %dma_wait3A_337 = tpu.memref_squeeze %dma_wait3A_336 : memref<1x128x128xf32, #tpu.memory_space<vmem>> -> memref<128x128xf32, #tpu.memory_space<vmem>>
      %dma_wait3A_338 = arith.constant 0 : i32
      %dma_wait3A_339 = tpu.memref_slice %arg7[%dma_wait3A_331, %dma_wait3A_338] : memref<50x128xi32, #tpu.memory_space<vmem>> -> memref<1x128xi32, #tpu.memory_space<vmem>>
      %dma_wait3A_340 = tpu.memref_squeeze %dma_wait3A_339 : memref<1x128xi32, #tpu.memory_space<vmem>> -> memref<128xi32, #tpu.memory_space<vmem>>
      %dma_wait3A_341 = arith.constant 0 : i32
      %dma_wait3A_342 = arith.constant 0 : i32
      %dma_wait3A_343 = tpu.memref_slice %arg3[%dma_wait3A_341, %dma_wait3A_342] : memref<100000x128xf32, #tpu.memory_space<hbm>> -> memref<100000x128xf32, #tpu.memory_space<hbm>>
      %dma_wait3A_344 = tpu.memref_slice %arg11[%dma_wait3A_333] : memref<5x!tpu.dma_semaphore, #tpu.memory_space<semaphore_mem>> -> memref<1x!tpu.dma_semaphore, #tpu.memory_space<semaphore_mem>>
      %dma_wait3A_345 = tpu.memref_squeeze %dma_wait3A_344 : memref<1x!tpu.dma_semaphore, #tpu.memory_space<semaphore_mem>> -> memref<!tpu.dma_semaphore, #tpu.memory_space<semaphore_mem>>
      tpu.wait_indirect_dma semaphore(%dma_wait3A_345 : memref<!tpu.dma_semaphore, #tpu.memory_space<semaphore_mem>>) src(%dma_wait3A_343 : memref<100000x128xf32, #tpu.memory_space<hbm>>) dst(%dma_wait3A_337 : memref<128x128xf32, #tpu.memory_space<vmem>>)
      %parallel_loop3A_346 = arith.constant 0 : i32
      %parallel_loop3A_347 = arith.constant 128 : i32
      %parallel_loop3A_348 = arith.constant 1 : i32
      %parallel_loop3A_349 = arith.constant 3 : i32
      scf.for %parallel_loop3A_425 = %parallel_loop3A_346 to %parallel_loop3A_347 step %parallel_loop3A_348  : i32 {
        %parallel_loop3A_426 = arith.constant 0 : i32
        %parallel_loop3A_427 = arith.constant 0 : i32
        %parallel_loop3A_428 = tpu.memref_slice %arg8[%parallel_loop3A_349, %parallel_loop3A_426, %parallel_loop3A_427] : memref<5x128x128xf32, #tpu.memory_space<vmem>> -> memref<1x128x128xf32, #tpu.memory_space<vmem>>
        %parallel_loop3A_429 = tpu.memref_squeeze %parallel_loop3A_428 : memref<1x128x128xf32, #tpu.memory_space<vmem>> -> memref<128x128xf32, #tpu.memory_space<vmem>>
        %parallel_loop3A_430 = arith.index_cast %parallel_loop3A_425 : i32 to index
        %parallel_loop3A_431 = arith.constant 0 : index
        %parallel_loop3A_432 = tpu.vector_load %parallel_loop3A_429[%parallel_loop3A_430, %parallel_loop3A_431] {strides = array<i32>} : memref<128x128xf32, #tpu.memory_space<vmem>>, vector<1x16xf32>,
        %parallel_loop3A_433 = vector.shape_cast %parallel_loop3A_432 : vector<1x16xf32> to vector<16xf32>
        %parallel_loop3A_434 = arith.constant 0 : i32
        %parallel_loop3A_435 = arith.constant 0 : i32
        %parallel_loop3A_436 = tpu.memref_slice %arg8[%parallel_loop3A_349, %parallel_loop3A_434, %parallel_loop3A_435] : memref<5x128x128xf32, #tpu.memory_space<vmem>> -> memref<1x128x128xf32, #tpu.memory_space<vmem>>
        %parallel_loop3A_437 = tpu.memref_squeeze %parallel_loop3A_436 : memref<1x128x128xf32, #tpu.memory_space<vmem>> -> memref<128x128xf32, #tpu.memory_space<vmem>>
        %parallel_loop3A_438 = arith.index_cast %parallel_loop3A_425 : i32 to index
        %parallel_loop3A_439 = arith.constant 16 : index
        %parallel_loop3A_440 = tpu.vector_load %parallel_loop3A_437[%parallel_loop3A_438, %parallel_loop3A_439] {strides = array<i32>} : memref<128x128xf32, #tpu.memory_space<vmem>>, vector<1x16xf32>,
        %parallel_loop3A_441 = vector.shape_cast %parallel_loop3A_440 : vector<1x16xf32> to vector<16xf32>
        %parallel_loop3A_442 = arith.constant 0 : i32
        %parallel_loop3A_443 = arith.constant 0 : i32
        %parallel_loop3A_444 = tpu.memref_slice %arg8[%parallel_loop3A_349, %parallel_loop3A_442, %parallel_loop3A_443] : memref<5x128x128xf32, #tpu.memory_space<vmem>> -> memref<1x128x128xf32, #tpu.memory_space<vmem>>
        %parallel_loop3A_445 = tpu.memref_squeeze %parallel_loop3A_444 : memref<1x128x128xf32, #tpu.memory_space<vmem>> -> memref<128x128xf32, #tpu.memory_space<vmem>>
        %parallel_loop3A_446 = arith.index_cast %parallel_loop3A_425 : i32 to index
        %parallel_loop3A_447 = arith.constant 32 : index
        %parallel_loop3A_448 = tpu.vector_load %parallel_loop3A_445[%parallel_loop3A_446, %parallel_loop3A_447] {strides = array<i32>} : memref<128x128xf32, #tpu.memory_space<vmem>>, vector<1x16xf32>,
        %parallel_loop3A_449 = vector.shape_cast %parallel_loop3A_448 : vector<1x16xf32> to vector<16xf32>
        %parallel_loop3A_450 = arith.constant 0 : i32
        %parallel_loop3A_451 = arith.constant 0 : i32
        %parallel_loop3A_452 = tpu.memref_slice %arg8[%parallel_loop3A_349, %parallel_loop3A_450, %parallel_loop3A_451] : memref<5x128x128xf32, #tpu.memory_space<vmem>> -> memref<1x128x128xf32, #tpu.memory_space<vmem>>
        %parallel_loop3A_453 = tpu.memref_squeeze %parallel_loop3A_452 : memref<1x128x128xf32, #tpu.memory_space<vmem>> -> memref<128x128xf32, #tpu.memory_space<vmem>>
        %parallel_loop3A_454 = arith.index_cast %parallel_loop3A_425 : i32 to index
        %parallel_loop3A_455 = arith.constant 48 : index
        %parallel_loop3A_456 = tpu.vector_load %parallel_loop3A_453[%parallel_loop3A_454, %parallel_loop3A_455] {strides = array<i32>} : memref<128x128xf32, #tpu.memory_space<vmem>>, vector<1x16xf32>,
        %parallel_loop3A_457 = vector.shape_cast %parallel_loop3A_456 : vector<1x16xf32> to vector<16xf32>
        %parallel_loop3A_458 = arith.constant 0 : i32
        %parallel_loop3A_459 = arith.constant 0 : i32
        %parallel_loop3A_460 = tpu.memref_slice %arg8[%parallel_loop3A_349, %parallel_loop3A_458, %parallel_loop3A_459] : memref<5x128x128xf32, #tpu.memory_space<vmem>> -> memref<1x128x128xf32, #tpu.memory_space<vmem>>
        %parallel_loop3A_461 = tpu.memref_squeeze %parallel_loop3A_460 : memref<1x128x128xf32, #tpu.memory_space<vmem>> -> memref<128x128xf32, #tpu.memory_space<vmem>>
        %parallel_loop3A_462 = arith.index_cast %parallel_loop3A_425 : i32 to index
        %parallel_loop3A_463 = arith.constant 64 : index
        %parallel_loop3A_464 = tpu.vector_load %parallel_loop3A_461[%parallel_loop3A_462, %parallel_loop3A_463] {strides = array<i32>} : memref<128x128xf32, #tpu.memory_space<vmem>>, vector<1x16xf32>,
        %parallel_loop3A_465 = vector.shape_cast %parallel_loop3A_464 : vector<1x16xf32> to vector<16xf32>
        %parallel_loop3A_466 = arith.constant 0 : i32
        %parallel_loop3A_467 = arith.constant 0 : i32
        %parallel_loop3A_468 = tpu.memref_slice %arg8[%parallel_loop3A_349, %parallel_loop3A_466, %parallel_loop3A_467] : memref<5x128x128xf32, #tpu.memory_space<vmem>> -> memref<1x128x128xf32, #tpu.memory_space<vmem>>
        %parallel_loop3A_469 = tpu.memref_squeeze %parallel_loop3A_468 : memref<1x128x128xf32, #tpu.memory_space<vmem>> -> memref<128x128xf32, #tpu.memory_space<vmem>>
        %parallel_loop3A_470 = arith.index_cast %parallel_loop3A_425 : i32 to index
        %parallel_loop3A_471 = arith.constant 80 : index
        %parallel_loop3A_472 = tpu.vector_load %parallel_loop3A_469[%parallel_loop3A_470, %parallel_loop3A_471] {strides = array<i32>} : memref<128x128xf32, #tpu.memory_space<vmem>>, vector<1x16xf32>,
        %parallel_loop3A_473 = vector.shape_cast %parallel_loop3A_472 : vector<1x16xf32> to vector<16xf32>
        %parallel_loop3A_474 = arith.constant 0 : i32
        %parallel_loop3A_475 = arith.constant 0 : i32
        %parallel_loop3A_476 = tpu.memref_slice %arg8[%parallel_loop3A_349, %parallel_loop3A_474, %parallel_loop3A_475] : memref<5x128x128xf32, #tpu.memory_space<vmem>> -> memref<1x128x128xf32, #tpu.memory_space<vmem>>
        %parallel_loop3A_477 = tpu.memref_squeeze %parallel_loop3A_476 : memref<1x128x128xf32, #tpu.memory_space<vmem>> -> memref<128x128xf32, #tpu.memory_space<vmem>>
        %parallel_loop3A_478 = arith.index_cast %parallel_loop3A_425 : i32 to index
        %parallel_loop3A_479 = arith.constant 96 : index
        %parallel_loop3A_480 = tpu.vector_load %parallel_loop3A_477[%parallel_loop3A_478, %parallel_loop3A_479] {strides = array<i32>} : memref<128x128xf32, #tpu.memory_space<vmem>>, vector<1x16xf32>,
        %parallel_loop3A_481 = vector.shape_cast %parallel_loop3A_480 : vector<1x16xf32> to vector<16xf32>
        %parallel_loop3A_482 = arith.constant 0 : i32
        %parallel_loop3A_483 = arith.constant 0 : i32
        %parallel_loop3A_484 = tpu.memref_slice %arg8[%parallel_loop3A_349, %parallel_loop3A_482, %parallel_loop3A_483] : memref<5x128x128xf32, #tpu.memory_space<vmem>> -> memref<1x128x128xf32, #tpu.memory_space<vmem>>
        %parallel_loop3A_485 = tpu.memref_squeeze %parallel_loop3A_484 : memref<1x128x128xf32, #tpu.memory_space<vmem>> -> memref<128x128xf32, #tpu.memory_space<vmem>>
        %parallel_loop3A_486 = arith.index_cast %parallel_loop3A_425 : i32 to index
        %parallel_loop3A_487 = arith.constant 112 : index
        %parallel_loop3A_488 = tpu.vector_load %parallel_loop3A_485[%parallel_loop3A_486, %parallel_loop3A_487] {strides = array<i32>} : memref<128x128xf32, #tpu.memory_space<vmem>>, vector<1x16xf32>,
        %parallel_loop3A_489 = vector.shape_cast %parallel_loop3A_488 : vector<1x16xf32> to vector<16xf32>
        %parallel_loop3A_490 = arith.mulf %parallel_loop3A_433, %parallel_loop3A_433 : vector<16xf32>
        %parallel_loop3A_491 = arith.mulf %parallel_loop3A_441, %parallel_loop3A_441 : vector<16xf32>
        %parallel_loop3A_492 = arith.mulf %parallel_loop3A_449, %parallel_loop3A_449 : vector<16xf32>
        %parallel_loop3A_493 = arith.mulf %parallel_loop3A_457, %parallel_loop3A_457 : vector<16xf32>
        %parallel_loop3A_494 = arith.mulf %parallel_loop3A_465, %parallel_loop3A_465 : vector<16xf32>
        %parallel_loop3A_495 = arith.mulf %parallel_loop3A_473, %parallel_loop3A_473 : vector<16xf32>
        %parallel_loop3A_496 = arith.mulf %parallel_loop3A_481, %parallel_loop3A_481 : vector<16xf32>
        %parallel_loop3A_497 = arith.mulf %parallel_loop3A_489, %parallel_loop3A_489 : vector<16xf32>
        %parallel_loop3A_498 = arith.addf %parallel_loop3A_433, %parallel_loop3A_441 : vector<16xf32>
        %parallel_loop3A_499 = arith.addf %parallel_loop3A_449, %parallel_loop3A_457 : vector<16xf32>
        %parallel_loop3A_500 = arith.addf %parallel_loop3A_465, %parallel_loop3A_473 : vector<16xf32>
        %parallel_loop3A_501 = arith.addf %parallel_loop3A_481, %parallel_loop3A_489 : vector<16xf32>
        %parallel_loop3A_502 = arith.addf %parallel_loop3A_490, %parallel_loop3A_491 : vector<16xf32>
        %parallel_loop3A_503 = arith.addf %parallel_loop3A_492, %parallel_loop3A_493 : vector<16xf32>
        %parallel_loop3A_504 = arith.addf %parallel_loop3A_494, %parallel_loop3A_495 : vector<16xf32>
        %parallel_loop3A_505 = arith.addf %parallel_loop3A_496, %parallel_loop3A_497 : vector<16xf32>
        %parallel_loop3A_506 = arith.addf %parallel_loop3A_498, %parallel_loop3A_499 : vector<16xf32>
        %parallel_loop3A_507 = arith.addf %parallel_loop3A_500, %parallel_loop3A_501 : vector<16xf32>
        %parallel_loop3A_508 = arith.addf %parallel_loop3A_502, %parallel_loop3A_503 : vector<16xf32>
        %parallel_loop3A_509 = arith.addf %parallel_loop3A_504, %parallel_loop3A_505 : vector<16xf32>
        %parallel_loop3A_510 = arith.addf %parallel_loop3A_506, %parallel_loop3A_507 : vector<16xf32>
        %parallel_loop3A_511 = arith.addf %parallel_loop3A_508, %parallel_loop3A_509 : vector<16xf32>
        %parallel_loop3A_512 = vector.shape_cast %xor3A_4 : vector<16xi32> to vector<16x1xi32>
        %parallel_loop3A_513 = vector.shape_cast %parallel_loop3A_512 : vector<16x1xi32> to vector<16xi32>
        %parallel_loop3A_514 = tpu.dynamic_gather %parallel_loop3A_510[%parallel_loop3A_513] in [0] : vector<16xf32>, vector<16xi32> -> vector<16xf32>
        %parallel_loop3A_515 = arith.addf %parallel_loop3A_510, %parallel_loop3A_514 : vector<16xf32>
        %parallel_loop3A_516 = vector.shape_cast %xor3A_7 : vector<16xi32> to vector<16x1xi32>
        %parallel_loop3A_517 = vector.shape_cast %parallel_loop3A_516 : vector<16x1xi32> to vector<16xi32>
        %parallel_loop3A_518 = tpu.dynamic_gather %parallel_loop3A_515[%parallel_loop3A_517] in [0] : vector<16xf32>, vector<16xi32> -> vector<16xf32>
        %parallel_loop3A_519 = arith.addf %parallel_loop3A_515, %parallel_loop3A_518 : vector<16xf32>
        %parallel_loop3A_520 = vector.shape_cast %xor3A_10 : vector<16xi32> to vector<16x1xi32>
        %parallel_loop3A_521 = vector.shape_cast %parallel_loop3A_520 : vector<16x1xi32> to vector<16xi32>
        %parallel_loop3A_522 = tpu.dynamic_gather %parallel_loop3A_519[%parallel_loop3A_521] in [0] : vector<16xf32>, vector<16xi32> -> vector<16xf32>
        %parallel_loop3A_523 = arith.addf %parallel_loop3A_519, %parallel_loop3A_522 : vector<16xf32>
        %parallel_loop3A_524 = vector.shape_cast %xor3A_13 : vector<16xi32> to vector<16x1xi32>
        %parallel_loop3A_525 = vector.shape_cast %parallel_loop3A_524 : vector<16x1xi32> to vector<16xi32>
        %parallel_loop3A_526 = tpu.dynamic_gather %parallel_loop3A_523[%parallel_loop3A_525] in [0] : vector<16xf32>, vector<16xi32> -> vector<16xf32>
        %parallel_loop3A_527 = arith.addf %parallel_loop3A_523, %parallel_loop3A_526 : vector<16xf32>
        %parallel_loop3A_528 = arith.constant 7.812500e-03 : f32
        %parallel_loop3A_529 = vector.broadcast %parallel_loop3A_528 : f32 to vector<16xf32>
        %parallel_loop3A_530 = arith.mulf %parallel_loop3A_527, %parallel_loop3A_529 : vector<16xf32>
        %parallel_loop3A_531 = vector.shape_cast %xor3A_4 : vector<16xi32> to vector<16x1xi32>
        %parallel_loop3A_532 = vector.shape_cast %parallel_loop3A_531 : vector<16x1xi32> to vector<16xi32>
        %parallel_loop3A_533 = tpu.dynamic_gather %parallel_loop3A_511[%parallel_loop3A_532] in [0] : vector<16xf32>, vector<16xi32> -> vector<16xf32>
        %parallel_loop3A_534 = arith.addf %parallel_loop3A_511, %parallel_loop3A_533 : vector<16xf32>
        %parallel_loop3A_535 = vector.shape_cast %xor3A_7 : vector<16xi32> to vector<16x1xi32>
        %parallel_loop3A_536 = vector.shape_cast %parallel_loop3A_535 : vector<16x1xi32> to vector<16xi32>
        %parallel_loop3A_537 = tpu.dynamic_gather %parallel_loop3A_534[%parallel_loop3A_536] in [0] : vector<16xf32>, vector<16xi32> -> vector<16xf32>
        %parallel_loop3A_538 = arith.addf %parallel_loop3A_534, %parallel_loop3A_537 : vector<16xf32>
        %parallel_loop3A_539 = vector.shape_cast %xor3A_10 : vector<16xi32> to vector<16x1xi32>
        %parallel_loop3A_540 = vector.shape_cast %parallel_loop3A_539 : vector<16x1xi32> to vector<16xi32>
        %parallel_loop3A_541 = tpu.dynamic_gather %parallel_loop3A_538[%parallel_loop3A_540] in [0] : vector<16xf32>, vector<16xi32> -> vector<16xf32>
        %parallel_loop3A_542 = arith.addf %parallel_loop3A_538, %parallel_loop3A_541 : vector<16xf32>
        %parallel_loop3A_543 = vector.shape_cast %xor3A_13 : vector<16xi32> to vector<16x1xi32>
        %parallel_loop3A_544 = vector.shape_cast %parallel_loop3A_543 : vector<16x1xi32> to vector<16xi32>
        %parallel_loop3A_545 = tpu.dynamic_gather %parallel_loop3A_542[%parallel_loop3A_544] in [0] : vector<16xf32>, vector<16xi32> -> vector<16xf32>
        %parallel_loop3A_546 = arith.addf %parallel_loop3A_542, %parallel_loop3A_545 : vector<16xf32>
        %parallel_loop3A_547 = arith.constant 7.812500e-03 : f32
        %parallel_loop3A_548 = vector.broadcast %parallel_loop3A_547 : f32 to vector<16xf32>
        %parallel_loop3A_549 = arith.mulf %parallel_loop3A_546, %parallel_loop3A_548 : vector<16xf32>
        %parallel_loop3A_550 = arith.mulf %parallel_loop3A_530, %parallel_loop3A_530 : vector<16xf32>
        %parallel_loop3A_551 = arith.subf %parallel_loop3A_549, %parallel_loop3A_550 : vector<16xf32>
        %parallel_loop3A_552 = arith.constant 9.99999996E-13 : f32
        %parallel_loop3A_553 = vector.broadcast %parallel_loop3A_552 : f32 to vector<16xf32>
        %parallel_loop3A_554 = arith.addf %parallel_loop3A_551, %parallel_loop3A_553 : vector<16xf32>
        %parallel_loop3A_555 = tpu.bitcast %parallel_loop3A_554 : vector<16xf32> -> vector<16xi32>
        %parallel_loop3A_556 = arith.constant 1 : i32
        %parallel_loop3A_557 = vector.broadcast %parallel_loop3A_556 : i32 to vector<16xi32>
        %parallel_loop3A_558 = arith.shrsi %parallel_loop3A_555, %parallel_loop3A_557 : vector<16xi32>
        %parallel_loop3A_559 = arith.constant 1597463007 : i32
        %parallel_loop3A_560 = vector.broadcast %parallel_loop3A_559 : i32 to vector<16xi32>
        %parallel_loop3A_561 = arith.subi %parallel_loop3A_560, %parallel_loop3A_558 : vector<16xi32>
        %parallel_loop3A_562 = tpu.bitcast %parallel_loop3A_561 : vector<16xi32> -> vector<16xf32>
        %parallel_loop3A_563 = arith.constant 5.000000e-01 : f32
        %parallel_loop3A_564 = vector.broadcast %parallel_loop3A_563 : f32 to vector<16xf32>
        %parallel_loop3A_565 = arith.mulf %parallel_loop3A_564, %parallel_loop3A_554 : vector<16xf32>
        %parallel_loop3A_566 = arith.mulf %parallel_loop3A_565, %parallel_loop3A_562 : vector<16xf32>
        %parallel_loop3A_567 = arith.mulf %parallel_loop3A_566, %parallel_loop3A_562 : vector<16xf32>
        %parallel_loop3A_568 = arith.constant 1.500000e+00 : f32
        %parallel_loop3A_569 = vector.broadcast %parallel_loop3A_568 : f32 to vector<16xf32>
        %parallel_loop3A_570 = arith.subf %parallel_loop3A_569, %parallel_loop3A_567 : vector<16xf32>
        %parallel_loop3A_571 = arith.mulf %parallel_loop3A_562, %parallel_loop3A_570 : vector<16xf32>
        %parallel_loop3A_572 = arith.constant 5.000000e-01 : f32
        %parallel_loop3A_573 = vector.broadcast %parallel_loop3A_572 : f32 to vector<16xf32>
        %parallel_loop3A_574 = arith.mulf %parallel_loop3A_573, %parallel_loop3A_554 : vector<16xf32>
        %parallel_loop3A_575 = arith.mulf %parallel_loop3A_574, %parallel_loop3A_571 : vector<16xf32>
        %parallel_loop3A_576 = arith.mulf %parallel_loop3A_575, %parallel_loop3A_571 : vector<16xf32>
        %parallel_loop3A_577 = arith.constant 1.500000e+00 : f32
        %parallel_loop3A_578 = vector.broadcast %parallel_loop3A_577 : f32 to vector<16xf32>
        %parallel_loop3A_579 = arith.subf %parallel_loop3A_578, %parallel_loop3A_576 : vector<16xf32>
        %parallel_loop3A_580 = arith.mulf %parallel_loop3A_571, %parallel_loop3A_579 : vector<16xf32>
        %parallel_loop3A_581 = arith.mulf %parallel_loop3A_580, %get3A_15 : vector<16xf32>
        %parallel_loop3A_582 = arith.subf %parallel_loop3A_433, %parallel_loop3A_530 : vector<16xf32>
        %parallel_loop3A_583 = arith.mulf %parallel_loop3A_582, %parallel_loop3A_581 : vector<16xf32>
        %parallel_loop3A_584 = arith.addf %parallel_loop3A_583, %get3A_39 : vector<16xf32>
        %parallel_loop3A_585 = arith.constant 0 : i32
        %parallel_loop3A_586 = arith.constant 0 : i32
        %parallel_loop3A_587 = tpu.memref_slice %arg8[%parallel_loop3A_349, %parallel_loop3A_585, %parallel_loop3A_586] : memref<5x128x128xf32, #tpu.memory_space<vmem>> -> memref<1x128x128xf32, #tpu.memory_space<vmem>>
        %parallel_loop3A_588 = tpu.memref_squeeze %parallel_loop3A_587 : memref<1x128x128xf32, #tpu.memory_space<vmem>> -> memref<128x128xf32, #tpu.memory_space<vmem>>
        %parallel_loop3A_589 = arith.index_cast %parallel_loop3A_425 : i32 to index
        %parallel_loop3A_590 = arith.constant 0 : index
        %parallel_loop3A_591 = tpu.vector_load %parallel_loop3A_588[%parallel_loop3A_589, %parallel_loop3A_590] {strides = array<i32>} : memref<128x128xf32, #tpu.memory_space<vmem>>, vector<1x16xf32>,
        %parallel_loop3A_592 = vector.shape_cast %parallel_loop3A_591 : vector<1x16xf32> to vector<16xf32>
        %parallel_loop3A_593 = vector.shape_cast %parallel_loop3A_584 : vector<16xf32> to vector<1x16xf32>
        tpu.vector_store %parallel_loop3A_588[%parallel_loop3A_589, %parallel_loop3A_590], %parallel_loop3A_593 {strides = array<i32>} : memref<128x128xf32, #tpu.memory_space<vmem>>, vector<1x16xf32>,
        %parallel_loop3A_594 = arith.mulf %parallel_loop3A_580, %get3A_18 : vector<16xf32>
        %parallel_loop3A_595 = arith.subf %parallel_loop3A_441, %parallel_loop3A_530 : vector<16xf32>
        %parallel_loop3A_596 = arith.mulf %parallel_loop3A_595, %parallel_loop3A_594 : vector<16xf32>
        %parallel_loop3A_597 = arith.addf %parallel_loop3A_596, %get3A_42 : vector<16xf32>
        %parallel_loop3A_598 = arith.constant 0 : i32
        %parallel_loop3A_599 = arith.constant 0 : i32
        %parallel_loop3A_600 = tpu.memref_slice %arg8[%parallel_loop3A_349, %parallel_loop3A_598, %parallel_loop3A_599] : memref<5x128x128xf32, #tpu.memory_space<vmem>> -> memref<1x128x128xf32, #tpu.memory_space<vmem>>
        %parallel_loop3A_601 = tpu.memref_squeeze %parallel_loop3A_600 : memref<1x128x128xf32, #tpu.memory_space<vmem>> -> memref<128x128xf32, #tpu.memory_space<vmem>>
        %parallel_loop3A_602 = arith.index_cast %parallel_loop3A_425 : i32 to index
        %parallel_loop3A_603 = arith.constant 16 : index
        %parallel_loop3A_604 = tpu.vector_load %parallel_loop3A_601[%parallel_loop3A_602, %parallel_loop3A_603] {strides = array<i32>} : memref<128x128xf32, #tpu.memory_space<vmem>>, vector<1x16xf32>,
        %parallel_loop3A_605 = vector.shape_cast %parallel_loop3A_604 : vector<1x16xf32> to vector<16xf32>
        %parallel_loop3A_606 = vector.shape_cast %parallel_loop3A_597 : vector<16xf32> to vector<1x16xf32>
        tpu.vector_store %parallel_loop3A_601[%parallel_loop3A_602, %parallel_loop3A_603], %parallel_loop3A_606 {strides = array<i32>} : memref<128x128xf32, #tpu.memory_space<vmem>>, vector<1x16xf32>,
        %parallel_loop3A_607 = arith.mulf %parallel_loop3A_580, %get3A_21 : vector<16xf32>
        %parallel_loop3A_608 = arith.subf %parallel_loop3A_449, %parallel_loop3A_530 : vector<16xf32>
        %parallel_loop3A_609 = arith.mulf %parallel_loop3A_608, %parallel_loop3A_607 : vector<16xf32>
        %parallel_loop3A_610 = arith.addf %parallel_loop3A_609, %get3A_45 : vector<16xf32>
        %parallel_loop3A_611 = arith.constant 0 : i32
        %parallel_loop3A_612 = arith.constant 0 : i32
        %parallel_loop3A_613 = tpu.memref_slice %arg8[%parallel_loop3A_349, %parallel_loop3A_611, %parallel_loop3A_612] : memref<5x128x128xf32, #tpu.memory_space<vmem>> -> memref<1x128x128xf32, #tpu.memory_space<vmem>>
        %parallel_loop3A_614 = tpu.memref_squeeze %parallel_loop3A_613 : memref<1x128x128xf32, #tpu.memory_space<vmem>> -> memref<128x128xf32, #tpu.memory_space<vmem>>
        %parallel_loop3A_615 = arith.index_cast %parallel_loop3A_425 : i32 to index
        %parallel_loop3A_616 = arith.constant 32 : index
        %parallel_loop3A_617 = tpu.vector_load %parallel_loop3A_614[%parallel_loop3A_615, %parallel_loop3A_616] {strides = array<i32>} : memref<128x128xf32, #tpu.memory_space<vmem>>, vector<1x16xf32>,
        %parallel_loop3A_618 = vector.shape_cast %parallel_loop3A_617 : vector<1x16xf32> to vector<16xf32>
        %parallel_loop3A_619 = vector.shape_cast %parallel_loop3A_610 : vector<16xf32> to vector<1x16xf32>
        tpu.vector_store %parallel_loop3A_614[%parallel_loop3A_615, %parallel_loop3A_616], %parallel_loop3A_619 {strides = array<i32>} : memref<128x128xf32, #tpu.memory_space<vmem>>, vector<1x16xf32>,
        %parallel_loop3A_620 = arith.mulf %parallel_loop3A_580, %get3A_24 : vector<16xf32>
        %parallel_loop3A_621 = arith.subf %parallel_loop3A_457, %parallel_loop3A_530 : vector<16xf32>
        %parallel_loop3A_622 = arith.mulf %parallel_loop3A_621, %parallel_loop3A_620 : vector<16xf32>
        %parallel_loop3A_623 = arith.addf %parallel_loop3A_622, %get3A_48 : vector<16xf32>
        %parallel_loop3A_624 = arith.constant 0 : i32
        %parallel_loop3A_625 = arith.constant 0 : i32
        %parallel_loop3A_626 = tpu.memref_slice %arg8[%parallel_loop3A_349, %parallel_loop3A_624, %parallel_loop3A_625] : memref<5x128x128xf32, #tpu.memory_space<vmem>> -> memref<1x128x128xf32, #tpu.memory_space<vmem>>
        %parallel_loop3A_627 = tpu.memref_squeeze %parallel_loop3A_626 : memref<1x128x128xf32, #tpu.memory_space<vmem>> -> memref<128x128xf32, #tpu.memory_space<vmem>>
        %parallel_loop3A_628 = arith.index_cast %parallel_loop3A_425 : i32 to index
        %parallel_loop3A_629 = arith.constant 48 : index
        %parallel_loop3A_630 = tpu.vector_load %parallel_loop3A_627[%parallel_loop3A_628, %parallel_loop3A_629] {strides = array<i32>} : memref<128x128xf32, #tpu.memory_space<vmem>>, vector<1x16xf32>,
        %parallel_loop3A_631 = vector.shape_cast %parallel_loop3A_630 : vector<1x16xf32> to vector<16xf32>
        %parallel_loop3A_632 = vector.shape_cast %parallel_loop3A_623 : vector<16xf32> to vector<1x16xf32>
        tpu.vector_store %parallel_loop3A_627[%parallel_loop3A_628, %parallel_loop3A_629], %parallel_loop3A_632 {strides = array<i32>} : memref<128x128xf32, #tpu.memory_space<vmem>>, vector<1x16xf32>,
        %parallel_loop3A_633 = arith.mulf %parallel_loop3A_580, %get3A_27 : vector<16xf32>
        %parallel_loop3A_634 = arith.subf %parallel_loop3A_465, %parallel_loop3A_530 : vector<16xf32>
        %parallel_loop3A_635 = arith.mulf %parallel_loop3A_634, %parallel_loop3A_633 : vector<16xf32>
        %parallel_loop3A_636 = arith.addf %parallel_loop3A_635, %get3A_51 : vector<16xf32>
        %parallel_loop3A_637 = arith.constant 0 : i32
        %parallel_loop3A_638 = arith.constant 0 : i32
        %parallel_loop3A_639 = tpu.memref_slice %arg8[%parallel_loop3A_349, %parallel_loop3A_637, %parallel_loop3A_638] : memref<5x128x128xf32, #tpu.memory_space<vmem>> -> memref<1x128x128xf32, #tpu.memory_space<vmem>>
        %parallel_loop3A_640 = tpu.memref_squeeze %parallel_loop3A_639 : memref<1x128x128xf32, #tpu.memory_space<vmem>> -> memref<128x128xf32, #tpu.memory_space<vmem>>
        %parallel_loop3A_641 = arith.index_cast %parallel_loop3A_425 : i32 to index
        %parallel_loop3A_642 = arith.constant 64 : index
        %parallel_loop3A_643 = tpu.vector_load %parallel_loop3A_640[%parallel_loop3A_641, %parallel_loop3A_642] {strides = array<i32>} : memref<128x128xf32, #tpu.memory_space<vmem>>, vector<1x16xf32>,
        %parallel_loop3A_644 = vector.shape_cast %parallel_loop3A_643 : vector<1x16xf32> to vector<16xf32>
        %parallel_loop3A_645 = vector.shape_cast %parallel_loop3A_636 : vector<16xf32> to vector<1x16xf32>
        tpu.vector_store %parallel_loop3A_640[%parallel_loop3A_641, %parallel_loop3A_642], %parallel_loop3A_645 {strides = array<i32>} : memref<128x128xf32, #tpu.memory_space<vmem>>, vector<1x16xf32>,
        %parallel_loop3A_646 = arith.mulf %parallel_loop3A_580, %get3A_30 : vector<16xf32>
        %parallel_loop3A_647 = arith.subf %parallel_loop3A_473, %parallel_loop3A_530 : vector<16xf32>
        %parallel_loop3A_648 = arith.mulf %parallel_loop3A_647, %parallel_loop3A_646 : vector<16xf32>
        %parallel_loop3A_649 = arith.addf %parallel_loop3A_648, %get3A_54 : vector<16xf32>
        %parallel_loop3A_650 = arith.constant 0 : i32
        %parallel_loop3A_651 = arith.constant 0 : i32
        %parallel_loop3A_652 = tpu.memref_slice %arg8[%parallel_loop3A_349, %parallel_loop3A_650, %parallel_loop3A_651] : memref<5x128x128xf32, #tpu.memory_space<vmem>> -> memref<1x128x128xf32, #tpu.memory_space<vmem>>
        %parallel_loop3A_653 = tpu.memref_squeeze %parallel_loop3A_652 : memref<1x128x128xf32, #tpu.memory_space<vmem>> -> memref<128x128xf32, #tpu.memory_space<vmem>>
        %parallel_loop3A_654 = arith.index_cast %parallel_loop3A_425 : i32 to index
        %parallel_loop3A_655 = arith.constant 80 : index
        %parallel_loop3A_656 = tpu.vector_load %parallel_loop3A_653[%parallel_loop3A_654, %parallel_loop3A_655] {strides = array<i32>} : memref<128x128xf32, #tpu.memory_space<vmem>>, vector<1x16xf32>,
        %parallel_loop3A_657 = vector.shape_cast %parallel_loop3A_656 : vector<1x16xf32> to vector<16xf32>
        %parallel_loop3A_658 = vector.shape_cast %parallel_loop3A_649 : vector<16xf32> to vector<1x16xf32>
        tpu.vector_store %parallel_loop3A_653[%parallel_loop3A_654, %parallel_loop3A_655], %parallel_loop3A_658 {strides = array<i32>} : memref<128x128xf32, #tpu.memory_space<vmem>>, vector<1x16xf32>,
        %parallel_loop3A_659 = arith.mulf %parallel_loop3A_580, %get3A_33 : vector<16xf32>
        %parallel_loop3A_660 = arith.subf %parallel_loop3A_481, %parallel_loop3A_530 : vector<16xf32>
        %parallel_loop3A_661 = arith.mulf %parallel_loop3A_660, %parallel_loop3A_659 : vector<16xf32>
        %parallel_loop3A_662 = arith.addf %parallel_loop3A_661, %get3A_57 : vector<16xf32>
        %parallel_loop3A_663 = arith.constant 0 : i32
        %parallel_loop3A_664 = arith.constant 0 : i32
        %parallel_loop3A_665 = tpu.memref_slice %arg8[%parallel_loop3A_349, %parallel_loop3A_663, %parallel_loop3A_664] : memref<5x128x128xf32, #tpu.memory_space<vmem>> -> memref<1x128x128xf32, #tpu.memory_space<vmem>>
        %parallel_loop3A_666 = tpu.memref_squeeze %parallel_loop3A_665 : memref<1x128x128xf32, #tpu.memory_space<vmem>> -> memref<128x128xf32, #tpu.memory_space<vmem>>
        %parallel_loop3A_667 = arith.index_cast %parallel_loop3A_425 : i32 to index
        %parallel_loop3A_668 = arith.constant 96 : index
        %parallel_loop3A_669 = tpu.vector_load %parallel_loop3A_666[%parallel_loop3A_667, %parallel_loop3A_668] {strides = array<i32>} : memref<128x128xf32, #tpu.memory_space<vmem>>, vector<1x16xf32>,
        %parallel_loop3A_670 = vector.shape_cast %parallel_loop3A_669 : vector<1x16xf32> to vector<16xf32>
        %parallel_loop3A_671 = vector.shape_cast %parallel_loop3A_662 : vector<16xf32> to vector<1x16xf32>
        tpu.vector_store %parallel_loop3A_666[%parallel_loop3A_667, %parallel_loop3A_668], %parallel_loop3A_671 {strides = array<i32>} : memref<128x128xf32, #tpu.memory_space<vmem>>, vector<1x16xf32>,
        %parallel_loop3A_672 = arith.mulf %parallel_loop3A_580, %get3A_36 : vector<16xf32>
        %parallel_loop3A_673 = arith.subf %parallel_loop3A_489, %parallel_loop3A_530 : vector<16xf32>
        %parallel_loop3A_674 = arith.mulf %parallel_loop3A_673, %parallel_loop3A_672 : vector<16xf32>
        %parallel_loop3A_675 = arith.addf %parallel_loop3A_674, %get3A_60 : vector<16xf32>
        %parallel_loop3A_676 = arith.constant 0 : i32
        %parallel_loop3A_677 = arith.constant 0 : i32
        %parallel_loop3A_678 = tpu.memref_slice %arg8[%parallel_loop3A_349, %parallel_loop3A_676, %parallel_loop3A_677] : memref<5x128x128xf32, #tpu.memory_space<vmem>> -> memref<1x128x128xf32, #tpu.memory_space<vmem>>
        %parallel_loop3A_679 = tpu.memref_squeeze %parallel_loop3A_678 : memref<1x128x128xf32, #tpu.memory_space<vmem>> -> memref<128x128xf32, #tpu.memory_space<vmem>>
        %parallel_loop3A_680 = arith.index_cast %parallel_loop3A_425 : i32 to index
        %parallel_loop3A_681 = arith.constant 112 : index
        %parallel_loop3A_682 = tpu.vector_load %parallel_loop3A_679[%parallel_loop3A_680, %parallel_loop3A_681] {strides = array<i32>} : memref<128x128xf32, #tpu.memory_space<vmem>>, vector<1x16xf32>,
        %parallel_loop3A_683 = vector.shape_cast %parallel_loop3A_682 : vector<1x16xf32> to vector<16xf32>
        %parallel_loop3A_684 = vector.shape_cast %parallel_loop3A_675 : vector<16xf32> to vector<1x16xf32>
        tpu.vector_store %parallel_loop3A_679[%parallel_loop3A_680, %parallel_loop3A_681], %parallel_loop3A_684 {strides = array<i32>} : memref<128x128xf32, #tpu.memory_space<vmem>>, vector<1x16xf32>,
      } {sc.loop_unroll_factor = 1 : i64, sc.parallel_access}
      %mul3A_350 = arith.constant 128 : i32
      %mul3A_351 = arith.muli %add3A_314, %mul3A_350 : i32
      %add3A_352 = arith.addi %mul3A_2, %mul3A_351 : i32
      %dma_start3A_353 = arith.constant 3 : i32
      %dma_start3A_354 = arith.constant 3 : i32
      %dma_start3A_355 = arith.constant 0 : i32
      %dma_start3A_356 = arith.constant 0 : i32
      %dma_start3A_357 = tpu.memref_slice %arg8[%dma_start3A_353, %dma_start3A_355, %dma_start3A_356] : memref<5x128x128xf32, #tpu.memory_space<vmem>> -> memref<1x128x128xf32, #tpu.memory_space<vmem>>
      %dma_start3A_358 = tpu.memref_squeeze %dma_start3A_357 : memref<1x128x128xf32, #tpu.memory_space<vmem>> -> memref<128x128xf32, #tpu.memory_space<vmem>>
      %dma_start3A_359 = arith.constant 0 : i32
      %dma_start3A_360 = tpu.memref_slice %arg6[%add3A_352, %dma_start3A_359] : memref<204800x128xf32, #tpu.memory_space<hbm>> -> memref<128x128xf32, #tpu.memory_space<hbm>>
      %dma_start3A_361 = tpu.memref_slice %arg12[%dma_start3A_354] : memref<5x!tpu.dma_semaphore, #tpu.memory_space<semaphore_mem>> -> memref<1x!tpu.dma_semaphore, #tpu.memory_space<semaphore_mem>>
      %dma_start3A_362 = tpu.memref_squeeze %dma_start3A_361 : memref<1x!tpu.dma_semaphore, #tpu.memory_space<semaphore_mem>> -> memref<!tpu.dma_semaphore, #tpu.memory_space<semaphore_mem>>
      %dma_start3A_363 = arith.constant 0 : i32
      %dma_start3A_364 = tpu.memref_slice %arg6[%add3A_352, %dma_start3A_363] : memref<204800x128xf32, #tpu.memory_space<hbm>> -> memref<128x128xf32, #tpu.memory_space<hbm>>
      %dma_start3A_365 = arith.constant 0 : i32
      %dma_start3A_366 = arith.constant 0 : i32
      %dma_start3A_367 = tpu.memref_slice %arg8[%dma_start3A_353, %dma_start3A_365, %dma_start3A_366] : memref<5x128x128xf32, #tpu.memory_space<vmem>> -> memref<1x128x128xf32, #tpu.memory_space<vmem>>
      %dma_start3A_368 = tpu.memref_squeeze %dma_start3A_367 : memref<1x128x128xf32, #tpu.memory_space<vmem>> -> memref<128x128xf32, #tpu.memory_space<vmem>>
      tpu.enqueue_dma source(%dma_start3A_368 : memref<128x128xf32, #tpu.memory_space<vmem>>) target(%dma_start3A_364 : memref<128x128xf32, #tpu.memory_space<hbm>>) target_semaphore(%dma_start3A_362 : memref<!tpu.dma_semaphore, #tpu.memory_space<semaphore_mem>>)
      %add3A_369 = arith.constant 4 : i32
      %add3A_370 = arith.addi %mul3A_150, %add3A_369 : i32
      %add3A_371 = arith.constant 2 : i32
      %add3A_372 = arith.addi %add3A_370, %add3A_371 : i32
      %sub3A_373 = arith.constant 5 : i32
      %sub3A_374 = arith.subi %add3A_372, %sub3A_373 : i32
      %ge3A_375 = arith.constant 0 : i32
      %ge3A_376 = arith.cmpi sge, %sub3A_374, %ge3A_375 : i32
      %convert_element_type3A_377 = arith.extui %ge3A_376 : i1 to i32
      %cond3A_378 = arith.constant 0 : i32
      %cond3A_379 = arith.cmpi ne, %convert_element_type3A_377, %cond3A_378 : i32
      scf.if %cond3A_379 {
        %dma_wait3A_425 = arith.constant 1 : i32
        %dma_wait3A_426 = arith.constant 1 : i32
        %dma_wait3A_427 = arith.constant 0 : i32
        %dma_wait3A_428 = arith.constant 0 : i32
        %dma_wait3A_429 = tpu.memref_slice %arg8[%dma_wait3A_425, %dma_wait3A_427, %dma_wait3A_428] : memref<5x128x128xf32, #tpu.memory_space<vmem>> -> memref<1x128x128xf32, #tpu.memory_space<vmem>>
        %dma_wait3A_430 = tpu.memref_squeeze %dma_wait3A_429 : memref<1x128x128xf32, #tpu.memory_space<vmem>> -> memref<128x128xf32, #tpu.memory_space<vmem>>
        %dma_wait3A_431 = arith.constant 0 : i32
        %dma_wait3A_432 = arith.constant 0 : i32
        %dma_wait3A_433 = tpu.memref_slice %arg6[%dma_wait3A_431, %dma_wait3A_432] : memref<204800x128xf32, #tpu.memory_space<hbm>> -> memref<128x128xf32, #tpu.memory_space<hbm>>
        %dma_wait3A_434 = tpu.memref_slice %arg12[%dma_wait3A_426] : memref<5x!tpu.dma_semaphore, #tpu.memory_space<semaphore_mem>> -> memref<1x!tpu.dma_semaphore, #tpu.memory_space<semaphore_mem>>
        %dma_wait3A_435 = tpu.memref_squeeze %dma_wait3A_434 : memref<1x!tpu.dma_semaphore, #tpu.memory_space<semaphore_mem>> -> memref<!tpu.dma_semaphore, #tpu.memory_space<semaphore_mem>>
        %dma_wait3A_436 = arith.constant 0 : i32
        %dma_wait3A_437 = arith.constant 0 : i32
        %dma_wait3A_438 = tpu.memref_slice %arg6[%dma_wait3A_436, %dma_wait3A_437] : memref<204800x128xf32, #tpu.memory_space<hbm>> -> memref<128x128xf32, #tpu.memory_space<hbm>>
        %dma_wait3A_439 = arith.constant 0 : i32
        %dma_wait3A_440 = arith.constant 0 : i32
        %dma_wait3A_441 = tpu.memref_slice %arg8[%dma_wait3A_425, %dma_wait3A_439, %dma_wait3A_440] : memref<5x128x128xf32, #tpu.memory_space<vmem>> -> memref<1x128x128xf32, #tpu.memory_space<vmem>>
        %dma_wait3A_442 = tpu.memref_squeeze %dma_wait3A_441 : memref<1x128x128xf32, #tpu.memory_space<vmem>> -> memref<128x128xf32, #tpu.memory_space<vmem>>
        tpu.wait_dma2 semaphore(%dma_wait3A_435 : memref<!tpu.dma_semaphore, #tpu.memory_space<semaphore_mem>>) src(%dma_wait3A_442 : memref<128x128xf32, #tpu.memory_space<vmem>>) dst(%dma_wait3A_438 : memref<128x128xf32, #tpu.memory_space<hbm>>)
      } else {
      }
      %add3A_380 = arith.constant 2 : i32
      %add3A_381 = arith.addi %add3A_370, %add3A_380 : i32
      %lt3A_382 = arith.constant 50 : i32
      %lt3A_383 = arith.cmpi slt, %add3A_381, %lt3A_382 : i32
      %convert_element_type3A_384 = arith.extui %lt3A_383 : i1 to i32
      %cond3A_385 = arith.constant 0 : i32
      %cond3A_386 = arith.cmpi ne, %convert_element_type3A_384, %cond3A_385 : i32
      scf.if %cond3A_386 {
        %add3A_425 = arith.constant 2 : i32
        %add3A_426 = arith.addi %add3A_370, %add3A_425 : i32
        %dma_start3A_427 = arith.constant 1 : i32
        %dma_start3A_428 = arith.constant 1 : i32
        %dma_start3A_429 = arith.constant 0 : i32
        %dma_start3A_430 = arith.constant 0 : i32
        %dma_start3A_431 = tpu.memref_slice %arg8[%dma_start3A_427, %dma_start3A_429, %dma_start3A_430] : memref<5x128x128xf32, #tpu.memory_space<vmem>> -> memref<1x128x128xf32, #tpu.memory_space<vmem>>
        %dma_start3A_432 = tpu.memref_squeeze %dma_start3A_431 : memref<1x128x128xf32, #tpu.memory_space<vmem>> -> memref<128x128xf32, #tpu.memory_space<vmem>>
        %dma_start3A_433 = arith.constant 0 : i32
        %dma_start3A_434 = tpu.memref_slice %arg7[%add3A_426, %dma_start3A_433] : memref<50x128xi32, #tpu.memory_space<vmem>> -> memref<1x128xi32, #tpu.memory_space<vmem>>
        %dma_start3A_435 = tpu.memref_squeeze %dma_start3A_434 : memref<1x128xi32, #tpu.memory_space<vmem>> -> memref<128xi32, #tpu.memory_space<vmem>>
        %dma_start3A_436 = arith.constant 0 : i32
        %dma_start3A_437 = arith.constant 0 : i32
        %dma_start3A_438 = tpu.memref_slice %arg3[%dma_start3A_436, %dma_start3A_437] : memref<100000x128xf32, #tpu.memory_space<hbm>> -> memref<100000x128xf32, #tpu.memory_space<hbm>>
        %dma_start3A_439 = tpu.memref_slice %arg11[%dma_start3A_428] : memref<5x!tpu.dma_semaphore, #tpu.memory_space<semaphore_mem>> -> memref<1x!tpu.dma_semaphore, #tpu.memory_space<semaphore_mem>>
        %dma_start3A_440 = tpu.memref_squeeze %dma_start3A_439 : memref<1x!tpu.dma_semaphore, #tpu.memory_space<semaphore_mem>> -> memref<!tpu.dma_semaphore, #tpu.memory_space<semaphore_mem>>
        tpu.enqueue_indirect_dma source(%dma_start3A_438 : memref<100000x128xf32, #tpu.memory_space<hbm>>) target(%dma_start3A_432 : memref<128x128xf32, #tpu.memory_space<vmem>>) offsets(%dma_start3A_435 : memref<128xi32, #tpu.memory_space<vmem>>) semaphore(%dma_start3A_440 : memref<!tpu.dma_semaphore, #tpu.memory_space<semaphore_mem>>)
      } else {
      }
      %dma_wait3A_387 = arith.constant 0 : i32
      %dma_wait3A_388 = arith.constant 4 : i32
      %dma_wait3A_389 = arith.constant 4 : i32
      %dma_wait3A_390 = arith.constant 0 : i32
      %dma_wait3A_391 = arith.constant 0 : i32
      %dma_wait3A_392 = tpu.memref_slice %arg8[%dma_wait3A_388, %dma_wait3A_390, %dma_wait3A_391] : memref<5x128x128xf32, #tpu.memory_space<vmem>> -> memref<1x128x128xf32, #tpu.memory_space<vmem>>
      %dma_wait3A_393 = tpu.memref_squeeze %dma_wait3A_392 : memref<1x128x128xf32, #tpu.memory_space<vmem>> -> memref<128x128xf32, #tpu.memory_space<vmem>>
      %dma_wait3A_394 = arith.constant 0 : i32
      %dma_wait3A_395 = tpu.memref_slice %arg7[%dma_wait3A_387, %dma_wait3A_394] : memref<50x128xi32, #tpu.memory_space<vmem>> -> memref<1x128xi32, #tpu.memory_space<vmem>>
      %dma_wait3A_396 = tpu.memref_squeeze %dma_wait3A_395 : memref<1x128xi32, #tpu.memory_space<vmem>> -> memref<128xi32, #tpu.memory_space<vmem>>
      %dma_wait3A_397 = arith.constant 0 : i32
      %dma_wait3A_398 = arith.constant 0 : i32
      %dma_wait3A_399 = tpu.memref_slice %arg3[%dma_wait3A_397, %dma_wait3A_398] : memref<100000x128xf32, #tpu.memory_space<hbm>> -> memref<100000x128xf32, #tpu.memory_space<hbm>>
      %dma_wait3A_400 = tpu.memref_slice %arg11[%dma_wait3A_389] : memref<5x!tpu.dma_semaphore, #tpu.memory_space<semaphore_mem>> -> memref<1x!tpu.dma_semaphore, #tpu.memory_space<semaphore_mem>>
      %dma_wait3A_401 = tpu.memref_squeeze %dma_wait3A_400 : memref<1x!tpu.dma_semaphore, #tpu.memory_space<semaphore_mem>> -> memref<!tpu.dma_semaphore, #tpu.memory_space<semaphore_mem>>
      tpu.wait_indirect_dma semaphore(%dma_wait3A_401 : memref<!tpu.dma_semaphore, #tpu.memory_space<semaphore_mem>>) src(%dma_wait3A_399 : memref<100000x128xf32, #tpu.memory_space<hbm>>) dst(%dma_wait3A_393 : memref<128x128xf32, #tpu.memory_space<vmem>>)
      %parallel_loop3A_402 = arith.constant 0 : i32
      %parallel_loop3A_403 = arith.constant 128 : i32
      %parallel_loop3A_404 = arith.constant 1 : i32
      %parallel_loop3A_405 = arith.constant 4 : i32
      scf.for %parallel_loop3A_425 = %parallel_loop3A_402 to %parallel_loop3A_403 step %parallel_loop3A_404  : i32 {
        %parallel_loop3A_426 = arith.constant 0 : i32
        %parallel_loop3A_427 = arith.constant 0 : i32
        %parallel_loop3A_428 = tpu.memref_slice %arg8[%parallel_loop3A_405, %parallel_loop3A_426, %parallel_loop3A_427] : memref<5x128x128xf32, #tpu.memory_space<vmem>> -> memref<1x128x128xf32, #tpu.memory_space<vmem>>
        %parallel_loop3A_429 = tpu.memref_squeeze %parallel_loop3A_428 : memref<1x128x128xf32, #tpu.memory_space<vmem>> -> memref<128x128xf32, #tpu.memory_space<vmem>>
        %parallel_loop3A_430 = arith.index_cast %parallel_loop3A_425 : i32 to index
        %parallel_loop3A_431 = arith.constant 0 : index
        %parallel_loop3A_432 = tpu.vector_load %parallel_loop3A_429[%parallel_loop3A_430, %parallel_loop3A_431] {strides = array<i32>} : memref<128x128xf32, #tpu.memory_space<vmem>>, vector<1x16xf32>,
        %parallel_loop3A_433 = vector.shape_cast %parallel_loop3A_432 : vector<1x16xf32> to vector<16xf32>
        %parallel_loop3A_434 = arith.constant 0 : i32
        %parallel_loop3A_435 = arith.constant 0 : i32
        %parallel_loop3A_436 = tpu.memref_slice %arg8[%parallel_loop3A_405, %parallel_loop3A_434, %parallel_loop3A_435] : memref<5x128x128xf32, #tpu.memory_space<vmem>> -> memref<1x128x128xf32, #tpu.memory_space<vmem>>
        %parallel_loop3A_437 = tpu.memref_squeeze %parallel_loop3A_436 : memref<1x128x128xf32, #tpu.memory_space<vmem>> -> memref<128x128xf32, #tpu.memory_space<vmem>>
        %parallel_loop3A_438 = arith.index_cast %parallel_loop3A_425 : i32 to index
        %parallel_loop3A_439 = arith.constant 16 : index
        %parallel_loop3A_440 = tpu.vector_load %parallel_loop3A_437[%parallel_loop3A_438, %parallel_loop3A_439] {strides = array<i32>} : memref<128x128xf32, #tpu.memory_space<vmem>>, vector<1x16xf32>,
        %parallel_loop3A_441 = vector.shape_cast %parallel_loop3A_440 : vector<1x16xf32> to vector<16xf32>
        %parallel_loop3A_442 = arith.constant 0 : i32
        %parallel_loop3A_443 = arith.constant 0 : i32
        %parallel_loop3A_444 = tpu.memref_slice %arg8[%parallel_loop3A_405, %parallel_loop3A_442, %parallel_loop3A_443] : memref<5x128x128xf32, #tpu.memory_space<vmem>> -> memref<1x128x128xf32, #tpu.memory_space<vmem>>
        %parallel_loop3A_445 = tpu.memref_squeeze %parallel_loop3A_444 : memref<1x128x128xf32, #tpu.memory_space<vmem>> -> memref<128x128xf32, #tpu.memory_space<vmem>>
        %parallel_loop3A_446 = arith.index_cast %parallel_loop3A_425 : i32 to index
        %parallel_loop3A_447 = arith.constant 32 : index
        %parallel_loop3A_448 = tpu.vector_load %parallel_loop3A_445[%parallel_loop3A_446, %parallel_loop3A_447] {strides = array<i32>} : memref<128x128xf32, #tpu.memory_space<vmem>>, vector<1x16xf32>,
        %parallel_loop3A_449 = vector.shape_cast %parallel_loop3A_448 : vector<1x16xf32> to vector<16xf32>
        %parallel_loop3A_450 = arith.constant 0 : i32
        %parallel_loop3A_451 = arith.constant 0 : i32
        %parallel_loop3A_452 = tpu.memref_slice %arg8[%parallel_loop3A_405, %parallel_loop3A_450, %parallel_loop3A_451] : memref<5x128x128xf32, #tpu.memory_space<vmem>> -> memref<1x128x128xf32, #tpu.memory_space<vmem>>
        %parallel_loop3A_453 = tpu.memref_squeeze %parallel_loop3A_452 : memref<1x128x128xf32, #tpu.memory_space<vmem>> -> memref<128x128xf32, #tpu.memory_space<vmem>>
        %parallel_loop3A_454 = arith.index_cast %parallel_loop3A_425 : i32 to index
        %parallel_loop3A_455 = arith.constant 48 : index
        %parallel_loop3A_456 = tpu.vector_load %parallel_loop3A_453[%parallel_loop3A_454, %parallel_loop3A_455] {strides = array<i32>} : memref<128x128xf32, #tpu.memory_space<vmem>>, vector<1x16xf32>,
        %parallel_loop3A_457 = vector.shape_cast %parallel_loop3A_456 : vector<1x16xf32> to vector<16xf32>
        %parallel_loop3A_458 = arith.constant 0 : i32
        %parallel_loop3A_459 = arith.constant 0 : i32
        %parallel_loop3A_460 = tpu.memref_slice %arg8[%parallel_loop3A_405, %parallel_loop3A_458, %parallel_loop3A_459] : memref<5x128x128xf32, #tpu.memory_space<vmem>> -> memref<1x128x128xf32, #tpu.memory_space<vmem>>
        %parallel_loop3A_461 = tpu.memref_squeeze %parallel_loop3A_460 : memref<1x128x128xf32, #tpu.memory_space<vmem>> -> memref<128x128xf32, #tpu.memory_space<vmem>>
        %parallel_loop3A_462 = arith.index_cast %parallel_loop3A_425 : i32 to index
        %parallel_loop3A_463 = arith.constant 64 : index
        %parallel_loop3A_464 = tpu.vector_load %parallel_loop3A_461[%parallel_loop3A_462, %parallel_loop3A_463] {strides = array<i32>} : memref<128x128xf32, #tpu.memory_space<vmem>>, vector<1x16xf32>,
        %parallel_loop3A_465 = vector.shape_cast %parallel_loop3A_464 : vector<1x16xf32> to vector<16xf32>
        %parallel_loop3A_466 = arith.constant 0 : i32
        %parallel_loop3A_467 = arith.constant 0 : i32
        %parallel_loop3A_468 = tpu.memref_slice %arg8[%parallel_loop3A_405, %parallel_loop3A_466, %parallel_loop3A_467] : memref<5x128x128xf32, #tpu.memory_space<vmem>> -> memref<1x128x128xf32, #tpu.memory_space<vmem>>
        %parallel_loop3A_469 = tpu.memref_squeeze %parallel_loop3A_468 : memref<1x128x128xf32, #tpu.memory_space<vmem>> -> memref<128x128xf32, #tpu.memory_space<vmem>>
        %parallel_loop3A_470 = arith.index_cast %parallel_loop3A_425 : i32 to index
        %parallel_loop3A_471 = arith.constant 80 : index
        %parallel_loop3A_472 = tpu.vector_load %parallel_loop3A_469[%parallel_loop3A_470, %parallel_loop3A_471] {strides = array<i32>} : memref<128x128xf32, #tpu.memory_space<vmem>>, vector<1x16xf32>,
        %parallel_loop3A_473 = vector.shape_cast %parallel_loop3A_472 : vector<1x16xf32> to vector<16xf32>
        %parallel_loop3A_474 = arith.constant 0 : i32
        %parallel_loop3A_475 = arith.constant 0 : i32
        %parallel_loop3A_476 = tpu.memref_slice %arg8[%parallel_loop3A_405, %parallel_loop3A_474, %parallel_loop3A_475] : memref<5x128x128xf32, #tpu.memory_space<vmem>> -> memref<1x128x128xf32, #tpu.memory_space<vmem>>
        %parallel_loop3A_477 = tpu.memref_squeeze %parallel_loop3A_476 : memref<1x128x128xf32, #tpu.memory_space<vmem>> -> memref<128x128xf32, #tpu.memory_space<vmem>>
        %parallel_loop3A_478 = arith.index_cast %parallel_loop3A_425 : i32 to index
        %parallel_loop3A_479 = arith.constant 96 : index
        %parallel_loop3A_480 = tpu.vector_load %parallel_loop3A_477[%parallel_loop3A_478, %parallel_loop3A_479] {strides = array<i32>} : memref<128x128xf32, #tpu.memory_space<vmem>>, vector<1x16xf32>,
        %parallel_loop3A_481 = vector.shape_cast %parallel_loop3A_480 : vector<1x16xf32> to vector<16xf32>
        %parallel_loop3A_482 = arith.constant 0 : i32
        %parallel_loop3A_483 = arith.constant 0 : i32
        %parallel_loop3A_484 = tpu.memref_slice %arg8[%parallel_loop3A_405, %parallel_loop3A_482, %parallel_loop3A_483] : memref<5x128x128xf32, #tpu.memory_space<vmem>> -> memref<1x128x128xf32, #tpu.memory_space<vmem>>
        %parallel_loop3A_485 = tpu.memref_squeeze %parallel_loop3A_484 : memref<1x128x128xf32, #tpu.memory_space<vmem>> -> memref<128x128xf32, #tpu.memory_space<vmem>>
        %parallel_loop3A_486 = arith.index_cast %parallel_loop3A_425 : i32 to index
        %parallel_loop3A_487 = arith.constant 112 : index
        %parallel_loop3A_488 = tpu.vector_load %parallel_loop3A_485[%parallel_loop3A_486, %parallel_loop3A_487] {strides = array<i32>} : memref<128x128xf32, #tpu.memory_space<vmem>>, vector<1x16xf32>,
        %parallel_loop3A_489 = vector.shape_cast %parallel_loop3A_488 : vector<1x16xf32> to vector<16xf32>
        %parallel_loop3A_490 = arith.mulf %parallel_loop3A_433, %parallel_loop3A_433 : vector<16xf32>
        %parallel_loop3A_491 = arith.mulf %parallel_loop3A_441, %parallel_loop3A_441 : vector<16xf32>
        %parallel_loop3A_492 = arith.mulf %parallel_loop3A_449, %parallel_loop3A_449 : vector<16xf32>
        %parallel_loop3A_493 = arith.mulf %parallel_loop3A_457, %parallel_loop3A_457 : vector<16xf32>
        %parallel_loop3A_494 = arith.mulf %parallel_loop3A_465, %parallel_loop3A_465 : vector<16xf32>
        %parallel_loop3A_495 = arith.mulf %parallel_loop3A_473, %parallel_loop3A_473 : vector<16xf32>
        %parallel_loop3A_496 = arith.mulf %parallel_loop3A_481, %parallel_loop3A_481 : vector<16xf32>
        %parallel_loop3A_497 = arith.mulf %parallel_loop3A_489, %parallel_loop3A_489 : vector<16xf32>
        %parallel_loop3A_498 = arith.addf %parallel_loop3A_433, %parallel_loop3A_441 : vector<16xf32>
        %parallel_loop3A_499 = arith.addf %parallel_loop3A_449, %parallel_loop3A_457 : vector<16xf32>
        %parallel_loop3A_500 = arith.addf %parallel_loop3A_465, %parallel_loop3A_473 : vector<16xf32>
        %parallel_loop3A_501 = arith.addf %parallel_loop3A_481, %parallel_loop3A_489 : vector<16xf32>
        %parallel_loop3A_502 = arith.addf %parallel_loop3A_490, %parallel_loop3A_491 : vector<16xf32>
        %parallel_loop3A_503 = arith.addf %parallel_loop3A_492, %parallel_loop3A_493 : vector<16xf32>
        %parallel_loop3A_504 = arith.addf %parallel_loop3A_494, %parallel_loop3A_495 : vector<16xf32>
        %parallel_loop3A_505 = arith.addf %parallel_loop3A_496, %parallel_loop3A_497 : vector<16xf32>
        %parallel_loop3A_506 = arith.addf %parallel_loop3A_498, %parallel_loop3A_499 : vector<16xf32>
        %parallel_loop3A_507 = arith.addf %parallel_loop3A_500, %parallel_loop3A_501 : vector<16xf32>
        %parallel_loop3A_508 = arith.addf %parallel_loop3A_502, %parallel_loop3A_503 : vector<16xf32>
        %parallel_loop3A_509 = arith.addf %parallel_loop3A_504, %parallel_loop3A_505 : vector<16xf32>
        %parallel_loop3A_510 = arith.addf %parallel_loop3A_506, %parallel_loop3A_507 : vector<16xf32>
        %parallel_loop3A_511 = arith.addf %parallel_loop3A_508, %parallel_loop3A_509 : vector<16xf32>
        %parallel_loop3A_512 = vector.shape_cast %xor3A_4 : vector<16xi32> to vector<16x1xi32>
        %parallel_loop3A_513 = vector.shape_cast %parallel_loop3A_512 : vector<16x1xi32> to vector<16xi32>
        %parallel_loop3A_514 = tpu.dynamic_gather %parallel_loop3A_510[%parallel_loop3A_513] in [0] : vector<16xf32>, vector<16xi32> -> vector<16xf32>
        %parallel_loop3A_515 = arith.addf %parallel_loop3A_510, %parallel_loop3A_514 : vector<16xf32>
        %parallel_loop3A_516 = vector.shape_cast %xor3A_7 : vector<16xi32> to vector<16x1xi32>
        %parallel_loop3A_517 = vector.shape_cast %parallel_loop3A_516 : vector<16x1xi32> to vector<16xi32>
        %parallel_loop3A_518 = tpu.dynamic_gather %parallel_loop3A_515[%parallel_loop3A_517] in [0] : vector<16xf32>, vector<16xi32> -> vector<16xf32>
        %parallel_loop3A_519 = arith.addf %parallel_loop3A_515, %parallel_loop3A_518 : vector<16xf32>
        %parallel_loop3A_520 = vector.shape_cast %xor3A_10 : vector<16xi32> to vector<16x1xi32>
        %parallel_loop3A_521 = vector.shape_cast %parallel_loop3A_520 : vector<16x1xi32> to vector<16xi32>
        %parallel_loop3A_522 = tpu.dynamic_gather %parallel_loop3A_519[%parallel_loop3A_521] in [0] : vector<16xf32>, vector<16xi32> -> vector<16xf32>
        %parallel_loop3A_523 = arith.addf %parallel_loop3A_519, %parallel_loop3A_522 : vector<16xf32>
        %parallel_loop3A_524 = vector.shape_cast %xor3A_13 : vector<16xi32> to vector<16x1xi32>
        %parallel_loop3A_525 = vector.shape_cast %parallel_loop3A_524 : vector<16x1xi32> to vector<16xi32>
        %parallel_loop3A_526 = tpu.dynamic_gather %parallel_loop3A_523[%parallel_loop3A_525] in [0] : vector<16xf32>, vector<16xi32> -> vector<16xf32>
        %parallel_loop3A_527 = arith.addf %parallel_loop3A_523, %parallel_loop3A_526 : vector<16xf32>
        %parallel_loop3A_528 = arith.constant 7.812500e-03 : f32
        %parallel_loop3A_529 = vector.broadcast %parallel_loop3A_528 : f32 to vector<16xf32>
        %parallel_loop3A_530 = arith.mulf %parallel_loop3A_527, %parallel_loop3A_529 : vector<16xf32>
        %parallel_loop3A_531 = vector.shape_cast %xor3A_4 : vector<16xi32> to vector<16x1xi32>
        %parallel_loop3A_532 = vector.shape_cast %parallel_loop3A_531 : vector<16x1xi32> to vector<16xi32>
        %parallel_loop3A_533 = tpu.dynamic_gather %parallel_loop3A_511[%parallel_loop3A_532] in [0] : vector<16xf32>, vector<16xi32> -> vector<16xf32>
        %parallel_loop3A_534 = arith.addf %parallel_loop3A_511, %parallel_loop3A_533 : vector<16xf32>
        %parallel_loop3A_535 = vector.shape_cast %xor3A_7 : vector<16xi32> to vector<16x1xi32>
        %parallel_loop3A_536 = vector.shape_cast %parallel_loop3A_535 : vector<16x1xi32> to vector<16xi32>
        %parallel_loop3A_537 = tpu.dynamic_gather %parallel_loop3A_534[%parallel_loop3A_536] in [0] : vector<16xf32>, vector<16xi32> -> vector<16xf32>
        %parallel_loop3A_538 = arith.addf %parallel_loop3A_534, %parallel_loop3A_537 : vector<16xf32>
        %parallel_loop3A_539 = vector.shape_cast %xor3A_10 : vector<16xi32> to vector<16x1xi32>
        %parallel_loop3A_540 = vector.shape_cast %parallel_loop3A_539 : vector<16x1xi32> to vector<16xi32>
        %parallel_loop3A_541 = tpu.dynamic_gather %parallel_loop3A_538[%parallel_loop3A_540] in [0] : vector<16xf32>, vector<16xi32> -> vector<16xf32>
        %parallel_loop3A_542 = arith.addf %parallel_loop3A_538, %parallel_loop3A_541 : vector<16xf32>
        %parallel_loop3A_543 = vector.shape_cast %xor3A_13 : vector<16xi32> to vector<16x1xi32>
        %parallel_loop3A_544 = vector.shape_cast %parallel_loop3A_543 : vector<16x1xi32> to vector<16xi32>
        %parallel_loop3A_545 = tpu.dynamic_gather %parallel_loop3A_542[%parallel_loop3A_544] in [0] : vector<16xf32>, vector<16xi32> -> vector<16xf32>
        %parallel_loop3A_546 = arith.addf %parallel_loop3A_542, %parallel_loop3A_545 : vector<16xf32>
        %parallel_loop3A_547 = arith.constant 7.812500e-03 : f32
        %parallel_loop3A_548 = vector.broadcast %parallel_loop3A_547 : f32 to vector<16xf32>
        %parallel_loop3A_549 = arith.mulf %parallel_loop3A_546, %parallel_loop3A_548 : vector<16xf32>
        %parallel_loop3A_550 = arith.mulf %parallel_loop3A_530, %parallel_loop3A_530 : vector<16xf32>
        %parallel_loop3A_551 = arith.subf %parallel_loop3A_549, %parallel_loop3A_550 : vector<16xf32>
        %parallel_loop3A_552 = arith.constant 9.99999996E-13 : f32
        %parallel_loop3A_553 = vector.broadcast %parallel_loop3A_552 : f32 to vector<16xf32>
        %parallel_loop3A_554 = arith.addf %parallel_loop3A_551, %parallel_loop3A_553 : vector<16xf32>
        %parallel_loop3A_555 = tpu.bitcast %parallel_loop3A_554 : vector<16xf32> -> vector<16xi32>
        %parallel_loop3A_556 = arith.constant 1 : i32
        %parallel_loop3A_557 = vector.broadcast %parallel_loop3A_556 : i32 to vector<16xi32>
        %parallel_loop3A_558 = arith.shrsi %parallel_loop3A_555, %parallel_loop3A_557 : vector<16xi32>
        %parallel_loop3A_559 = arith.constant 1597463007 : i32
        %parallel_loop3A_560 = vector.broadcast %parallel_loop3A_559 : i32 to vector<16xi32>
        %parallel_loop3A_561 = arith.subi %parallel_loop3A_560, %parallel_loop3A_558 : vector<16xi32>
        %parallel_loop3A_562 = tpu.bitcast %parallel_loop3A_561 : vector<16xi32> -> vector<16xf32>
        %parallel_loop3A_563 = arith.constant 5.000000e-01 : f32
        %parallel_loop3A_564 = vector.broadcast %parallel_loop3A_563 : f32 to vector<16xf32>
        %parallel_loop3A_565 = arith.mulf %parallel_loop3A_564, %parallel_loop3A_554 : vector<16xf32>
        %parallel_loop3A_566 = arith.mulf %parallel_loop3A_565, %parallel_loop3A_562 : vector<16xf32>
        %parallel_loop3A_567 = arith.mulf %parallel_loop3A_566, %parallel_loop3A_562 : vector<16xf32>
        %parallel_loop3A_568 = arith.constant 1.500000e+00 : f32
        %parallel_loop3A_569 = vector.broadcast %parallel_loop3A_568 : f32 to vector<16xf32>
        %parallel_loop3A_570 = arith.subf %parallel_loop3A_569, %parallel_loop3A_567 : vector<16xf32>
        %parallel_loop3A_571 = arith.mulf %parallel_loop3A_562, %parallel_loop3A_570 : vector<16xf32>
        %parallel_loop3A_572 = arith.constant 5.000000e-01 : f32
        %parallel_loop3A_573 = vector.broadcast %parallel_loop3A_572 : f32 to vector<16xf32>
        %parallel_loop3A_574 = arith.mulf %parallel_loop3A_573, %parallel_loop3A_554 : vector<16xf32>
        %parallel_loop3A_575 = arith.mulf %parallel_loop3A_574, %parallel_loop3A_571 : vector<16xf32>
        %parallel_loop3A_576 = arith.mulf %parallel_loop3A_575, %parallel_loop3A_571 : vector<16xf32>
        %parallel_loop3A_577 = arith.constant 1.500000e+00 : f32
        %parallel_loop3A_578 = vector.broadcast %parallel_loop3A_577 : f32 to vector<16xf32>
        %parallel_loop3A_579 = arith.subf %parallel_loop3A_578, %parallel_loop3A_576 : vector<16xf32>
        %parallel_loop3A_580 = arith.mulf %parallel_loop3A_571, %parallel_loop3A_579 : vector<16xf32>
        %parallel_loop3A_581 = arith.mulf %parallel_loop3A_580, %get3A_15 : vector<16xf32>
        %parallel_loop3A_582 = arith.subf %parallel_loop3A_433, %parallel_loop3A_530 : vector<16xf32>
        %parallel_loop3A_583 = arith.mulf %parallel_loop3A_582, %parallel_loop3A_581 : vector<16xf32>
        %parallel_loop3A_584 = arith.addf %parallel_loop3A_583, %get3A_39 : vector<16xf32>
        %parallel_loop3A_585 = arith.constant 0 : i32
        %parallel_loop3A_586 = arith.constant 0 : i32
        %parallel_loop3A_587 = tpu.memref_slice %arg8[%parallel_loop3A_405, %parallel_loop3A_585, %parallel_loop3A_586] : memref<5x128x128xf32, #tpu.memory_space<vmem>> -> memref<1x128x128xf32, #tpu.memory_space<vmem>>
        %parallel_loop3A_588 = tpu.memref_squeeze %parallel_loop3A_587 : memref<1x128x128xf32, #tpu.memory_space<vmem>> -> memref<128x128xf32, #tpu.memory_space<vmem>>
        %parallel_loop3A_589 = arith.index_cast %parallel_loop3A_425 : i32 to index
        %parallel_loop3A_590 = arith.constant 0 : index
        %parallel_loop3A_591 = tpu.vector_load %parallel_loop3A_588[%parallel_loop3A_589, %parallel_loop3A_590] {strides = array<i32>} : memref<128x128xf32, #tpu.memory_space<vmem>>, vector<1x16xf32>,
        %parallel_loop3A_592 = vector.shape_cast %parallel_loop3A_591 : vector<1x16xf32> to vector<16xf32>
        %parallel_loop3A_593 = vector.shape_cast %parallel_loop3A_584 : vector<16xf32> to vector<1x16xf32>
        tpu.vector_store %parallel_loop3A_588[%parallel_loop3A_589, %parallel_loop3A_590], %parallel_loop3A_593 {strides = array<i32>} : memref<128x128xf32, #tpu.memory_space<vmem>>, vector<1x16xf32>,
        %parallel_loop3A_594 = arith.mulf %parallel_loop3A_580, %get3A_18 : vector<16xf32>
        %parallel_loop3A_595 = arith.subf %parallel_loop3A_441, %parallel_loop3A_530 : vector<16xf32>
        %parallel_loop3A_596 = arith.mulf %parallel_loop3A_595, %parallel_loop3A_594 : vector<16xf32>
        %parallel_loop3A_597 = arith.addf %parallel_loop3A_596, %get3A_42 : vector<16xf32>
        %parallel_loop3A_598 = arith.constant 0 : i32
        %parallel_loop3A_599 = arith.constant 0 : i32
        %parallel_loop3A_600 = tpu.memref_slice %arg8[%parallel_loop3A_405, %parallel_loop3A_598, %parallel_loop3A_599] : memref<5x128x128xf32, #tpu.memory_space<vmem>> -> memref<1x128x128xf32, #tpu.memory_space<vmem>>
        %parallel_loop3A_601 = tpu.memref_squeeze %parallel_loop3A_600 : memref<1x128x128xf32, #tpu.memory_space<vmem>> -> memref<128x128xf32, #tpu.memory_space<vmem>>
        %parallel_loop3A_602 = arith.index_cast %parallel_loop3A_425 : i32 to index
        %parallel_loop3A_603 = arith.constant 16 : index
        %parallel_loop3A_604 = tpu.vector_load %parallel_loop3A_601[%parallel_loop3A_602, %parallel_loop3A_603] {strides = array<i32>} : memref<128x128xf32, #tpu.memory_space<vmem>>, vector<1x16xf32>,
        %parallel_loop3A_605 = vector.shape_cast %parallel_loop3A_604 : vector<1x16xf32> to vector<16xf32>
        %parallel_loop3A_606 = vector.shape_cast %parallel_loop3A_597 : vector<16xf32> to vector<1x16xf32>
        tpu.vector_store %parallel_loop3A_601[%parallel_loop3A_602, %parallel_loop3A_603], %parallel_loop3A_606 {strides = array<i32>} : memref<128x128xf32, #tpu.memory_space<vmem>>, vector<1x16xf32>,
        %parallel_loop3A_607 = arith.mulf %parallel_loop3A_580, %get3A_21 : vector<16xf32>
        %parallel_loop3A_608 = arith.subf %parallel_loop3A_449, %parallel_loop3A_530 : vector<16xf32>
        %parallel_loop3A_609 = arith.mulf %parallel_loop3A_608, %parallel_loop3A_607 : vector<16xf32>
        %parallel_loop3A_610 = arith.addf %parallel_loop3A_609, %get3A_45 : vector<16xf32>
        %parallel_loop3A_611 = arith.constant 0 : i32
        %parallel_loop3A_612 = arith.constant 0 : i32
        %parallel_loop3A_613 = tpu.memref_slice %arg8[%parallel_loop3A_405, %parallel_loop3A_611, %parallel_loop3A_612] : memref<5x128x128xf32, #tpu.memory_space<vmem>> -> memref<1x128x128xf32, #tpu.memory_space<vmem>>
        %parallel_loop3A_614 = tpu.memref_squeeze %parallel_loop3A_613 : memref<1x128x128xf32, #tpu.memory_space<vmem>> -> memref<128x128xf32, #tpu.memory_space<vmem>>
        %parallel_loop3A_615 = arith.index_cast %parallel_loop3A_425 : i32 to index
        %parallel_loop3A_616 = arith.constant 32 : index
        %parallel_loop3A_617 = tpu.vector_load %parallel_loop3A_614[%parallel_loop3A_615, %parallel_loop3A_616] {strides = array<i32>} : memref<128x128xf32, #tpu.memory_space<vmem>>, vector<1x16xf32>,
        %parallel_loop3A_618 = vector.shape_cast %parallel_loop3A_617 : vector<1x16xf32> to vector<16xf32>
        %parallel_loop3A_619 = vector.shape_cast %parallel_loop3A_610 : vector<16xf32> to vector<1x16xf32>
        tpu.vector_store %parallel_loop3A_614[%parallel_loop3A_615, %parallel_loop3A_616], %parallel_loop3A_619 {strides = array<i32>} : memref<128x128xf32, #tpu.memory_space<vmem>>, vector<1x16xf32>,
        %parallel_loop3A_620 = arith.mulf %parallel_loop3A_580, %get3A_24 : vector<16xf32>
        %parallel_loop3A_621 = arith.subf %parallel_loop3A_457, %parallel_loop3A_530 : vector<16xf32>
        %parallel_loop3A_622 = arith.mulf %parallel_loop3A_621, %parallel_loop3A_620 : vector<16xf32>
        %parallel_loop3A_623 = arith.addf %parallel_loop3A_622, %get3A_48 : vector<16xf32>
        %parallel_loop3A_624 = arith.constant 0 : i32
        %parallel_loop3A_625 = arith.constant 0 : i32
        %parallel_loop3A_626 = tpu.memref_slice %arg8[%parallel_loop3A_405, %parallel_loop3A_624, %parallel_loop3A_625] : memref<5x128x128xf32, #tpu.memory_space<vmem>> -> memref<1x128x128xf32, #tpu.memory_space<vmem>>
        %parallel_loop3A_627 = tpu.memref_squeeze %parallel_loop3A_626 : memref<1x128x128xf32, #tpu.memory_space<vmem>> -> memref<128x128xf32, #tpu.memory_space<vmem>>
        %parallel_loop3A_628 = arith.index_cast %parallel_loop3A_425 : i32 to index
        %parallel_loop3A_629 = arith.constant 48 : index
        %parallel_loop3A_630 = tpu.vector_load %parallel_loop3A_627[%parallel_loop3A_628, %parallel_loop3A_629] {strides = array<i32>} : memref<128x128xf32, #tpu.memory_space<vmem>>, vector<1x16xf32>,
        %parallel_loop3A_631 = vector.shape_cast %parallel_loop3A_630 : vector<1x16xf32> to vector<16xf32>
        %parallel_loop3A_632 = vector.shape_cast %parallel_loop3A_623 : vector<16xf32> to vector<1x16xf32>
        tpu.vector_store %parallel_loop3A_627[%parallel_loop3A_628, %parallel_loop3A_629], %parallel_loop3A_632 {strides = array<i32>} : memref<128x128xf32, #tpu.memory_space<vmem>>, vector<1x16xf32>,
        %parallel_loop3A_633 = arith.mulf %parallel_loop3A_580, %get3A_27 : vector<16xf32>
        %parallel_loop3A_634 = arith.subf %parallel_loop3A_465, %parallel_loop3A_530 : vector<16xf32>
        %parallel_loop3A_635 = arith.mulf %parallel_loop3A_634, %parallel_loop3A_633 : vector<16xf32>
        %parallel_loop3A_636 = arith.addf %parallel_loop3A_635, %get3A_51 : vector<16xf32>
        %parallel_loop3A_637 = arith.constant 0 : i32
        %parallel_loop3A_638 = arith.constant 0 : i32
        %parallel_loop3A_639 = tpu.memref_slice %arg8[%parallel_loop3A_405, %parallel_loop3A_637, %parallel_loop3A_638] : memref<5x128x128xf32, #tpu.memory_space<vmem>> -> memref<1x128x128xf32, #tpu.memory_space<vmem>>
        %parallel_loop3A_640 = tpu.memref_squeeze %parallel_loop3A_639 : memref<1x128x128xf32, #tpu.memory_space<vmem>> -> memref<128x128xf32, #tpu.memory_space<vmem>>
        %parallel_loop3A_641 = arith.index_cast %parallel_loop3A_425 : i32 to index
        %parallel_loop3A_642 = arith.constant 64 : index
        %parallel_loop3A_643 = tpu.vector_load %parallel_loop3A_640[%parallel_loop3A_641, %parallel_loop3A_642] {strides = array<i32>} : memref<128x128xf32, #tpu.memory_space<vmem>>, vector<1x16xf32>,
        %parallel_loop3A_644 = vector.shape_cast %parallel_loop3A_643 : vector<1x16xf32> to vector<16xf32>
        %parallel_loop3A_645 = vector.shape_cast %parallel_loop3A_636 : vector<16xf32> to vector<1x16xf32>
        tpu.vector_store %parallel_loop3A_640[%parallel_loop3A_641, %parallel_loop3A_642], %parallel_loop3A_645 {strides = array<i32>} : memref<128x128xf32, #tpu.memory_space<vmem>>, vector<1x16xf32>,
        %parallel_loop3A_646 = arith.mulf %parallel_loop3A_580, %get3A_30 : vector<16xf32>
        %parallel_loop3A_647 = arith.subf %parallel_loop3A_473, %parallel_loop3A_530 : vector<16xf32>
        %parallel_loop3A_648 = arith.mulf %parallel_loop3A_647, %parallel_loop3A_646 : vector<16xf32>
        %parallel_loop3A_649 = arith.addf %parallel_loop3A_648, %get3A_54 : vector<16xf32>
        %parallel_loop3A_650 = arith.constant 0 : i32
        %parallel_loop3A_651 = arith.constant 0 : i32
        %parallel_loop3A_652 = tpu.memref_slice %arg8[%parallel_loop3A_405, %parallel_loop3A_650, %parallel_loop3A_651] : memref<5x128x128xf32, #tpu.memory_space<vmem>> -> memref<1x128x128xf32, #tpu.memory_space<vmem>>
        %parallel_loop3A_653 = tpu.memref_squeeze %parallel_loop3A_652 : memref<1x128x128xf32, #tpu.memory_space<vmem>> -> memref<128x128xf32, #tpu.memory_space<vmem>>
        %parallel_loop3A_654 = arith.index_cast %parallel_loop3A_425 : i32 to index
        %parallel_loop3A_655 = arith.constant 80 : index
        %parallel_loop3A_656 = tpu.vector_load %parallel_loop3A_653[%parallel_loop3A_654, %parallel_loop3A_655] {strides = array<i32>} : memref<128x128xf32, #tpu.memory_space<vmem>>, vector<1x16xf32>,
        %parallel_loop3A_657 = vector.shape_cast %parallel_loop3A_656 : vector<1x16xf32> to vector<16xf32>
        %parallel_loop3A_658 = vector.shape_cast %parallel_loop3A_649 : vector<16xf32> to vector<1x16xf32>
        tpu.vector_store %parallel_loop3A_653[%parallel_loop3A_654, %parallel_loop3A_655], %parallel_loop3A_658 {strides = array<i32>} : memref<128x128xf32, #tpu.memory_space<vmem>>, vector<1x16xf32>,
        %parallel_loop3A_659 = arith.mulf %parallel_loop3A_580, %get3A_33 : vector<16xf32>
        %parallel_loop3A_660 = arith.subf %parallel_loop3A_481, %parallel_loop3A_530 : vector<16xf32>
        %parallel_loop3A_661 = arith.mulf %parallel_loop3A_660, %parallel_loop3A_659 : vector<16xf32>
        %parallel_loop3A_662 = arith.addf %parallel_loop3A_661, %get3A_57 : vector<16xf32>
        %parallel_loop3A_663 = arith.constant 0 : i32
        %parallel_loop3A_664 = arith.constant 0 : i32
        %parallel_loop3A_665 = tpu.memref_slice %arg8[%parallel_loop3A_405, %parallel_loop3A_663, %parallel_loop3A_664] : memref<5x128x128xf32, #tpu.memory_space<vmem>> -> memref<1x128x128xf32, #tpu.memory_space<vmem>>
        %parallel_loop3A_666 = tpu.memref_squeeze %parallel_loop3A_665 : memref<1x128x128xf32, #tpu.memory_space<vmem>> -> memref<128x128xf32, #tpu.memory_space<vmem>>
        %parallel_loop3A_667 = arith.index_cast %parallel_loop3A_425 : i32 to index
        %parallel_loop3A_668 = arith.constant 96 : index
        %parallel_loop3A_669 = tpu.vector_load %parallel_loop3A_666[%parallel_loop3A_667, %parallel_loop3A_668] {strides = array<i32>} : memref<128x128xf32, #tpu.memory_space<vmem>>, vector<1x16xf32>,
        %parallel_loop3A_670 = vector.shape_cast %parallel_loop3A_669 : vector<1x16xf32> to vector<16xf32>
        %parallel_loop3A_671 = vector.shape_cast %parallel_loop3A_662 : vector<16xf32> to vector<1x16xf32>
        tpu.vector_store %parallel_loop3A_666[%parallel_loop3A_667, %parallel_loop3A_668], %parallel_loop3A_671 {strides = array<i32>} : memref<128x128xf32, #tpu.memory_space<vmem>>, vector<1x16xf32>,
        %parallel_loop3A_672 = arith.mulf %parallel_loop3A_580, %get3A_36 : vector<16xf32>
        %parallel_loop3A_673 = arith.subf %parallel_loop3A_489, %parallel_loop3A_530 : vector<16xf32>
        %parallel_loop3A_674 = arith.mulf %parallel_loop3A_673, %parallel_loop3A_672 : vector<16xf32>
        %parallel_loop3A_675 = arith.addf %parallel_loop3A_674, %get3A_60 : vector<16xf32>
        %parallel_loop3A_676 = arith.constant 0 : i32
        %parallel_loop3A_677 = arith.constant 0 : i32
        %parallel_loop3A_678 = tpu.memref_slice %arg8[%parallel_loop3A_405, %parallel_loop3A_676, %parallel_loop3A_677] : memref<5x128x128xf32, #tpu.memory_space<vmem>> -> memref<1x128x128xf32, #tpu.memory_space<vmem>>
        %parallel_loop3A_679 = tpu.memref_squeeze %parallel_loop3A_678 : memref<1x128x128xf32, #tpu.memory_space<vmem>> -> memref<128x128xf32, #tpu.memory_space<vmem>>
        %parallel_loop3A_680 = arith.index_cast %parallel_loop3A_425 : i32 to index
        %parallel_loop3A_681 = arith.constant 112 : index
        %parallel_loop3A_682 = tpu.vector_load %parallel_loop3A_679[%parallel_loop3A_680, %parallel_loop3A_681] {strides = array<i32>} : memref<128x128xf32, #tpu.memory_space<vmem>>, vector<1x16xf32>,
        %parallel_loop3A_683 = vector.shape_cast %parallel_loop3A_682 : vector<1x16xf32> to vector<16xf32>
        %parallel_loop3A_684 = vector.shape_cast %parallel_loop3A_675 : vector<16xf32> to vector<1x16xf32>
        tpu.vector_store %parallel_loop3A_679[%parallel_loop3A_680, %parallel_loop3A_681], %parallel_loop3A_684 {strides = array<i32>} : memref<128x128xf32, #tpu.memory_space<vmem>>, vector<1x16xf32>,
      } {sc.loop_unroll_factor = 1 : i64, sc.parallel_access}
      %mul3A_406 = arith.constant 128 : i32
      %mul3A_407 = arith.muli %add3A_370, %mul3A_406 : i32
      %add3A_408 = arith.addi %mul3A_2, %mul3A_407 : i32
      %dma_start3A_409 = arith.constant 4 : i32
      %dma_start3A_410 = arith.constant 4 : i32
      %dma_start3A_411 = arith.constant 0 : i32
      %dma_start3A_412 = arith.constant 0 : i32
      %dma_start3A_413 = tpu.memref_slice %arg8[%dma_start3A_409, %dma_start3A_411, %dma_start3A_412] : memref<5x128x128xf32, #tpu.memory_space<vmem>> -> memref<1x128x128xf32, #tpu.memory_space<vmem>>
      %dma_start3A_414 = tpu.memref_squeeze %dma_start3A_413 : memref<1x128x128xf32, #tpu.memory_space<vmem>> -> memref<128x128xf32, #tpu.memory_space<vmem>>
      %dma_start3A_415 = arith.constant 0 : i32
      %dma_start3A_416 = tpu.memref_slice %arg6[%add3A_408, %dma_start3A_415] : memref<204800x128xf32, #tpu.memory_space<hbm>> -> memref<128x128xf32, #tpu.memory_space<hbm>>
      %dma_start3A_417 = tpu.memref_slice %arg12[%dma_start3A_410] : memref<5x!tpu.dma_semaphore, #tpu.memory_space<semaphore_mem>> -> memref<1x!tpu.dma_semaphore, #tpu.memory_space<semaphore_mem>>
      %dma_start3A_418 = tpu.memref_squeeze %dma_start3A_417 : memref<1x!tpu.dma_semaphore, #tpu.memory_space<semaphore_mem>> -> memref<!tpu.dma_semaphore, #tpu.memory_space<semaphore_mem>>
      %dma_start3A_419 = arith.constant 0 : i32
      %dma_start3A_420 = tpu.memref_slice %arg6[%add3A_408, %dma_start3A_419] : memref<204800x128xf32, #tpu.memory_space<hbm>> -> memref<128x128xf32, #tpu.memory_space<hbm>>
      %dma_start3A_421 = arith.constant 0 : i32
      %dma_start3A_422 = arith.constant 0 : i32
      %dma_start3A_423 = tpu.memref_slice %arg8[%dma_start3A_409, %dma_start3A_421, %dma_start3A_422] : memref<5x128x128xf32, #tpu.memory_space<vmem>> -> memref<1x128x128xf32, #tpu.memory_space<vmem>>
      %dma_start3A_424 = tpu.memref_squeeze %dma_start3A_423 : memref<1x128x128xf32, #tpu.memory_space<vmem>> -> memref<128x128xf32, #tpu.memory_space<vmem>>
      tpu.enqueue_dma source(%dma_start3A_424 : memref<128x128xf32, #tpu.memory_space<vmem>>) target(%dma_start3A_420 : memref<128x128xf32, #tpu.memory_space<hbm>>) target_semaphore(%dma_start3A_418 : memref<!tpu.dma_semaphore, #tpu.memory_space<semaphore_mem>>)
    }
    %scan3A_94 = arith.constant 10 : i32
    %dma_wait3A = arith.constant 2 : i32
    %dma_wait3A_95 = arith.constant 2 : i32
    %dma_wait3A_96 = arith.constant 0 : i32
    %dma_wait3A_97 = arith.constant 0 : i32
    %dma_wait3A_98 = tpu.memref_slice %arg8[%dma_wait3A, %dma_wait3A_96, %dma_wait3A_97] : memref<5x128x128xf32, #tpu.memory_space<vmem>> -> memref<1x128x128xf32, #tpu.memory_space<vmem>>
    %dma_wait3A_99 = tpu.memref_squeeze %dma_wait3A_98 : memref<1x128x128xf32, #tpu.memory_space<vmem>> -> memref<128x128xf32, #tpu.memory_space<vmem>>
    %dma_wait3A_100 = arith.constant 0 : i32
    %dma_wait3A_101 = arith.constant 0 : i32
    %dma_wait3A_102 = tpu.memref_slice %arg6[%dma_wait3A_100, %dma_wait3A_101] : memref<204800x128xf32, #tpu.memory_space<hbm>> -> memref<128x128xf32, #tpu.memory_space<hbm>>
    %dma_wait3A_103 = tpu.memref_slice %arg12[%dma_wait3A_95] : memref<5x!tpu.dma_semaphore, #tpu.memory_space<semaphore_mem>> -> memref<1x!tpu.dma_semaphore, #tpu.memory_space<semaphore_mem>>
    %dma_wait3A_104 = tpu.memref_squeeze %dma_wait3A_103 : memref<1x!tpu.dma_semaphore, #tpu.memory_space<semaphore_mem>> -> memref<!tpu.dma_semaphore, #tpu.memory_space<semaphore_mem>>
    %dma_wait3A_105 = arith.constant 0 : i32
    %dma_wait3A_106 = arith.constant 0 : i32
    %dma_wait3A_107 = tpu.memref_slice %arg6[%dma_wait3A_105, %dma_wait3A_106] : memref<204800x128xf32, #tpu.memory_space<hbm>> -> memref<128x128xf32, #tpu.memory_space<hbm>>
    %dma_wait3A_108 = arith.constant 0 : i32
    %dma_wait3A_109 = arith.constant 0 : i32
    %dma_wait3A_110 = tpu.memref_slice %arg8[%dma_wait3A, %dma_wait3A_108, %dma_wait3A_109] : memref<5x128x128xf32, #tpu.memory_space<vmem>> -> memref<1x128x128xf32, #tpu.memory_space<vmem>>
    %dma_wait3A_111 = tpu.memref_squeeze %dma_wait3A_110 : memref<1x128x128xf32, #tpu.memory_space<vmem>> -> memref<128x128xf32, #tpu.memory_space<vmem>>
    tpu.wait_dma2 semaphore(%dma_wait3A_104 : memref<!tpu.dma_semaphore, #tpu.memory_space<semaphore_mem>>) src(%dma_wait3A_111 : memref<128x128xf32, #tpu.memory_space<vmem>>) dst(%dma_wait3A_107 : memref<128x128xf32, #tpu.memory_space<hbm>>)
    %dma_wait3A_112 = arith.constant 3 : i32
    %dma_wait3A_113 = arith.constant 3 : i32
    %dma_wait3A_114 = arith.constant 0 : i32
    %dma_wait3A_115 = arith.constant 0 : i32
    %dma_wait3A_116 = tpu.memref_slice %arg8[%dma_wait3A_112, %dma_wait3A_114, %dma_wait3A_115] : memref<5x128x128xf32, #tpu.memory_space<vmem>> -> memref<1x128x128xf32, #tpu.memory_space<vmem>>
    %dma_wait3A_117 = tpu.memref_squeeze %dma_wait3A_116 : memref<1x128x128xf32, #tpu.memory_space<vmem>> -> memref<128x128xf32, #tpu.memory_space<vmem>>
    %dma_wait3A_118 = arith.constant 0 : i32
    %dma_wait3A_119 = arith.constant 0 : i32
    %dma_wait3A_120 = tpu.memref_slice %arg6[%dma_wait3A_118, %dma_wait3A_119] : memref<204800x128xf32, #tpu.memory_space<hbm>> -> memref<128x128xf32, #tpu.memory_space<hbm>>
    %dma_wait3A_121 = tpu.memref_slice %arg12[%dma_wait3A_113] : memref<5x!tpu.dma_semaphore, #tpu.memory_space<semaphore_mem>> -> memref<1x!tpu.dma_semaphore, #tpu.memory_space<semaphore_mem>>
    %dma_wait3A_122 = tpu.memref_squeeze %dma_wait3A_121 : memref<1x!tpu.dma_semaphore, #tpu.memory_space<semaphore_mem>> -> memref<!tpu.dma_semaphore, #tpu.memory_space<semaphore_mem>>
    %dma_wait3A_123 = arith.constant 0 : i32
    %dma_wait3A_124 = arith.constant 0 : i32
    %dma_wait3A_125 = tpu.memref_slice %arg6[%dma_wait3A_123, %dma_wait3A_124] : memref<204800x128xf32, #tpu.memory_space<hbm>> -> memref<128x128xf32, #tpu.memory_space<hbm>>
    %dma_wait3A_126 = arith.constant 0 : i32
    %dma_wait3A_127 = arith.constant 0 : i32
    %dma_wait3A_128 = tpu.memref_slice %arg8[%dma_wait3A_112, %dma_wait3A_126, %dma_wait3A_127] : memref<5x128x128xf32, #tpu.memory_space<vmem>> -> memref<1x128x128xf32, #tpu.memory_space<vmem>>
    %dma_wait3A_129 = tpu.memref_squeeze %dma_wait3A_128 : memref<1x128x128xf32, #tpu.memory_space<vmem>> -> memref<128x128xf32, #tpu.memory_space<vmem>>
    tpu.wait_dma2 semaphore(%dma_wait3A_122 : memref<!tpu.dma_semaphore, #tpu.memory_space<semaphore_mem>>) src(%dma_wait3A_129 : memref<128x128xf32, #tpu.memory_space<vmem>>) dst(%dma_wait3A_125 : memref<128x128xf32, #tpu.memory_space<hbm>>)
    %dma_wait3A_130 = arith.constant 4 : i32
    %dma_wait3A_131 = arith.constant 4 : i32
    %dma_wait3A_132 = arith.constant 0 : i32
    %dma_wait3A_133 = arith.constant 0 : i32
    %dma_wait3A_134 = tpu.memref_slice %arg8[%dma_wait3A_130, %dma_wait3A_132, %dma_wait3A_133] : memref<5x128x128xf32, #tpu.memory_space<vmem>> -> memref<1x128x128xf32, #tpu.memory_space<vmem>>
    %dma_wait3A_135 = tpu.memref_squeeze %dma_wait3A_134 : memref<1x128x128xf32, #tpu.memory_space<vmem>> -> memref<128x128xf32, #tpu.memory_space<vmem>>
    %dma_wait3A_136 = arith.constant 0 : i32
    %dma_wait3A_137 = arith.constant 0 : i32
    %dma_wait3A_138 = tpu.memref_slice %arg6[%dma_wait3A_136, %dma_wait3A_137] : memref<204800x128xf32, #tpu.memory_space<hbm>> -> memref<128x128xf32, #tpu.memory_space<hbm>>
    %dma_wait3A_139 = tpu.memref_slice %arg12[%dma_wait3A_131] : memref<5x!tpu.dma_semaphore, #tpu.memory_space<semaphore_mem>> -> memref<1x!tpu.dma_semaphore, #tpu.memory_space<semaphore_mem>>
    %dma_wait3A_140 = tpu.memref_squeeze %dma_wait3A_139 : memref<1x!tpu.dma_semaphore, #tpu.memory_space<semaphore_mem>> -> memref<!tpu.dma_semaphore, #tpu.memory_space<semaphore_mem>>
    %dma_wait3A_141 = arith.constant 0 : i32
    %dma_wait3A_142 = arith.constant 0 : i32
    %dma_wait3A_143 = tpu.memref_slice %arg6[%dma_wait3A_141, %dma_wait3A_142] : memref<204800x128xf32, #tpu.memory_space<hbm>> -> memref<128x128xf32, #tpu.memory_space<hbm>>
    %dma_wait3A_144 = arith.constant 0 : i32
    %dma_wait3A_145 = arith.constant 0 : i32
    %dma_wait3A_146 = tpu.memref_slice %arg8[%dma_wait3A_130, %dma_wait3A_144, %dma_wait3A_145] : memref<5x128x128xf32, #tpu.memory_space<vmem>> -> memref<1x128x128xf32, #tpu.memory_space<vmem>>
    %dma_wait3A_147 = tpu.memref_squeeze %dma_wait3A_146 : memref<1x128x128xf32, #tpu.memory_space<vmem>> -> memref<128x128xf32, #tpu.memory_space<vmem>>
    tpu.wait_dma2 semaphore(%dma_wait3A_140 : memref<!tpu.dma_semaphore, #tpu.memory_space<semaphore_mem>>) src(%dma_wait3A_147 : memref<128x128xf32, #tpu.memory_space<vmem>>) dst(%dma_wait3A_143 : memref<128x128xf32, #tpu.memory_space<hbm>>)
    return
  }
}

</mosaic_0001>

<sc_bundles>
// kernel: _run.3.cloned.1.call-start
scs
__scs_entry_jumppad:
0x0: {  	(pc) =	sbr.rel $0x88, $3  }
0x1: {  	(tag) =	ssettag $0x0;
	lr =	simm.s32 $0x1  }
0x2: {  	[smem:$0x3F9D] =	sst lr;
	_ =	strace $0xD0000000  }
0x3: {  	_ = 	snop  }
0x4: {  	_ = 	snop  }
0x5: {  	_ = 	snop  }
0x6: {  	_ = 	snop  }
0x7: {  	_ = 	snop  }
__scs_overlays_trampoline_lowered:
0x8: {  	[smem:$0x3FAC] =	sst s0  }
0x9: {  	[smem:$0x3FAD] =	sst s1  }
0xa: {  	[smem:$0x3FAE] =	sst s2  }
0xb: {  	[smem:$0x3FAF] =	sst s3  }
0xc: {  	[smem:$0x3FB0] =	sst s4  }
0xd: {  	[smem:$0x3FB1] =	sst s5  }
0xe: {  	[smem:$0x3FB2] =	sst s6  }
0xf: {  	[smem:$0x3FB3] =	sst s7  }
0x10: {  	[smem:$0x3FB4] =	sst s8  }
0x11: {  	[smem:$0x3FB5] =	sst s9;
	s0 =	simm.s32 @!p0 $0x0  }
0x12: {  	s1 =	sld [smem:$0x3F9B];
	s0 =	simm.s32 @p0 $0x1  }
0x13: {  	[smem:$0x3FB6] =	sst s0;
	s0 =	simm.s32 @!p1 $0x0  }
0x14: {  	s2 =	sld [smem:$0x3F9A];
	s0 =	simm.s32 @p1 $0x1  }
0x15: {  	[smem:$0x3FB7] =	sst s0;
	s0 =	simm.s32 @!p2 $0x0  }
0x16: {  	s3 =	sld [smem:$0x3FDB];
	s0 =	simm.s32 @p2 $0x1  }
0x17: {  	s4 =	simm.s32 $0x1BF5;
	[smem:$0x3FB9] =	sst s0  }
0x18: {  	s0 =	sld [smem:$0x3F9C];
	_ =	swait.ge [sflag:s4], $0x0  }
0x19: {  	s7 =	sld [smem:$0x3F9D]  }
0x1a: {  	s8 =	sadd.s32 $0xFFFFE003, lr  }
0x1b: {  	s9 =	sadd.s32 $0xFFFFFEF7, lr;
	s5 =	simm.s32 $0xFFFFFFFF;
	p2 =	slt.u32 s8, $0xFFFFF086  }
0x1c: {  	p1 =	slt.u32 s9, $0xF7A;
	s5 =	simm.s32 @!p2 $0x0  }
0x1d: {  	s5 =	simm.s32 @p1 $0x1;
	p0 =	seq.s32 s7, s2  }
0x1e: {  	s7 =	smul.u32 @!p0 $0xF7A, s2;
	p2 =	seq.s32 @!p0 s5, $0x0  }
0x1f: {  	s9 =	smul.u32 $0xF7A, s1;
	s8 =	simm.s32 @!p0 $0x1BF5;
	p2 =	por !p2, p0  }
0x20: {  	[sflag:s8] =	ssyncset.s32 @!p0 $0xFFFFF086;
	s6 =	sadd.s32 @!p0 s3, s7;
	s7 =	simm.s32 @!p0 $0x108  }
0x21: {  	s3 =	sadd.s32 s3, s9;
	s6 =	sadd.s32 @!p0 $0x88, s6;
	s7 =	simm.s32 @p2 $0x1082  }
0x22: {  	[simem:s7], [sflag:s8] =	dma.local @!p0 [hbm:s6], $0xF7A  }
0x23: {  	s9 =	sor.u32 $0xD0000000, s2;
	s6 =	simm.s32 $0x108;
	_ =	swait.ge @!p0 [sflag:s8], $0x0  }
0x24: {  	s3 =	sadd.s32 $0x88, s3;
	s6 =	simm.s32 @!p1 $0x1082;
	[sflag:s4] =	ssyncset.s32 $0xFFFFF086  }
0x25: {  	[simem:s6], [sflag:s4] =	dma.local [hbm:s3], $0xF7A  }
0x26: {  	[smem:$0x3F9D] =	sst s1;
	(tag) =	ssettag s2;
	_ =	strace s9  }
0x27: {  	s1 =	sld [smem:$0x3FAD]  }
0x28: {  	s2 =	sld [smem:$0x3FAE]  }
0x29: {  	s4 =	sld [smem:$0x3FB0]  }
0x2a: {  	p0 =	seq.s32 s5, $0x0;
	s5 =	sld [smem:$0x3FB1]  }
0x2b: {  	s6 =	sld [smem:$0x3FB2]  }
0x2c: {  	s7 =	sld [smem:$0x3FB3]  }
0x2d: {  	s3 =	simm.s32 $0x108;
	s8 =	sld [smem:$0x3FB4]  }
0x2e: {  	s3 =	simm.s32 @!p0 $0x1082;
	s9 =	sld [smem:$0x3FB5]  }
0x2f: {  	lr =	sadd.s32 s0, s3;
	s0 =	sld [smem:$0x3FAC]  }
0x30: {  	s3 =	sld [smem:$0x3FAF]  }
0x31: {  	[smem:$0x3FB8] =	sst s10  }
0x32: {  	s10 =	sld [smem:$0x3FB6];
	_ =	sdelay $0x3  }
0x33: {  	p0 =	seq.s32 s10, $0x1;
	s10 =	sld [smem:$0x3FB8];
	_ =	sdelay $0x3  }
0x34: {  	[smem:$0x3FB8] =	sst s10  }
0x35: {  	s10 =	sld [smem:$0x3FB7];
	_ =	sdelay $0x3  }
0x36: {  	p1 =	seq.s32 s10, $0x1;
	s10 =	sld [smem:$0x3FB8];
	_ =	sdelay $0x3  }
0x37: {  	[smem:$0x3FB8] =	sst s10  }
0x38: {  	s10 =	sld [smem:$0x3FB9]  }
0x39: {  	_ = 	snop;
	(pc) =	sbr.ind lr, $3  }
0x3a: {  	_ = 	snop  }
0x3b: {  	_ = 	snop  }
0x3c: {  	p2 =	seq.s32 s10, $0x1;
	s10 =	sld [smem:$0x3FB8]  }
0x3d: {  	_ =	shalt  }
0x3e: {  	_ =	shalt  }
0x3f: {  	_ =	shalt  }
0x40: {  	_ =	shalt  }
0x41: {  	_ =	shalt  }
0x42: {  	_ =	shalt  }
0x43: {  	_ =	shalt  }
0x44: {  	_ =	shalt  }
0x45: {  	_ =	shalt  }
0x46: {  	_ =	shalt  }
0x47: {  	_ =	shalt  }
0x48: {  	_ =	shalt  }
0x49: {  	_ =	shalt  }
0x4a: {  	_ =	shalt  }
0x4b: {  	_ =	shalt  }
0x4c: {  	_ =	shalt  }
0x4d: {  	_ =	shalt  }
0x4e: {  	_ =	shalt  }
0x4f: {  	_ =	shalt  }
0x50: {  	_ =	shalt  }
0x51: {  	_ =	shalt  }
0x52: {  	_ =	shalt  }
0x53: {  	_ =	shalt  }
0x54: {  	_ =	shalt  }
0x55: {  	_ =	shalt  }
0x56: {  	_ =	shalt  }
0x57: {  	_ =	shalt  }
0x58: {  	_ =	shalt  }
0x59: {  	_ =	shalt  }
0x5a: {  	_ =	shalt  }
0x5b: {  	_ =	shalt  }
0x5c: {  	_ =	shalt  }
0x5d: {  	_ =	shalt  }
0x5e: {  	_ =	shalt  }
0x5f: {  	_ =	shalt  }
0x60: {  	_ =	shalt  }
0x61: {  	_ =	shalt  }
0x62: {  	_ =	shalt  }
0x63: {  	_ =	shalt  }
0x64: {  	_ =	shalt  }
0x65: {  	_ =	shalt  }
0x66: {  	_ =	shalt  }
0x67: {  	_ =	shalt  }
0x68: {  	_ =	shalt  }
0x69: {  	_ =	shalt  }
0x6a: {  	_ =	shalt  }
0x6b: {  	_ =	shalt  }
0x6c: {  	_ =	shalt  }
0x6d: {  	_ =	shalt  }
0x6e: {  	_ =	shalt  }
0x6f: {  	_ =	shalt  }
0x70: {  	_ =	shalt  }
0x71: {  	_ =	shalt  }
0x72: {  	_ =	shalt  }
0x73: {  	_ =	shalt  }
0x74: {  	_ =	shalt  }
0x75: {  	_ =	shalt  }
0x76: {  	_ =	shalt  }
0x77: {  	_ =	shalt  }
0x78: {  	_ =	shalt  }
0x79: {  	_ =	shalt  }
0x7a: {  	_ =	shalt  }
0x7b: {  	_ =	shalt  }
0x7c: {  	_ =	shalt  }
0x7d: {  	_ =	shalt  }
0x7e: {  	_ =	shalt  }
0x7f: {  	_ =	shalt  }
0x80: {  	_ =	shalt  }
0x81: {  	_ =	shalt  }
0x82: {  	_ =	shalt  }
0x83: {  	_ =	shalt  }
0x84: {  	_ =	shalt  }
0x85: {  	_ =	shalt  }
0x86: {  	_ =	shalt  }
0x87: {  	_ =	shalt  }
.Lfunc_end0:
.L_simem_size_0:
called_computation_lowered:
.L_overlay_start_0:
0x88: {  	s2 =	sld [smem:$0x3FD9]  }
0x89: {  	s3 =	sld [smem:$0x3FFE];
	_ =	sdelay $0x1  }
0x8a: {  	s1 =	srdreg.scid  }
0x8b: {  	s0 =	sand.u32 $0x1, s1  }
0x8c: {  	s17 =	sshll.u32 s0, $0xA;
	s2 =	sadd.s32 s3, s2  }
0x8d: {  	s2 =	sadd.s32 s2, s17  }
0x8e: {  	[smem:$0x3FC4] =	sst s2  }
0x8f: {  	_ = 	snop  }
0x90: {  	s2 =	sld [smem:$0x3FC8]  }
0x91: {  	s18 =	sld [smem:$0x3FC7]  }
0x92: {  	s4 =	sld [smem:$0x3FC6]  }
0x93: {  	s5 =	sld [smem:$0x3FD0];
	(tm) =	ssettm $0x1  }
0x94: {  	s6 =	sld [smem:$0x3FFB];
	_ =	sdelay $0x3  }
0x95: {  	_ =	strace s6  }
0x96: {  	s6 =	sld [smem:$0x3FFC];
	_ =	sdelay $0x3  }
0x97: {  	_ =	strace s6  }
0x98: {  	s6 =	sld [smem:$0x3FFD];
	_ =	sdelay $0x3  }
0x99: {  	_ =	strace s6  }
0x9a: {  	_ =	strace $0x8FFFFFFF  }
0x9b: {  	s19 =	sld [smem:$0x3FDB];
	_ =	sdelay $0x1  }
0x9c: {  	s7 =	simm.s32 $_scs_section_size  }
0x9d: {  	s8 =	simm.s32 $_size__tile_overlayer_lowered;
	s9 =	simm.s32 $_tile_overlayer_lowered  }
0x9e: {  	s22 =	simm.s32 $0x1BFF;
	s21 =	sshll.u32 s9, $0x1;
	s6 =	sadd.s32 s7, s19  }
0x9f: {  	s10 =	simm.s32 $0x0;
	s20 =	sshll.u32 s8, $0x1;
	s8 =	sadd.s32 s21, s6  }
0xa0: {  	[timem:s10], [sflag:s22] =	dma.local [hbm:s8], s20  }
0xa1: {  	_ =	swait.ge [sflag:s22], s20  }
0xa2: {  	s7 =	ssub.s32 $0x0, s20;
	[sflag:s22] =	ssyncset.done $0x0  }
0xa3: {  	[sflag:s22] =	ssyncadd.s32 s7;
	_ =	sdelay $0x1  }
0xa4: {  	s23 =	simm.s32 $0x1B8B  }
0xa5: {  	_ =	swait.ge [sflag:s23], $0x1  }
0xa6: {  	[sflag:s23] =	ssyncset.done $0x0  }
0xa7: {  	s25 =	simm.s32 $0x1B8E;
	s24 =	sld [smem:$0x3FFE];
	[sflag:s23] =	ssyncadd.s32 $0xFFFFFFFF  }
0xa8: {  	s26 =	simm.s32 $execute0_lowered;
	[smem:$0x3FD2] =	sst s25  }
0xa9: {  	s8 =	sshll.u32 s26, $0x1;
	_ =	strace $0x80000046;
	[dreg:$0x1] =	wrdreg $0xFFFFFFFF  }
0xaa: {  	s28 =	simm.s32 $_size_execute0_lowered;
	s6 =	sadd.s32 s6, s8;
	[dreg:$0x0] =	wrdreg $0x0  }
0xab: {  	s8 =	sshll.u32 s28, $0x1;
	[dreg:$0x2] =	wrdreg s6  }
0xac: {  	[dreg:$0x3] =	wrdreg s8  }
0xad: {  	[dreg:$0x4] =	wrdreg $0xC0  }
0xae: {  	_ =	task [dreg:s10], $0x5FFFF  }
0xaf: {  	[dreg:$0x1] =	wrdreg $0xFFFFFFFF  }
0xb0: {  	[dreg:$0x0] =	wrdreg $0x60  }
0xb1: {  	[dreg:$0x2] =	wrdreg s24  }
0xb2: {  	[dreg:$0x3] =	wrdreg s2  }
0xb3: {  	[dreg:$0x4] =	wrdreg s18  }
0xb4: {  	[dreg:$0x5] =	wrdreg s4  }
0xb5: {  	[dreg:$0x6] =	wrdreg s5  }
0xb6: {  	[dreg:$0x7] =	wrdreg $0x9  }
0xb7: {  	_ =	task.clear_ibuf [dreg:s10], $0x8FFFF;
	_ =	strace $0x90000046  }
0xb8: {  	s29 =	simm.s32 $0x9;
	_ =	strace $0x80000048  }
0xb9: {  	_ =	swait.ge [sflag:s29], $0x1  }
0xba: {  	[sflag:s29] =	ssyncadd.s32 $0xFFFFFFFF  }
0xbb: {  	_ =	strace $0x90000048  }
0xbc: {  	_ =	sfence  }
0xbd: {  	s30 =	sld [smem:$0x0];
	_ =	sdelay $0x2  }
0xbe: {  	s31 =	sshll.u32 s1, $0xD;
	s1 =	sshrl.u32 s1, $0x2  }
0xbf: {  	s3 =	sand.u32 $0x4000, s31;
	s1 =	sadd.s32 s1, s30  }
0xc0: {  	s0 =	sor.u32 s3, s0;
	s1 =	sshll.u32 s1, $0x11  }
0xc1: {  	s0 =	sor.u32 s1, s0  }
0xc2: {  	s0 =	sadd.s32 $0x8F2B, s0  }
0xc3: {  	[sflag:s0] =	ssyncadd.remote.s32 $0x1  }
0xc4: {  	_ =	sfence.sel $0xFFFF  }
0xc5: {  	[dreg:$0x0] =	wrdreg $0xFFFFFFFF;
	(pc) =	sbr.abs _section_cstart, $3  }
0xc6: {  	[dreg:$0x1] =	wrdreg $0xFFFFFFFF  }
0xc7: {  	_ =	task.clear_ibuf [dreg:s10], $0x2FFFF;
	_ =	strace $0x9FFFFFFF  }
0xc8: {  	(tm) =	ssettm $0x7FFFFFFF  }
0xc9: {  	_ =	shalt  }
tec
execute0_lowered:
.L_overlay_start_1:
0x0: {  	(tag) =	ssettag $0x1  }
0x1: {  	s0 =	rddreg [dreg:$0x0]  }
0x2: {  	s1 =	rddreg [dreg:$0x1];
	s2 =	srdreg.scid  }
0x3: {  	s3 =	stileid.u32;
	s5 =	rddreg [dreg:$0x4];
	v0 =	vimm.s32 $0xEFCDAB89;
	s6 =	simm.s32 $0x0;
	v1 =	vimm.s32 $0x67452301;
	v2 =	vimm.s32 $0xDCFE98BA  }
0x4: {  	v3 =	vimm.s32 $0x54761032;
	v4 =	vimm.s32 $0xBA98FEDC;
	s12 =	simm.s32 $0xB;
	s15 =	simm.s32 $0x80;
	s16 =	simm.s32 $0x1C00  }
0x5: {  	v5 =	vimm.s32 $0x32107654;
	v6 =	vimm.s32 $0xFEDCBA98;
	s17 =	simm.s32 $0x5C00;
	s18 =	simm.s32 $0x9C00;
	s19 =	simm.s32 $0x1  }
0x6: {  	v7 =	vimm.s32 $0x76543210;
	s20 =	simm.s32 $0xDC00;
	s21 =	simm.s32 $0x2;
	s22 =	simm.s32 $0x11C00;
	v0 =	vunpack.c.l.s4.s8 v0;
	v1 =	vunpack.c.l.s4.s8 v1  }
0x7: {  	s23 =	simm.s32 $0x3;
	s24 =	simm.s32 $0x6;
	s25 =	simm.s32 $0x4;
	v2 =	vunpack.c.l.s4.s8 v2;
	v3 =	vunpack.c.l.s4.s8 v3;
	v4 =	vunpack.c.l.s4.s8 v4  }
0x8: {  	s26 =	simm.s32 $0x7;
	s2 =	sand.u32 $0x1, s2;
	s3 =	sshll.u32 s3, $0x1;
	v5 =	vunpack.c.l.s4.s8 v5;
	v6 =	vunpack.c.l.s4.s8 v6;
	v7 =	vunpack.c.l.s4.s8 v7  }
0x9: {  	s28 =	simm.s32 $0x5;
	s3 =	sor.u32 s2, s3;
	s2 =	ssub.s32 $0x2, s2;
	v0 =	vunpack.c.0.s8.s32 v0;
	v1 =	vunpack.c.0.s8.s32 v1;
	v2 =	vunpack.c.0.s8.s32 v2  }
0xa: {  	[smem:$0x7FF] =	sst s6;
	s4 =	smul.u32 $0x380, s3;
	s29 =	sshrl.u32 s2, $0x1;
	v3 =	vunpack.c.0.s8.s32 v3;
	v4 =	vunpack.c.0.s8.s32 v4;
	v5 =	vunpack.c.0.s8.s32 v5  }
0xb: {  	s31 =	simm.s32 $0xA;
	_ =	strace $0x80000047;
	s2 =	ssub.s32 s2, s29;
	v0 =	vcombine.low v1, v0;
	v1 =	vunpack.c.0.s8.s32 v6  }
0xc: {  	s7 =	smul.u32 $0xC8000, s3;
	s0 =	sadd.s32 s4, s0;
	s30 =	smax.u32 s2, $0x1;
	v2 =	vcombine.low v3, v2;
	v3 =	vcombine.low v5, v4;
	v4 =	vunpack.c.0.s8.s32 v7  }
0xd: {  	s8 =	smul.u32 $0x1900, s3;
	s0 =	sadd.s32 $0x400, s0;
	[dreg:$0x7] =	wrdreg s30;
	v0 =	vand.u32 $0xF, v0;
	v5 =	vand.u32 $0xF, v1  }
0xe: {  	s10 =	sor.u32 $0x4000, s7;
	s4 =	simm.s32 $0x0;
	[dreg:$0x6] =	wrdreg s0;
	v1 =	vand.u32 $0xF, v2;
	v2 =	vand.u32 $0xF, v3;
	v3 =	vcombine.low v5, v4  }
.LBB2_1:
0xf: {  	s0 =	rddreg [dreg:$0x6]  }
0x10: {  	[tilespmem:s6], [sflag:$0xB] =	stream.linear.gather [hbm4b:s0+s6], $0x1900, $0x38;
	[tilespmem:$0x15D00] =	vst v63  }
0x11: {  	_ =	swait.ge [sflag:s12], $0x1900  }
0x12: {  	[sflag:s12] =	ssyncset.done $0x0  }
0x13: {  	[sflag:s12] =	ssyncadd.s32 $0xFFFFE700  }
0x14: {  	s2 =	simm.s32 $0x15C00;
	s14 =	rddreg [dreg:$0x2]  }
0x15: {  	[tilespmem:s2], [sflag:$0xB] =	stream.linear.gather [hbm4b:s14+s6], $0x80, $0x38;
	[tilespmem:$0x15D00] =	vst v63  }
0x16: {  	_ =	swait.ge [sflag:s12], $0x80  }
0x17: {  	[sflag:s12] =	ssyncset.done $0x0  }
0x18: {  	[sflag:s12] =	ssyncadd.s32 $0xFFFFFF80  }
0x19: {  	s30 =	simm.s32 $0x15C80;
	s29 =	rddreg [dreg:$0x3]  }
0x1a: {  	[tilespmem:s30], [sflag:$0xB] =	stream.linear.gather [hbm4b:s29+s6], $0x80, $0x38;
	[tilespmem:$0x15D00] =	vst v63  }
0x1b: {  	_ =	swait.ge [sflag:s12], $0x80  }
0x1c: {  	[sflag:s12] =	ssyncset.done $0x0  }
0x1d: {  	[sflag:s12] =	ssyncadd.s32 $0xFFFFFF80  }
0x1e: {  	v4 =	vld [tilespmem:$0x15C00]  }
0x1f: {  	v5 =	vld [tilespmem:$0x15C10]  }
0x20: {  	v6 =	vld [tilespmem:$0x15C20]  }
0x21: {  	v7 =	vld [tilespmem:$0x15C30]  }
0x22: {  	v8 =	vld [tilespmem:$0x15C40]  }
0x23: {  	v9 =	vld [tilespmem:$0x15C50]  }
0x24: {  	v10 =	vld [tilespmem:$0x15C60]  }
0x25: {  	v11 =	vld [tilespmem:$0x15C70]  }
0x26: {  	v12 =	vld [tilespmem:$0x15C80]  }
0x27: {  	v13 =	vld [tilespmem:$0x15C90]  }
0x28: {  	v14 =	vld [tilespmem:$0x15CA0]  }
0x29: {  	v15 =	vld [tilespmem:$0x15CB0]  }
0x2a: {  	v16 =	vld [tilespmem:$0x15CC0]  }
0x2b: {  	v17 =	vld [tilespmem:$0x15CD0]  }
0x2c: {  	v18 =	vld [tilespmem:$0x15CE0]  }
0x2d: {  	v19 =	vld [tilespmem:$0x15CF0];
	[tilespmem:s16], [sflag:$0x1] =	stream.indirect.gather [hbm4b:s1+s15], $0x80, s6, s15, $0xb8  }
0x2e: {  	s0 =	simm.s32 $0x0  }
0x2f: {  	[tilespmem:s17], [sflag:$0x2] =	stream.indirect.gather [hbm4b:s1+s15], $0x80, s15, s15, $0xb8;
	[tilespmem:$0x15D00] =	vst v63  }
.LBB2_2:
0x30: {  	s3 =	smul.u32 $0x5, s0;
	p0 =	seq.s32 s0, $0x0  }
0x31: {  	s2 =	simm.s32 @!p0 $0x8  }
0x32: {  	_ =	swait.ge @!p0 [sflag:s2], $0x4000;
	s13 =	sadd.s32 $0x2, s3  }
0x33: {  	[sflag:s2] =	ssyncset.done @!p0 $0x0;
	s9 =	sshll.u32 s13, $0x7  }
0x34: {  	[sflag:s2] =	ssyncadd.s32 @!p0 $0xFFFFC000;
	s30 =	sand.u32 $0x3FFFFF80, s9  }
0x35: {  	[tilespmem:s18], [sflag:$0x3] =	stream.indirect.gather [hbm4b:s1+s15], $0x80, s30, s15, $0xb8;
	[tilespmem:$0x15D00] =	vst v63  }
0x36: {  	_ =	swait.ge [sflag:s19], $0x4000  }
0x37: {  	[sflag:s19] =	ssyncset.done $0x0  }
0x38: {  	s2 =	simm.s32 $0x0;
	[sflag:s19] =	ssyncadd.s32 $0xFFFFC000  }
0x39: {  	v27 =	vld [tilespmem:s2+$0x1C00]  }
0x3a: {  	v28 =	vld [tilespmem:s2+$0x1C10]  }
0x3b: {  	v30 =	vld [tilespmem:s2+$0x1C20]  }
0x3c: {  	v31 =	vld [tilespmem:s2+$0x1C30]  }
0x3d: {  	v33 =	vld [tilespmem:s2+$0x1C40]  }
0x3e: {  	v34 =	vld [tilespmem:s2+$0x1C50]  }
0x3f: {  	v35 =	vld [tilespmem:s2+$0x1C60]  }
0x40: {  	v40 =	vld [tilespmem:s2+$0x1C70]  }
0x41: {  	v20 =	vmul.f32 v27, v27  }
0x42: {  	v21 =	vmul.f32 v28, v28;
	v22 =	vmul.f32 v30, v30  }
0x43: {  	v23 =	vmul.f32 v31, v31;
	v24 =	vmul.f32 v33, v33;
	v25 =	vadd.f32 v28, v27  }
0x44: {  	v26 =	vmul.f32 v34, v34;
	v29 =	vadd.f32 v31, v30;
	v32 =	vmul.f32 v35, v35  }
0x45: {  	v36 =	vadd.f32 v34, v33;
	v37 =	vadd.f32 v40, v35;
	v38 =	vmul.f32 v40, v40  }
0x46: {  	v20 =	vadd.f32 v21, v20;
	v21 =	vadd.f32 v23, v22  }
0x47: {  	v22 =	vadd.f32 v26, v24;
	v23 =	vadd.f32 v38, v32  }
0x48: {  	v24 =	vadd.f32 v29, v25;
	v25 =	vadd.f32 v37, v36  }
0x49: {  	v20 =	vadd.f32 v21, v20  }
0x4a: {  	v21 =	vadd.f32 v23, v22;
	v22 =	vadd.f32 v25, v24;
	_ =	sdelay $0x1  }
0x4b: {  	v20 =	vadd.f32 v21, v20;
	v21 =	vperm.xlane v22, v0;
	_ =	sdelay $0x1  }
0x4c: {  	v21 =	vadd.f32 v22, v21;
	v22 =	vperm.xlane v20, v0;
	_ =	sdelay $0x1  }
0x4d: {  	v23 =	vperm.xlane v21, v1;
	v20 =	vadd.f32 v22, v20;
	_ =	sdelay $0x1  }
0x4e: {  	v21 =	vadd.f32 v21, v23;
	v22 =	vperm.xlane v20, v1;
	_ =	sdelay $0x1  }
0x4f: {  	v23 =	vperm.xlane v21, v2;
	v20 =	vadd.f32 v22, v20  }
0x50: {  	s14 =	simm.s32 $0x80  }
0x51: {  	v26 =	vld [tilespmem:s14+$0x1C00];
	v29 =	vadd.f32 v21, v23;
	v21 =	vperm.xlane v20, v2  }
0x52: {  	v24 =	vld [tilespmem:s14+$0x1C10]  }
0x53: {  	v25 =	vld [tilespmem:s14+$0x1C30];
	v57 =	vperm.xlane v29, v3;
	v58 =	vadd.f32 v21, v20  }
0x54: {  	v36 =	vld [tilespmem:s14+$0x1C60]  }
0x55: {  	v22 =	vld [tilespmem:s14+$0x1C20];
	v29 =	vadd.f32 v29, v57;
	v59 =	vperm.xlane v58, v3  }
0x56: {  	v23 =	vld [tilespmem:s14+$0x1C50]  }
0x57: {  	v60 =	vmul.f32 v26, v26;
	v21 =	vld [tilespmem:s14+$0x1C40];
	v41 =	vmul.f32 $7.812500000e-03, v29;
	v29 =	vadd.f32 v59, v58  }
0x58: {  	v61 =	vmul.f32 v24, v24;
	v42 =	vmul.f32 v25, v25;
	v20 =	vld [tilespmem:s14+$0x1C70]  }
0x59: {  	v29 =	vmul.f32 $7.812500000e-03, v29;
	v39 =	vmul.f32 v41, v41  }
0x5a: {  	v44 =	vadd.f32 v24, v26;
	v32 =	vadd.f32 v61, v60;
	v62 =	vmul.f32 v22, v22  }
0x5b: {  	v46 =	vadd.f32 v25, v22;
	v29 =	vsub.f32 v29, v39  }
0x5c: {  	v63 =	vmul.f32 v36, v36;
	v37 =	vadd.f32 v42, v62;
	v47 =	vadd.f32 v23, v21  }
0x5d: {  	v45 =	vmul.f32 v23, v23;
	v48 =	vadd.f32 v20, v36;
	v29 =	vadd.f32 $9.999999960e-13, v29  }
0x5e: {  	v52 =	vadd.f32 v46, v44;
	v43 =	vmul.f32 v21, v21;
	v49 =	vmul.f32 v20, v20  }
0x5f: {  	v53 =	vadd.f32 v48, v47;
	v51 =	vshra.s32 v29, $0x1;
	v29 =	vmul.f32 $5.000000000e-01, v29  }
0x60: {  	v50 =	vadd.f32 v45, v43;
	v39 =	vadd.f32 v49, v63;
	v42 =	vsub.s32 $0x5F3759DF, v51  }
0x61: {  	v55 =	vadd.f32 v53, v52;
	v54 =	vmul.f32 v42, v29  }
0x62: {  	v32 =	vadd.f32 v37, v32;
	v38 =	vadd.f32 v39, v50  }
0x63: {  	v56 =	vperm.xlane v55, v0;
	v37 =	vmul.f32 v42, v54  }
0x64: {  	v32 =	vadd.f32 v38, v32  }
0x65: {  	v38 =	vadd.f32 v55, v56;
	v37 =	vsub.f32 $1.500000000e+00, v37  }
0x66: {  	v57 =	vperm.xlane v32, v0  }
0x67: {  	v58 =	vperm.xlane v38, v1;
	v42 =	vmul.f32 v42, v37  }
0x68: {  	v39 =	vadd.f32 v57, v32  }
0x69: {  	v37 =	vadd.f32 v38, v58;
	v29 =	vmul.f32 v42, v29  }
0x6a: {  	v59 =	vperm.xlane v39, v1  }
0x6b: {  	s9 =	simm.s32 $0x100;
	v32 =	vsub.f32 v27, v41;
	v27 =	vperm.xlane v37, v2;
	v60 =	vmul.f32 v29, v42  }
0x6c: {  	v43 =	vld [tilespmem:s9+$0x1C00];
	v38 =	vadd.f32 v59, v39;
	v29 =	vsub.f32 v28, v41  }
0x6d: {  	v27 =	vadd.f32 v37, v27;
	v37 =	vld [tilespmem:s9+$0x1C10];
	v28 =	vsub.f32 $1.500000000e+00, v60  }
0x6e: {  	v30 =	vsub.f32 v30, v41;
	v61 =	vperm.xlane v38, v2  }
0x6f: {  	v31 =	vsub.f32 v31, v41;
	v50 =	vsub.f32 v40, v41;
	v40 =	vld [tilespmem:s9+$0x1C40];
	v46 =	vmul.f32 v28, v42  }
0x70: {  	v33 =	vsub.f32 v33, v41;
	v39 =	vld [tilespmem:s9+$0x1C20];
	v62 =	vadd.f32 v61, v38;
	v28 =	vperm.xlane v27, v3  }
0x71: {  	v34 =	vsub.f32 v34, v41;
	v49 =	vmul.f32 v43, v43;
	v38 =	vld [tilespmem:s9+$0x1C30];
	v63 =	vmul.f32 v46, v11  }
0x72: {  	v51 =	vperm.xlane v62, v3;
	v42 =	vld [tilespmem:s9+$0x1C50];
	v52 =	vmul.f32 v37, v37;
	v27 =	vadd.f32 v27, v28  }
0x73: {  	v35 =	vsub.f32 v35, v41;
	v47 =	vmul.f32 v46, v4;
	v28 =	vld [tilespmem:s9+$0x1C60];
	v53 =	vmul.f32 v63, v50  }
0x74: {  	v51 =	vadd.f32 v51, v62;
	v45 =	vmul.f32 v46, v5;
	v41 =	vmul.f32 $7.812500000e-03, v27;
	v27 =	vld [tilespmem:s9+$0x1C70]  }
0x75: {  	s11 =	simm.s32 $0x600;
	v44 =	vmul.f32 v46, v6;
	v50 =	vmul.f32 v39, v39;
	v48 =	vadd.f32 v53, v19  }
.LBB2_3:
0x76: {  	p1 =	sne.s32 s11, $0xFE00;
	v51 =	vmul.f32 $7.812500000e-03, v51;
	v53 =	vmul.f32 v41, v41;
	v54 =	vsub.f32 v26, v41;
	v26 =	vmovc v43  }
0x77: {  	v43 =	vmul.f32 v38, v38;
	v55 =	vmul.f32 v40, v40;
	v56 =	vadd.f32 v37, v26;
	[tilespmem:s2+$0x1C70] =	vst v48  }
0x78: {  	v57 =	vadd.f32 v38, v39;
	v48 =	vmul.f32 v42, v42;
	v51 =	vsub.f32 v51, v53  }
0x79: {  	v58 =	vadd.f32 v42, v40;
	v53 =	vmul.f32 v28, v28;
	v59 =	vadd.f32 v27, v28  }
0x7a: {  	v49 =	vadd.f32 v52, v49;
	v60 =	vmul.f32 v27, v27;
	v51 =	vadd.f32 $9.999999960e-13, v51  }
0x7b: {  	v43 =	vadd.f32 v43, v50;
	v50 =	vmul.f32 v46, v7;
	v48 =	vadd.f32 v48, v55  }
0x7c: {  	v52 =	vadd.f32 v60, v53;
	v53 =	vshra.s32 v51, $0x1;
	v51 =	vmul.f32 $5.000000000e-01, v51  }
0x7d: {  	v55 =	vadd.f32 v57, v56;
	v56 =	vadd.f32 v59, v58;
	v53 =	vsub.s32 $0x5F3759DF, v53  }
0x7e: {  	v57 =	vmul.f32 v46, v8;
	v43 =	vadd.f32 v43, v49;
	v49 =	vmul.f32 v53, v51  }
0x7f: {  	v48 =	vadd.f32 v52, v48;
	v52 =	vadd.f32 v56, v55;
	v55 =	vmul.f32 v46, v9  }
0x80: {  	v56 =	vsub.f32 v24, v41;
	v46 =	vmul.f32 v46, v10;
	v24 =	vmovc v37;
	v49 =	vmul.f32 v53, v49  }
0x81: {  	v37 =	vadd.f32 v48, v43;
	v43 =	vperm.xlane v52, v0;
	v48 =	vsub.f32 v22, v41;
	v22 =	vmovc v39  }
0x82: {  	v47 =	vmul.f32 v47, v32;
	v32 =	vmovc v54;
	v39 =	vsub.f32 $1.500000000e+00, v49;
	v49 =	vsub.f32 v25, v41;
	v25 =	vmovc v38  }
0x83: {  	v38 =	vadd.f32 v52, v43;
	v43 =	vperm.xlane v37, v0;
	v52 =	vsub.f32 v21, v41;
	v21 =	vmovc v40  }
0x84: {  	v36 =	vsub.f32 v36, v41;
	v40 =	vmul.f32 v53, v39;
	v39 =	vsub.f32 v23, v41;
	v23 =	vmovc v42  }
0x85: {  	v42 =	vperm.xlane v38, v1;
	v37 =	vadd.f32 v43, v37;
	v43 =	vmul.f32 v45, v29;
	v29 =	vmovc v56  }
0x86: {  	v44 =	vmul.f32 v44, v30;
	v47 =	vadd.f32 v47, v12;
	v30 =	vmovc v48;
	v45 =	vmul.f32 v40, v51  }
0x87: {  	v48 =	vmul.f32 v50, v31;
	v31 =	vmovc v49;
	v38 =	vadd.f32 v38, v42;
	v42 =	vperm.xlane v37, v1  }
0x88: {  	v49 =	vmul.f32 v57, v33;
	v45 =	vmul.f32 v45, v40;
	[tilespmem:s2+$0x1C00] =	vst v47;
	v47 =	vadd.f32 v43, v13  }
0x89: {  	s29 =	sshra.s32 s11, $0x2;
	v33 =	vmovc v52;
	v51 =	vmul.f32 v55, v34;
	v50 =	vperm.xlane v38, v2;
	v42 =	vadd.f32 v42, v37  }
0x8a: {  	v44 =	vadd.f32 v44, v14;
	v34 =	vmovc v39;
	v43 =	vld [tilespmem:s29+$0x1C00];
	v45 =	vsub.f32 $1.500000000e+00, v45;
	[tilespmem:s2+$0x1C10] =	vst v47;
	v47 =	vmul.f32 v46, v35  }
0x8b: {  	v48 =	vadd.f32 v48, v15;
	v50 =	vadd.f32 v38, v50;
	v52 =	vperm.xlane v42, v2;
	v35 =	vmovc v36;
	v37 =	vld [tilespmem:s29+$0x1C10]  }
0x8c: {  	v36 =	vadd.f32 v49, v16;
	v39 =	vld [tilespmem:s29+$0x1C20];
	v46 =	vmul.f32 v45, v40;
	[tilespmem:s2+$0x1C20] =	vst v44;
	v44 =	vadd.f32 v51, v17  }
0x8d: {  	v45 =	vperm.xlane v50, v3;
	v51 =	vadd.f32 v52, v42;
	v38 =	vld [tilespmem:s29+$0x1C30];
	[tilespmem:s2+$0x1C30] =	vst v48;
	v48 =	vadd.f32 v47, v18  }
.Ltmp0:
0x8e: {  	v52 =	vsub.f32 v20, v41;
	v40 =	vld [tilespmem:s29+$0x1C40];
	v47 =	vmul.f32 v46, v4;
	v49 =	vmul.f32 v46, v11;
	[tilespmem:s2+$0x1C40] =	vst v36;
	(pc) =	sbr.rel @p1 .LBB2_3-.Ltmp0, $4  }
0x8f: {  	v41 =	vadd.f32 v50, v45;
	v50 =	vperm.xlane v51, v3;
	v45 =	vmul.f32 v46, v5;
	v42 =	vld [tilespmem:s29+$0x1C50];
	[tilespmem:s2+$0x1C50] =	vst v44  }
0x90: {  	v20 =	vmovc v27;
	v36 =	vmov v28;
	v44 =	vmul.f32 v46, v6;
	v53 =	vmul.f32 v49, v52;
	[tilespmem:s2+$0x1C60] =	vst v48;
	v28 =	vld [tilespmem:s29+$0x1C60];
	s2 =	smov.u32 s14;
	s14 =	smov.u32 s9;
	s9 =	smov.u32 s29  }
0x91: {  	v49 =	vmul.f32 v43, v43;
	v41 =	vmul.f32 $7.812500000e-03, v41;
	v51 =	vadd.f32 v50, v51;
	v27 =	vld [tilespmem:s9+$0x1C70]  }
0x92: {  	s11 =	sadd.s32 $0x200, s11;
	v52 =	vmul.f32 v37, v37;
	v50 =	vmul.f32 v39, v39;
	v48 =	vadd.f32 v53, v19  }
0x93: {  	v53 =	vmul.f32 v38, v38;
	v54 =	vmul.f32 v40, v40  }
0x94: {  	v55 =	vadd.f32 v37, v43;
	v57 =	vadd.f32 v38, v39;
	v56 =	vmul.f32 v42, v42  }
0x95: {  	v59 =	vadd.f32 v42, v40;
	v49 =	vadd.f32 v52, v49;
	v58 =	vmul.f32 v28, v28  }
0x96: {  	v50 =	vadd.f32 v53, v50;
	v60 =	vmul.f32 v27, v27;
	v62 =	vadd.f32 v27, v28  }
0x97: {  	v55 =	vadd.f32 v57, v55;
	v63 =	vadd.f32 v56, v54  }
0x98: {  	v58 =	vadd.f32 v60, v58;
	v52 =	vadd.f32 v62, v59  }
0x99: {  	v49 =	vadd.f32 v50, v49  }
0x9a: {  	v59 =	vadd.f32 v58, v63;
	v52 =	vadd.f32 v52, v55;
	_ =	sdelay $0x1  }
0x9b: {  	v49 =	vadd.f32 v59, v49;
	v60 =	vperm.xlane v52, v0;
	_ =	sdelay $0x1  }
0x9c: {  	v50 =	vadd.f32 v52, v60;
	v61 =	vperm.xlane v49, v0;
	_ =	sdelay $0x1  }
0x9d: {  	v62 =	vperm.xlane v50, v1;
	v49 =	vadd.f32 v61, v49;
	_ =	sdelay $0x1  }
0x9e: {  	v50 =	vadd.f32 v50, v62;
	v56 =	vperm.xlane v49, v1  }
0x9f: {  	v51 =	vmul.f32 $7.812500000e-03, v51;
	v63 =	vmul.f32 v41, v41  }
0xa0: {  	v57 =	vperm.xlane v50, v2;
	v49 =	vadd.f32 v56, v49  }
0xa1: {  	v51 =	vsub.f32 v51, v63  }
0xa2: {  	v50 =	vadd.f32 v50, v57;
	v58 =	vperm.xlane v49, v2  }
0xa3: {  	v51 =	vadd.f32 $9.999999960e-13, v51  }
0xa4: {  	v60 =	vperm.xlane v50, v3;
	v49 =	vadd.f32 v58, v49  }
0xa5: {  	v59 =	vshra.s32 v51, $0x1;
	v51 =	vmul.f32 $5.000000000e-01, v51  }
0xa6: {  	v53 =	vsub.s32 $0x5F3759DF, v59;
	v50 =	vadd.f32 v50, v60;
	v62 =	vperm.xlane v49, v3  }
0xa7: {  	v61 =	vmul.f32 v53, v51  }
0xa8: {  	v50 =	vmul.f32 $7.812500000e-03, v50;
	v49 =	vadd.f32 v62, v49  }
0xa9: {  	v26 =	vsub.f32 v26, v41;
	v24 =	vsub.f32 v24, v41;
	v52 =	vmul.f32 v53, v61  }
0xaa: {  	v22 =	vsub.f32 v22, v41;
	v49 =	vmul.f32 $7.812500000e-03, v49;
	v63 =	vmul.f32 v50, v50  }
0xab: {  	v25 =	vsub.f32 v25, v41;
	v32 =	vmul.f32 v47, v32;
	v52 =	vsub.f32 $1.500000000e+00, v52  }
0xac: {  	v21 =	vsub.f32 v21, v41;
	v29 =	vmul.f32 v45, v29;
	v49 =	vsub.f32 v49, v63  }
0xad: {  	v23 =	vsub.f32 v23, v41;
	v30 =	vmul.f32 v44, v30;
	v52 =	vmul.f32 v53, v52  }
0xae: {  	v36 =	vsub.f32 v36, v41;
	v54 =	vmul.f32 v46, v7;
	v60 =	vadd.f32 $9.999999960e-13, v49  }
0xaf: {  	v20 =	vsub.f32 v20, v41;
	v32 =	vadd.f32 v32, v12;
	v51 =	vmul.f32 v52, v51  }
0xb0: {  	v31 =	vmul.f32 v54, v31;
	v62 =	vshra.s32 v60, $0x1;
	v47 =	vmul.f32 $5.000000000e-01, v60  }
0xb1: {  	v59 =	vmul.f32 v46, v10;
	v61 =	vmul.f32 v51, v52;
	v45 =	vsub.s32 $0x5F3759DF, v62  }
0xb2: {  	v29 =	vadd.f32 v29, v13;
	v56 =	vmul.f32 v46, v8;
	v54 =	vmul.f32 v45, v47  }
0xb3: {  	v35 =	vmul.f32 v59, v35;
	v58 =	vmul.f32 v46, v9;
	v63 =	vsub.f32 $1.500000000e+00, v61  }
0xb4: {  	v30 =	vadd.f32 v30, v14;
	v33 =	vmul.f32 v56, v33;
	v49 =	vmul.f32 v45, v54  }
0xb5: {  	v31 =	vadd.f32 v31, v15;
	v34 =	vmul.f32 v58, v34;
	v44 =	vmul.f32 v63, v52  }
0xb6: {  	v35 =	vadd.f32 v35, v18;
	v56 =	vsub.f32 $1.500000000e+00, v49  }
0xb7: {  	v33 =	vadd.f32 v33, v16;
	v34 =	vadd.f32 v34, v17;
	v55 =	vmul.f32 v44, v11  }
0xb8: {  	[tilespmem:s2+$0x1C10] =	vst v29;
	v29 =	vsub.f32 v43, v50;
	v57 =	vmul.f32 v44, v4;
	v41 =	vmul.f32 v45, v56  }
0xb9: {  	[tilespmem:s2+$0x1C70] =	vst v48;
	v51 =	vsub.f32 v38, v50;
	v58 =	vmul.f32 v44, v5;
	v59 =	vmul.f32 v44, v6  }
0xba: {  	[tilespmem:s2+$0x1C00] =	vst v32;
	v53 =	vsub.f32 v42, v50;
	v60 =	vmul.f32 v44, v7;
	v47 =	vmul.f32 v41, v47  }
0xbb: {  	[tilespmem:s2+$0x1C20] =	vst v30;
	v28 =	vsub.f32 v28, v50;
	v30 =	vmul.f32 v44, v8;
	v61 =	vmul.f32 v44, v9  }
0xbc: {  	[tilespmem:s2+$0x1C30] =	vst v31;
	v63 =	vsub.f32 v39, v50;
	v20 =	vmul.f32 v55, v20;
	v49 =	vmul.f32 v47, v41  }
0xbd: {  	[tilespmem:s2+$0x1C60] =	vst v35;
	v52 =	vsub.f32 v40, v50;
	v31 =	vmul.f32 v44, v10;
	v26 =	vmul.f32 v57, v26  }
0xbe: {  	[tilespmem:s2+$0x1C40] =	vst v33;
	v24 =	vmul.f32 v58, v24;
	v20 =	vadd.f32 v20, v19;
	v54 =	vsub.f32 $1.500000000e+00, v49  }
0xbf: {  	[tilespmem:s2+$0x1C50] =	vst v34;
	v62 =	vsub.f32 v37, v50;
	v22 =	vmul.f32 v59, v22;
	v26 =	vadd.f32 v26, v12  }
0xc0: {  	v24 =	vadd.f32 v24, v13;
	[tilespmem:s14+$0x1C70] =	vst v20;
	v20 =	vmul.f32 v60, v25;
	v25 =	vmul.f32 v54, v41  }
0xc1: {  	v21 =	vmul.f32 v30, v21;
	v23 =	vmul.f32 v61, v23;
	v22 =	vadd.f32 v22, v14;
	[tilespmem:s14+$0x1C00] =	vst v26  }
0xc2: {  	[tilespmem:s14+$0x1C10] =	vst v24;
	v26 =	vsub.f32 v27, v50;
	v20 =	vadd.f32 v20, v15;
	v24 =	vmul.f32 v25, v11  }
0xc3: {  	v21 =	vadd.f32 v21, v16;
	v27 =	vmul.f32 v31, v36;
	[tilespmem:s14+$0x1C20] =	vst v22;
	v22 =	vmul.f32 v25, v4  }
0xc4: {  	v23 =	vadd.f32 v23, v17;
	[tilespmem:s14+$0x1C30] =	vst v20;
	v20 =	vmul.f32 v25, v5;
	v24 =	vmul.f32 v24, v26  }
0xc5: {  	[tilespmem:s14+$0x1C40] =	vst v21;
	v21 =	vmul.f32 v25, v6;
	v26 =	vadd.f32 v27, v18;
	v22 =	vmul.f32 v22, v29  }
0xc6: {  	[tilespmem:s14+$0x1C50] =	vst v23;
	v20 =	vmul.f32 v20, v62;
	v23 =	vadd.f32 v24, v19;
	v24 =	vmul.f32 v25, v7  }
0xc7: {  	v21 =	vmul.f32 v21, v63;
	[tilespmem:s14+$0x1C60] =	vst v26;
	v26 =	vmul.f32 v25, v8;
	v22 =	vadd.f32 v22, v12  }
0xc8: {  	v20 =	vadd.f32 v20, v13;
	[tilespmem:s9+$0x1C70] =	vst v23;
	v23 =	vmul.f32 v25, v9;
	v24 =	vmul.f32 v24, v51  }
0xc9: {  	v21 =	vadd.f32 v21, v14;
	v25 =	vmul.f32 v25, v10;
	[tilespmem:s9+$0x1C00] =	vst v22;
	v22 =	vmul.f32 v26, v52  }
0xca: {  	[tilespmem:s9+$0x1C10] =	vst v20;
	v23 =	vmul.f32 v23, v53;
	v20 =	vadd.f32 v24, v15  }
0xcb: {  	s14 =	smul.u32 $0x280, s0;
	[tilespmem:s9+$0x1C20] =	vst v21;
	v24 =	vmul.f32 v25, v28;
	v21 =	vadd.f32 v22, v16  }
0xcc: {  	v22 =	vadd.f32 v23, v17;
	[tilespmem:s9+$0x1C30] =	vst v20  }
0xcd: {  	s2 =	sadd.s32 s8, s14;
	v20 =	vadd.f32 v24, v18;
	[tilespmem:s9+$0x1C40] =	vst v21  }
0xce: {  	s2 =	sshll.u32 s2, $0x4;
	[tilespmem:s9+$0x1C50] =	vst v22  }
0xcf: {  	s2 =	sadd.s32 s5, s2;
	[tilespmem:s9+$0x1C60] =	vst v20;
	s9 =	simm.s32 @!p0 $0x9  }
0xd0: {  	[hbm4b:s2+s6] =	stream.linear.scatter [tilespmem:s16], [sflag:$0x6], $0x4000, $0x38;
	[tilespmem:$0x15D00] =	vst v63  }
0xd1: {  	s2 =	sadd.s32 $0x3, s3;
	_ =	swait.ge @!p0 [sflag:s9], $0x4000  }
0xd2: {  	s11 =	sshll.u32 s2, $0x7;
	[sflag:s9] =	ssyncset.done @!p0 $0x0  }
0xd3: {  	s30 =	sand.u32 $0x3FFFFF80, s11;
	[sflag:s9] =	ssyncadd.s32 @!p0 $0xFFFFC000  }
0xd4: {  	[tilespmem:s20], [sflag:$0x4] =	stream.indirect.gather [hbm4b:s1+s15], $0x80, s30, s15, $0xb8;
	[tilespmem:$0x15D00] =	vst v63  }
0xd5: {  	_ =	swait.ge [sflag:s21], $0x4000  }
0xd6: {  	[sflag:s21] =	ssyncset.done $0x0  }
0xd7: {  	s14 =	simm.s32 $0x0;
	[sflag:s21] =	ssyncadd.s32 $0xFFFFC000  }
0xd8: {  	v27 =	vld [tilespmem:s14+$0x5C00]  }
0xd9: {  	v28 =	vld [tilespmem:s14+$0x5C10]  }
0xda: {  	v30 =	vld [tilespmem:s14+$0x5C20]  }
0xdb: {  	v31 =	vld [tilespmem:s14+$0x5C30]  }
0xdc: {  	v33 =	vld [tilespmem:s14+$0x5C40]  }
0xdd: {  	v34 =	vld [tilespmem:s14+$0x5C50]  }
0xde: {  	v35 =	vld [tilespmem:s14+$0x5C60]  }
0xdf: {  	v40 =	vld [tilespmem:s14+$0x5C70]  }
0xe0: {  	v20 =	vmul.f32 v27, v27  }
0xe1: {  	v21 =	vmul.f32 v28, v28;
	v22 =	vmul.f32 v30, v30  }
0xe2: {  	v23 =	vmul.f32 v31, v31;
	v24 =	vmul.f32 v33, v33;
	v25 =	vadd.f32 v28, v27  }
0xe3: {  	v26 =	vmul.f32 v34, v34;
	v29 =	vadd.f32 v31, v30;
	v55 =	vmul.f32 v35, v35  }
0xe4: {  	v56 =	vadd.f32 v34, v33;
	v57 =	vadd.f32 v40, v35;
	v58 =	vmul.f32 v40, v40  }
0xe5: {  	v20 =	vadd.f32 v21, v20;
	v21 =	vadd.f32 v23, v22  }
0xe6: {  	v22 =	vadd.f32 v26, v24;
	v23 =	vadd.f32 v58, v55  }
0xe7: {  	v24 =	vadd.f32 v29, v25;
	v25 =	vadd.f32 v57, v56  }
0xe8: {  	v20 =	vadd.f32 v21, v20  }
0xe9: {  	v21 =	vadd.f32 v23, v22;
	v22 =	vadd.f32 v25, v24;
	_ =	sdelay $0x1  }
0xea: {  	v20 =	vadd.f32 v21, v20;
	v21 =	vperm.xlane v22, v0;
	_ =	sdelay $0x1  }
0xeb: {  	v21 =	vadd.f32 v22, v21;
	v22 =	vperm.xlane v20, v0;
	_ =	sdelay $0x1  }
0xec: {  	v23 =	vperm.xlane v21, v1;
	v20 =	vadd.f32 v22, v20;
	_ =	sdelay $0x1  }
0xed: {  	v21 =	vadd.f32 v21, v23;
	v22 =	vperm.xlane v20, v1;
	_ =	sdelay $0x1  }
0xee: {  	v23 =	vperm.xlane v21, v2;
	v20 =	vadd.f32 v22, v20;
	_ =	sdelay $0x1  }
0xef: {  	s9 =	simm.s32 $0x80;
	v29 =	vadd.f32 v21, v23;
	v21 =	vperm.xlane v20, v2  }
0xf0: {  	v26 =	vld [tilespmem:s9+$0x5C00]  }
0xf1: {  	v24 =	vld [tilespmem:s9+$0x5C10];
	v59 =	vperm.xlane v29, v3;
	v60 =	vadd.f32 v21, v20  }
0xf2: {  	v25 =	vld [tilespmem:s9+$0x5C30]  }
0xf3: {  	v22 =	vld [tilespmem:s9+$0x5C20];
	v29 =	vadd.f32 v29, v59;
	v61 =	vperm.xlane v60, v3  }
0xf4: {  	v36 =	vld [tilespmem:s9+$0x5C60]  }
0xf5: {  	v23 =	vld [tilespmem:s9+$0x5C50];
	v41 =	vmul.f32 $7.812500000e-03, v29;
	v29 =	vadd.f32 v61, v60  }
0xf6: {  	v38 =	vmul.f32 v26, v26;
	v62 =	vmul.f32 v24, v24;
	v21 =	vld [tilespmem:s9+$0x5C40]  }
0xf7: {  	v20 =	vld [tilespmem:s9+$0x5C70];
	v29 =	vmul.f32 $7.812500000e-03, v29;
	v52 =	vmul.f32 v41, v41  }
0xf8: {  	v53 =	vmul.f32 v25, v25;
	v55 =	vadd.f32 v24, v26;
	v63 =	vmul.f32 v22, v22  }
0xf9: {  	v58 =	vmul.f32 v36, v36;
	v57 =	vadd.f32 v25, v22;
	v29 =	vsub.f32 v29, v52  }
0xfa: {  	v32 =	vadd.f32 v62, v38;
	v56 =	vmul.f32 v23, v23;
	v37 =	vadd.f32 v53, v63  }
0xfb: {  	v49 =	vadd.f32 v57, v55;
	v54 =	vmul.f32 v21, v21;
	v29 =	vadd.f32 $9.999999960e-13, v29  }
0xfc: {  	v59 =	vadd.f32 v23, v21;
	v60 =	vadd.f32 v20, v36;
	v61 =	vmul.f32 v20, v20  }
0xfd: {  	v62 =	vadd.f32 v56, v54;
	v63 =	vshra.s32 v29, $0x1;
	v29 =	vmul.f32 $5.000000000e-01, v29  }
0xfe: {  	v39 =	vadd.f32 v61, v58;
	v50 =	vadd.f32 v60, v59;
	v42 =	vsub.s32 $0x5F3759DF, v63  }
0xff: {  	v32 =	vadd.f32 v37, v32;
	v51 =	vmul.f32 v42, v29  }
0x100: {  	v38 =	vadd.f32 v39, v62;
	v52 =	vadd.f32 v50, v49  }
0x101: {  	v37 =	vmul.f32 v42, v51  }
0x102: {  	v32 =	vadd.f32 v38, v32;
	v53 =	vperm.xlane v52, v0  }
0x103: {  	v37 =	vsub.f32 $1.500000000e+00, v37  }
0x104: {  	v38 =	vadd.f32 v52, v53;
	v54 =	vperm.xlane v32, v0  }
0x105: {  	v42 =	vmul.f32 v42, v37  }
0x106: {  	v55 =	vperm.xlane v38, v1;
	v39 =	vadd.f32 v54, v32  }
0x107: {  	v29 =	vmul.f32 v42, v29  }
0x108: {  	v56 =	vperm.xlane v39, v1;
	v37 =	vadd.f32 v38, v55  }
0x109: {  	s11 =	simm.s32 $0x100;
	v57 =	vmul.f32 v29, v42  }
0x10a: {  	v43 =	vld [tilespmem:s11+$0x5C00];
	v32 =	vsub.f32 v27, v41;
	v38 =	vadd.f32 v56, v39;
	v27 =	vperm.xlane v37, v2  }
0x10b: {  	v39 =	vld [tilespmem:s11+$0x5C20];
	v29 =	vsub.f32 v28, v41;
	v28 =	vsub.f32 $1.500000000e+00, v57  }
0x10c: {  	v30 =	vsub.f32 v30, v41;
	v58 =	vperm.xlane v38, v2;
	v27 =	vadd.f32 v37, v27;
	v37 =	vld [tilespmem:s11+$0x5C10]  }
0x10d: {  	v31 =	vsub.f32 v31, v41;
	v33 =	vsub.f32 v33, v41;
	v46 =	vmul.f32 v28, v42  }
0x10e: {  	v61 =	vsub.f32 v40, v41;
	v40 =	vld [tilespmem:s11+$0x5C40];
	v59 =	vadd.f32 v58, v38;
	v28 =	vperm.xlane v27, v3  }
0x10f: {  	v34 =	vsub.f32 v34, v41;
	v49 =	vmul.f32 v43, v43;
	v38 =	vld [tilespmem:s11+$0x5C30];
	v60 =	vmul.f32 v46, v11  }
0x110: {  	v50 =	vmul.f32 v39, v39;
	v62 =	vperm.xlane v59, v3;
	v42 =	vld [tilespmem:s11+$0x5C50];
	v27 =	vadd.f32 v27, v28  }
0x111: {  	v35 =	vsub.f32 v35, v41;
	v52 =	vmul.f32 v37, v37;
	v28 =	vld [tilespmem:s11+$0x5C60];
	v63 =	vmul.f32 v60, v61  }
0x112: {  	v51 =	vadd.f32 v62, v59;
	v47 =	vmul.f32 v46, v4;
	v41 =	vmul.f32 $7.812500000e-03, v27;
	v27 =	vld [tilespmem:s11+$0x5C70]  }
0x113: {  	s29 =	simm.s32 $0x600;
	v45 =	vmul.f32 v46, v5;
	v44 =	vmul.f32 v46, v6;
	v48 =	vadd.f32 v63, v19  }
.LBB2_5:
0x114: {  	p1 =	sne.s32 s29, $0xFE00;
	v51 =	vmul.f32 $7.812500000e-03, v51;
	v53 =	vmul.f32 v41, v41;
	v54 =	vsub.f32 v26, v41;
	v26 =	vmovc v43  }
0x115: {  	v43 =	vmul.f32 v38, v38;
	v55 =	vmul.f32 v40, v40;
	v56 =	vadd.f32 v37, v26;
	[tilespmem:s14+$0x5C70] =	vst v48  }
0x116: {  	v57 =	vadd.f32 v38, v39;
	v48 =	vmul.f32 v42, v42;
	v51 =	vsub.f32 v51, v53  }
0x117: {  	v58 =	vadd.f32 v42, v40;
	v53 =	vmul.f32 v28, v28;
	v59 =	vadd.f32 v27, v28  }
0x118: {  	v49 =	vadd.f32 v52, v49;
	v60 =	vmul.f32 v27, v27;
	v51 =	vadd.f32 $9.999999960e-13, v51  }
0x119: {  	v43 =	vadd.f32 v43, v50;
	v50 =	vmul.f32 v46, v7;
	v48 =	vadd.f32 v48, v55  }
0x11a: {  	v52 =	vadd.f32 v60, v53;
	v53 =	vshra.s32 v51, $0x1;
	v51 =	vmul.f32 $5.000000000e-01, v51  }
0x11b: {  	v55 =	vadd.f32 v57, v56;
	v56 =	vadd.f32 v59, v58;
	v53 =	vsub.s32 $0x5F3759DF, v53  }
0x11c: {  	v57 =	vmul.f32 v46, v8;
	v43 =	vadd.f32 v43, v49;
	v49 =	vmul.f32 v53, v51  }
0x11d: {  	v48 =	vadd.f32 v52, v48;
	v52 =	vadd.f32 v56, v55;
	v55 =	vmul.f32 v46, v9  }
0x11e: {  	v56 =	vsub.f32 v24, v41;
	v46 =	vmul.f32 v46, v10;
	v24 =	vmovc v37;
	v49 =	vmul.f32 v53, v49  }
0x11f: {  	v37 =	vadd.f32 v48, v43;
	v43 =	vperm.xlane v52, v0;
	v48 =	vsub.f32 v22, v41;
	v22 =	vmovc v39  }
0x120: {  	v47 =	vmul.f32 v47, v32;
	v32 =	vmovc v54;
	v39 =	vsub.f32 $1.500000000e+00, v49;
	v49 =	vsub.f32 v25, v41;
	v25 =	vmovc v38  }
0x121: {  	v38 =	vadd.f32 v52, v43;
	v43 =	vperm.xlane v37, v0;
	v52 =	vsub.f32 v21, v41;
	v21 =	vmovc v40  }
0x122: {  	v36 =	vsub.f32 v36, v41;
	v40 =	vmul.f32 v53, v39;
	v39 =	vsub.f32 v23, v41;
	v23 =	vmovc v42  }
0x123: {  	v42 =	vperm.xlane v38, v1;
	v37 =	vadd.f32 v43, v37;
	v43 =	vmul.f32 v45, v29;
	v29 =	vmovc v56  }
0x124: {  	v44 =	vmul.f32 v44, v30;
	v47 =	vadd.f32 v47, v12;
	v30 =	vmovc v48;
	v45 =	vmul.f32 v40, v51  }
0x125: {  	v48 =	vmul.f32 v50, v31;
	v31 =	vmovc v49;
	v38 =	vadd.f32 v38, v42;
	v42 =	vperm.xlane v37, v1  }
0x126: {  	v49 =	vmul.f32 v57, v33;
	v45 =	vmul.f32 v45, v40;
	[tilespmem:s14+$0x5C00] =	vst v47;
	v47 =	vadd.f32 v43, v13  }
0x127: {  	s30 =	sshra.s32 s29, $0x2;
	v33 =	vmovc v52;
	v51 =	vmul.f32 v55, v34;
	v50 =	vperm.xlane v38, v2;
	v42 =	vadd.f32 v42, v37  }
0x128: {  	v44 =	vadd.f32 v44, v14;
	v34 =	vmovc v39;
	v43 =	vld [tilespmem:s30+$0x5C00];
	v45 =	vsub.f32 $1.500000000e+00, v45;
	[tilespmem:s14+$0x5C10] =	vst v47;
	v47 =	vmul.f32 v46, v35  }
0x129: {  	v48 =	vadd.f32 v48, v15;
	v50 =	vadd.f32 v38, v50;
	v52 =	vperm.xlane v42, v2;
	v35 =	vmovc v36;
	v37 =	vld [tilespmem:s30+$0x5C10]  }
0x12a: {  	v36 =	vadd.f32 v49, v16;
	v39 =	vld [tilespmem:s30+$0x5C20];
	v46 =	vmul.f32 v45, v40;
	[tilespmem:s14+$0x5C20] =	vst v44;
	v44 =	vadd.f32 v51, v17  }
0x12b: {  	v45 =	vperm.xlane v50, v3;
	v51 =	vadd.f32 v52, v42;
	v38 =	vld [tilespmem:s30+$0x5C30];
	[tilespmem:s14+$0x5C30] =	vst v48;
	v48 =	vadd.f32 v47, v18  }
.Ltmp1:
0x12c: {  	v52 =	vsub.f32 v20, v41;
	v40 =	vld [tilespmem:s30+$0x5C40];
	v47 =	vmul.f32 v46, v4;
	v49 =	vmul.f32 v46, v11;
	[tilespmem:s14+$0x5C40] =	vst v36;
	(pc) =	sbr.rel @p1 .LBB2_5-.Ltmp1, $4  }
0x12d: {  	v41 =	vadd.f32 v50, v45;
	v50 =	vperm.xlane v51, v3;
	v45 =	vmul.f32 v46, v5;
	v42 =	vld [tilespmem:s30+$0x5C50];
	[tilespmem:s14+$0x5C50] =	vst v44  }
0x12e: {  	v20 =	vmovc v27;
	v36 =	vmov v28;
	v44 =	vmul.f32 v46, v6;
	v53 =	vmul.f32 v49, v52;
	[tilespmem:s14+$0x5C60] =	vst v48;
	v28 =	vld [tilespmem:s30+$0x5C60];
	s14 =	smov.u32 s9;
	s9 =	smov.u32 s11;
	s11 =	smov.u32 s30  }
0x12f: {  	v49 =	vmul.f32 v43, v43;
	v41 =	vmul.f32 $7.812500000e-03, v41;
	v51 =	vadd.f32 v50, v51;
	v27 =	vld [tilespmem:s11+$0x5C70]  }
0x130: {  	s29 =	sadd.s32 $0x200, s29;
	v52 =	vmul.f32 v37, v37;
	v50 =	vmul.f32 v39, v39;
	v48 =	vadd.f32 v53, v19  }
0x131: {  	v53 =	vmul.f32 v38, v38;
	v54 =	vmul.f32 v40, v40  }
0x132: {  	v55 =	vadd.f32 v37, v43;
	v57 =	vadd.f32 v38, v39;
	v56 =	vmul.f32 v42, v42  }
0x133: {  	v59 =	vadd.f32 v42, v40;
	v49 =	vadd.f32 v52, v49;
	v58 =	vmul.f32 v28, v28  }
0x134: {  	v50 =	vadd.f32 v53, v50;
	v60 =	vmul.f32 v27, v27;
	v62 =	vadd.f32 v27, v28  }
0x135: {  	v55 =	vadd.f32 v57, v55;
	v63 =	vadd.f32 v56, v54  }
0x136: {  	v58 =	vadd.f32 v60, v58;
	v52 =	vadd.f32 v62, v59  }
0x137: {  	v49 =	vadd.f32 v50, v49  }
0x138: {  	v59 =	vadd.f32 v58, v63;
	v52 =	vadd.f32 v52, v55;
	_ =	sdelay $0x1  }
0x139: {  	v49 =	vadd.f32 v59, v49;
	v60 =	vperm.xlane v52, v0;
	_ =	sdelay $0x1  }
0x13a: {  	v50 =	vadd.f32 v52, v60;
	v61 =	vperm.xlane v49, v0;
	_ =	sdelay $0x1  }
0x13b: {  	v62 =	vperm.xlane v50, v1;
	v49 =	vadd.f32 v61, v49;
	_ =	sdelay $0x1  }
0x13c: {  	v50 =	vadd.f32 v50, v62;
	v56 =	vperm.xlane v49, v1  }
0x13d: {  	v51 =	vmul.f32 $7.812500000e-03, v51;
	v63 =	vmul.f32 v41, v41  }
0x13e: {  	v57 =	vperm.xlane v50, v2;
	v49 =	vadd.f32 v56, v49  }
0x13f: {  	v51 =	vsub.f32 v51, v63  }
0x140: {  	v50 =	vadd.f32 v50, v57;
	v58 =	vperm.xlane v49, v2  }
0x141: {  	v51 =	vadd.f32 $9.999999960e-13, v51  }
0x142: {  	v60 =	vperm.xlane v50, v3;
	v49 =	vadd.f32 v58, v49  }
0x143: {  	v59 =	vshra.s32 v51, $0x1;
	v51 =	vmul.f32 $5.000000000e-01, v51  }
0x144: {  	v53 =	vsub.s32 $0x5F3759DF, v59;
	v50 =	vadd.f32 v50, v60;
	v62 =	vperm.xlane v49, v3  }
0x145: {  	v61 =	vmul.f32 v53, v51  }
0x146: {  	v50 =	vmul.f32 $7.812500000e-03, v50;
	v49 =	vadd.f32 v62, v49  }
0x147: {  	v26 =	vsub.f32 v26, v41;
	v24 =	vsub.f32 v24, v41;
	v52 =	vmul.f32 v53, v61  }
0x148: {  	v22 =	vsub.f32 v22, v41;
	v49 =	vmul.f32 $7.812500000e-03, v49;
	v63 =	vmul.f32 v50, v50  }
0x149: {  	v25 =	vsub.f32 v25, v41;
	v32 =	vmul.f32 v47, v32;
	v52 =	vsub.f32 $1.500000000e+00, v52  }
0x14a: {  	v21 =	vsub.f32 v21, v41;
	v29 =	vmul.f32 v45, v29;
	v49 =	vsub.f32 v49, v63  }
0x14b: {  	v23 =	vsub.f32 v23, v41;
	v30 =	vmul.f32 v44, v30;
	v52 =	vmul.f32 v53, v52  }
0x14c: {  	v36 =	vsub.f32 v36, v41;
	v54 =	vmul.f32 v46, v7;
	v60 =	vadd.f32 $9.999999960e-13, v49  }
0x14d: {  	v20 =	vsub.f32 v20, v41;
	v32 =	vadd.f32 v32, v12;
	v51 =	vmul.f32 v52, v51  }
0x14e: {  	v31 =	vmul.f32 v54, v31;
	v62 =	vshra.s32 v60, $0x1;
	v47 =	vmul.f32 $5.000000000e-01, v60  }
0x14f: {  	v59 =	vmul.f32 v46, v10;
	v61 =	vmul.f32 v51, v52;
	v45 =	vsub.s32 $0x5F3759DF, v62  }
0x150: {  	v29 =	vadd.f32 v29, v13;
	v56 =	vmul.f32 v46, v8;
	v54 =	vmul.f32 v45, v47  }
0x151: {  	v35 =	vmul.f32 v59, v35;
	v58 =	vmul.f32 v46, v9;
	v63 =	vsub.f32 $1.500000000e+00, v61  }
0x152: {  	v30 =	vadd.f32 v30, v14;
	v33 =	vmul.f32 v56, v33;
	v49 =	vmul.f32 v45, v54  }
0x153: {  	v31 =	vadd.f32 v31, v15;
	v34 =	vmul.f32 v58, v34;
	v44 =	vmul.f32 v63, v52  }
0x154: {  	v35 =	vadd.f32 v35, v18;
	v56 =	vsub.f32 $1.500000000e+00, v49  }
0x155: {  	v33 =	vadd.f32 v33, v16;
	v34 =	vadd.f32 v34, v17;
	v55 =	vmul.f32 v44, v11  }
0x156: {  	[tilespmem:s14+$0x5C10] =	vst v29;
	v29 =	vsub.f32 v43, v50;
	v57 =	vmul.f32 v44, v4;
	v41 =	vmul.f32 v45, v56  }
0x157: {  	[tilespmem:s14+$0x5C70] =	vst v48;
	v51 =	vsub.f32 v38, v50;
	v58 =	vmul.f32 v44, v5;
	v59 =	vmul.f32 v44, v6  }
0x158: {  	[tilespmem:s14+$0x5C00] =	vst v32;
	v53 =	vsub.f32 v42, v50;
	v60 =	vmul.f32 v44, v7;
	v47 =	vmul.f32 v41, v47  }
0x159: {  	[tilespmem:s14+$0x5C20] =	vst v30;
	v28 =	vsub.f32 v28, v50;
	v30 =	vmul.f32 v44, v8;
	v61 =	vmul.f32 v44, v9  }
0x15a: {  	[tilespmem:s14+$0x5C30] =	vst v31;
	v63 =	vsub.f32 v39, v50;
	v20 =	vmul.f32 v55, v20;
	v49 =	vmul.f32 v47, v41  }
0x15b: {  	[tilespmem:s14+$0x5C60] =	vst v35;
	v52 =	vsub.f32 v40, v50;
	v31 =	vmul.f32 v44, v10;
	v26 =	vmul.f32 v57, v26  }
0x15c: {  	[tilespmem:s14+$0x5C40] =	vst v33;
	v24 =	vmul.f32 v58, v24;
	v20 =	vadd.f32 v20, v19;
	v54 =	vsub.f32 $1.500000000e+00, v49  }
0x15d: {  	[tilespmem:s14+$0x5C50] =	vst v34;
	v62 =	vsub.f32 v37, v50;
	v22 =	vmul.f32 v59, v22;
	v26 =	vadd.f32 v26, v12  }
0x15e: {  	v24 =	vadd.f32 v24, v13;
	[tilespmem:s9+$0x5C70] =	vst v20;
	v20 =	vmul.f32 v60, v25;
	v25 =	vmul.f32 v54, v41  }
0x15f: {  	v21 =	vmul.f32 v30, v21;
	v23 =	vmul.f32 v61, v23;
	v22 =	vadd.f32 v22, v14;
	[tilespmem:s9+$0x5C00] =	vst v26  }
0x160: {  	[tilespmem:s9+$0x5C10] =	vst v24;
	v26 =	vsub.f32 v27, v50;
	v20 =	vadd.f32 v20, v15;
	v24 =	vmul.f32 v25, v11  }
0x161: {  	v21 =	vadd.f32 v21, v16;
	v27 =	vmul.f32 v31, v36;
	[tilespmem:s9+$0x5C20] =	vst v22;
	v22 =	vmul.f32 v25, v4  }
0x162: {  	v23 =	vadd.f32 v23, v17;
	[tilespmem:s9+$0x5C30] =	vst v20;
	v20 =	vmul.f32 v25, v5;
	v24 =	vmul.f32 v24, v26  }
0x163: {  	[tilespmem:s9+$0x5C40] =	vst v21;
	v21 =	vmul.f32 v25, v6;
	v26 =	vadd.f32 v27, v18;
	v22 =	vmul.f32 v22, v29  }
0x164: {  	[tilespmem:s9+$0x5C50] =	vst v23;
	v20 =	vmul.f32 v20, v62;
	v23 =	vadd.f32 v24, v19;
	v24 =	vmul.f32 v25, v7  }
0x165: {  	v21 =	vmul.f32 v21, v63;
	[tilespmem:s9+$0x5C60] =	vst v26;
	v26 =	vmul.f32 v25, v8;
	v22 =	vadd.f32 v22, v12  }
0x166: {  	v20 =	vadd.f32 v20, v13;
	[tilespmem:s11+$0x5C70] =	vst v23;
	v23 =	vmul.f32 v25, v9;
	v24 =	vmul.f32 v24, v51  }
0x167: {  	v21 =	vadd.f32 v21, v14;
	v25 =	vmul.f32 v25, v10;
	[tilespmem:s11+$0x5C00] =	vst v22;
	v22 =	vmul.f32 v26, v52  }
0x168: {  	[tilespmem:s11+$0x5C10] =	vst v20;
	v23 =	vmul.f32 v23, v53;
	v20 =	vadd.f32 v24, v15  }
0x169: {  	s30 =	smul.u32 $0x14000, s0;
	[tilespmem:s11+$0x5C20] =	vst v21;
	v24 =	vmul.f32 v25, v28;
	v21 =	vadd.f32 v22, v16  }
0x16a: {  	v22 =	vadd.f32 v23, v17;
	[tilespmem:s11+$0x5C30] =	vst v20  }
0x16b: {  	s9 =	sadd.s32 s30, s10;
	v20 =	vadd.f32 v24, v18;
	[tilespmem:s11+$0x5C40] =	vst v21  }
0x16c: {  	s9 =	sshrl.u32 s9, $0x3;
	[tilespmem:s11+$0x5C50] =	vst v22  }
0x16d: {  	s9 =	sadd.s32 s5, s9;
	[tilespmem:s11+$0x5C60] =	vst v20  }
0x16e: {  	[hbm4b:s9+s6] =	stream.linear.scatter [tilespmem:s17], [sflag:$0x7], $0x4000, $0x38;
	[tilespmem:$0x15D00] =	vst v63  }
0x16f: {  	s9 =	simm.s32 @!p0 $0xA  }
0x170: {  	s3 =	sadd.s32 $0x4, s3;
	_ =	swait.ge @!p0 [sflag:s9], $0x4000  }
0x171: {  	s14 =	sshll.u32 s3, $0x7;
	[sflag:s9] =	ssyncset.done @!p0 $0x0  }
0x172: {  	s30 =	sand.u32 $0x3FFFFF80, s14;
	[sflag:s9] =	ssyncadd.s32 @!p0 $0xFFFFC000  }
0x173: {  	[tilespmem:s22], [sflag:$0x5] =	stream.indirect.gather [hbm4b:s1+s15], $0x80, s30, s15, $0xb8;
	[tilespmem:$0x15D00] =	vst v63  }
0x174: {  	_ =	swait.ge [sflag:s23], $0x4000  }
0x175: {  	[sflag:s23] =	ssyncset.done $0x0  }
0x176: {  	s14 =	simm.s32 $0x0;
	[sflag:s23] =	ssyncadd.s32 $0xFFFFC000  }
0x177: {  	v27 =	vld [tilespmem:s14+$0x9C00]  }
0x178: {  	v28 =	vld [tilespmem:s14+$0x9C10]  }
0x179: {  	v30 =	vld [tilespmem:s14+$0x9C20]  }
0x17a: {  	v31 =	vld [tilespmem:s14+$0x9C30]  }
0x17b: {  	v33 =	vld [tilespmem:s14+$0x9C40]  }
0x17c: {  	v34 =	vld [tilespmem:s14+$0x9C50]  }
0x17d: {  	v35 =	vld [tilespmem:s14+$0x9C60]  }
0x17e: {  	v40 =	vld [tilespmem:s14+$0x9C70]  }
0x17f: {  	v20 =	vmul.f32 v27, v27  }
0x180: {  	v21 =	vmul.f32 v28, v28;
	v22 =	vmul.f32 v30, v30  }
0x181: {  	v23 =	vmul.f32 v31, v31;
	v24 =	vmul.f32 v33, v33;
	v25 =	vadd.f32 v28, v27  }
0x182: {  	v26 =	vmul.f32 v34, v34;
	v29 =	vadd.f32 v31, v30;
	v55 =	vmul.f32 v35, v35  }
0x183: {  	v56 =	vadd.f32 v34, v33;
	v57 =	vadd.f32 v40, v35;
	v58 =	vmul.f32 v40, v40  }
0x184: {  	v20 =	vadd.f32 v21, v20;
	v21 =	vadd.f32 v23, v22  }
0x185: {  	v22 =	vadd.f32 v26, v24;
	v23 =	vadd.f32 v58, v55  }
0x186: {  	v24 =	vadd.f32 v29, v25;
	v25 =	vadd.f32 v57, v56  }
0x187: {  	v20 =	vadd.f32 v21, v20  }
0x188: {  	v21 =	vadd.f32 v23, v22;
	v22 =	vadd.f32 v25, v24;
	_ =	sdelay $0x1  }
0x189: {  	v20 =	vadd.f32 v21, v20;
	v21 =	vperm.xlane v22, v0;
	_ =	sdelay $0x1  }
0x18a: {  	v21 =	vadd.f32 v22, v21;
	v22 =	vperm.xlane v20, v0;
	_ =	sdelay $0x1  }
0x18b: {  	v23 =	vperm.xlane v21, v1;
	v20 =	vadd.f32 v22, v20;
	_ =	sdelay $0x1  }
0x18c: {  	v21 =	vadd.f32 v21, v23;
	v22 =	vperm.xlane v20, v1;
	_ =	sdelay $0x1  }
0x18d: {  	v23 =	vperm.xlane v21, v2;
	v20 =	vadd.f32 v22, v20;
	_ =	sdelay $0x1  }
0x18e: {  	s9 =	simm.s32 $0x80;
	v29 =	vadd.f32 v21, v23;
	v21 =	vperm.xlane v20, v2  }
0x18f: {  	v26 =	vld [tilespmem:s9+$0x9C00]  }
0x190: {  	v24 =	vld [tilespmem:s9+$0x9C10];
	v59 =	vperm.xlane v29, v3;
	v60 =	vadd.f32 v21, v20  }
0x191: {  	v25 =	vld [tilespmem:s9+$0x9C30]  }
0x192: {  	v22 =	vld [tilespmem:s9+$0x9C20];
	v29 =	vadd.f32 v29, v59;
	v61 =	vperm.xlane v60, v3  }
0x193: {  	v36 =	vld [tilespmem:s9+$0x9C60]  }
0x194: {  	v23 =	vld [tilespmem:s9+$0x9C50];
	v41 =	vmul.f32 $7.812500000e-03, v29;
	v29 =	vadd.f32 v61, v60  }
0x195: {  	v38 =	vmul.f32 v26, v26;
	v62 =	vmul.f32 v24, v24;
	v21 =	vld [tilespmem:s9+$0x9C40]  }
0x196: {  	v20 =	vld [tilespmem:s9+$0x9C70];
	v29 =	vmul.f32 $7.812500000e-03, v29;
	v52 =	vmul.f32 v41, v41  }
0x197: {  	v53 =	vmul.f32 v25, v25;
	v55 =	vadd.f32 v24, v26;
	v63 =	vmul.f32 v22, v22  }
0x198: {  	v58 =	vmul.f32 v36, v36;
	v57 =	vadd.f32 v25, v22;
	v29 =	vsub.f32 v29, v52  }
0x199: {  	v32 =	vadd.f32 v62, v38;
	v56 =	vmul.f32 v23, v23;
	v37 =	vadd.f32 v53, v63  }
0x19a: {  	v49 =	vadd.f32 v57, v55;
	v54 =	vmul.f32 v21, v21;
	v29 =	vadd.f32 $9.999999960e-13, v29  }
0x19b: {  	v59 =	vadd.f32 v23, v21;
	v60 =	vadd.f32 v20, v36;
	v61 =	vmul.f32 v20, v20  }
0x19c: {  	v62 =	vadd.f32 v56, v54;
	v63 =	vshra.s32 v29, $0x1;
	v29 =	vmul.f32 $5.000000000e-01, v29  }
0x19d: {  	v39 =	vadd.f32 v61, v58;
	v50 =	vadd.f32 v60, v59;
	v42 =	vsub.s32 $0x5F3759DF, v63  }
0x19e: {  	v32 =	vadd.f32 v37, v32;
	v51 =	vmul.f32 v42, v29  }
0x19f: {  	v38 =	vadd.f32 v39, v62;
	v52 =	vadd.f32 v50, v49  }
0x1a0: {  	v37 =	vmul.f32 v42, v51  }
0x1a1: {  	v32 =	vadd.f32 v38, v32;
	v53 =	vperm.xlane v52, v0  }
0x1a2: {  	v37 =	vsub.f32 $1.500000000e+00, v37  }
0x1a3: {  	v38 =	vadd.f32 v52, v53;
	v54 =	vperm.xlane v32, v0  }
0x1a4: {  	v42 =	vmul.f32 v42, v37  }
0x1a5: {  	v55 =	vperm.xlane v38, v1;
	v39 =	vadd.f32 v54, v32  }
0x1a6: {  	v29 =	vmul.f32 v42, v29  }
0x1a7: {  	v56 =	vperm.xlane v39, v1;
	v37 =	vadd.f32 v38, v55  }
0x1a8: {  	s11 =	simm.s32 $0x100;
	v57 =	vmul.f32 v29, v42  }
0x1a9: {  	v43 =	vld [tilespmem:s11+$0x9C00];
	v32 =	vsub.f32 v27, v41;
	v38 =	vadd.f32 v56, v39;
	v27 =	vperm.xlane v37, v2  }
0x1aa: {  	v39 =	vld [tilespmem:s11+$0x9C20];
	v29 =	vsub.f32 v28, v41;
	v28 =	vsub.f32 $1.500000000e+00, v57  }
0x1ab: {  	v30 =	vsub.f32 v30, v41;
	v58 =	vperm.xlane v38, v2;
	v27 =	vadd.f32 v37, v27;
	v37 =	vld [tilespmem:s11+$0x9C10]  }
0x1ac: {  	v31 =	vsub.f32 v31, v41;
	v33 =	vsub.f32 v33, v41;
	v46 =	vmul.f32 v28, v42  }
0x1ad: {  	v61 =	vsub.f32 v40, v41;
	v40 =	vld [tilespmem:s11+$0x9C40];
	v59 =	vadd.f32 v58, v38;
	v28 =	vperm.xlane v27, v3  }
0x1ae: {  	v34 =	vsub.f32 v34, v41;
	v49 =	vmul.f32 v43, v43;
	v38 =	vld [tilespmem:s11+$0x9C30];
	v60 =	vmul.f32 v46, v11  }
0x1af: {  	v50 =	vmul.f32 v39, v39;
	v62 =	vperm.xlane v59, v3;
	v42 =	vld [tilespmem:s11+$0x9C50];
	v27 =	vadd.f32 v27, v28  }
0x1b0: {  	v35 =	vsub.f32 v35, v41;
	v52 =	vmul.f32 v37, v37;
	v28 =	vld [tilespmem:s11+$0x9C60];
	v63 =	vmul.f32 v60, v61  }
0x1b1: {  	v51 =	vadd.f32 v62, v59;
	v47 =	vmul.f32 v46, v4;
	v41 =	vmul.f32 $7.812500000e-03, v27;
	v27 =	vld [tilespmem:s11+$0x9C70]  }
0x1b2: {  	s29 =	simm.s32 $0x600;
	v45 =	vmul.f32 v46, v5;
	v44 =	vmul.f32 v46, v6;
	v48 =	vadd.f32 v63, v19  }
.LBB2_7:
0x1b3: {  	p0 =	sne.s32 s29, $0xFE00;
	v51 =	vmul.f32 $7.812500000e-03, v51;
	v53 =	vmul.f32 v41, v41;
	v54 =	vsub.f32 v26, v41;
	v26 =	vmovc v43  }
0x1b4: {  	v43 =	vmul.f32 v38, v38;
	v55 =	vmul.f32 v40, v40;
	v56 =	vadd.f32 v37, v26;
	[tilespmem:s14+$0x9C70] =	vst v48  }
0x1b5: {  	v57 =	vadd.f32 v38, v39;
	v48 =	vmul.f32 v42, v42;
	v51 =	vsub.f32 v51, v53  }
0x1b6: {  	v58 =	vadd.f32 v42, v40;
	v53 =	vmul.f32 v28, v28;
	v59 =	vadd.f32 v27, v28  }
0x1b7: {  	v49 =	vadd.f32 v52, v49;
	v60 =	vmul.f32 v27, v27;
	v51 =	vadd.f32 $9.999999960e-13, v51  }
0x1b8: {  	v43 =	vadd.f32 v43, v50;
	v50 =	vmul.f32 v46, v7;
	v48 =	vadd.f32 v48, v55  }
0x1b9: {  	v52 =	vadd.f32 v60, v53;
	v53 =	vshra.s32 v51, $0x1;
	v51 =	vmul.f32 $5.000000000e-01, v51  }
0x1ba: {  	v55 =	vadd.f32 v57, v56;
	v56 =	vadd.f32 v59, v58;
	v53 =	vsub.s32 $0x5F3759DF, v53  }
0x1bb: {  	v57 =	vmul.f32 v46, v8;
	v43 =	vadd.f32 v43, v49;
	v49 =	vmul.f32 v53, v51  }
0x1bc: {  	v48 =	vadd.f32 v52, v48;
	v52 =	vadd.f32 v56, v55;
	v55 =	vmul.f32 v46, v9  }
0x1bd: {  	v56 =	vsub.f32 v24, v41;
	v46 =	vmul.f32 v46, v10;
	v24 =	vmovc v37;
	v49 =	vmul.f32 v53, v49  }
0x1be: {  	v37 =	vadd.f32 v48, v43;
	v43 =	vperm.xlane v52, v0;
	v48 =	vsub.f32 v22, v41;
	v22 =	vmovc v39  }
0x1bf: {  	v47 =	vmul.f32 v47, v32;
	v32 =	vmovc v54;
	v39 =	vsub.f32 $1.500000000e+00, v49;
	v49 =	vsub.f32 v25, v41;
	v25 =	vmovc v38  }
0x1c0: {  	v38 =	vadd.f32 v52, v43;
	v43 =	vperm.xlane v37, v0;
	v52 =	vsub.f32 v21, v41;
	v21 =	vmovc v40  }
0x1c1: {  	v36 =	vsub.f32 v36, v41;
	v40 =	vmul.f32 v53, v39;
	v39 =	vsub.f32 v23, v41;
	v23 =	vmovc v42  }
0x1c2: {  	v42 =	vperm.xlane v38, v1;
	v37 =	vadd.f32 v43, v37;
	v43 =	vmul.f32 v45, v29;
	v29 =	vmovc v56  }
0x1c3: {  	v44 =	vmul.f32 v44, v30;
	v47 =	vadd.f32 v47, v12;
	v30 =	vmovc v48;
	v45 =	vmul.f32 v40, v51  }
0x1c4: {  	v48 =	vmul.f32 v50, v31;
	v31 =	vmovc v49;
	v38 =	vadd.f32 v38, v42;
	v42 =	vperm.xlane v37, v1  }
0x1c5: {  	v49 =	vmul.f32 v57, v33;
	v45 =	vmul.f32 v45, v40;
	[tilespmem:s14+$0x9C00] =	vst v47;
	v47 =	vadd.f32 v43, v13  }
0x1c6: {  	s30 =	sshra.s32 s29, $0x2;
	v33 =	vmovc v52;
	v51 =	vmul.f32 v55, v34;
	v50 =	vperm.xlane v38, v2;
	v42 =	vadd.f32 v42, v37  }
0x1c7: {  	v44 =	vadd.f32 v44, v14;
	v34 =	vmovc v39;
	v43 =	vld [tilespmem:s30+$0x9C00];
	v45 =	vsub.f32 $1.500000000e+00, v45;
	[tilespmem:s14+$0x9C10] =	vst v47;
	v47 =	vmul.f32 v46, v35  }
0x1c8: {  	v48 =	vadd.f32 v48, v15;
	v50 =	vadd.f32 v38, v50;
	v52 =	vperm.xlane v42, v2;
	v35 =	vmovc v36;
	v37 =	vld [tilespmem:s30+$0x9C10]  }
0x1c9: {  	v36 =	vadd.f32 v49, v16;
	v39 =	vld [tilespmem:s30+$0x9C20];
	v46 =	vmul.f32 v45, v40;
	[tilespmem:s14+$0x9C20] =	vst v44;
	v44 =	vadd.f32 v51, v17  }
0x1ca: {  	v45 =	vperm.xlane v50, v3;
	v51 =	vadd.f32 v52, v42;
	v38 =	vld [tilespmem:s30+$0x9C30];
	[tilespmem:s14+$0x9C30] =	vst v48;
	v48 =	vadd.f32 v47, v18  }
.Ltmp2:
0x1cb: {  	v52 =	vsub.f32 v20, v41;
	v40 =	vld [tilespmem:s30+$0x9C40];
	v47 =	vmul.f32 v46, v4;
	v49 =	vmul.f32 v46, v11;
	[tilespmem:s14+$0x9C40] =	vst v36;
	(pc) =	sbr.rel @p0 .LBB2_7-.Ltmp2, $4  }
0x1cc: {  	v41 =	vadd.f32 v50, v45;
	v50 =	vperm.xlane v51, v3;
	v45 =	vmul.f32 v46, v5;
	v42 =	vld [tilespmem:s30+$0x9C50];
	[tilespmem:s14+$0x9C50] =	vst v44  }
0x1cd: {  	v20 =	vmovc v27;
	v36 =	vmov v28;
	v44 =	vmul.f32 v46, v6;
	v53 =	vmul.f32 v49, v52;
	[tilespmem:s14+$0x9C60] =	vst v48;
	v28 =	vld [tilespmem:s30+$0x9C60];
	s14 =	smov.u32 s9;
	s9 =	smov.u32 s11;
	s11 =	smov.u32 s30  }
0x1ce: {  	v49 =	vmul.f32 v43, v43;
	v41 =	vmul.f32 $7.812500000e-03, v41;
	v51 =	vadd.f32 v50, v51;
	v27 =	vld [tilespmem:s11+$0x9C70]  }
0x1cf: {  	s29 =	sadd.s32 $0x200, s29;
	v52 =	vmul.f32 v37, v37;
	v50 =	vmul.f32 v39, v39;
	v48 =	vadd.f32 v53, v19  }
0x1d0: {  	v53 =	vmul.f32 v38, v38;
	v54 =	vmul.f32 v40, v40  }
0x1d1: {  	v55 =	vadd.f32 v37, v43;
	v57 =	vadd.f32 v38, v39;
	v56 =	vmul.f32 v42, v42  }
0x1d2: {  	v59 =	vadd.f32 v42, v40;
	v49 =	vadd.f32 v52, v49;
	v58 =	vmul.f32 v28, v28  }
0x1d3: {  	v50 =	vadd.f32 v53, v50;
	v60 =	vmul.f32 v27, v27;
	v62 =	vadd.f32 v27, v28  }
0x1d4: {  	v55 =	vadd.f32 v57, v55;
	v63 =	vadd.f32 v56, v54  }
0x1d5: {  	v58 =	vadd.f32 v60, v58;
	v52 =	vadd.f32 v62, v59  }
0x1d6: {  	v49 =	vadd.f32 v50, v49  }
0x1d7: {  	v59 =	vadd.f32 v58, v63;
	v52 =	vadd.f32 v52, v55;
	_ =	sdelay $0x1  }
0x1d8: {  	v49 =	vadd.f32 v59, v49;
	v60 =	vperm.xlane v52, v0;
	_ =	sdelay $0x1  }
0x1d9: {  	v50 =	vadd.f32 v52, v60;
	v61 =	vperm.xlane v49, v0;
	_ =	sdelay $0x1  }
0x1da: {  	v62 =	vperm.xlane v50, v1;
	v49 =	vadd.f32 v61, v49;
	_ =	sdelay $0x1  }
0x1db: {  	v50 =	vadd.f32 v50, v62;
	v56 =	vperm.xlane v49, v1  }
0x1dc: {  	v51 =	vmul.f32 $7.812500000e-03, v51;
	v63 =	vmul.f32 v41, v41  }
0x1dd: {  	v57 =	vperm.xlane v50, v2;
	v49 =	vadd.f32 v56, v49  }
0x1de: {  	v51 =	vsub.f32 v51, v63  }
0x1df: {  	v50 =	vadd.f32 v50, v57;
	v58 =	vperm.xlane v49, v2  }
0x1e0: {  	v51 =	vadd.f32 $9.999999960e-13, v51  }
0x1e1: {  	v60 =	vperm.xlane v50, v3;
	v49 =	vadd.f32 v58, v49  }
0x1e2: {  	v59 =	vshra.s32 v51, $0x1;
	v51 =	vmul.f32 $5.000000000e-01, v51  }
0x1e3: {  	v53 =	vsub.s32 $0x5F3759DF, v59;
	v50 =	vadd.f32 v50, v60;
	v62 =	vperm.xlane v49, v3  }
0x1e4: {  	v61 =	vmul.f32 v53, v51  }
0x1e5: {  	v50 =	vmul.f32 $7.812500000e-03, v50;
	v49 =	vadd.f32 v62, v49  }
0x1e6: {  	v26 =	vsub.f32 v26, v41;
	v24 =	vsub.f32 v24, v41;
	v52 =	vmul.f32 v53, v61  }
0x1e7: {  	v22 =	vsub.f32 v22, v41;
	v49 =	vmul.f32 $7.812500000e-03, v49;
	v63 =	vmul.f32 v50, v50  }
0x1e8: {  	v25 =	vsub.f32 v25, v41;
	v32 =	vmul.f32 v47, v32;
	v52 =	vsub.f32 $1.500000000e+00, v52  }
0x1e9: {  	v21 =	vsub.f32 v21, v41;
	v29 =	vmul.f32 v45, v29;
	v49 =	vsub.f32 v49, v63  }
0x1ea: {  	v23 =	vsub.f32 v23, v41;
	v30 =	vmul.f32 v44, v30;
	v52 =	vmul.f32 v53, v52  }
0x1eb: {  	v36 =	vsub.f32 v36, v41;
	v54 =	vmul.f32 v46, v7;
	v60 =	vadd.f32 $9.999999960e-13, v49  }
0x1ec: {  	v20 =	vsub.f32 v20, v41;
	v32 =	vadd.f32 v32, v12;
	v51 =	vmul.f32 v52, v51  }
0x1ed: {  	v31 =	vmul.f32 v54, v31;
	v62 =	vshra.s32 v60, $0x1;
	v47 =	vmul.f32 $5.000000000e-01, v60  }
0x1ee: {  	v59 =	vmul.f32 v46, v10;
	v61 =	vmul.f32 v51, v52;
	v45 =	vsub.s32 $0x5F3759DF, v62  }
0x1ef: {  	v29 =	vadd.f32 v29, v13;
	v56 =	vmul.f32 v46, v8;
	v54 =	vmul.f32 v45, v47  }
0x1f0: {  	v35 =	vmul.f32 v59, v35;
	v58 =	vmul.f32 v46, v9;
	v63 =	vsub.f32 $1.500000000e+00, v61  }
0x1f1: {  	v30 =	vadd.f32 v30, v14;
	v33 =	vmul.f32 v56, v33;
	v49 =	vmul.f32 v45, v54  }
0x1f2: {  	v31 =	vadd.f32 v31, v15;
	v34 =	vmul.f32 v58, v34;
	v44 =	vmul.f32 v63, v52  }
0x1f3: {  	v35 =	vadd.f32 v35, v18;
	v56 =	vsub.f32 $1.500000000e+00, v49  }
0x1f4: {  	v33 =	vadd.f32 v33, v16;
	v34 =	vadd.f32 v34, v17;
	v55 =	vmul.f32 v44, v11  }
0x1f5: {  	[tilespmem:s14+$0x9C10] =	vst v29;
	v29 =	vsub.f32 v43, v50;
	v57 =	vmul.f32 v44, v4;
	v41 =	vmul.f32 v45, v56  }
0x1f6: {  	[tilespmem:s14+$0x9C70] =	vst v48;
	v51 =	vsub.f32 v38, v50;
	v58 =	vmul.f32 v44, v5;
	v59 =	vmul.f32 v44, v6  }
0x1f7: {  	[tilespmem:s14+$0x9C00] =	vst v32;
	v53 =	vsub.f32 v42, v50;
	v60 =	vmul.f32 v44, v7;
	v47 =	vmul.f32 v41, v47  }
0x1f8: {  	[tilespmem:s14+$0x9C20] =	vst v30;
	v28 =	vsub.f32 v28, v50;
	v30 =	vmul.f32 v44, v8;
	v61 =	vmul.f32 v44, v9  }
0x1f9: {  	[tilespmem:s14+$0x9C30] =	vst v31;
	v63 =	vsub.f32 v39, v50;
	v20 =	vmul.f32 v55, v20;
	v49 =	vmul.f32 v47, v41  }
0x1fa: {  	[tilespmem:s14+$0x9C60] =	vst v35;
	v52 =	vsub.f32 v40, v50;
	v31 =	vmul.f32 v44, v10;
	v26 =	vmul.f32 v57, v26  }
0x1fb: {  	[tilespmem:s14+$0x9C40] =	vst v33;
	v24 =	vmul.f32 v58, v24;
	v20 =	vadd.f32 v20, v19;
	v54 =	vsub.f32 $1.500000000e+00, v49  }
0x1fc: {  	[tilespmem:s14+$0x9C50] =	vst v34;
	v62 =	vsub.f32 v37, v50;
	v22 =	vmul.f32 v59, v22;
	v26 =	vadd.f32 v26, v12  }
0x1fd: {  	v24 =	vadd.f32 v24, v13;
	[tilespmem:s9+$0x9C70] =	vst v20;
	v20 =	vmul.f32 v60, v25;
	v25 =	vmul.f32 v54, v41  }
0x1fe: {  	v21 =	vmul.f32 v30, v21;
	v23 =	vmul.f32 v61, v23;
	v22 =	vadd.f32 v22, v14;
	[tilespmem:s9+$0x9C00] =	vst v26  }
0x1ff: {  	[tilespmem:s9+$0x9C10] =	vst v24;
	v26 =	vsub.f32 v27, v50;
	v20 =	vadd.f32 v20, v15;
	v24 =	vmul.f32 v25, v11  }
0x200: {  	v21 =	vadd.f32 v21, v16;
	v27 =	vmul.f32 v31, v36;
	[tilespmem:s9+$0x9C20] =	vst v22;
	v22 =	vmul.f32 v25, v4  }
0x201: {  	v23 =	vadd.f32 v23, v17;
	[tilespmem:s9+$0x9C30] =	vst v20;
	v20 =	vmul.f32 v25, v5;
	v24 =	vmul.f32 v24, v26  }
0x202: {  	[tilespmem:s9+$0x9C40] =	vst v21;
	v21 =	vmul.f32 v25, v6;
	v26 =	vadd.f32 v27, v18;
	v22 =	vmul.f32 v22, v29  }
0x203: {  	[tilespmem:s9+$0x9C50] =	vst v23;
	v20 =	vmul.f32 v20, v62;
	v23 =	vadd.f32 v24, v19;
	v24 =	vmul.f32 v25, v7  }
0x204: {  	v21 =	vmul.f32 v21, v63;
	[tilespmem:s9+$0x9C60] =	vst v26;
	v26 =	vmul.f32 v25, v8;
	v22 =	vadd.f32 v22, v12  }
0x205: {  	v20 =	vadd.f32 v20, v13;
	[tilespmem:s11+$0x9C70] =	vst v23;
	v23 =	vmul.f32 v25, v9;
	v24 =	vmul.f32 v24, v51  }
0x206: {  	v21 =	vadd.f32 v21, v14;
	v25 =	vmul.f32 v25, v10;
	[tilespmem:s11+$0x9C00] =	vst v22;
	v22 =	vmul.f32 v26, v52  }
0x207: {  	[tilespmem:s11+$0x9C10] =	vst v20;
	v23 =	vmul.f32 v23, v53;
	v20 =	vadd.f32 v24, v15  }
0x208: {  	[tilespmem:s11+$0x9C20] =	vst v21;
	v24 =	vmul.f32 v25, v28;
	v21 =	vadd.f32 v22, v16  }
0x209: {  	s30 =	sshll.u32 s13, $0xE;
	v22 =	vadd.f32 v23, v17;
	[tilespmem:s11+$0x9C30] =	vst v20  }
0x20a: {  	s9 =	sadd.s32 s7, s30;
	v20 =	vadd.f32 v24, v18;
	[tilespmem:s11+$0x9C40] =	vst v21  }
0x20b: {  	s9 =	sshrl.u32 s9, $0x3;
	[tilespmem:s11+$0x9C50] =	vst v22  }
0x20c: {  	p0 =	seq.s32 s0, $0x9;
	s9 =	sadd.s32 s5, s9;
	[tilespmem:s11+$0x9C60] =	vst v20  }
0x20d: {  	[hbm4b:s9+s6] =	stream.linear.scatter [tilespmem:s18], [sflag:$0x8], $0x4000, $0x38;
	[tilespmem:$0x15D00] =	vst v63  }
0x20e: {  	s9 =	smul.u32 @!p0 $0xA00, s0  }
0x20f: {  	_ =	swait.ge [sflag:s24], $0x4000  }
0x210: {  	s14 =	simm.s32 @!p0 $0x1C00;
	[sflag:s24] =	ssyncset.done $0x0;
	s13 =	sshra.s32 @!p0 s9, $0x2  }
0x211: {  	s11 =	simm.s32 @!p0 $0x80;
	[sflag:s24] =	ssyncadd.s32 $0xFFFFC000;
	s9 =	sadd.s32 @!p0 $0x280, s13  }
0x212: {  	[tilespmem:s14], [sflag:$0x1] =	stream.indirect.gather @!p0 [hbm4b:s1+s11], $0x80, s9, s11, $0xb8;
	[tilespmem:$0x15D00] =	vst v63  }
0x213: {  	_ =	swait.ge [sflag:s25], $0x4000  }
0x214: {  	[sflag:s25] =	ssyncset.done $0x0  }
0x215: {  	s14 =	simm.s32 $0x0;
	[sflag:s25] =	ssyncadd.s32 $0xFFFFC000  }
0x216: {  	v27 =	vld [tilespmem:s14+$0xDC00]  }
0x217: {  	v28 =	vld [tilespmem:s14+$0xDC10]  }
0x218: {  	v30 =	vld [tilespmem:s14+$0xDC20]  }
0x219: {  	v31 =	vld [tilespmem:s14+$0xDC30]  }
0x21a: {  	v33 =	vld [tilespmem:s14+$0xDC40]  }
0x21b: {  	v34 =	vld [tilespmem:s14+$0xDC50]  }
0x21c: {  	v35 =	vld [tilespmem:s14+$0xDC60]  }
0x21d: {  	v40 =	vld [tilespmem:s14+$0xDC70]  }
0x21e: {  	v20 =	vmul.f32 v27, v27  }
0x21f: {  	v21 =	vmul.f32 v28, v28;
	v22 =	vmul.f32 v30, v30  }
0x220: {  	v23 =	vmul.f32 v31, v31;
	v24 =	vmul.f32 v33, v33;
	v25 =	vadd.f32 v28, v27  }
0x221: {  	v26 =	vmul.f32 v34, v34;
	v29 =	vadd.f32 v31, v30;
	v55 =	vmul.f32 v35, v35  }
0x222: {  	v56 =	vadd.f32 v34, v33;
	v57 =	vadd.f32 v40, v35;
	v58 =	vmul.f32 v40, v40  }
0x223: {  	v20 =	vadd.f32 v21, v20;
	v21 =	vadd.f32 v23, v22  }
0x224: {  	v22 =	vadd.f32 v26, v24;
	v23 =	vadd.f32 v58, v55  }
0x225: {  	v24 =	vadd.f32 v29, v25;
	v25 =	vadd.f32 v57, v56  }
0x226: {  	v20 =	vadd.f32 v21, v20  }
0x227: {  	v21 =	vadd.f32 v23, v22;
	v22 =	vadd.f32 v25, v24;
	_ =	sdelay $0x1  }
0x228: {  	v20 =	vadd.f32 v21, v20;
	v21 =	vperm.xlane v22, v0;
	_ =	sdelay $0x1  }
0x229: {  	v21 =	vadd.f32 v22, v21;
	v22 =	vperm.xlane v20, v0;
	_ =	sdelay $0x1  }
0x22a: {  	v23 =	vperm.xlane v21, v1;
	v20 =	vadd.f32 v22, v20;
	_ =	sdelay $0x1  }
0x22b: {  	v21 =	vadd.f32 v21, v23;
	v22 =	vperm.xlane v20, v1;
	_ =	sdelay $0x1  }
0x22c: {  	v23 =	vperm.xlane v21, v2;
	v20 =	vadd.f32 v22, v20;
	_ =	sdelay $0x1  }
0x22d: {  	s9 =	simm.s32 $0x80;
	v29 =	vadd.f32 v21, v23;
	v21 =	vperm.xlane v20, v2  }
0x22e: {  	v26 =	vld [tilespmem:s9+$0xDC00]  }
0x22f: {  	v24 =	vld [tilespmem:s9+$0xDC10];
	v59 =	vperm.xlane v29, v3;
	v60 =	vadd.f32 v21, v20  }
0x230: {  	v25 =	vld [tilespmem:s9+$0xDC30]  }
0x231: {  	v22 =	vld [tilespmem:s9+$0xDC20];
	v29 =	vadd.f32 v29, v59;
	v61 =	vperm.xlane v60, v3  }
0x232: {  	v36 =	vld [tilespmem:s9+$0xDC60]  }
0x233: {  	v23 =	vld [tilespmem:s9+$0xDC50];
	v41 =	vmul.f32 $7.812500000e-03, v29;
	v29 =	vadd.f32 v61, v60  }
0x234: {  	v38 =	vmul.f32 v26, v26;
	v62 =	vmul.f32 v24, v24;
	v21 =	vld [tilespmem:s9+$0xDC40]  }
0x235: {  	v20 =	vld [tilespmem:s9+$0xDC70];
	v29 =	vmul.f32 $7.812500000e-03, v29;
	v52 =	vmul.f32 v41, v41  }
0x236: {  	v53 =	vmul.f32 v25, v25;
	v55 =	vadd.f32 v24, v26;
	v63 =	vmul.f32 v22, v22  }
0x237: {  	v58 =	vmul.f32 v36, v36;
	v57 =	vadd.f32 v25, v22;
	v29 =	vsub.f32 v29, v52  }
0x238: {  	v32 =	vadd.f32 v62, v38;
	v56 =	vmul.f32 v23, v23;
	v37 =	vadd.f32 v53, v63  }
0x239: {  	v49 =	vadd.f32 v57, v55;
	v54 =	vmul.f32 v21, v21;
	v29 =	vadd.f32 $9.999999960e-13, v29  }
0x23a: {  	v59 =	vadd.f32 v23, v21;
	v60 =	vadd.f32 v20, v36;
	v61 =	vmul.f32 v20, v20  }
0x23b: {  	v62 =	vadd.f32 v56, v54;
	v63 =	vshra.s32 v29, $0x1;
	v29 =	vmul.f32 $5.000000000e-01, v29  }
0x23c: {  	v39 =	vadd.f32 v61, v58;
	v50 =	vadd.f32 v60, v59;
	v42 =	vsub.s32 $0x5F3759DF, v63  }
0x23d: {  	v32 =	vadd.f32 v37, v32;
	v51 =	vmul.f32 v42, v29  }
0x23e: {  	v38 =	vadd.f32 v39, v62;
	v52 =	vadd.f32 v50, v49  }
0x23f: {  	v37 =	vmul.f32 v42, v51  }
0x240: {  	v32 =	vadd.f32 v38, v32;
	v53 =	vperm.xlane v52, v0  }
0x241: {  	v37 =	vsub.f32 $1.500000000e+00, v37  }
0x242: {  	v38 =	vadd.f32 v52, v53;
	v54 =	vperm.xlane v32, v0  }
0x243: {  	v42 =	vmul.f32 v42, v37  }
0x244: {  	v55 =	vperm.xlane v38, v1;
	v39 =	vadd.f32 v54, v32  }
0x245: {  	v29 =	vmul.f32 v42, v29  }
0x246: {  	v56 =	vperm.xlane v39, v1;
	v37 =	vadd.f32 v38, v55  }
0x247: {  	s11 =	simm.s32 $0x100;
	v57 =	vmul.f32 v29, v42  }
0x248: {  	v43 =	vld [tilespmem:s11+$0xDC00];
	v32 =	vsub.f32 v27, v41;
	v38 =	vadd.f32 v56, v39;
	v27 =	vperm.xlane v37, v2  }
0x249: {  	v39 =	vld [tilespmem:s11+$0xDC20];
	v29 =	vsub.f32 v28, v41;
	v28 =	vsub.f32 $1.500000000e+00, v57  }
0x24a: {  	v30 =	vsub.f32 v30, v41;
	v58 =	vperm.xlane v38, v2;
	v27 =	vadd.f32 v37, v27;
	v37 =	vld [tilespmem:s11+$0xDC10]  }
0x24b: {  	v31 =	vsub.f32 v31, v41;
	v33 =	vsub.f32 v33, v41;
	v46 =	vmul.f32 v28, v42  }
0x24c: {  	v61 =	vsub.f32 v40, v41;
	v40 =	vld [tilespmem:s11+$0xDC40];
	v59 =	vadd.f32 v58, v38;
	v28 =	vperm.xlane v27, v3  }
0x24d: {  	v34 =	vsub.f32 v34, v41;
	v49 =	vmul.f32 v43, v43;
	v38 =	vld [tilespmem:s11+$0xDC30];
	v60 =	vmul.f32 v46, v11  }
0x24e: {  	v50 =	vmul.f32 v39, v39;
	v62 =	vperm.xlane v59, v3;
	v42 =	vld [tilespmem:s11+$0xDC50];
	v27 =	vadd.f32 v27, v28  }
0x24f: {  	v35 =	vsub.f32 v35, v41;
	v52 =	vmul.f32 v37, v37;
	v28 =	vld [tilespmem:s11+$0xDC60];
	v63 =	vmul.f32 v60, v61  }
0x250: {  	v51 =	vadd.f32 v62, v59;
	v47 =	vmul.f32 v46, v4;
	v41 =	vmul.f32 $7.812500000e-03, v27;
	v27 =	vld [tilespmem:s11+$0xDC70]  }
0x251: {  	s29 =	simm.s32 $0x600;
	v45 =	vmul.f32 v46, v5;
	v44 =	vmul.f32 v46, v6;
	v48 =	vadd.f32 v63, v19  }
.LBB2_9:
0x252: {  	p1 =	sne.s32 s29, $0xFE00;
	v51 =	vmul.f32 $7.812500000e-03, v51;
	v53 =	vmul.f32 v41, v41;
	v54 =	vsub.f32 v26, v41;
	v26 =	vmovc v43  }
0x253: {  	v43 =	vmul.f32 v38, v38;
	v55 =	vmul.f32 v40, v40;
	v56 =	vadd.f32 v37, v26;
	[tilespmem:s14+$0xDC70] =	vst v48  }
0x254: {  	v57 =	vadd.f32 v38, v39;
	v48 =	vmul.f32 v42, v42;
	v51 =	vsub.f32 v51, v53  }
0x255: {  	v58 =	vadd.f32 v42, v40;
	v53 =	vmul.f32 v28, v28;
	v59 =	vadd.f32 v27, v28  }
0x256: {  	v49 =	vadd.f32 v52, v49;
	v60 =	vmul.f32 v27, v27;
	v51 =	vadd.f32 $9.999999960e-13, v51  }
0x257: {  	v43 =	vadd.f32 v43, v50;
	v50 =	vmul.f32 v46, v7;
	v48 =	vadd.f32 v48, v55  }
0x258: {  	v52 =	vadd.f32 v60, v53;
	v53 =	vshra.s32 v51, $0x1;
	v51 =	vmul.f32 $5.000000000e-01, v51  }
0x259: {  	v55 =	vadd.f32 v57, v56;
	v56 =	vadd.f32 v59, v58;
	v53 =	vsub.s32 $0x5F3759DF, v53  }
0x25a: {  	v57 =	vmul.f32 v46, v8;
	v43 =	vadd.f32 v43, v49;
	v49 =	vmul.f32 v53, v51  }
0x25b: {  	v48 =	vadd.f32 v52, v48;
	v52 =	vadd.f32 v56, v55;
	v55 =	vmul.f32 v46, v9  }
0x25c: {  	v56 =	vsub.f32 v24, v41;
	v46 =	vmul.f32 v46, v10;
	v24 =	vmovc v37;
	v49 =	vmul.f32 v53, v49  }
0x25d: {  	v37 =	vadd.f32 v48, v43;
	v43 =	vperm.xlane v52, v0;
	v48 =	vsub.f32 v22, v41;
	v22 =	vmovc v39  }
0x25e: {  	v47 =	vmul.f32 v47, v32;
	v32 =	vmovc v54;
	v39 =	vsub.f32 $1.500000000e+00, v49;
	v49 =	vsub.f32 v25, v41;
	v25 =	vmovc v38  }
0x25f: {  	v38 =	vadd.f32 v52, v43;
	v43 =	vperm.xlane v37, v0;
	v52 =	vsub.f32 v21, v41;
	v21 =	vmovc v40  }
0x260: {  	v36 =	vsub.f32 v36, v41;
	v40 =	vmul.f32 v53, v39;
	v39 =	vsub.f32 v23, v41;
	v23 =	vmovc v42  }
0x261: {  	v42 =	vperm.xlane v38, v1;
	v37 =	vadd.f32 v43, v37;
	v43 =	vmul.f32 v45, v29;
	v29 =	vmovc v56  }
0x262: {  	v44 =	vmul.f32 v44, v30;
	v47 =	vadd.f32 v47, v12;
	v30 =	vmovc v48;
	v45 =	vmul.f32 v40, v51  }
0x263: {  	v48 =	vmul.f32 v50, v31;
	v31 =	vmovc v49;
	v38 =	vadd.f32 v38, v42;
	v42 =	vperm.xlane v37, v1  }
0x264: {  	v49 =	vmul.f32 v57, v33;
	v45 =	vmul.f32 v45, v40;
	[tilespmem:s14+$0xDC00] =	vst v47;
	v47 =	vadd.f32 v43, v13  }
0x265: {  	s30 =	sshra.s32 s29, $0x2;
	v33 =	vmovc v52;
	v51 =	vmul.f32 v55, v34;
	v50 =	vperm.xlane v38, v2;
	v42 =	vadd.f32 v42, v37  }
0x266: {  	v44 =	vadd.f32 v44, v14;
	v34 =	vmovc v39;
	v43 =	vld [tilespmem:s30+$0xDC00];
	v45 =	vsub.f32 $1.500000000e+00, v45;
	[tilespmem:s14+$0xDC10] =	vst v47;
	v47 =	vmul.f32 v46, v35  }
0x267: {  	v48 =	vadd.f32 v48, v15;
	v50 =	vadd.f32 v38, v50;
	v52 =	vperm.xlane v42, v2;
	v35 =	vmovc v36;
	v37 =	vld [tilespmem:s30+$0xDC10]  }
0x268: {  	v36 =	vadd.f32 v49, v16;
	v39 =	vld [tilespmem:s30+$0xDC20];
	v46 =	vmul.f32 v45, v40;
	[tilespmem:s14+$0xDC20] =	vst v44;
	v44 =	vadd.f32 v51, v17  }
0x269: {  	v45 =	vperm.xlane v50, v3;
	v51 =	vadd.f32 v52, v42;
	v38 =	vld [tilespmem:s30+$0xDC30];
	[tilespmem:s14+$0xDC30] =	vst v48;
	v48 =	vadd.f32 v47, v18  }
.Ltmp3:
0x26a: {  	v52 =	vsub.f32 v20, v41;
	v40 =	vld [tilespmem:s30+$0xDC40];
	v47 =	vmul.f32 v46, v4;
	v49 =	vmul.f32 v46, v11;
	[tilespmem:s14+$0xDC40] =	vst v36;
	(pc) =	sbr.rel @p1 .LBB2_9-.Ltmp3, $4  }
0x26b: {  	v41 =	vadd.f32 v50, v45;
	v50 =	vperm.xlane v51, v3;
	v45 =	vmul.f32 v46, v5;
	v42 =	vld [tilespmem:s30+$0xDC50];
	[tilespmem:s14+$0xDC50] =	vst v44  }
0x26c: {  	v20 =	vmovc v27;
	v36 =	vmov v28;
	v44 =	vmul.f32 v46, v6;
	v53 =	vmul.f32 v49, v52;
	[tilespmem:s14+$0xDC60] =	vst v48;
	v28 =	vld [tilespmem:s30+$0xDC60];
	s14 =	smov.u32 s9;
	s9 =	smov.u32 s11;
	s11 =	smov.u32 s30  }
0x26d: {  	v49 =	vmul.f32 v43, v43;
	v41 =	vmul.f32 $7.812500000e-03, v41;
	v51 =	vadd.f32 v50, v51;
	v27 =	vld [tilespmem:s11+$0xDC70]  }
0x26e: {  	s29 =	sadd.s32 $0x200, s29;
	v52 =	vmul.f32 v37, v37;
	v50 =	vmul.f32 v39, v39;
	v48 =	vadd.f32 v53, v19  }
0x26f: {  	v53 =	vmul.f32 v38, v38;
	v54 =	vmul.f32 v40, v40  }
0x270: {  	v55 =	vadd.f32 v37, v43;
	v57 =	vadd.f32 v38, v39;
	v56 =	vmul.f32 v42, v42  }
0x271: {  	v59 =	vadd.f32 v42, v40;
	v49 =	vadd.f32 v52, v49;
	v58 =	vmul.f32 v28, v28  }
0x272: {  	v50 =	vadd.f32 v53, v50;
	v60 =	vmul.f32 v27, v27;
	v62 =	vadd.f32 v27, v28  }
0x273: {  	v55 =	vadd.f32 v57, v55;
	v63 =	vadd.f32 v56, v54  }
0x274: {  	v58 =	vadd.f32 v60, v58;
	v52 =	vadd.f32 v62, v59  }
0x275: {  	v49 =	vadd.f32 v50, v49  }
0x276: {  	v59 =	vadd.f32 v58, v63;
	v52 =	vadd.f32 v52, v55;
	_ =	sdelay $0x1  }
0x277: {  	v49 =	vadd.f32 v59, v49;
	v60 =	vperm.xlane v52, v0;
	_ =	sdelay $0x1  }
0x278: {  	v50 =	vadd.f32 v52, v60;
	v61 =	vperm.xlane v49, v0;
	_ =	sdelay $0x1  }
0x279: {  	v62 =	vperm.xlane v50, v1;
	v49 =	vadd.f32 v61, v49;
	_ =	sdelay $0x1  }
0x27a: {  	v50 =	vadd.f32 v50, v62;
	v56 =	vperm.xlane v49, v1  }
0x27b: {  	v51 =	vmul.f32 $7.812500000e-03, v51;
	v63 =	vmul.f32 v41, v41  }
0x27c: {  	v57 =	vperm.xlane v50, v2;
	v49 =	vadd.f32 v56, v49  }
0x27d: {  	v51 =	vsub.f32 v51, v63  }
0x27e: {  	v50 =	vadd.f32 v50, v57;
	v58 =	vperm.xlane v49, v2  }
0x27f: {  	v51 =	vadd.f32 $9.999999960e-13, v51  }
0x280: {  	v60 =	vperm.xlane v50, v3;
	v49 =	vadd.f32 v58, v49  }
0x281: {  	v59 =	vshra.s32 v51, $0x1;
	v51 =	vmul.f32 $5.000000000e-01, v51  }
0x282: {  	v53 =	vsub.s32 $0x5F3759DF, v59;
	v50 =	vadd.f32 v50, v60;
	v62 =	vperm.xlane v49, v3  }
0x283: {  	v61 =	vmul.f32 v53, v51  }
0x284: {  	v50 =	vmul.f32 $7.812500000e-03, v50;
	v49 =	vadd.f32 v62, v49  }
0x285: {  	v26 =	vsub.f32 v26, v41;
	v24 =	vsub.f32 v24, v41;
	v52 =	vmul.f32 v53, v61  }
0x286: {  	v22 =	vsub.f32 v22, v41;
	v49 =	vmul.f32 $7.812500000e-03, v49;
	v63 =	vmul.f32 v50, v50  }
0x287: {  	v25 =	vsub.f32 v25, v41;
	v32 =	vmul.f32 v47, v32;
	v52 =	vsub.f32 $1.500000000e+00, v52  }
0x288: {  	v21 =	vsub.f32 v21, v41;
	v29 =	vmul.f32 v45, v29;
	v49 =	vsub.f32 v49, v63  }
0x289: {  	v23 =	vsub.f32 v23, v41;
	v30 =	vmul.f32 v44, v30;
	v52 =	vmul.f32 v53, v52  }
0x28a: {  	v36 =	vsub.f32 v36, v41;
	v54 =	vmul.f32 v46, v7;
	v60 =	vadd.f32 $9.999999960e-13, v49  }
0x28b: {  	v20 =	vsub.f32 v20, v41;
	v32 =	vadd.f32 v32, v12;
	v51 =	vmul.f32 v52, v51  }
0x28c: {  	v31 =	vmul.f32 v54, v31;
	v62 =	vshra.s32 v60, $0x1;
	v47 =	vmul.f32 $5.000000000e-01, v60  }
0x28d: {  	v59 =	vmul.f32 v46, v10;
	v61 =	vmul.f32 v51, v52;
	v45 =	vsub.s32 $0x5F3759DF, v62  }
0x28e: {  	v29 =	vadd.f32 v29, v13;
	v56 =	vmul.f32 v46, v8;
	v54 =	vmul.f32 v45, v47  }
0x28f: {  	v35 =	vmul.f32 v59, v35;
	v58 =	vmul.f32 v46, v9;
	v63 =	vsub.f32 $1.500000000e+00, v61  }
0x290: {  	v30 =	vadd.f32 v30, v14;
	v33 =	vmul.f32 v56, v33;
	v49 =	vmul.f32 v45, v54  }
0x291: {  	v31 =	vadd.f32 v31, v15;
	v34 =	vmul.f32 v58, v34;
	v44 =	vmul.f32 v63, v52  }
0x292: {  	v35 =	vadd.f32 v35, v18;
	v56 =	vsub.f32 $1.500000000e+00, v49  }
0x293: {  	v33 =	vadd.f32 v33, v16;
	v34 =	vadd.f32 v34, v17;
	v55 =	vmul.f32 v44, v11  }
0x294: {  	[tilespmem:s14+$0xDC10] =	vst v29;
	v29 =	vsub.f32 v43, v50;
	v57 =	vmul.f32 v44, v4;
	v41 =	vmul.f32 v45, v56  }
0x295: {  	[tilespmem:s14+$0xDC70] =	vst v48;
	v51 =	vsub.f32 v38, v50;
	v58 =	vmul.f32 v44, v5;
	v59 =	vmul.f32 v44, v6  }
0x296: {  	[tilespmem:s14+$0xDC00] =	vst v32;
	v53 =	vsub.f32 v42, v50;
	v60 =	vmul.f32 v44, v7;
	v47 =	vmul.f32 v41, v47  }
0x297: {  	[tilespmem:s14+$0xDC20] =	vst v30;
	v28 =	vsub.f32 v28, v50;
	v30 =	vmul.f32 v44, v8;
	v61 =	vmul.f32 v44, v9  }
0x298: {  	[tilespmem:s14+$0xDC30] =	vst v31;
	v63 =	vsub.f32 v39, v50;
	v20 =	vmul.f32 v55, v20;
	v49 =	vmul.f32 v47, v41  }
0x299: {  	[tilespmem:s14+$0xDC60] =	vst v35;
	v52 =	vsub.f32 v40, v50;
	v31 =	vmul.f32 v44, v10;
	v26 =	vmul.f32 v57, v26  }
0x29a: {  	[tilespmem:s14+$0xDC40] =	vst v33;
	v24 =	vmul.f32 v58, v24;
	v20 =	vadd.f32 v20, v19;
	v54 =	vsub.f32 $1.500000000e+00, v49  }
0x29b: {  	[tilespmem:s14+$0xDC50] =	vst v34;
	v62 =	vsub.f32 v37, v50;
	v22 =	vmul.f32 v59, v22;
	v26 =	vadd.f32 v26, v12  }
0x29c: {  	v24 =	vadd.f32 v24, v13;
	[tilespmem:s9+$0xDC70] =	vst v20;
	v20 =	vmul.f32 v60, v25;
	v25 =	vmul.f32 v54, v41  }
0x29d: {  	v21 =	vmul.f32 v30, v21;
	v23 =	vmul.f32 v61, v23;
	v22 =	vadd.f32 v22, v14;
	[tilespmem:s9+$0xDC00] =	vst v26  }
0x29e: {  	[tilespmem:s9+$0xDC10] =	vst v24;
	v26 =	vsub.f32 v27, v50;
	v20 =	vadd.f32 v20, v15;
	v24 =	vmul.f32 v25, v11  }
0x29f: {  	v21 =	vadd.f32 v21, v16;
	v27 =	vmul.f32 v31, v36;
	[tilespmem:s9+$0xDC20] =	vst v22;
	v22 =	vmul.f32 v25, v4  }
0x2a0: {  	v23 =	vadd.f32 v23, v17;
	[tilespmem:s9+$0xDC30] =	vst v20;
	v20 =	vmul.f32 v25, v5;
	v24 =	vmul.f32 v24, v26  }
0x2a1: {  	[tilespmem:s9+$0xDC40] =	vst v21;
	v21 =	vmul.f32 v25, v6;
	v26 =	vadd.f32 v27, v18;
	v22 =	vmul.f32 v22, v29  }
0x2a2: {  	[tilespmem:s9+$0xDC50] =	vst v23;
	v20 =	vmul.f32 v20, v62;
	v23 =	vadd.f32 v24, v19;
	v24 =	vmul.f32 v25, v7  }
0x2a3: {  	v21 =	vmul.f32 v21, v63;
	[tilespmem:s9+$0xDC60] =	vst v26;
	v26 =	vmul.f32 v25, v8;
	v22 =	vadd.f32 v22, v12  }
0x2a4: {  	v20 =	vadd.f32 v20, v13;
	[tilespmem:s11+$0xDC70] =	vst v23;
	v23 =	vmul.f32 v25, v9;
	v24 =	vmul.f32 v24, v51  }
0x2a5: {  	v21 =	vadd.f32 v21, v14;
	v25 =	vmul.f32 v25, v10;
	[tilespmem:s11+$0xDC00] =	vst v22;
	v22 =	vmul.f32 v26, v52  }
0x2a6: {  	[tilespmem:s11+$0xDC10] =	vst v20;
	v23 =	vmul.f32 v23, v53;
	v20 =	vadd.f32 v24, v15  }
0x2a7: {  	[tilespmem:s11+$0xDC20] =	vst v21;
	v24 =	vmul.f32 v25, v28;
	v21 =	vadd.f32 v22, v16  }
0x2a8: {  	s2 =	sshll.u32 s2, $0xE;
	v22 =	vadd.f32 v23, v17;
	[tilespmem:s11+$0xDC30] =	vst v20  }
0x2a9: {  	s2 =	sadd.s32 s7, s2;
	v20 =	vadd.f32 v24, v18;
	[tilespmem:s11+$0xDC40] =	vst v21  }
0x2aa: {  	s2 =	sshrl.u32 s2, $0x3;
	[tilespmem:s11+$0xDC50] =	vst v22  }
0x2ab: {  	s2 =	sadd.s32 s5, s2;
	[tilespmem:s11+$0xDC60] =	vst v20  }
0x2ac: {  	[hbm4b:s2+s6] =	stream.linear.scatter [tilespmem:s20], [sflag:$0x9], $0x4000, $0x38;
	[tilespmem:$0x15D00] =	vst v63  }
0x2ad: {  	_ =	swait.ge [sflag:s26], $0x4000  }
0x2ae: {  	s9 =	simm.s32 @!p0 $0x80;
	[sflag:s26] =	ssyncset.done $0x0  }
0x2af: {  	s11 =	simm.s32 @!p0 $0x5C00;
	s2 =	sadd.s32 @!p0 $0x300, s13;
	[sflag:s26] =	ssyncadd.s32 $0xFFFFC000  }
0x2b0: {  	[tilespmem:s11], [sflag:$0x2] =	stream.indirect.gather @!p0 [hbm4b:s1+s9], $0x80, s2, s9, $0xb8;
	[tilespmem:$0x15D00] =	vst v63  }
0x2b1: {  	_ =	swait.ge [sflag:s28], $0x4000  }
0x2b2: {  	[sflag:s28] =	ssyncset.done $0x0  }
0x2b3: {  	s2 =	simm.s32 $0x0;
	[sflag:s28] =	ssyncadd.s32 $0xFFFFC000  }
0x2b4: {  	v27 =	vld [tilespmem:s2+$0x11C00]  }
0x2b5: {  	v28 =	vld [tilespmem:s2+$0x11C10]  }
0x2b6: {  	v30 =	vld [tilespmem:s2+$0x11C20]  }
0x2b7: {  	v31 =	vld [tilespmem:s2+$0x11C30]  }
0x2b8: {  	v33 =	vld [tilespmem:s2+$0x11C40]  }
0x2b9: {  	v34 =	vld [tilespmem:s2+$0x11C50]  }
0x2ba: {  	v35 =	vld [tilespmem:s2+$0x11C60]  }
0x2bb: {  	v40 =	vld [tilespmem:s2+$0x11C70]  }
0x2bc: {  	v20 =	vmul.f32 v27, v27  }
0x2bd: {  	v21 =	vmul.f32 v28, v28;
	v22 =	vmul.f32 v30, v30  }
0x2be: {  	v23 =	vmul.f32 v31, v31;
	v24 =	vmul.f32 v33, v33;
	v25 =	vadd.f32 v28, v27  }
0x2bf: {  	v26 =	vmul.f32 v34, v34;
	v29 =	vadd.f32 v31, v30;
	v55 =	vmul.f32 v35, v35  }
0x2c0: {  	v56 =	vadd.f32 v34, v33;
	v57 =	vadd.f32 v40, v35;
	v58 =	vmul.f32 v40, v40  }
0x2c1: {  	v20 =	vadd.f32 v21, v20;
	v21 =	vadd.f32 v23, v22  }
0x2c2: {  	v22 =	vadd.f32 v26, v24;
	v23 =	vadd.f32 v58, v55  }
0x2c3: {  	v24 =	vadd.f32 v29, v25;
	v25 =	vadd.f32 v57, v56  }
0x2c4: {  	v20 =	vadd.f32 v21, v20  }
0x2c5: {  	v21 =	vadd.f32 v23, v22;
	v22 =	vadd.f32 v25, v24;
	_ =	sdelay $0x1  }
0x2c6: {  	v20 =	vadd.f32 v21, v20;
	v21 =	vperm.xlane v22, v0;
	_ =	sdelay $0x1  }
0x2c7: {  	v21 =	vadd.f32 v22, v21;
	v22 =	vperm.xlane v20, v0;
	_ =	sdelay $0x1  }
0x2c8: {  	v23 =	vperm.xlane v21, v1;
	v20 =	vadd.f32 v22, v20;
	_ =	sdelay $0x1  }
0x2c9: {  	v21 =	vadd.f32 v21, v23;
	v22 =	vperm.xlane v20, v1;
	_ =	sdelay $0x1  }
0x2ca: {  	v23 =	vperm.xlane v21, v2;
	v20 =	vadd.f32 v22, v20;
	_ =	sdelay $0x1  }
0x2cb: {  	s9 =	simm.s32 $0x80;
	v29 =	vadd.f32 v21, v23;
	v21 =	vperm.xlane v20, v2  }
0x2cc: {  	v26 =	vld [tilespmem:s9+$0x11C00]  }
0x2cd: {  	v24 =	vld [tilespmem:s9+$0x11C10];
	v59 =	vperm.xlane v29, v3;
	v60 =	vadd.f32 v21, v20  }
0x2ce: {  	v25 =	vld [tilespmem:s9+$0x11C30]  }
0x2cf: {  	v22 =	vld [tilespmem:s9+$0x11C20];
	v29 =	vadd.f32 v29, v59;
	v61 =	vperm.xlane v60, v3  }
0x2d0: {  	v36 =	vld [tilespmem:s9+$0x11C60]  }
0x2d1: {  	v23 =	vld [tilespmem:s9+$0x11C50];
	v41 =	vmul.f32 $7.812500000e-03, v29;
	v29 =	vadd.f32 v61, v60  }
0x2d2: {  	v38 =	vmul.f32 v26, v26;
	v62 =	vmul.f32 v24, v24;
	v21 =	vld [tilespmem:s9+$0x11C40]  }
0x2d3: {  	v20 =	vld [tilespmem:s9+$0x11C70];
	v29 =	vmul.f32 $7.812500000e-03, v29;
	v52 =	vmul.f32 v41, v41  }
0x2d4: {  	v53 =	vmul.f32 v25, v25;
	v55 =	vadd.f32 v24, v26;
	v63 =	vmul.f32 v22, v22  }
0x2d5: {  	v58 =	vmul.f32 v36, v36;
	v57 =	vadd.f32 v25, v22;
	v29 =	vsub.f32 v29, v52  }
0x2d6: {  	v32 =	vadd.f32 v62, v38;
	v56 =	vmul.f32 v23, v23;
	v37 =	vadd.f32 v53, v63  }
0x2d7: {  	v49 =	vadd.f32 v57, v55;
	v54 =	vmul.f32 v21, v21;
	v29 =	vadd.f32 $9.999999960e-13, v29  }
0x2d8: {  	v59 =	vadd.f32 v23, v21;
	v60 =	vadd.f32 v20, v36;
	v61 =	vmul.f32 v20, v20  }
0x2d9: {  	v62 =	vadd.f32 v56, v54;
	v63 =	vshra.s32 v29, $0x1;
	v29 =	vmul.f32 $5.000000000e-01, v29  }
0x2da: {  	v39 =	vadd.f32 v61, v58;
	v50 =	vadd.f32 v60, v59;
	v42 =	vsub.s32 $0x5F3759DF, v63  }
0x2db: {  	v32 =	vadd.f32 v37, v32;
	v51 =	vmul.f32 v42, v29  }
0x2dc: {  	v38 =	vadd.f32 v39, v62;
	v52 =	vadd.f32 v50, v49  }
0x2dd: {  	v37 =	vmul.f32 v42, v51  }
0x2de: {  	v32 =	vadd.f32 v38, v32;
	v53 =	vperm.xlane v52, v0  }
0x2df: {  	v37 =	vsub.f32 $1.500000000e+00, v37  }
0x2e0: {  	v38 =	vadd.f32 v52, v53;
	v54 =	vperm.xlane v32, v0  }
0x2e1: {  	v42 =	vmul.f32 v42, v37  }
0x2e2: {  	v55 =	vperm.xlane v38, v1;
	v39 =	vadd.f32 v54, v32  }
0x2e3: {  	v29 =	vmul.f32 v42, v29  }
0x2e4: {  	v56 =	vperm.xlane v39, v1;
	v37 =	vadd.f32 v38, v55  }
0x2e5: {  	s11 =	simm.s32 $0x100;
	v57 =	vmul.f32 v29, v42  }
0x2e6: {  	v43 =	vld [tilespmem:s11+$0x11C00];
	v32 =	vsub.f32 v27, v41;
	v38 =	vadd.f32 v56, v39;
	v27 =	vperm.xlane v37, v2  }
0x2e7: {  	v39 =	vld [tilespmem:s11+$0x11C20];
	v29 =	vsub.f32 v28, v41;
	v28 =	vsub.f32 $1.500000000e+00, v57  }
0x2e8: {  	v30 =	vsub.f32 v30, v41;
	v58 =	vperm.xlane v38, v2;
	v27 =	vadd.f32 v37, v27;
	v37 =	vld [tilespmem:s11+$0x11C10]  }
0x2e9: {  	v31 =	vsub.f32 v31, v41;
	v33 =	vsub.f32 v33, v41;
	v46 =	vmul.f32 v28, v42  }
0x2ea: {  	v61 =	vsub.f32 v40, v41;
	v40 =	vld [tilespmem:s11+$0x11C40];
	v59 =	vadd.f32 v58, v38;
	v28 =	vperm.xlane v27, v3  }
0x2eb: {  	v34 =	vsub.f32 v34, v41;
	v49 =	vmul.f32 v43, v43;
	v38 =	vld [tilespmem:s11+$0x11C30];
	v60 =	vmul.f32 v46, v11  }
0x2ec: {  	v50 =	vmul.f32 v39, v39;
	v62 =	vperm.xlane v59, v3;
	v42 =	vld [tilespmem:s11+$0x11C50];
	v27 =	vadd.f32 v27, v28  }
0x2ed: {  	v35 =	vsub.f32 v35, v41;
	v52 =	vmul.f32 v37, v37;
	v28 =	vld [tilespmem:s11+$0x11C60];
	v63 =	vmul.f32 v60, v61  }
0x2ee: {  	v51 =	vadd.f32 v62, v59;
	v47 =	vmul.f32 v46, v4;
	v41 =	vmul.f32 $7.812500000e-03, v27;
	v27 =	vld [tilespmem:s11+$0x11C70]  }
0x2ef: {  	s13 =	simm.s32 $0x600;
	v45 =	vmul.f32 v46, v5;
	v44 =	vmul.f32 v46, v6;
	v48 =	vadd.f32 v63, v19  }
.LBB2_11:
0x2f0: {  	p0 =	sne.s32 s13, $0xFE00;
	v51 =	vmul.f32 $7.812500000e-03, v51;
	v53 =	vmul.f32 v41, v41;
	v54 =	vsub.f32 v26, v41;
	v26 =	vmovc v43  }
0x2f1: {  	v43 =	vmul.f32 v38, v38;
	v55 =	vmul.f32 v40, v40;
	v56 =	vadd.f32 v37, v26;
	[tilespmem:s2+$0x11C70] =	vst v48  }
0x2f2: {  	v57 =	vadd.f32 v38, v39;
	v48 =	vmul.f32 v42, v42;
	v51 =	vsub.f32 v51, v53  }
0x2f3: {  	v58 =	vadd.f32 v42, v40;
	v53 =	vmul.f32 v28, v28;
	v59 =	vadd.f32 v27, v28  }
0x2f4: {  	v49 =	vadd.f32 v52, v49;
	v60 =	vmul.f32 v27, v27;
	v51 =	vadd.f32 $9.999999960e-13, v51  }
0x2f5: {  	v43 =	vadd.f32 v43, v50;
	v50 =	vmul.f32 v46, v7;
	v48 =	vadd.f32 v48, v55  }
0x2f6: {  	v52 =	vadd.f32 v60, v53;
	v53 =	vshra.s32 v51, $0x1;
	v51 =	vmul.f32 $5.000000000e-01, v51  }
0x2f7: {  	v55 =	vadd.f32 v57, v56;
	v56 =	vadd.f32 v59, v58;
	v53 =	vsub.s32 $0x5F3759DF, v53  }
0x2f8: {  	v57 =	vmul.f32 v46, v8;
	v43 =	vadd.f32 v43, v49;
	v49 =	vmul.f32 v53, v51  }
0x2f9: {  	v48 =	vadd.f32 v52, v48;
	v52 =	vadd.f32 v56, v55;
	v55 =	vmul.f32 v46, v9  }
0x2fa: {  	v56 =	vsub.f32 v24, v41;
	v46 =	vmul.f32 v46, v10;
	v24 =	vmovc v37;
	v49 =	vmul.f32 v53, v49  }
0x2fb: {  	v37 =	vadd.f32 v48, v43;
	v43 =	vperm.xlane v52, v0;
	v48 =	vsub.f32 v22, v41;
	v22 =	vmovc v39  }
0x2fc: {  	v47 =	vmul.f32 v47, v32;
	v32 =	vmovc v54;
	v39 =	vsub.f32 $1.500000000e+00, v49;
	v49 =	vsub.f32 v25, v41;
	v25 =	vmovc v38  }
0x2fd: {  	v38 =	vadd.f32 v52, v43;
	v43 =	vperm.xlane v37, v0;
	v52 =	vsub.f32 v21, v41;
	v21 =	vmovc v40  }
0x2fe: {  	v36 =	vsub.f32 v36, v41;
	v40 =	vmul.f32 v53, v39;
	v39 =	vsub.f32 v23, v41;
	v23 =	vmovc v42  }
0x2ff: {  	v42 =	vperm.xlane v38, v1;
	v37 =	vadd.f32 v43, v37;
	v43 =	vmul.f32 v45, v29;
	v29 =	vmovc v56  }
0x300: {  	v44 =	vmul.f32 v44, v30;
	v47 =	vadd.f32 v47, v12;
	v30 =	vmovc v48;
	v45 =	vmul.f32 v40, v51  }
0x301: {  	v48 =	vmul.f32 v50, v31;
	v31 =	vmovc v49;
	v38 =	vadd.f32 v38, v42;
	v42 =	vperm.xlane v37, v1  }
0x302: {  	v49 =	vmul.f32 v57, v33;
	v45 =	vmul.f32 v45, v40;
	[tilespmem:s2+$0x11C00] =	vst v47;
	v47 =	vadd.f32 v43, v13  }
0x303: {  	s14 =	sshra.s32 s13, $0x2;
	v33 =	vmovc v52;
	v51 =	vmul.f32 v55, v34;
	v50 =	vperm.xlane v38, v2;
	v42 =	vadd.f32 v42, v37  }
0x304: {  	v44 =	vadd.f32 v44, v14;
	v34 =	vmovc v39;
	v43 =	vld [tilespmem:s14+$0x11C00];
	v45 =	vsub.f32 $1.500000000e+00, v45;
	[tilespmem:s2+$0x11C10] =	vst v47;
	v47 =	vmul.f32 v46, v35  }
0x305: {  	v48 =	vadd.f32 v48, v15;
	v50 =	vadd.f32 v38, v50;
	v52 =	vperm.xlane v42, v2;
	v35 =	vmovc v36;
	v37 =	vld [tilespmem:s14+$0x11C10]  }
0x306: {  	v36 =	vadd.f32 v49, v16;
	v39 =	vld [tilespmem:s14+$0x11C20];
	v46 =	vmul.f32 v45, v40;
	[tilespmem:s2+$0x11C20] =	vst v44;
	v44 =	vadd.f32 v51, v17  }
0x307: {  	v45 =	vperm.xlane v50, v3;
	v51 =	vadd.f32 v52, v42;
	v38 =	vld [tilespmem:s14+$0x11C30];
	[tilespmem:s2+$0x11C30] =	vst v48;
	v48 =	vadd.f32 v47, v18  }
.Ltmp4:
0x308: {  	v52 =	vsub.f32 v20, v41;
	v40 =	vld [tilespmem:s14+$0x11C40];
	v47 =	vmul.f32 v46, v4;
	v49 =	vmul.f32 v46, v11;
	[tilespmem:s2+$0x11C40] =	vst v36;
	(pc) =	sbr.rel @p0 .LBB2_11-.Ltmp4, $4  }
0x309: {  	v41 =	vadd.f32 v50, v45;
	v50 =	vperm.xlane v51, v3;
	v45 =	vmul.f32 v46, v5;
	v42 =	vld [tilespmem:s14+$0x11C50];
	[tilespmem:s2+$0x11C50] =	vst v44  }
0x30a: {  	v20 =	vmovc v27;
	v36 =	vmov v28;
	v44 =	vmul.f32 v46, v6;
	v53 =	vmul.f32 v49, v52;
	[tilespmem:s2+$0x11C60] =	vst v48;
	v28 =	vld [tilespmem:s14+$0x11C60];
	s2 =	smov.u32 s9;
	s9 =	smov.u32 s11;
	s11 =	smov.u32 s14  }
0x30b: {  	v49 =	vmul.f32 v43, v43;
	v41 =	vmul.f32 $7.812500000e-03, v41;
	v51 =	vadd.f32 v50, v51;
	v27 =	vld [tilespmem:s11+$0x11C70]  }
0x30c: {  	s13 =	sadd.s32 $0x200, s13;
	v52 =	vmul.f32 v37, v37;
	v50 =	vmul.f32 v39, v39;
	v48 =	vadd.f32 v53, v19  }
0x30d: {  	v53 =	vmul.f32 v38, v38;
	v54 =	vmul.f32 v40, v40  }
0x30e: {  	v55 =	vadd.f32 v37, v43;
	v57 =	vadd.f32 v38, v39;
	v56 =	vmul.f32 v42, v42  }
0x30f: {  	v59 =	vadd.f32 v42, v40;
	v49 =	vadd.f32 v52, v49;
	v58 =	vmul.f32 v28, v28  }
0x310: {  	v50 =	vadd.f32 v53, v50;
	v60 =	vmul.f32 v27, v27;
	v61 =	vadd.f32 v27, v28  }
0x311: {  	v55 =	vadd.f32 v57, v55;
	v62 =	vadd.f32 v56, v54  }
0x312: {  	v63 =	vadd.f32 v60, v58;
	v52 =	vadd.f32 v61, v59  }
0x313: {  	v49 =	vadd.f32 v50, v49  }
0x314: {  	v58 =	vadd.f32 v63, v62;
	v52 =	vadd.f32 v52, v55;
	_ =	sdelay $0x1  }
0x315: {  	v49 =	vadd.f32 v58, v49;
	v59 =	vperm.xlane v52, v0;
	_ =	sdelay $0x1  }
0x316: {  	v50 =	vadd.f32 v52, v59;
	v60 =	vperm.xlane v49, v0;
	_ =	sdelay $0x1  }
0x317: {  	v61 =	vperm.xlane v50, v1;
	v49 =	vadd.f32 v60, v49;
	_ =	sdelay $0x1  }
0x318: {  	v50 =	vadd.f32 v50, v61;
	v63 =	vperm.xlane v49, v1  }
0x319: {  	v51 =	vmul.f32 $7.812500000e-03, v51;
	v62 =	vmul.f32 v41, v41  }
0x31a: {  	v56 =	vperm.xlane v50, v2;
	v49 =	vadd.f32 v63, v49  }
0x31b: {  	v51 =	vsub.f32 v51, v62  }
0x31c: {  	v50 =	vadd.f32 v50, v56;
	v57 =	vperm.xlane v49, v2  }
0x31d: {  	v51 =	vadd.f32 $9.999999960e-13, v51  }
0x31e: {  	v59 =	vperm.xlane v50, v3;
	v49 =	vadd.f32 v57, v49  }
0x31f: {  	v58 =	vshra.s32 v51, $0x1;
	v51 =	vmul.f32 $5.000000000e-01, v51  }
0x320: {  	v53 =	vsub.s32 $0x5F3759DF, v58;
	v50 =	vadd.f32 v50, v59;
	v61 =	vperm.xlane v49, v3  }
0x321: {  	v60 =	vmul.f32 v53, v51  }
0x322: {  	v50 =	vmul.f32 $7.812500000e-03, v50;
	v49 =	vadd.f32 v61, v49  }
0x323: {  	v26 =	vsub.f32 v26, v41;
	v24 =	vsub.f32 v24, v41;
	v52 =	vmul.f32 v53, v60  }
0x324: {  	v22 =	vsub.f32 v22, v41;
	v49 =	vmul.f32 $7.812500000e-03, v49;
	v62 =	vmul.f32 v50, v50  }
0x325: {  	v25 =	vsub.f32 v25, v41;
	v32 =	vmul.f32 v47, v32;
	v52 =	vsub.f32 $1.500000000e+00, v52  }
0x326: {  	v21 =	vsub.f32 v21, v41;
	v29 =	vmul.f32 v45, v29;
	v49 =	vsub.f32 v49, v62  }
0x327: {  	v23 =	vsub.f32 v23, v41;
	v30 =	vmul.f32 v44, v30;
	v52 =	vmul.f32 v53, v52  }
0x328: {  	v36 =	vsub.f32 v36, v41;
	v54 =	vmul.f32 v46, v7;
	v58 =	vadd.f32 $9.999999960e-13, v49  }
0x329: {  	v20 =	vsub.f32 v20, v41;
	v32 =	vadd.f32 v32, v12;
	v51 =	vmul.f32 v52, v51  }
0x32a: {  	v31 =	vmul.f32 v54, v31;
	v60 =	vshra.s32 v58, $0x1;
	v47 =	vmul.f32 $5.000000000e-01, v58  }
0x32b: {  	v63 =	vmul.f32 v46, v9;
	v59 =	vmul.f32 v51, v52;
	v45 =	vsub.s32 $0x5F3759DF, v60  }
0x32c: {  	v29 =	vadd.f32 v29, v13;
	v56 =	vmul.f32 v46, v8;
	v62 =	vmul.f32 v45, v47  }
0x32d: {  	v34 =	vmul.f32 v63, v34;
	v57 =	vmul.f32 v46, v10;
	v61 =	vsub.f32 $1.500000000e+00, v59  }
0x32e: {  	v30 =	vadd.f32 v30, v14;
	v33 =	vmul.f32 v56, v33;
	v49 =	vmul.f32 v45, v62  }
0x32f: {  	v31 =	vadd.f32 v31, v15;
	v35 =	vmul.f32 v57, v35;
	v44 =	vmul.f32 v61, v52  }
0x330: {  	v34 =	vadd.f32 v34, v17;
	v52 =	vsub.f32 $1.500000000e+00, v49  }
0x331: {  	v33 =	vadd.f32 v33, v16;
	v35 =	vadd.f32 v35, v18;
	v63 =	vmul.f32 v44, v11  }
0x332: {  	[tilespmem:s2+$0x11C10] =	vst v29;
	v29 =	vsub.f32 v43, v50;
	v53 =	vmul.f32 v44, v4;
	v41 =	vmul.f32 v45, v52  }
0x333: {  	[tilespmem:s2+$0x11C70] =	vst v48;
	v59 =	vsub.f32 v37, v50;
	v54 =	vmul.f32 v44, v5;
	v55 =	vmul.f32 v44, v6  }
0x334: {  	[tilespmem:s2+$0x11C00] =	vst v32;
	v40 =	vsub.f32 v40, v50;
	v56 =	vmul.f32 v44, v7;
	v47 =	vmul.f32 v41, v47  }
0x335: {  	[tilespmem:s2+$0x11C20] =	vst v30;
	v42 =	vsub.f32 v42, v50;
	v57 =	vmul.f32 v44, v8;
	v20 =	vmul.f32 v63, v20  }
0x336: {  	[tilespmem:s2+$0x11C30] =	vst v31;
	v46 =	vsub.f32 v28, v50;
	v58 =	vmul.f32 v44, v9;
	v62 =	vmul.f32 v47, v41  }
0x337: {  	[tilespmem:s2+$0x11C50] =	vst v34;
	v51 =	vsub.f32 v27, v50;
	v26 =	vmul.f32 v53, v26;
	v24 =	vmul.f32 v54, v24  }
0x338: {  	[tilespmem:s2+$0x11C40] =	vst v33;
	v60 =	vmul.f32 v44, v10;
	v20 =	vadd.f32 v20, v19;
	v44 =	vsub.f32 $1.500000000e+00, v62  }
0x339: {  	[tilespmem:s2+$0x11C60] =	vst v35;
	v61 =	vsub.f32 v39, v50;
	v22 =	vmul.f32 v55, v22;
	v26 =	vadd.f32 v26, v12  }
0x33a: {  	v24 =	vadd.f32 v24, v13;
	[tilespmem:s9+$0x11C70] =	vst v20;
	v20 =	vmul.f32 v56, v25;
	v47 =	vmul.f32 v44, v41  }
0x33b: {  	v63 =	vsub.f32 v38, v50;
	v21 =	vmul.f32 v57, v21;
	v22 =	vadd.f32 v22, v14;
	[tilespmem:s9+$0x11C00] =	vst v26  }
0x33c: {  	v23 =	vmul.f32 v58, v23;
	[tilespmem:s9+$0x11C10] =	vst v24;
	v20 =	vadd.f32 v20, v15;
	v49 =	vmul.f32 v47, v11  }
0x33d: {  	v21 =	vadd.f32 v21, v16;
	[tilespmem:s9+$0x11C20] =	vst v22;
	v52 =	vmul.f32 v60, v36;
	v53 =	vmul.f32 v47, v4  }
0x33e: {  	v23 =	vadd.f32 v23, v17;
	[tilespmem:s9+$0x11C30] =	vst v20;
	v20 =	vmul.f32 v47, v5;
	v24 =	vmul.f32 v49, v51  }
0x33f: {  	[tilespmem:s9+$0x11C40] =	vst v21;
	v54 =	vadd.f32 v52, v18;
	v55 =	vmul.f32 v47, v6;
	v22 =	vmul.f32 v53, v29  }
0x340: {  	[tilespmem:s9+$0x11C50] =	vst v23;
	v58 =	vmul.f32 v47, v8;
	v20 =	vmul.f32 v20, v59;
	v56 =	vadd.f32 v24, v19  }
0x341: {  	[tilespmem:s9+$0x11C60] =	vst v54;
	v57 =	vmul.f32 v47, v7;
	v21 =	vmul.f32 v55, v61;
	v22 =	vadd.f32 v22, v12  }
0x342: {  	v59 =	vmul.f32 v47, v9;
	v60 =	vmul.f32 v58, v40;
	v20 =	vadd.f32 v20, v13;
	[tilespmem:s11+$0x11C70] =	vst v56  }
0x343: {  	v25 =	vmul.f32 v47, v10;
	v24 =	vmul.f32 v57, v63;
	v21 =	vadd.f32 v21, v14;
	[tilespmem:s11+$0x11C00] =	vst v22  }
0x344: {  	s0 =	sadd.s32 $0x1, s0;
	v23 =	vmul.f32 v59, v42;
	v62 =	vadd.f32 v60, v16;
	[tilespmem:s11+$0x11C10] =	vst v20  }
0x345: {  	p0 =	sne.s32 s0, $0xA;
	v61 =	vmul.f32 v25, v46;
	v20 =	vadd.f32 v24, v15;
	[tilespmem:s11+$0x11C20] =	vst v21  }
.Ltmp5:
0x346: {  	s30 =	sshll.u32 s3, $0xE;
	v63 =	vadd.f32 v23, v17;
	[tilespmem:s11+$0x11C40] =	vst v62;
	(pc) =	sbr.rel @p0 .LBB2_2-.Ltmp5, $4  }
0x347: {  	s2 =	sadd.s32 s7, s30;
	[tilespmem:s11+$0x11C30] =	vst v20;
	v20 =	vadd.f32 v61, v18  }
0x348: {  	s2 =	sshrl.u32 s2, $0x3;
	[tilespmem:s11+$0x11C50] =	vst v63  }
0x349: {  	s2 =	sadd.s32 s5, s2;
	[tilespmem:s11+$0x11C60] =	vst v20  }
0x34a: {  	[hbm4b:s2+s6] =	stream.linear.scatter [tilespmem:s22], [sflag:$0xA], $0x4000, $0x38;
	[tilespmem:$0x15D00] =	vst v63  }
0x34b: {  	s0 =	simm.s32 $0x8  }
0x34c: {  	_ =	swait.ge [sflag:s0], $0x4000  }
0x34d: {  	[sflag:s0] =	ssyncset.done $0x0  }
0x34e: {  	s29 =	simm.s32 $0x9;
	[sflag:s0] =	ssyncadd.s32 $0xFFFFC000  }
0x34f: {  	_ =	swait.ge [sflag:s29], $0x4000  }
0x350: {  	[sflag:s29] =	ssyncset.done $0x0  }
0x351: {  	[sflag:s29] =	ssyncadd.s32 $0xFFFFC000  }
0x352: {  	_ =	swait.ge [sflag:s31], $0x4000  }
0x353: {  	s4 =	sadd.s32 $0x1, s4;
	s30 =	rddreg [dreg:$0x7]  }
0x354: {  	p0 =	sne.s32 s4, s30  }
.Ltmp6:
0x355: {  	_ = 	snop;
	(pc) =	sbr.rel @p0 .LBB2_1-.Ltmp6, $3  }
0x356: {  	_ =	sdelay $0x1  }
0x357: {  	[sflag:s31] =	ssyncset.done $0x0  }
0x358: {  	[sflag:s31] =	ssyncadd.s32 $0xFFFFC000  }
0x359: {  	_ =	sfence.sel $0x180000  }
0x35a: {  	[bflag:$0x0] =	sbarrier.arrive $0xFFFF  }
0x35b: {  	_ =	strace $0x90000047  }
0x35c: {  	s0 =	stileid.u32;
	[bflag:$0x2] =	sbarrier.arrive $0xFFFF  }
0x35d: {  	p0 =	sne.s32 s0, $0x0;
	s0 =	rddreg [dreg:$0x5]  }
0x35e: {  	s0 =	sadd.s32 @!p0 $0x100000, s0  }
0x35f: {  	[sflag:s0] =	ssyncadd.tile.s32 @!p0 $0x1;
	_ =	shalt  }
.Lfunc_end2:
_tile_overlayer_lowered:
.L_overlay_start_2:
0x360: {  	(tag) =	ssettag $0x2  }
0x361: {  	s0 =	rddreg [dreg:$0x0];
	s2 =	stileid.u32  }
0x362: {  	s1 =	rddreg [dreg:$0x1];
	p0 =	sne.s32 s2, $0x0  }
0x363: {  	s3 =	rddreg [dreg:$0x2];
	[bflag:$0x3] =	sbarrier.arrive $0xFFFF;
	s2 =	simm.s32 @!p0 $0x1C0B  }
0x364: {  	[timem:s3], [sflag:s2] =	dma.local @!p0 [hbm:s0], s1  }
0x365: {  	s0 =	simm.s32 @!p0 $0xB  }
0x366: {  	_ =	swait.ge @!p0 [sflag:s0], s1  }
0x367: {  	s1 =	ssub.s32 @!p0 $0x0, s1;
	[sflag:s0] =	ssyncset.done @!p0 $0x0  }
0x368: {  	[sflag:s0] =	ssyncadd.s32 @!p0 s1  }
0x369: {  	[bflag:$0x3] =	sbarrier.arrive $0xFFFF  }
0x36a: {  	_ =	shalt  }

</sc_bundles>
